<compile_context>
chip_gen: v7x
topology: tpu7x:2x2x1
jax: 0.10.2.dev20260603
libtpu: 0.0.44.dev20260713+nightly
codegen_flags: <defaults>
</compile_context>

<pallas_src>
import functools

import jax
import jax.numpy as jnp
from jax import lax
from jax.experimental import pallas as pl
from jax.experimental.pallas import tpu as pltpu
from jax.experimental.pallas import tpu_sc as plsc

NNODES = 10000
RANK = 16
WID2 = 2 * RANK
NEDGES = 320000
NBATCH = 8192
EMB = 128

NC = 2
NS = 16
NW = NC * NS

GRP = 128
EPT = 20480
NGRP = EPT // GRP
EPAD = EPT * NS
DUMMY = NNODES
NROWS = 10112
RPT = NROWS // NS

BPT = NBATCH // NW
BGRP = BPT // GRP

_MESH1 = plsc.VectorSubcoreMesh(
    core_axis_name="c", subcore_axis_name="s", num_cores=1, num_subcores=NS
)
_MESH2 = plsc.VectorSubcoreMesh(
    core_axis_name="c", subcore_axis_name="s", num_cores=NC, num_subcores=NS
)
_SC_PARAMS = pltpu.CompilerParams(use_tc_tiling_on_sc=False,
                                  needs_layout_passes=False)

DROWS = 640
DRPT = DROWS // NS
NIDENT = DROWS // GRP

NBUF = 8
NCHUNK = NGRP // NBUF


URPT = 632
ULAST = NNODES - 15 * URPT


NGREAL = NEDGES // GRP
NGR15 = NGREAL - 15 * NGRP
NGPAD = NGRP - NGR15


def _scatter_body(u_hbm, srcg, dstg, srcp, dstp, zeros_hbm, ident_hbm,
                  acc, deg2,
                  acc_sh, deg_sh2, u_sh, sidx, didx, rows, degt, identv,
                  gsem, ssem, msem):
    sid = lax.axis_index("s")
    r0 = sid * RPT

    pltpu.sync_copy(zeros_hbm.at[pl.ds(r0, RPT)], acc_sh.at[pl.ds(r0, RPT)])
    pltpu.sync_copy(zeros_hbm.at[pl.ds(0, DRPT)],
                    deg_sh2.at[pl.ds(sid * DRPT, DRPT)])
    pltpu.sync_copy(ident_hbm, identv)

    def zrow(i, c):
        degt[i] = jnp.zeros((RANK,), jnp.float32)
        return c
    lax.fori_loop(0, DROWS, zrow, 0)

    @pl.when(sid < 15)
    def _():
        u0 = sid * URPT
        pltpu.sync_copy(u_hbm.at[pl.ds(u0, URPT)], u_sh.at[pl.ds(u0, URPT)])

    @pl.when(sid == 15)
    def _():
        u0 = 15 * URPT
        pltpu.sync_copy(u_hbm.at[pl.ds(u0, ULAST)],
                        u_sh.at[pl.ds(u0, ULAST)])

    @pl.when(sid < 15)
    def _():
        pltpu.sync_copy(srcg.at[pl.ds(sid * NGRP, NGRP)], sidx)
        pltpu.sync_copy(dstg.at[pl.ds(sid * NGRP, NGRP)], didx)

    @pl.when(sid == 15)
    def _():
        pltpu.sync_copy(srcg.at[pl.ds(15 * NGRP, NGR15)],
                        sidx.at[pl.ds(0, NGR15)])
        pltpu.sync_copy(srcp, sidx.at[pl.ds(NGR15, NGPAD)])
        pltpu.sync_copy(dstg.at[pl.ds(15 * NGRP, NGR15)],
                        didx.at[pl.ds(0, NGR15)])
        pltpu.sync_copy(dstp, didx.at[pl.ds(NGR15, NGPAD)])

    plsc.subcore_barrier()

    ones16 = jnp.ones((16,), jnp.float32)

    def gfire(j0, h):
        return [pltpu.async_copy(u_sh.at[sidx.at[j0 + b]],
                                 rows.at[h * NBUF + b], gsem)
                for b in range(NBUF)]

    def sfire(j0, h):
        return [pltpu.async_copy(rows.at[h * NBUF + b],
                                 acc_sh.at[didx.at[j0 + b]], ssem, add=True)
                for b in range(NBUF)]

    def dcount(j0):
        for b in range(NBUF):
            for v in range(GRP // 16):
                dv = didx[j0 + b, pl.ds(v * 16, 16)]
                plsc.addupdate_scatter(degt, [dv >> 4, dv & 15], ones16)

    def body(k, carry):
        j0 = 2 * k * NBUF
        j1 = j0 + NBUF
        gA = gfire(j0, 0)
        for d in gA:
            d.wait()
        sA = sfire(j0, 0)
        gB = gfire(j1, 1)
        dcount(j0)
        for d in sA + gB:
            d.wait()
        sB = sfire(j1, 1)
        dcount(j1)
        for d in sB:
            d.wait()
        return carry

    lax.fori_loop(0, NCHUNK // 2, body, 0)

    mds = [pltpu.async_copy(degt.at[pl.ds(k * GRP, GRP)],
                            deg_sh2.at[identv.at[k]], msem, add=True)
           for k in range(NIDENT)]
    for d in mds:
        d.wait()

    plsc.subcore_barrier()

    pltpu.sync_copy(acc_sh.at[pl.ds(r0, RPT)], acc.at[pl.ds(r0, RPT)])
    pltpu.sync_copy(deg_sh2.at[pl.ds(sid * DRPT, DRPT)],
                    deg2.at[pl.ds(sid * DRPT, DRPT)])


_scatter_kernel = functools.partial(
    pl.kernel,
    out_type=[jax.ShapeDtypeStruct((NROWS, RANK), jnp.float32),
              jax.ShapeDtypeStruct((DROWS, RANK), jnp.float32)],
    mesh=_MESH1,
    compiler_params=_SC_PARAMS,
    scratch_types=[
        pltpu.VMEM_SHARED((NROWS, RANK), jnp.float32),
        pltpu.VMEM_SHARED((DROWS, RANK), jnp.float32),
        pltpu.VMEM_SHARED((NNODES, RANK), jnp.float32),
        pltpu.VMEM((NGRP, GRP), jnp.int32),
        pltpu.VMEM((NGRP, GRP), jnp.int32),
        pltpu.VMEM((2 * NBUF, GRP, RANK), jnp.float32),
        pltpu.VMEM((DROWS, RANK), jnp.float32),
        pltpu.VMEM((NIDENT, GRP), jnp.int32),
        pltpu.SemaphoreType.DMA,
        pltpu.SemaphoreType.DMA,
        pltpu.SemaphoreType.DMA,
    ],
)(_scatter_body)


def _mean_gather_body(acc, deg2, batchg, batchr, outr, bidx, ridx, a0, d0,
                      ov, dtmp, sem):
    cid = lax.axis_index("c")
    sid = lax.axis_index("s")
    wid = cid * NS + sid

    pltpu.sync_copy(batchg.at[pl.ds(wid * BGRP, BGRP)], bidx)
    pltpu.sync_copy(batchr.at[pl.ds(wid * BGRP, BGRP)], ridx)
    ds = []
    for j in range(BGRP):
        sl = pl.ds(j * GRP, GRP)
        ds.append(pltpu.async_copy(acc.at[bidx.at[j]], a0.at[sl], sem))
        ds.append(pltpu.async_copy(deg2.at[ridx.at[j]], d0.at[sl], sem))
    for d in ds:
        d.wait()

    iota16 = jnp.arange(16, dtype=jnp.int32)

    def body(v, carry):
        i0 = v * 16
        j = v // 8
        bv = bidx[j, pl.ds((v % 8) * 16, 16)]
        dvals = plsc.load_gather(d0, [i0 + iota16, bv & 15])
        dmax = jnp.maximum(dvals, 1.0)
        dnums = lax.GatherDimensionNumbers(
            offset_dims=(), collapsed_slice_dims=(0,), start_index_map=(0,))
        for k in range(16):
            dk = lax.gather(dmax, jnp.full((16, 1), k, jnp.int32), dnums,
                            (1,), mode=lax.GatherScatterMode.PROMISE_IN_BOUNDS)
            ov[i0 + k] = a0[i0 + k] / dk
        return carry

    lax.fori_loop(0, BPT // 16, body, 0)

    pltpu.sync_copy(ov, outr.at[pl.ds(wid * BPT, BPT)])


_mean_gather_kernel = functools.partial(
    pl.kernel,
    out_type=jax.ShapeDtypeStruct((NBATCH, RANK), jnp.float32),
    mesh=_MESH2,
    compiler_params=_SC_PARAMS,
    scratch_types=[
        pltpu.VMEM((BGRP, GRP), jnp.int32),
        pltpu.VMEM((BGRP, GRP), jnp.int32),
        pltpu.VMEM((BPT, RANK), jnp.float32),
        pltpu.VMEM((BPT, RANK), jnp.float32),
        pltpu.VMEM((BPT, RANK), jnp.float32),
        pltpu.VMEM((16,), jnp.float32),
        pltpu.SemaphoreType.DMA,
    ],
)(_mean_gather_body)


def _mm_body(x_ref, v_ref, o_ref):
    o_ref[...] = jnp.dot(x_ref[...], v_ref[...],
                         preferred_element_type=jnp.float32)


def _expand(x, v):
    blk = 1024
    return pl.pallas_call(
        _mm_body,
        grid=(NBATCH // blk,),
        in_specs=[
            pl.BlockSpec((blk, RANK), lambda i: (i, 0)),
            pl.BlockSpec((RANK, EMB), lambda i: (0, 0)),
        ],
        out_specs=pl.BlockSpec((blk, EMB), lambda i: (i, 0)),
        out_shape=jax.ShapeDtypeStruct((NBATCH, EMB), jnp.float32),
    )(x, v)


def kernel(U, V, edge_index, batch):
    srcg = edge_index[0].reshape(NGREAL, GRP)
    dstg = edge_index[1].reshape(NGREAL, GRP)
    srcp = jnp.zeros((NGPAD, GRP), jnp.int32)
    dstp = jnp.full((NGPAD, GRP), DUMMY, jnp.int32)
    zeros = jnp.zeros((NROWS, RANK), jnp.float32)
    ident = jnp.arange(DROWS, dtype=jnp.int32).reshape(NIDENT, GRP)

    acc, deg2 = _scatter_kernel(U, srcg, dstg, srcp, dstp, zeros, ident)
    outr = _mean_gather_kernel(acc, deg2,
                               batch.reshape(NBATCH // GRP, GRP),
                               (batch >> 4).reshape(NBATCH // GRP, GRP))
    return _expand(outr, V)

# --- scband reference (transcript-rebuilt; emitter-appended) ---
"""Pipeline reference for scband-node2-vec-24189255811345 (READ-ONLY COPY).

The authoritative reference and input builder live on the scoring server;
editing this copy changes nothing except your own understanding.
"""

import jax, jax.numpy as jnp
import numpy as np

N_NODES = 10000
N_EDGES = 320000
RANK = 16
EMBED_DIM = 128
BATCH = 8192


def setup_inputs(seed: int = 0) -> dict:
    key = jax.random.key(seed)
    k1, k2, k3 = jax.random.split(key, 3)
    # Learned low-rank node embedding factor U (trainable)
    U = jax.random.normal(k1, (N_NODES, RANK), dtype=jnp.float32)
    # V is initialized to eye(rank, embedding_dim) and frozen in the original module
    V = jnp.eye(RANK, EMBED_DIM, dtype=jnp.float32)
    edge_index = jax.random.randint(k2, (2, N_EDGES), 0, N_NODES, dtype=jnp.int32)
    batch = jax.random.randint(k3, (BATCH,), 0, N_NODES, dtype=jnp.int32)
    return {"U": U, "V": V, "edge_index": edge_index, "batch": batch}


def reference(U, V, edge_index, batch):
    # embeddings = U.weight @ V.weight  -> [N, embedding_dim]
    emb = jnp.matmul(U, V)
    # SimpleMessagePassing with aggr='mean', flow source_to_target:
    # message x_j = emb[src], aggregated at dst with mean
    src = edge_index[0]
    dst = edge_index[1]
    msgs = jnp.take(emb, src, axis=0)
    summed = jax.ops.segment_sum(msgs, dst, num_segments=N_NODES)
    deg = jax.ops.segment_sum(jnp.ones((N_EDGES,), dtype=jnp.float32), dst, num_segments=N_NODES)
    out = summed / jnp.clip(deg, 1.0, None)[:, None]
    # embeddings.index_select(0, batch)
    return jnp.take(out, batch, axis=0)

if __name__ == "__main__":
    import jax
    _d = setup_inputs()
    print(jax.jit(kernel)(*tuple(_d.values())))

</pallas_src>

<mosaic_0001>
#map = affine_map<(d0, d1) -> (0, 0)>
module attributes {stable_mosaic.version = 14 : i64} {
  func.func @_mean_gather_body(%arg0: i32, %arg1: i32, %arg2: memref<10112x16xf32, #tpu.memory_space<hbm>>, %arg3: memref<640x16xf32, #tpu.memory_space<hbm>>, %arg4: memref<64x128xi32, #tpu.memory_space<hbm>>, %arg5: memref<64x128xi32, #tpu.memory_space<hbm>>, %arg6: memref<8192x16xf32, #tpu.memory_space<hbm>>, %arg7: memref<2x128xi32, #tpu.memory_space<vmem>>, %arg8: memref<2x128xi32, #tpu.memory_space<vmem>>, %arg9: memref<256x16xf32, #tpu.memory_space<vmem>>, %arg10: memref<256x16xf32, #tpu.memory_space<vmem>>, %arg11: memref<256x16xf32, #tpu.memory_space<vmem>>, %arg12: memref<16xf32, #tpu.memory_space<vmem>>, %arg13: memref<!tpu.dma_semaphore, #tpu.memory_space<semaphore_mem>>) attributes {dimension_semantics = [#tpu.dimension_semantics<core_parallel>, #tpu.dimension_semantics<subcore_parallel>], iteration_bounds = array<i64: 2, 16>, scalar_prefetch = 0 : i64, scratch_operands = 7 : i64, tpu.core_type = #tpu.core_type<sc_vector_subcore>, window_params = [{transform_indices = #map}, {transform_indices = #map}, {transform_indices = #map}, {transform_indices = #map}, {transform_indices = #map}]} {
    %mul3A = arith.constant 16 : i32
    %mul3A_0 = arith.muli %arg0, %mul3A : i32
    %add3A = arith.addi %mul3A_0, %arg1 : i32
    %mul3A_1 = arith.constant 2 : i32
    %mul3A_2 = arith.muli %add3A, %mul3A_1 : i32
    "tpu.region"() ({
      %run_scoped3A = tpu.sem_alloc : memref<!tpu.dma_semaphore, #tpu.memory_space<semaphore_mem>>
      %dma_start3A_90 = arith.constant 0 : i32
      %dma_start3A_91 = tpu.memref_slice %arg4[%mul3A_2, %dma_start3A_90] : memref<64x128xi32, #tpu.memory_space<hbm>> -> memref<2x128xi32, #tpu.memory_space<hbm>>
      %dma_start3A_92 = arith.constant 0 : i32
      %dma_start3A_93 = tpu.memref_slice %arg4[%mul3A_2, %dma_start3A_92] : memref<64x128xi32, #tpu.memory_space<hbm>> -> memref<2x128xi32, #tpu.memory_space<hbm>>
      tpu.enqueue_dma source(%dma_start3A_93 : memref<2x128xi32, #tpu.memory_space<hbm>>) target(%arg7 : memref<2x128xi32, #tpu.memory_space<vmem>>) target_semaphore(%run_scoped3A : memref<!tpu.dma_semaphore, #tpu.memory_space<semaphore_mem>>)
      %dma_wait3A_94 = arith.constant 0 : i32
      %dma_wait3A_95 = tpu.memref_slice %arg4[%mul3A_2, %dma_wait3A_94] : memref<64x128xi32, #tpu.memory_space<hbm>> -> memref<2x128xi32, #tpu.memory_space<hbm>>
      %dma_wait3A_96 = arith.constant 0 : i32
      %dma_wait3A_97 = tpu.memref_slice %arg4[%mul3A_2, %dma_wait3A_96] : memref<64x128xi32, #tpu.memory_space<hbm>> -> memref<2x128xi32, #tpu.memory_space<hbm>>
      tpu.wait_dma2 semaphore(%run_scoped3A : memref<!tpu.dma_semaphore, #tpu.memory_space<semaphore_mem>>) src(%dma_wait3A_97 : memref<2x128xi32, #tpu.memory_space<hbm>>) dst(%arg7 : memref<2x128xi32, #tpu.memory_space<vmem>>)
      tpu.yield
    }) : () -> ()
    %mul3A_3 = arith.constant 2 : i32
    %mul3A_4 = arith.muli %add3A, %mul3A_3 : i32
    "tpu.region"() ({
      %run_scoped3A = tpu.sem_alloc : memref<!tpu.dma_semaphore, #tpu.memory_space<semaphore_mem>>
      %dma_start3A_90 = arith.constant 0 : i32
      %dma_start3A_91 = tpu.memref_slice %arg5[%mul3A_4, %dma_start3A_90] : memref<64x128xi32, #tpu.memory_space<hbm>> -> memref<2x128xi32, #tpu.memory_space<hbm>>
      %dma_start3A_92 = arith.constant 0 : i32
      %dma_start3A_93 = tpu.memref_slice %arg5[%mul3A_4, %dma_start3A_92] : memref<64x128xi32, #tpu.memory_space<hbm>> -> memref<2x128xi32, #tpu.memory_space<hbm>>
      tpu.enqueue_dma source(%dma_start3A_93 : memref<2x128xi32, #tpu.memory_space<hbm>>) target(%arg8 : memref<2x128xi32, #tpu.memory_space<vmem>>) target_semaphore(%run_scoped3A : memref<!tpu.dma_semaphore, #tpu.memory_space<semaphore_mem>>)
      %dma_wait3A_94 = arith.constant 0 : i32
      %dma_wait3A_95 = tpu.memref_slice %arg5[%mul3A_4, %dma_wait3A_94] : memref<64x128xi32, #tpu.memory_space<hbm>> -> memref<2x128xi32, #tpu.memory_space<hbm>>
      %dma_wait3A_96 = arith.constant 0 : i32
      %dma_wait3A_97 = tpu.memref_slice %arg5[%mul3A_4, %dma_wait3A_96] : memref<64x128xi32, #tpu.memory_space<hbm>> -> memref<2x128xi32, #tpu.memory_space<hbm>>
      tpu.wait_dma2 semaphore(%run_scoped3A : memref<!tpu.dma_semaphore, #tpu.memory_space<semaphore_mem>>) src(%dma_wait3A_97 : memref<2x128xi32, #tpu.memory_space<hbm>>) dst(%arg8 : memref<2x128xi32, #tpu.memory_space<vmem>>)
      tpu.yield
    }) : () -> ()
    %dma_start3A = arith.constant 0 : i32
    %dma_start3A_5 = arith.constant 0 : i32
    %dma_start3A_6 = arith.constant 0 : i32
    %dma_start3A_7 = tpu.memref_slice %arg9[%dma_start3A_5, %dma_start3A_6] : memref<256x16xf32, #tpu.memory_space<vmem>> -> memref<128x16xf32, #tpu.memory_space<vmem>>
    %dma_start3A_8 = arith.constant 0 : i32
    %dma_start3A_9 = tpu.memref_slice %arg7[%dma_start3A, %dma_start3A_8] : memref<2x128xi32, #tpu.memory_space<vmem>> -> memref<1x128xi32, #tpu.memory_space<vmem>>
    %dma_start3A_10 = tpu.memref_squeeze %dma_start3A_9 : memref<1x128xi32, #tpu.memory_space<vmem>> -> memref<128xi32, #tpu.memory_space<vmem>>
    %dma_start3A_11 = arith.constant 0 : i32
    %dma_start3A_12 = arith.constant 0 : i32
    %dma_start3A_13 = tpu.memref_slice %arg2[%dma_start3A_11, %dma_start3A_12] : memref<10112x16xf32, #tpu.memory_space<hbm>> -> memref<10112x16xf32, #tpu.memory_space<hbm>>
    tpu.enqueue_indirect_dma source(%dma_start3A_13 : memref<10112x16xf32, #tpu.memory_space<hbm>>) target(%dma_start3A_7 : memref<128x16xf32, #tpu.memory_space<vmem>>) offsets(%dma_start3A_10 : memref<128xi32, #tpu.memory_space<vmem>>) semaphore(%arg13 : memref<!tpu.dma_semaphore, #tpu.memory_space<semaphore_mem>>)
    %dma_start3A_14 = arith.constant 0 : i32
    %dma_start3A_15 = arith.constant 0 : i32
    %dma_start3A_16 = arith.constant 0 : i32
    %dma_start3A_17 = tpu.memref_slice %arg10[%dma_start3A_15, %dma_start3A_16] : memref<256x16xf32, #tpu.memory_space<vmem>> -> memref<128x16xf32, #tpu.memory_space<vmem>>
    %dma_start3A_18 = arith.constant 0 : i32
    %dma_start3A_19 = tpu.memref_slice %arg8[%dma_start3A_14, %dma_start3A_18] : memref<2x128xi32, #tpu.memory_space<vmem>> -> memref<1x128xi32, #tpu.memory_space<vmem>>
    %dma_start3A_20 = tpu.memref_squeeze %dma_start3A_19 : memref<1x128xi32, #tpu.memory_space<vmem>> -> memref<128xi32, #tpu.memory_space<vmem>>
    %dma_start3A_21 = arith.constant 0 : i32
    %dma_start3A_22 = arith.constant 0 : i32
    %dma_start3A_23 = tpu.memref_slice %arg3[%dma_start3A_21, %dma_start3A_22] : memref<640x16xf32, #tpu.memory_space<hbm>> -> memref<640x16xf32, #tpu.memory_space<hbm>>
    tpu.enqueue_indirect_dma source(%dma_start3A_23 : memref<640x16xf32, #tpu.memory_space<hbm>>) target(%dma_start3A_17 : memref<128x16xf32, #tpu.memory_space<vmem>>) offsets(%dma_start3A_20 : memref<128xi32, #tpu.memory_space<vmem>>) semaphore(%arg13 : memref<!tpu.dma_semaphore, #tpu.memory_space<semaphore_mem>>)
    %dma_start3A_24 = arith.constant 1 : i32
    %dma_start3A_25 = arith.constant 128 : i32
    %dma_start3A_26 = arith.constant 0 : i32
    %dma_start3A_27 = tpu.memref_slice %arg9[%dma_start3A_25, %dma_start3A_26] : memref<256x16xf32, #tpu.memory_space<vmem>> -> memref<128x16xf32, #tpu.memory_space<vmem>>
    %dma_start3A_28 = arith.constant 0 : i32
    %dma_start3A_29 = tpu.memref_slice %arg7[%dma_start3A_24, %dma_start3A_28] : memref<2x128xi32, #tpu.memory_space<vmem>> -> memref<1x128xi32, #tpu.memory_space<vmem>>
    %dma_start3A_30 = tpu.memref_squeeze %dma_start3A_29 : memref<1x128xi32, #tpu.memory_space<vmem>> -> memref<128xi32, #tpu.memory_space<vmem>>
    %dma_start3A_31 = arith.constant 0 : i32
    %dma_start3A_32 = arith.constant 0 : i32
    %dma_start3A_33 = tpu.memref_slice %arg2[%dma_start3A_31, %dma_start3A_32] : memref<10112x16xf32, #tpu.memory_space<hbm>> -> memref<10112x16xf32, #tpu.memory_space<hbm>>
    tpu.enqueue_indirect_dma source(%dma_start3A_33 : memref<10112x16xf32, #tpu.memory_space<hbm>>) target(%dma_start3A_27 : memref<128x16xf32, #tpu.memory_space<vmem>>) offsets(%dma_start3A_30 : memref<128xi32, #tpu.memory_space<vmem>>) semaphore(%arg13 : memref<!tpu.dma_semaphore, #tpu.memory_space<semaphore_mem>>)
    %dma_start3A_34 = arith.constant 1 : i32
    %dma_start3A_35 = arith.constant 128 : i32
    %dma_start3A_36 = arith.constant 0 : i32
    %dma_start3A_37 = tpu.memref_slice %arg10[%dma_start3A_35, %dma_start3A_36] : memref<256x16xf32, #tpu.memory_space<vmem>> -> memref<128x16xf32, #tpu.memory_space<vmem>>
    %dma_start3A_38 = arith.constant 0 : i32
    %dma_start3A_39 = tpu.memref_slice %arg8[%dma_start3A_34, %dma_start3A_38] : memref<2x128xi32, #tpu.memory_space<vmem>> -> memref<1x128xi32, #tpu.memory_space<vmem>>
    %dma_start3A_40 = tpu.memref_squeeze %dma_start3A_39 : memref<1x128xi32, #tpu.memory_space<vmem>> -> memref<128xi32, #tpu.memory_space<vmem>>
    %dma_start3A_41 = arith.constant 0 : i32
    %dma_start3A_42 = arith.constant 0 : i32
    %dma_start3A_43 = tpu.memref_slice %arg3[%dma_start3A_41, %dma_start3A_42] : memref<640x16xf32, #tpu.memory_space<hbm>> -> memref<640x16xf32, #tpu.memory_space<hbm>>
    tpu.enqueue_indirect_dma source(%dma_start3A_43 : memref<640x16xf32, #tpu.memory_space<hbm>>) target(%dma_start3A_37 : memref<128x16xf32, #tpu.memory_space<vmem>>) offsets(%dma_start3A_40 : memref<128xi32, #tpu.memory_space<vmem>>) semaphore(%arg13 : memref<!tpu.dma_semaphore, #tpu.memory_space<semaphore_mem>>)
    %dma_wait3A = arith.constant 0 : i32
    %dma_wait3A_44 = arith.constant 0 : i32
    %dma_wait3A_45 = arith.constant 0 : i32
    %dma_wait3A_46 = tpu.memref_slice %arg9[%dma_wait3A_44, %dma_wait3A_45] : memref<256x16xf32, #tpu.memory_space<vmem>> -> memref<128x16xf32, #tpu.memory_space<vmem>>
    %dma_wait3A_47 = arith.constant 0 : i32
    %dma_wait3A_48 = tpu.memref_slice %arg7[%dma_wait3A, %dma_wait3A_47] : memref<2x128xi32, #tpu.memory_space<vmem>> -> memref<1x128xi32, #tpu.memory_space<vmem>>
    %dma_wait3A_49 = tpu.memref_squeeze %dma_wait3A_48 : memref<1x128xi32, #tpu.memory_space<vmem>> -> memref<128xi32, #tpu.memory_space<vmem>>
    %dma_wait3A_50 = arith.constant 0 : i32
    %dma_wait3A_51 = arith.constant 0 : i32
    %dma_wait3A_52 = tpu.memref_slice %arg2[%dma_wait3A_50, %dma_wait3A_51] : memref<10112x16xf32, #tpu.memory_space<hbm>> -> memref<10112x16xf32, #tpu.memory_space<hbm>>
    tpu.wait_indirect_dma semaphore(%arg13 : memref<!tpu.dma_semaphore, #tpu.memory_space<semaphore_mem>>) src(%dma_wait3A_52 : memref<10112x16xf32, #tpu.memory_space<hbm>>) dst(%dma_wait3A_46 : memref<128x16xf32, #tpu.memory_space<vmem>>)
    %dma_wait3A_53 = arith.constant 0 : i32
    %dma_wait3A_54 = arith.constant 0 : i32
    %dma_wait3A_55 = arith.constant 0 : i32
    %dma_wait3A_56 = tpu.memref_slice %arg10[%dma_wait3A_54, %dma_wait3A_55] : memref<256x16xf32, #tpu.memory_space<vmem>> -> memref<128x16xf32, #tpu.memory_space<vmem>>
    %dma_wait3A_57 = arith.constant 0 : i32
    %dma_wait3A_58 = tpu.memref_slice %arg8[%dma_wait3A_53, %dma_wait3A_57] : memref<2x128xi32, #tpu.memory_space<vmem>> -> memref<1x128xi32, #tpu.memory_space<vmem>>
    %dma_wait3A_59 = tpu.memref_squeeze %dma_wait3A_58 : memref<1x128xi32, #tpu.memory_space<vmem>> -> memref<128xi32, #tpu.memory_space<vmem>>
    %dma_wait3A_60 = arith.constant 0 : i32
    %dma_wait3A_61 = arith.constant 0 : i32
    %dma_wait3A_62 = tpu.memref_slice %arg3[%dma_wait3A_60, %dma_wait3A_61] : memref<640x16xf32, #tpu.memory_space<hbm>> -> memref<640x16xf32, #tpu.memory_space<hbm>>
    tpu.wait_indirect_dma semaphore(%arg13 : memref<!tpu.dma_semaphore, #tpu.memory_space<semaphore_mem>>) src(%dma_wait3A_62 : memref<640x16xf32, #tpu.memory_space<hbm>>) dst(%dma_wait3A_56 : memref<128x16xf32, #tpu.memory_space<vmem>>)
    %dma_wait3A_63 = arith.constant 1 : i32
    %dma_wait3A_64 = arith.constant 128 : i32
    %dma_wait3A_65 = arith.constant 0 : i32
    %dma_wait3A_66 = tpu.memref_slice %arg9[%dma_wait3A_64, %dma_wait3A_65] : memref<256x16xf32, #tpu.memory_space<vmem>> -> memref<128x16xf32, #tpu.memory_space<vmem>>
    %dma_wait3A_67 = arith.constant 0 : i32
    %dma_wait3A_68 = tpu.memref_slice %arg7[%dma_wait3A_63, %dma_wait3A_67] : memref<2x128xi32, #tpu.memory_space<vmem>> -> memref<1x128xi32, #tpu.memory_space<vmem>>
    %dma_wait3A_69 = tpu.memref_squeeze %dma_wait3A_68 : memref<1x128xi32, #tpu.memory_space<vmem>> -> memref<128xi32, #tpu.memory_space<vmem>>
    %dma_wait3A_70 = arith.constant 0 : i32
    %dma_wait3A_71 = arith.constant 0 : i32
    %dma_wait3A_72 = tpu.memref_slice %arg2[%dma_wait3A_70, %dma_wait3A_71] : memref<10112x16xf32, #tpu.memory_space<hbm>> -> memref<10112x16xf32, #tpu.memory_space<hbm>>
    tpu.wait_indirect_dma semaphore(%arg13 : memref<!tpu.dma_semaphore, #tpu.memory_space<semaphore_mem>>) src(%dma_wait3A_72 : memref<10112x16xf32, #tpu.memory_space<hbm>>) dst(%dma_wait3A_66 : memref<128x16xf32, #tpu.memory_space<vmem>>)
    %dma_wait3A_73 = arith.constant 1 : i32
    %dma_wait3A_74 = arith.constant 128 : i32
    %dma_wait3A_75 = arith.constant 0 : i32
    %dma_wait3A_76 = tpu.memref_slice %arg10[%dma_wait3A_74, %dma_wait3A_75] : memref<256x16xf32, #tpu.memory_space<vmem>> -> memref<128x16xf32, #tpu.memory_space<vmem>>
    %dma_wait3A_77 = arith.constant 0 : i32
    %dma_wait3A_78 = tpu.memref_slice %arg8[%dma_wait3A_73, %dma_wait3A_77] : memref<2x128xi32, #tpu.memory_space<vmem>> -> memref<1x128xi32, #tpu.memory_space<vmem>>
    %dma_wait3A_79 = tpu.memref_squeeze %dma_wait3A_78 : memref<1x128xi32, #tpu.memory_space<vmem>> -> memref<128xi32, #tpu.memory_space<vmem>>
    %dma_wait3A_80 = arith.constant 0 : i32
    %dma_wait3A_81 = arith.constant 0 : i32
    %dma_wait3A_82 = tpu.memref_slice %arg3[%dma_wait3A_80, %dma_wait3A_81] : memref<640x16xf32, #tpu.memory_space<hbm>> -> memref<640x16xf32, #tpu.memory_space<hbm>>
    tpu.wait_indirect_dma semaphore(%arg13 : memref<!tpu.dma_semaphore, #tpu.memory_space<semaphore_mem>>) src(%dma_wait3A_82 : memref<640x16xf32, #tpu.memory_space<hbm>>) dst(%dma_wait3A_76 : memref<128x16xf32, #tpu.memory_space<vmem>>)
    %iota3A = tpu.iota {dimensions = array<i32: 0>} : vector<16xi32>
    %scan3A = arith.constant 0 : i32
    %scan3A_83 = arith.constant 0 : i32
    %scan3A_84 = arith.constant 16 : i32
    %scan3A_85 = arith.addi %scan3A_83, %scan3A_84 : i32
    %scan3A_86 = arith.constant 1 : i32
    scf.for %scan3A_90 = %scan3A_83 to %scan3A_85 step %scan3A_86  : i32 {
      %mul3A_91 = arith.constant 16 : i32
      %mul3A_92 = arith.muli %scan3A_90, %mul3A_91 : i32
      %jit3A = arith.constant 8 : i32
      %div3A = arith.divsi %scan3A_90, %jit3A : i32
      %sign3A = arith.constant 0 : i32
      %sign3A_93 = arith.cmpi sgt, %scan3A_90, %sign3A : i32
      %sign3A_94 = arith.extui %sign3A_93 : i1 to i32
      %sign3A_95 = arith.constant 0 : i32
      %sign3A_96 = arith.cmpi slt, %scan3A_90, %sign3A_95 : i32
      %sign3A_97 = arith.extui %sign3A_96 : i1 to i32
      %sign3A_98 = arith.subi %sign3A_94, %sign3A_97 : i32
      %sign3A_99 = arith.constant 0 : i32
      %sign3A_100 = arith.cmpi sgt, %jit3A, %sign3A_99 : i32
      %sign3A_101 = arith.extui %sign3A_100 : i1 to i32
      %sign3A_102 = arith.constant 0 : i32
      %sign3A_103 = arith.cmpi slt, %jit3A, %sign3A_102 : i32
      %sign3A_104 = arith.extui %sign3A_103 : i1 to i32
      %sign3A_105 = arith.subi %sign3A_101, %sign3A_104 : i32
      %ne3A = arith.cmpi ne, %sign3A_98, %sign3A_105 : i32
      %rem3A = arith.remsi %scan3A_90, %jit3A : i32
      %ne3A_106 = arith.constant 0 : i32
      %ne3A_107 = arith.cmpi ne, %rem3A, %ne3A_106 : i32
      %and3A = arith.andi %ne3A, %ne3A_107 : i1
      %sub3A = arith.constant 1 : i32
      %sub3A_108 = arith.subi %div3A, %sub3A : i32
      %select_n3A = arith.select %and3A, %sub3A_108, %div3A : i32
      %jit3A_109 = arith.constant 8 : i32
      %eq3A = arith.constant 0 : i32
      %eq3A_110 = arith.cmpi eq, %jit3A_109, %eq3A : i32
      %jit3A_111 = arith.constant 1 : i32
      %select_n3A_112 = arith.select %eq3A_110, %jit3A_111, %jit3A_109 : i32
      %rem3A_113 = arith.remsi %scan3A_90, %select_n3A_112 : i32
      %ne3A_114 = arith.constant 0 : i32
      %ne3A_115 = arith.cmpi ne, %rem3A_113, %ne3A_114 : i32
      %lt3A = arith.constant 0 : i32
      %lt3A_116 = arith.cmpi slt, %rem3A_113, %lt3A : i32
      %lt3A_117 = arith.constant 0 : i32
      %lt3A_118 = arith.cmpi slt, %select_n3A_112, %lt3A_117 : i32
      %ne3A_119 = arith.xori %lt3A_116, %lt3A_118 : i1
      %and3A_120 = arith.andi %ne3A_119, %ne3A_115 : i1
      %add3A_121 = arith.addi %rem3A_113, %select_n3A_112 : i32
      %select_n3A_122 = arith.select %and3A_120, %add3A_121, %rem3A_113 : i32
      %mul3A_123 = arith.constant 16 : i32
      %mul3A_124 = arith.muli %select_n3A_122, %mul3A_123 : i32
      %get3A = arith.index_cast %select_n3A : i32 to index
      %get3A_125 = arith.index_cast %mul3A_124 : i32 to index
      %get3A_126 = tpu.vector_load %arg7[%get3A, %get3A_125] {strides = array<i32>} : memref<2x128xi32, #tpu.memory_space<vmem>>, vector<16xi32>,
      %add3A_127 = vector.broadcast %mul3A_92 : i32 to vector<16xi32>
      %add3A_128 = arith.addi %add3A_127, %iota3A : vector<16xi32>
      %and3A_129 = arith.constant 15 : i32
      %and3A_130 = vector.broadcast %and3A_129 : i32 to vector<16xi32>
      %and3A_131 = arith.andi %get3A_126, %and3A_130 : vector<16xi32>
      %gather3A = tpu.vector_load_idx %arg10[%add3A_128, %and3A_131] : memref<256x16xf32, #tpu.memory_space<vmem>>[vector<16xi32>, vector<16xi32>], vector<16xf32>,
      %max3A = arith.constant 1.000000e+00 : f32
      %max3A_132 = vector.broadcast %max3A : f32 to vector<16xf32>
      %max3A_133 = arith.maximumf %gather3A, %max3A_132 : vector<16xf32>
      %broadcast_in_dim3A = arith.constant 0 : i32
      %broadcast_in_dim3A_134 = vector.broadcast %broadcast_in_dim3A : i32 to vector<16x1xi32>
      %gather3A_135 = vector.shape_cast %broadcast_in_dim3A_134 : vector<16x1xi32> to vector<16xi32>
      %gather3A_136 = tpu.dynamic_gather %max3A_133[%gather3A_135] in [0] : vector<16xf32>, vector<16xi32> -> vector<16xf32>
      %add3A_137 = arith.constant 0 : i32
      %add3A_138 = arith.addi %mul3A_92, %add3A_137 : i32
      %get3A_139 = arith.index_cast %add3A_138 : i32 to index
      %get3A_140 = arith.constant 0 : index
      %get3A_141 = tpu.vector_load %arg9[%get3A_139, %get3A_140] {strides = array<i32>} : memref<256x16xf32, #tpu.memory_space<vmem>>, vector<16xf32>,
      %div3A_142 = arith.divf %get3A_141, %gather3A_136 : vector<16xf32>
      %add3A_143 = arith.constant 0 : i32
      %add3A_144 = arith.addi %mul3A_92, %add3A_143 : i32
      %swap3A = arith.index_cast %add3A_144 : i32 to index
      %swap3A_145 = arith.constant 0 : index
      %swap3A_146 = tpu.vector_load %arg11[%swap3A, %swap3A_145] {strides = array<i32>} : memref<256x16xf32, #tpu.memory_space<vmem>>, vector<16xf32>,
      tpu.vector_store %arg11[%swap3A, %swap3A_145], %div3A_142 {strides = array<i32>} : memref<256x16xf32, #tpu.memory_space<vmem>>, vector<16xf32>,
      %broadcast_in_dim3A_147 = arith.constant 1 : i32
      %broadcast_in_dim3A_148 = vector.broadcast %broadcast_in_dim3A_147 : i32 to vector<16x1xi32>
      %gather3A_149 = vector.shape_cast %broadcast_in_dim3A_148 : vector<16x1xi32> to vector<16xi32>
      %gather3A_150 = tpu.dynamic_gather %max3A_133[%gather3A_149] in [0] : vector<16xf32>, vector<16xi32> -> vector<16xf32>
      %add3A_151 = arith.constant 1 : i32
      %add3A_152 = arith.addi %mul3A_92, %add3A_151 : i32
      %get3A_153 = arith.index_cast %add3A_152 : i32 to index
      %get3A_154 = arith.constant 0 : index
      %get3A_155 = tpu.vector_load %arg9[%get3A_153, %get3A_154] {strides = array<i32>} : memref<256x16xf32, #tpu.memory_space<vmem>>, vector<16xf32>,
      %div3A_156 = arith.divf %get3A_155, %gather3A_150 : vector<16xf32>
      %add3A_157 = arith.constant 1 : i32
      %add3A_158 = arith.addi %mul3A_92, %add3A_157 : i32
      %swap3A_159 = arith.index_cast %add3A_158 : i32 to index
      %swap3A_160 = arith.constant 0 : index
      %swap3A_161 = tpu.vector_load %arg11[%swap3A_159, %swap3A_160] {strides = array<i32>} : memref<256x16xf32, #tpu.memory_space<vmem>>, vector<16xf32>,
      tpu.vector_store %arg11[%swap3A_159, %swap3A_160], %div3A_156 {strides = array<i32>} : memref<256x16xf32, #tpu.memory_space<vmem>>, vector<16xf32>,
      %broadcast_in_dim3A_162 = arith.constant 2 : i32
      %broadcast_in_dim3A_163 = vector.broadcast %broadcast_in_dim3A_162 : i32 to vector<16x1xi32>
      %gather3A_164 = vector.shape_cast %broadcast_in_dim3A_163 : vector<16x1xi32> to vector<16xi32>
      %gather3A_165 = tpu.dynamic_gather %max3A_133[%gather3A_164] in [0] : vector<16xf32>, vector<16xi32> -> vector<16xf32>
      %add3A_166 = arith.constant 2 : i32
      %add3A_167 = arith.addi %mul3A_92, %add3A_166 : i32
      %get3A_168 = arith.index_cast %add3A_167 : i32 to index
      %get3A_169 = arith.constant 0 : index
      %get3A_170 = tpu.vector_load %arg9[%get3A_168, %get3A_169] {strides = array<i32>} : memref<256x16xf32, #tpu.memory_space<vmem>>, vector<16xf32>,
      %div3A_171 = arith.divf %get3A_170, %gather3A_165 : vector<16xf32>
      %add3A_172 = arith.constant 2 : i32
      %add3A_173 = arith.addi %mul3A_92, %add3A_172 : i32
      %swap3A_174 = arith.index_cast %add3A_173 : i32 to index
      %swap3A_175 = arith.constant 0 : index
      %swap3A_176 = tpu.vector_load %arg11[%swap3A_174, %swap3A_175] {strides = array<i32>} : memref<256x16xf32, #tpu.memory_space<vmem>>, vector<16xf32>,
      tpu.vector_store %arg11[%swap3A_174, %swap3A_175], %div3A_171 {strides = array<i32>} : memref<256x16xf32, #tpu.memory_space<vmem>>, vector<16xf32>,
      %broadcast_in_dim3A_177 = arith.constant 3 : i32
      %broadcast_in_dim3A_178 = vector.broadcast %broadcast_in_dim3A_177 : i32 to vector<16x1xi32>
      %gather3A_179 = vector.shape_cast %broadcast_in_dim3A_178 : vector<16x1xi32> to vector<16xi32>
      %gather3A_180 = tpu.dynamic_gather %max3A_133[%gather3A_179] in [0] : vector<16xf32>, vector<16xi32> -> vector<16xf32>
      %add3A_181 = arith.constant 3 : i32
      %add3A_182 = arith.addi %mul3A_92, %add3A_181 : i32
      %get3A_183 = arith.index_cast %add3A_182 : i32 to index
      %get3A_184 = arith.constant 0 : index
      %get3A_185 = tpu.vector_load %arg9[%get3A_183, %get3A_184] {strides = array<i32>} : memref<256x16xf32, #tpu.memory_space<vmem>>, vector<16xf32>,
      %div3A_186 = arith.divf %get3A_185, %gather3A_180 : vector<16xf32>
      %add3A_187 = arith.constant 3 : i32
      %add3A_188 = arith.addi %mul3A_92, %add3A_187 : i32
      %swap3A_189 = arith.index_cast %add3A_188 : i32 to index
      %swap3A_190 = arith.constant 0 : index
      %swap3A_191 = tpu.vector_load %arg11[%swap3A_189, %swap3A_190] {strides = array<i32>} : memref<256x16xf32, #tpu.memory_space<vmem>>, vector<16xf32>,
      tpu.vector_store %arg11[%swap3A_189, %swap3A_190], %div3A_186 {strides = array<i32>} : memref<256x16xf32, #tpu.memory_space<vmem>>, vector<16xf32>,
      %broadcast_in_dim3A_192 = arith.constant 4 : i32
      %broadcast_in_dim3A_193 = vector.broadcast %broadcast_in_dim3A_192 : i32 to vector<16x1xi32>
      %gather3A_194 = vector.shape_cast %broadcast_in_dim3A_193 : vector<16x1xi32> to vector<16xi32>
      %gather3A_195 = tpu.dynamic_gather %max3A_133[%gather3A_194] in [0] : vector<16xf32>, vector<16xi32> -> vector<16xf32>
      %add3A_196 = arith.constant 4 : i32
      %add3A_197 = arith.addi %mul3A_92, %add3A_196 : i32
      %get3A_198 = arith.index_cast %add3A_197 : i32 to index
      %get3A_199 = arith.constant 0 : index
      %get3A_200 = tpu.vector_load %arg9[%get3A_198, %get3A_199] {strides = array<i32>} : memref<256x16xf32, #tpu.memory_space<vmem>>, vector<16xf32>,
      %div3A_201 = arith.divf %get3A_200, %gather3A_195 : vector<16xf32>
      %add3A_202 = arith.constant 4 : i32
      %add3A_203 = arith.addi %mul3A_92, %add3A_202 : i32
      %swap3A_204 = arith.index_cast %add3A_203 : i32 to index
      %swap3A_205 = arith.constant 0 : index
      %swap3A_206 = tpu.vector_load %arg11[%swap3A_204, %swap3A_205] {strides = array<i32>} : memref<256x16xf32, #tpu.memory_space<vmem>>, vector<16xf32>,
      tpu.vector_store %arg11[%swap3A_204, %swap3A_205], %div3A_201 {strides = array<i32>} : memref<256x16xf32, #tpu.memory_space<vmem>>, vector<16xf32>,
      %broadcast_in_dim3A_207 = arith.constant 5 : i32
      %broadcast_in_dim3A_208 = vector.broadcast %broadcast_in_dim3A_207 : i32 to vector<16x1xi32>
      %gather3A_209 = vector.shape_cast %broadcast_in_dim3A_208 : vector<16x1xi32> to vector<16xi32>
      %gather3A_210 = tpu.dynamic_gather %max3A_133[%gather3A_209] in [0] : vector<16xf32>, vector<16xi32> -> vector<16xf32>
      %add3A_211 = arith.constant 5 : i32
      %add3A_212 = arith.addi %mul3A_92, %add3A_211 : i32
      %get3A_213 = arith.index_cast %add3A_212 : i32 to index
      %get3A_214 = arith.constant 0 : index
      %get3A_215 = tpu.vector_load %arg9[%get3A_213, %get3A_214] {strides = array<i32>} : memref<256x16xf32, #tpu.memory_space<vmem>>, vector<16xf32>,
      %div3A_216 = arith.divf %get3A_215, %gather3A_210 : vector<16xf32>
      %add3A_217 = arith.constant 5 : i32
      %add3A_218 = arith.addi %mul3A_92, %add3A_217 : i32
      %swap3A_219 = arith.index_cast %add3A_218 : i32 to index
      %swap3A_220 = arith.constant 0 : index
      %swap3A_221 = tpu.vector_load %arg11[%swap3A_219, %swap3A_220] {strides = array<i32>} : memref<256x16xf32, #tpu.memory_space<vmem>>, vector<16xf32>,
      tpu.vector_store %arg11[%swap3A_219, %swap3A_220], %div3A_216 {strides = array<i32>} : memref<256x16xf32, #tpu.memory_space<vmem>>, vector<16xf32>,
      %broadcast_in_dim3A_222 = arith.constant 6 : i32
      %broadcast_in_dim3A_223 = vector.broadcast %broadcast_in_dim3A_222 : i32 to vector<16x1xi32>
      %gather3A_224 = vector.shape_cast %broadcast_in_dim3A_223 : vector<16x1xi32> to vector<16xi32>
      %gather3A_225 = tpu.dynamic_gather %max3A_133[%gather3A_224] in [0] : vector<16xf32>, vector<16xi32> -> vector<16xf32>
      %add3A_226 = arith.constant 6 : i32
      %add3A_227 = arith.addi %mul3A_92, %add3A_226 : i32
      %get3A_228 = arith.index_cast %add3A_227 : i32 to index
      %get3A_229 = arith.constant 0 : index
      %get3A_230 = tpu.vector_load %arg9[%get3A_228, %get3A_229] {strides = array<i32>} : memref<256x16xf32, #tpu.memory_space<vmem>>, vector<16xf32>,
      %div3A_231 = arith.divf %get3A_230, %gather3A_225 : vector<16xf32>
      %add3A_232 = arith.constant 6 : i32
      %add3A_233 = arith.addi %mul3A_92, %add3A_232 : i32
      %swap3A_234 = arith.index_cast %add3A_233 : i32 to index
      %swap3A_235 = arith.constant 0 : index
      %swap3A_236 = tpu.vector_load %arg11[%swap3A_234, %swap3A_235] {strides = array<i32>} : memref<256x16xf32, #tpu.memory_space<vmem>>, vector<16xf32>,
      tpu.vector_store %arg11[%swap3A_234, %swap3A_235], %div3A_231 {strides = array<i32>} : memref<256x16xf32, #tpu.memory_space<vmem>>, vector<16xf32>,
      %broadcast_in_dim3A_237 = arith.constant 7 : i32
      %broadcast_in_dim3A_238 = vector.broadcast %broadcast_in_dim3A_237 : i32 to vector<16x1xi32>
      %gather3A_239 = vector.shape_cast %broadcast_in_dim3A_238 : vector<16x1xi32> to vector<16xi32>
      %gather3A_240 = tpu.dynamic_gather %max3A_133[%gather3A_239] in [0] : vector<16xf32>, vector<16xi32> -> vector<16xf32>
      %add3A_241 = arith.constant 7 : i32
      %add3A_242 = arith.addi %mul3A_92, %add3A_241 : i32
      %get3A_243 = arith.index_cast %add3A_242 : i32 to index
      %get3A_244 = arith.constant 0 : index
      %get3A_245 = tpu.vector_load %arg9[%get3A_243, %get3A_244] {strides = array<i32>} : memref<256x16xf32, #tpu.memory_space<vmem>>, vector<16xf32>,
      %div3A_246 = arith.divf %get3A_245, %gather3A_240 : vector<16xf32>
      %add3A_247 = arith.constant 7 : i32
      %add3A_248 = arith.addi %mul3A_92, %add3A_247 : i32
      %swap3A_249 = arith.index_cast %add3A_248 : i32 to index
      %swap3A_250 = arith.constant 0 : index
      %swap3A_251 = tpu.vector_load %arg11[%swap3A_249, %swap3A_250] {strides = array<i32>} : memref<256x16xf32, #tpu.memory_space<vmem>>, vector<16xf32>,
      tpu.vector_store %arg11[%swap3A_249, %swap3A_250], %div3A_246 {strides = array<i32>} : memref<256x16xf32, #tpu.memory_space<vmem>>, vector<16xf32>,
      %broadcast_in_dim3A_252 = arith.constant 8 : i32
      %broadcast_in_dim3A_253 = vector.broadcast %broadcast_in_dim3A_252 : i32 to vector<16x1xi32>
      %gather3A_254 = vector.shape_cast %broadcast_in_dim3A_253 : vector<16x1xi32> to vector<16xi32>
      %gather3A_255 = tpu.dynamic_gather %max3A_133[%gather3A_254] in [0] : vector<16xf32>, vector<16xi32> -> vector<16xf32>
      %add3A_256 = arith.constant 8 : i32
      %add3A_257 = arith.addi %mul3A_92, %add3A_256 : i32
      %get3A_258 = arith.index_cast %add3A_257 : i32 to index
      %get3A_259 = arith.constant 0 : index
      %get3A_260 = tpu.vector_load %arg9[%get3A_258, %get3A_259] {strides = array<i32>} : memref<256x16xf32, #tpu.memory_space<vmem>>, vector<16xf32>,
      %div3A_261 = arith.divf %get3A_260, %gather3A_255 : vector<16xf32>
      %add3A_262 = arith.constant 8 : i32
      %add3A_263 = arith.addi %mul3A_92, %add3A_262 : i32
      %swap3A_264 = arith.index_cast %add3A_263 : i32 to index
      %swap3A_265 = arith.constant 0 : index
      %swap3A_266 = tpu.vector_load %arg11[%swap3A_264, %swap3A_265] {strides = array<i32>} : memref<256x16xf32, #tpu.memory_space<vmem>>, vector<16xf32>,
      tpu.vector_store %arg11[%swap3A_264, %swap3A_265], %div3A_261 {strides = array<i32>} : memref<256x16xf32, #tpu.memory_space<vmem>>, vector<16xf32>,
      %broadcast_in_dim3A_267 = arith.constant 9 : i32
      %broadcast_in_dim3A_268 = vector.broadcast %broadcast_in_dim3A_267 : i32 to vector<16x1xi32>
      %gather3A_269 = vector.shape_cast %broadcast_in_dim3A_268 : vector<16x1xi32> to vector<16xi32>
      %gather3A_270 = tpu.dynamic_gather %max3A_133[%gather3A_269] in [0] : vector<16xf32>, vector<16xi32> -> vector<16xf32>
      %add3A_271 = arith.constant 9 : i32
      %add3A_272 = arith.addi %mul3A_92, %add3A_271 : i32
      %get3A_273 = arith.index_cast %add3A_272 : i32 to index
      %get3A_274 = arith.constant 0 : index
      %get3A_275 = tpu.vector_load %arg9[%get3A_273, %get3A_274] {strides = array<i32>} : memref<256x16xf32, #tpu.memory_space<vmem>>, vector<16xf32>,
      %div3A_276 = arith.divf %get3A_275, %gather3A_270 : vector<16xf32>
      %add3A_277 = arith.constant 9 : i32
      %add3A_278 = arith.addi %mul3A_92, %add3A_277 : i32
      %swap3A_279 = arith.index_cast %add3A_278 : i32 to index
      %swap3A_280 = arith.constant 0 : index
      %swap3A_281 = tpu.vector_load %arg11[%swap3A_279, %swap3A_280] {strides = array<i32>} : memref<256x16xf32, #tpu.memory_space<vmem>>, vector<16xf32>,
      tpu.vector_store %arg11[%swap3A_279, %swap3A_280], %div3A_276 {strides = array<i32>} : memref<256x16xf32, #tpu.memory_space<vmem>>, vector<16xf32>,
      %broadcast_in_dim3A_282 = arith.constant 10 : i32
      %broadcast_in_dim3A_283 = vector.broadcast %broadcast_in_dim3A_282 : i32 to vector<16x1xi32>
      %gather3A_284 = vector.shape_cast %broadcast_in_dim3A_283 : vector<16x1xi32> to vector<16xi32>
      %gather3A_285 = tpu.dynamic_gather %max3A_133[%gather3A_284] in [0] : vector<16xf32>, vector<16xi32> -> vector<16xf32>
      %add3A_286 = arith.constant 10 : i32
      %add3A_287 = arith.addi %mul3A_92, %add3A_286 : i32
      %get3A_288 = arith.index_cast %add3A_287 : i32 to index
      %get3A_289 = arith.constant 0 : index
      %get3A_290 = tpu.vector_load %arg9[%get3A_288, %get3A_289] {strides = array<i32>} : memref<256x16xf32, #tpu.memory_space<vmem>>, vector<16xf32>,
      %div3A_291 = arith.divf %get3A_290, %gather3A_285 : vector<16xf32>
      %add3A_292 = arith.constant 10 : i32
      %add3A_293 = arith.addi %mul3A_92, %add3A_292 : i32
      %swap3A_294 = arith.index_cast %add3A_293 : i32 to index
      %swap3A_295 = arith.constant 0 : index
      %swap3A_296 = tpu.vector_load %arg11[%swap3A_294, %swap3A_295] {strides = array<i32>} : memref<256x16xf32, #tpu.memory_space<vmem>>, vector<16xf32>,
      tpu.vector_store %arg11[%swap3A_294, %swap3A_295], %div3A_291 {strides = array<i32>} : memref<256x16xf32, #tpu.memory_space<vmem>>, vector<16xf32>,
      %broadcast_in_dim3A_297 = arith.constant 11 : i32
      %broadcast_in_dim3A_298 = vector.broadcast %broadcast_in_dim3A_297 : i32 to vector<16x1xi32>
      %gather3A_299 = vector.shape_cast %broadcast_in_dim3A_298 : vector<16x1xi32> to vector<16xi32>
      %gather3A_300 = tpu.dynamic_gather %max3A_133[%gather3A_299] in [0] : vector<16xf32>, vector<16xi32> -> vector<16xf32>
      %add3A_301 = arith.constant 11 : i32
      %add3A_302 = arith.addi %mul3A_92, %add3A_301 : i32
      %get3A_303 = arith.index_cast %add3A_302 : i32 to index
      %get3A_304 = arith.constant 0 : index
      %get3A_305 = tpu.vector_load %arg9[%get3A_303, %get3A_304] {strides = array<i32>} : memref<256x16xf32, #tpu.memory_space<vmem>>, vector<16xf32>,
      %div3A_306 = arith.divf %get3A_305, %gather3A_300 : vector<16xf32>
      %add3A_307 = arith.constant 11 : i32
      %add3A_308 = arith.addi %mul3A_92, %add3A_307 : i32
      %swap3A_309 = arith.index_cast %add3A_308 : i32 to index
      %swap3A_310 = arith.constant 0 : index
      %swap3A_311 = tpu.vector_load %arg11[%swap3A_309, %swap3A_310] {strides = array<i32>} : memref<256x16xf32, #tpu.memory_space<vmem>>, vector<16xf32>,
      tpu.vector_store %arg11[%swap3A_309, %swap3A_310], %div3A_306 {strides = array<i32>} : memref<256x16xf32, #tpu.memory_space<vmem>>, vector<16xf32>,
      %broadcast_in_dim3A_312 = arith.constant 12 : i32
      %broadcast_in_dim3A_313 = vector.broadcast %broadcast_in_dim3A_312 : i32 to vector<16x1xi32>
      %gather3A_314 = vector.shape_cast %broadcast_in_dim3A_313 : vector<16x1xi32> to vector<16xi32>
      %gather3A_315 = tpu.dynamic_gather %max3A_133[%gather3A_314] in [0] : vector<16xf32>, vector<16xi32> -> vector<16xf32>
      %add3A_316 = arith.constant 12 : i32
      %add3A_317 = arith.addi %mul3A_92, %add3A_316 : i32
      %get3A_318 = arith.index_cast %add3A_317 : i32 to index
      %get3A_319 = arith.constant 0 : index
      %get3A_320 = tpu.vector_load %arg9[%get3A_318, %get3A_319] {strides = array<i32>} : memref<256x16xf32, #tpu.memory_space<vmem>>, vector<16xf32>,
      %div3A_321 = arith.divf %get3A_320, %gather3A_315 : vector<16xf32>
      %add3A_322 = arith.constant 12 : i32
      %add3A_323 = arith.addi %mul3A_92, %add3A_322 : i32
      %swap3A_324 = arith.index_cast %add3A_323 : i32 to index
      %swap3A_325 = arith.constant 0 : index
      %swap3A_326 = tpu.vector_load %arg11[%swap3A_324, %swap3A_325] {strides = array<i32>} : memref<256x16xf32, #tpu.memory_space<vmem>>, vector<16xf32>,
      tpu.vector_store %arg11[%swap3A_324, %swap3A_325], %div3A_321 {strides = array<i32>} : memref<256x16xf32, #tpu.memory_space<vmem>>, vector<16xf32>,
      %broadcast_in_dim3A_327 = arith.constant 13 : i32
      %broadcast_in_dim3A_328 = vector.broadcast %broadcast_in_dim3A_327 : i32 to vector<16x1xi32>
      %gather3A_329 = vector.shape_cast %broadcast_in_dim3A_328 : vector<16x1xi32> to vector<16xi32>
      %gather3A_330 = tpu.dynamic_gather %max3A_133[%gather3A_329] in [0] : vector<16xf32>, vector<16xi32> -> vector<16xf32>
      %add3A_331 = arith.constant 13 : i32
      %add3A_332 = arith.addi %mul3A_92, %add3A_331 : i32
      %get3A_333 = arith.index_cast %add3A_332 : i32 to index
      %get3A_334 = arith.constant 0 : index
      %get3A_335 = tpu.vector_load %arg9[%get3A_333, %get3A_334] {strides = array<i32>} : memref<256x16xf32, #tpu.memory_space<vmem>>, vector<16xf32>,
      %div3A_336 = arith.divf %get3A_335, %gather3A_330 : vector<16xf32>
      %add3A_337 = arith.constant 13 : i32
      %add3A_338 = arith.addi %mul3A_92, %add3A_337 : i32
      %swap3A_339 = arith.index_cast %add3A_338 : i32 to index
      %swap3A_340 = arith.constant 0 : index
      %swap3A_341 = tpu.vector_load %arg11[%swap3A_339, %swap3A_340] {strides = array<i32>} : memref<256x16xf32, #tpu.memory_space<vmem>>, vector<16xf32>,
      tpu.vector_store %arg11[%swap3A_339, %swap3A_340], %div3A_336 {strides = array<i32>} : memref<256x16xf32, #tpu.memory_space<vmem>>, vector<16xf32>,
      %broadcast_in_dim3A_342 = arith.constant 14 : i32
      %broadcast_in_dim3A_343 = vector.broadcast %broadcast_in_dim3A_342 : i32 to vector<16x1xi32>
      %gather3A_344 = vector.shape_cast %broadcast_in_dim3A_343 : vector<16x1xi32> to vector<16xi32>
      %gather3A_345 = tpu.dynamic_gather %max3A_133[%gather3A_344] in [0] : vector<16xf32>, vector<16xi32> -> vector<16xf32>
      %add3A_346 = arith.constant 14 : i32
      %add3A_347 = arith.addi %mul3A_92, %add3A_346 : i32
      %get3A_348 = arith.index_cast %add3A_347 : i32 to index
      %get3A_349 = arith.constant 0 : index
      %get3A_350 = tpu.vector_load %arg9[%get3A_348, %get3A_349] {strides = array<i32>} : memref<256x16xf32, #tpu.memory_space<vmem>>, vector<16xf32>,
      %div3A_351 = arith.divf %get3A_350, %gather3A_345 : vector<16xf32>
      %add3A_352 = arith.constant 14 : i32
      %add3A_353 = arith.addi %mul3A_92, %add3A_352 : i32
      %swap3A_354 = arith.index_cast %add3A_353 : i32 to index
      %swap3A_355 = arith.constant 0 : index
      %swap3A_356 = tpu.vector_load %arg11[%swap3A_354, %swap3A_355] {strides = array<i32>} : memref<256x16xf32, #tpu.memory_space<vmem>>, vector<16xf32>,
      tpu.vector_store %arg11[%swap3A_354, %swap3A_355], %div3A_351 {strides = array<i32>} : memref<256x16xf32, #tpu.memory_space<vmem>>, vector<16xf32>,
      %broadcast_in_dim3A_357 = arith.constant 15 : i32
      %broadcast_in_dim3A_358 = vector.broadcast %broadcast_in_dim3A_357 : i32 to vector<16x1xi32>
      %gather3A_359 = vector.shape_cast %broadcast_in_dim3A_358 : vector<16x1xi32> to vector<16xi32>
      %gather3A_360 = tpu.dynamic_gather %max3A_133[%gather3A_359] in [0] : vector<16xf32>, vector<16xi32> -> vector<16xf32>
      %add3A_361 = arith.constant 15 : i32
      %add3A_362 = arith.addi %mul3A_92, %add3A_361 : i32
      %get3A_363 = arith.index_cast %add3A_362 : i32 to index
      %get3A_364 = arith.constant 0 : index
      %get3A_365 = tpu.vector_load %arg9[%get3A_363, %get3A_364] {strides = array<i32>} : memref<256x16xf32, #tpu.memory_space<vmem>>, vector<16xf32>,
      %div3A_366 = arith.divf %get3A_365, %gather3A_360 : vector<16xf32>
      %add3A_367 = arith.constant 15 : i32
      %add3A_368 = arith.addi %mul3A_92, %add3A_367 : i32
      %swap3A_369 = arith.index_cast %add3A_368 : i32 to index
      %swap3A_370 = arith.constant 0 : index
      %swap3A_371 = tpu.vector_load %arg11[%swap3A_369, %swap3A_370] {strides = array<i32>} : memref<256x16xf32, #tpu.memory_space<vmem>>, vector<16xf32>,
      tpu.vector_store %arg11[%swap3A_369, %swap3A_370], %div3A_366 {strides = array<i32>} : memref<256x16xf32, #tpu.memory_space<vmem>>, vector<16xf32>,
    }
    %scan3A_87 = arith.constant 16 : i32
    %mul3A_88 = arith.constant 256 : i32
    %mul3A_89 = arith.muli %add3A, %mul3A_88 : i32
    "tpu.region"() ({
      %run_scoped3A = tpu.sem_alloc : memref<!tpu.dma_semaphore, #tpu.memory_space<semaphore_mem>>
      %dma_start3A_90 = arith.constant 0 : i32
      %dma_start3A_91 = tpu.memref_slice %arg6[%mul3A_89, %dma_start3A_90] : memref<8192x16xf32, #tpu.memory_space<hbm>> -> memref<256x16xf32, #tpu.memory_space<hbm>>
      %dma_start3A_92 = arith.constant 0 : i32
      %dma_start3A_93 = tpu.memref_slice %arg6[%mul3A_89, %dma_start3A_92] : memref<8192x16xf32, #tpu.memory_space<hbm>> -> memref<256x16xf32, #tpu.memory_space<hbm>>
      tpu.enqueue_dma source(%arg11 : memref<256x16xf32, #tpu.memory_space<vmem>>) target(%dma_start3A_93 : memref<256x16xf32, #tpu.memory_space<hbm>>) target_semaphore(%run_scoped3A : memref<!tpu.dma_semaphore, #tpu.memory_space<semaphore_mem>>)
      %dma_wait3A_94 = arith.constant 0 : i32
      %dma_wait3A_95 = tpu.memref_slice %arg6[%mul3A_89, %dma_wait3A_94] : memref<8192x16xf32, #tpu.memory_space<hbm>> -> memref<256x16xf32, #tpu.memory_space<hbm>>
      %dma_wait3A_96 = arith.constant 0 : i32
      %dma_wait3A_97 = tpu.memref_slice %arg6[%mul3A_89, %dma_wait3A_96] : memref<8192x16xf32, #tpu.memory_space<hbm>> -> memref<256x16xf32, #tpu.memory_space<hbm>>
      tpu.wait_dma2 semaphore(%run_scoped3A : memref<!tpu.dma_semaphore, #tpu.memory_space<semaphore_mem>>) src(%arg11 : memref<256x16xf32, #tpu.memory_space<vmem>>) dst(%dma_wait3A_97 : memref<256x16xf32, #tpu.memory_space<hbm>>)
      tpu.yield
    }) : () -> ()
    return
  }
}

#map = affine_map<(d0, d1) -> (0, 0)>
module attributes {stable_mosaic.version = 14 : i64} {
  func.func @_scatter_body(%arg0: i32, %arg1: i32, %arg2: memref<10000x16xf32, #tpu.memory_space<hbm>>, %arg3: memref<2500x128xi32, #tpu.memory_space<hbm>>, %arg4: memref<2500x128xi32, #tpu.memory_space<hbm>>, %arg5: memref<60x128xi32, #tpu.memory_space<hbm>>, %arg6: memref<60x128xi32, #tpu.memory_space<hbm>>, %arg7: memref<10112x16xf32, #tpu.memory_space<hbm>>, %arg8: memref<5x128xi32, #tpu.memory_space<hbm>>, %arg9: memref<10112x16xf32, #tpu.memory_space<hbm>>, %arg10: memref<640x16xf32, #tpu.memory_space<hbm>>, %arg11: memref<10112x16xf32, #tpu.memory_space<vmem_shared>>, %arg12: memref<640x16xf32, #tpu.memory_space<vmem_shared>>, %arg13: memref<10000x16xf32, #tpu.memory_space<vmem_shared>>, %arg14: memref<160x128xi32, #tpu.memory_space<vmem>>, %arg15: memref<160x128xi32, #tpu.memory_space<vmem>>, %arg16: memref<16x128x16xf32, #tpu.memory_space<vmem>>, %arg17: memref<640x16xf32, #tpu.memory_space<vmem>>, %arg18: memref<5x128xi32, #tpu.memory_space<vmem>>, %arg19: memref<!tpu.dma_semaphore, #tpu.memory_space<semaphore_mem>>, %arg20: memref<!tpu.dma_semaphore, #tpu.memory_space<semaphore_mem>>, %arg21: memref<!tpu.dma_semaphore, #tpu.memory_space<semaphore_mem>>) attributes {dimension_semantics = [#tpu.dimension_semantics<core_parallel>, #tpu.dimension_semantics<subcore_parallel>], iteration_bounds = array<i64: 1, 16>, scalar_prefetch = 0 : i64, scratch_operands = 11 : i64, tpu.core_type = #tpu.core_type<sc_vector_subcore>, window_params = [{transform_indices = #map}, {transform_indices = #map}, {transform_indices = #map}, {transform_indices = #map}, {transform_indices = #map}, {transform_indices = #map}, {transform_indices = #map}, {transform_indices = #map}, {transform_indices = #map}]} {
    %mul3A = arith.constant 632 : i32
    %mul3A_0 = arith.muli %arg1, %mul3A : i32
    "tpu.region"() ({
      %run_scoped3A = tpu.sem_alloc : memref<!tpu.dma_semaphore, #tpu.memory_space<semaphore_mem>>
      %dma_start3A_134 = arith.constant 0 : i32
      %dma_start3A_135 = tpu.memref_slice %arg11[%mul3A_0, %dma_start3A_134] : memref<10112x16xf32, #tpu.memory_space<vmem_shared>> -> memref<632x16xf32, #tpu.memory_space<vmem_shared>>
      %dma_start3A_136 = arith.constant 0 : i32
      %dma_start3A_137 = tpu.memref_slice %arg7[%mul3A_0, %dma_start3A_136] : memref<10112x16xf32, #tpu.memory_space<hbm>> -> memref<632x16xf32, #tpu.memory_space<hbm>>
      tpu.enqueue_dma source(%dma_start3A_137 : memref<632x16xf32, #tpu.memory_space<hbm>>) target(%dma_start3A_135 : memref<632x16xf32, #tpu.memory_space<vmem_shared>>) target_semaphore(%run_scoped3A : memref<!tpu.dma_semaphore, #tpu.memory_space<semaphore_mem>>)
      %dma_wait3A_138 = arith.constant 0 : i32
      %dma_wait3A_139 = tpu.memref_slice %arg11[%mul3A_0, %dma_wait3A_138] : memref<10112x16xf32, #tpu.memory_space<vmem_shared>> -> memref<632x16xf32, #tpu.memory_space<vmem_shared>>
      %dma_wait3A_140 = arith.constant 0 : i32
      %dma_wait3A_141 = tpu.memref_slice %arg7[%mul3A_0, %dma_wait3A_140] : memref<10112x16xf32, #tpu.memory_space<hbm>> -> memref<632x16xf32, #tpu.memory_space<hbm>>
      tpu.wait_dma2 semaphore(%run_scoped3A : memref<!tpu.dma_semaphore, #tpu.memory_space<semaphore_mem>>) src(%dma_wait3A_141 : memref<632x16xf32, #tpu.memory_space<hbm>>) dst(%dma_wait3A_139 : memref<632x16xf32, #tpu.memory_space<vmem_shared>>)
      tpu.yield
    }) : () -> ()
    %mul3A_1 = arith.constant 40 : i32
    %mul3A_2 = arith.muli %arg1, %mul3A_1 : i32
    "tpu.region"() ({
      %run_scoped3A = tpu.sem_alloc : memref<!tpu.dma_semaphore, #tpu.memory_space<semaphore_mem>>
      %dma_start3A_134 = arith.constant 0 : i32
      %dma_start3A_135 = tpu.memref_slice %arg12[%mul3A_2, %dma_start3A_134] : memref<640x16xf32, #tpu.memory_space<vmem_shared>> -> memref<40x16xf32, #tpu.memory_space<vmem_shared>>
      %dma_start3A_136 = arith.constant 0 : i32
      %dma_start3A_137 = arith.constant 0 : i32
      %dma_start3A_138 = tpu.memref_slice %arg7[%dma_start3A_136, %dma_start3A_137] : memref<10112x16xf32, #tpu.memory_space<hbm>> -> memref<40x16xf32, #tpu.memory_space<hbm>>
      tpu.enqueue_dma source(%dma_start3A_138 : memref<40x16xf32, #tpu.memory_space<hbm>>) target(%dma_start3A_135 : memref<40x16xf32, #tpu.memory_space<vmem_shared>>) target_semaphore(%run_scoped3A : memref<!tpu.dma_semaphore, #tpu.memory_space<semaphore_mem>>)
      %dma_wait3A_139 = arith.constant 0 : i32
      %dma_wait3A_140 = tpu.memref_slice %arg12[%mul3A_2, %dma_wait3A_139] : memref<640x16xf32, #tpu.memory_space<vmem_shared>> -> memref<40x16xf32, #tpu.memory_space<vmem_shared>>
      %dma_wait3A_141 = arith.constant 0 : i32
      %dma_wait3A_142 = arith.constant 0 : i32
      %dma_wait3A_143 = tpu.memref_slice %arg7[%dma_wait3A_141, %dma_wait3A_142] : memref<10112x16xf32, #tpu.memory_space<hbm>> -> memref<40x16xf32, #tpu.memory_space<hbm>>
      tpu.wait_dma2 semaphore(%run_scoped3A : memref<!tpu.dma_semaphore, #tpu.memory_space<semaphore_mem>>) src(%dma_wait3A_143 : memref<40x16xf32, #tpu.memory_space<hbm>>) dst(%dma_wait3A_140 : memref<40x16xf32, #tpu.memory_space<vmem_shared>>)
      tpu.yield
    }) : () -> ()
    "tpu.region"() ({
      %run_scoped3A = tpu.sem_alloc : memref<!tpu.dma_semaphore, #tpu.memory_space<semaphore_mem>>
      tpu.enqueue_dma source(%arg8 : memref<5x128xi32, #tpu.memory_space<hbm>>) target(%arg18 : memref<5x128xi32, #tpu.memory_space<vmem>>) target_semaphore(%run_scoped3A : memref<!tpu.dma_semaphore, #tpu.memory_space<semaphore_mem>>)
      tpu.wait_dma2 semaphore(%run_scoped3A : memref<!tpu.dma_semaphore, #tpu.memory_space<semaphore_mem>>) src(%arg8 : memref<5x128xi32, #tpu.memory_space<hbm>>) dst(%arg18 : memref<5x128xi32, #tpu.memory_space<vmem>>)
      tpu.yield
    }) : () -> ()
    %scan3A = arith.constant 0 : i32
    %scan3A_3 = arith.constant 0 : i32
    %scan3A_4 = arith.constant 640 : i32
    %scan3A_5 = arith.addi %scan3A_3, %scan3A_4 : i32
    %scan3A_6 = arith.constant 1 : i32
    scf.for %scan3A_134 = %scan3A_3 to %scan3A_5 step %scan3A_6  : i32 {
      %broadcast_in_dim3A_135 = arith.constant 0.000000e+00 : f32
      %broadcast_in_dim3A_136 = vector.broadcast %broadcast_in_dim3A_135 : f32 to vector<16xf32>
      %swap3A = arith.index_cast %scan3A_134 : i32 to index
      %swap3A_137 = arith.constant 0 : index
      %swap3A_138 = tpu.vector_load %arg17[%swap3A, %swap3A_137] {strides = array<i32>} : memref<640x16xf32, #tpu.memory_space<vmem>>, vector<16xf32>,
      tpu.vector_store %arg17[%swap3A, %swap3A_137], %broadcast_in_dim3A_136 {strides = array<i32>} : memref<640x16xf32, #tpu.memory_space<vmem>>, vector<16xf32>,
    }
    %scan3A_7 = arith.constant 640 : i32
    %lt3A = arith.constant 15 : i32
    %lt3A_8 = arith.cmpi slt, %arg1, %lt3A : i32
    %convert_element_type3A = arith.extui %lt3A_8 : i1 to i32
    %cond3A = arith.constant 0 : i32
    %cond3A_9 = arith.cmpi ne, %convert_element_type3A, %cond3A : i32
    scf.if %cond3A_9 {
      %mul3A_134 = arith.constant 632 : i32
      %mul3A_135 = arith.muli %arg1, %mul3A_134 : i32
      "tpu.region"() ({
        %run_scoped3A = tpu.sem_alloc : memref<!tpu.dma_semaphore, #tpu.memory_space<semaphore_mem>>
        %dma_start3A_136 = arith.constant 0 : i32
        %dma_start3A_137 = tpu.memref_slice %arg13[%mul3A_135, %dma_start3A_136] : memref<10000x16xf32, #tpu.memory_space<vmem_shared>> -> memref<632x16xf32, #tpu.memory_space<vmem_shared>>
        %dma_start3A_138 = arith.constant 0 : i32
        %dma_start3A_139 = tpu.memref_slice %arg2[%mul3A_135, %dma_start3A_138] : memref<10000x16xf32, #tpu.memory_space<hbm>> -> memref<632x16xf32, #tpu.memory_space<hbm>>
        tpu.enqueue_dma source(%dma_start3A_139 : memref<632x16xf32, #tpu.memory_space<hbm>>) target(%dma_start3A_137 : memref<632x16xf32, #tpu.memory_space<vmem_shared>>) target_semaphore(%run_scoped3A : memref<!tpu.dma_semaphore, #tpu.memory_space<semaphore_mem>>)
        %dma_wait3A_140 = arith.constant 0 : i32
        %dma_wait3A_141 = tpu.memref_slice %arg13[%mul3A_135, %dma_wait3A_140] : memref<10000x16xf32, #tpu.memory_space<vmem_shared>> -> memref<632x16xf32, #tpu.memory_space<vmem_shared>>
        %dma_wait3A_142 = arith.constant 0 : i32
        %dma_wait3A_143 = tpu.memref_slice %arg2[%mul3A_135, %dma_wait3A_142] : memref<10000x16xf32, #tpu.memory_space<hbm>> -> memref<632x16xf32, #tpu.memory_space<hbm>>
        tpu.wait_dma2 semaphore(%run_scoped3A : memref<!tpu.dma_semaphore, #tpu.memory_space<semaphore_mem>>) src(%dma_wait3A_143 : memref<632x16xf32, #tpu.memory_space<hbm>>) dst(%dma_wait3A_141 : memref<632x16xf32, #tpu.memory_space<vmem_shared>>)
        tpu.yield
      }) : () -> ()
    } else {
    }
    %eq3A = arith.constant 15 : i32
    %eq3A_10 = arith.cmpi eq, %arg1, %eq3A : i32
    %convert_element_type3A_11 = arith.extui %eq3A_10 : i1 to i32
    %cond3A_12 = arith.constant 0 : i32
    %cond3A_13 = arith.cmpi ne, %convert_element_type3A_11, %cond3A_12 : i32
    scf.if %cond3A_13 {
      "tpu.region"() ({
        %run_scoped3A = tpu.sem_alloc : memref<!tpu.dma_semaphore, #tpu.memory_space<semaphore_mem>>
        %dma_start3A_134 = arith.constant 9480 : i32
        %dma_start3A_135 = arith.constant 0 : i32
        %dma_start3A_136 = tpu.memref_slice %arg13[%dma_start3A_134, %dma_start3A_135] : memref<10000x16xf32, #tpu.memory_space<vmem_shared>> -> memref<520x16xf32, #tpu.memory_space<vmem_shared>>
        %dma_start3A_137 = arith.constant 9480 : i32
        %dma_start3A_138 = arith.constant 0 : i32
        %dma_start3A_139 = tpu.memref_slice %arg2[%dma_start3A_137, %dma_start3A_138] : memref<10000x16xf32, #tpu.memory_space<hbm>> -> memref<520x16xf32, #tpu.memory_space<hbm>>
        tpu.enqueue_dma source(%dma_start3A_139 : memref<520x16xf32, #tpu.memory_space<hbm>>) target(%dma_start3A_136 : memref<520x16xf32, #tpu.memory_space<vmem_shared>>) target_semaphore(%run_scoped3A : memref<!tpu.dma_semaphore, #tpu.memory_space<semaphore_mem>>)
        %dma_wait3A_140 = arith.constant 9480 : i32
        %dma_wait3A_141 = arith.constant 0 : i32
        %dma_wait3A_142 = tpu.memref_slice %arg13[%dma_wait3A_140, %dma_wait3A_141] : memref<10000x16xf32, #tpu.memory_space<vmem_shared>> -> memref<520x16xf32, #tpu.memory_space<vmem_shared>>
        %dma_wait3A_143 = arith.constant 9480 : i32
        %dma_wait3A_144 = arith.constant 0 : i32
        %dma_wait3A_145 = tpu.memref_slice %arg2[%dma_wait3A_143, %dma_wait3A_144] : memref<10000x16xf32, #tpu.memory_space<hbm>> -> memref<520x16xf32, #tpu.memory_space<hbm>>
        tpu.wait_dma2 semaphore(%run_scoped3A : memref<!tpu.dma_semaphore, #tpu.memory_space<semaphore_mem>>) src(%dma_wait3A_145 : memref<520x16xf32, #tpu.memory_space<hbm>>) dst(%dma_wait3A_142 : memref<520x16xf32, #tpu.memory_space<vmem_shared>>)
        tpu.yield
      }) : () -> ()
    } else {
    }
    %lt3A_14 = arith.constant 15 : i32
    %lt3A_15 = arith.cmpi slt, %arg1, %lt3A_14 : i32
    %convert_element_type3A_16 = arith.extui %lt3A_15 : i1 to i32
    %cond3A_17 = arith.constant 0 : i32
    %cond3A_18 = arith.cmpi ne, %convert_element_type3A_16, %cond3A_17 : i32
    scf.if %cond3A_18 {
      %mul3A_134 = arith.constant 160 : i32
      %mul3A_135 = arith.muli %arg1, %mul3A_134 : i32
      "tpu.region"() ({
        %run_scoped3A = tpu.sem_alloc : memref<!tpu.dma_semaphore, #tpu.memory_space<semaphore_mem>>
        %dma_start3A_138 = arith.constant 0 : i32
        %dma_start3A_139 = tpu.memref_slice %arg3[%mul3A_135, %dma_start3A_138] : memref<2500x128xi32, #tpu.memory_space<hbm>> -> memref<160x128xi32, #tpu.memory_space<hbm>>
        %dma_start3A_140 = arith.constant 0 : i32
        %dma_start3A_141 = tpu.memref_slice %arg3[%mul3A_135, %dma_start3A_140] : memref<2500x128xi32, #tpu.memory_space<hbm>> -> memref<160x128xi32, #tpu.memory_space<hbm>>
        tpu.enqueue_dma source(%dma_start3A_141 : memref<160x128xi32, #tpu.memory_space<hbm>>) target(%arg14 : memref<160x128xi32, #tpu.memory_space<vmem>>) target_semaphore(%run_scoped3A : memref<!tpu.dma_semaphore, #tpu.memory_space<semaphore_mem>>)
        %dma_wait3A_142 = arith.constant 0 : i32
        %dma_wait3A_143 = tpu.memref_slice %arg3[%mul3A_135, %dma_wait3A_142] : memref<2500x128xi32, #tpu.memory_space<hbm>> -> memref<160x128xi32, #tpu.memory_space<hbm>>
        %dma_wait3A_144 = arith.constant 0 : i32
        %dma_wait3A_145 = tpu.memref_slice %arg3[%mul3A_135, %dma_wait3A_144] : memref<2500x128xi32, #tpu.memory_space<hbm>> -> memref<160x128xi32, #tpu.memory_space<hbm>>
        tpu.wait_dma2 semaphore(%run_scoped3A : memref<!tpu.dma_semaphore, #tpu.memory_space<semaphore_mem>>) src(%dma_wait3A_145 : memref<160x128xi32, #tpu.memory_space<hbm>>) dst(%arg14 : memref<160x128xi32, #tpu.memory_space<vmem>>)
        tpu.yield
      }) : () -> ()
      %mul3A_136 = arith.constant 160 : i32
      %mul3A_137 = arith.muli %arg1, %mul3A_136 : i32
      "tpu.region"() ({
        %run_scoped3A = tpu.sem_alloc : memref<!tpu.dma_semaphore, #tpu.memory_space<semaphore_mem>>
        %dma_start3A_138 = arith.constant 0 : i32
        %dma_start3A_139 = tpu.memref_slice %arg4[%mul3A_137, %dma_start3A_138] : memref<2500x128xi32, #tpu.memory_space<hbm>> -> memref<160x128xi32, #tpu.memory_space<hbm>>
        %dma_start3A_140 = arith.constant 0 : i32
        %dma_start3A_141 = tpu.memref_slice %arg4[%mul3A_137, %dma_start3A_140] : memref<2500x128xi32, #tpu.memory_space<hbm>> -> memref<160x128xi32, #tpu.memory_space<hbm>>
        tpu.enqueue_dma source(%dma_start3A_141 : memref<160x128xi32, #tpu.memory_space<hbm>>) target(%arg15 : memref<160x128xi32, #tpu.memory_space<vmem>>) target_semaphore(%run_scoped3A : memref<!tpu.dma_semaphore, #tpu.memory_space<semaphore_mem>>)
        %dma_wait3A_142 = arith.constant 0 : i32
        %dma_wait3A_143 = tpu.memref_slice %arg4[%mul3A_137, %dma_wait3A_142] : memref<2500x128xi32, #tpu.memory_space<hbm>> -> memref<160x128xi32, #tpu.memory_space<hbm>>
        %dma_wait3A_144 = arith.constant 0 : i32
        %dma_wait3A_145 = tpu.memref_slice %arg4[%mul3A_137, %dma_wait3A_144] : memref<2500x128xi32, #tpu.memory_space<hbm>> -> memref<160x128xi32, #tpu.memory_space<hbm>>
        tpu.wait_dma2 semaphore(%run_scoped3A : memref<!tpu.dma_semaphore, #tpu.memory_space<semaphore_mem>>) src(%dma_wait3A_145 : memref<160x128xi32, #tpu.memory_space<hbm>>) dst(%arg15 : memref<160x128xi32, #tpu.memory_space<vmem>>)
        tpu.yield
      }) : () -> ()
    } else {
    }
    %eq3A_19 = arith.constant 15 : i32
    %eq3A_20 = arith.cmpi eq, %arg1, %eq3A_19 : i32
    %convert_element_type3A_21 = arith.extui %eq3A_20 : i1 to i32
    %cond3A_22 = arith.constant 0 : i32
    %cond3A_23 = arith.cmpi ne, %convert_element_type3A_21, %cond3A_22 : i32
    scf.if %cond3A_23 {
      "tpu.region"() ({
        %run_scoped3A = tpu.sem_alloc : memref<!tpu.dma_semaphore, #tpu.memory_space<semaphore_mem>>
        %dma_start3A_134 = arith.constant 0 : i32
        %dma_start3A_135 = arith.constant 0 : i32
        %dma_start3A_136 = tpu.memref_slice %arg14[%dma_start3A_134, %dma_start3A_135] : memref<160x128xi32, #tpu.memory_space<vmem>> -> memref<100x128xi32, #tpu.memory_space<vmem>>
        %dma_start3A_137 = arith.constant 2400 : i32
        %dma_start3A_138 = arith.constant 0 : i32
        %dma_start3A_139 = tpu.memref_slice %arg3[%dma_start3A_137, %dma_start3A_138] : memref<2500x128xi32, #tpu.memory_space<hbm>> -> memref<100x128xi32, #tpu.memory_space<hbm>>
        %dma_start3A_140 = arith.constant 0 : i32
        %dma_start3A_141 = arith.constant 0 : i32
        %dma_start3A_142 = tpu.memref_slice %arg14[%dma_start3A_140, %dma_start3A_141] : memref<160x128xi32, #tpu.memory_space<vmem>> -> memref<100x128xi32, #tpu.memory_space<vmem>>
        %dma_start3A_143 = arith.constant 2400 : i32
        %dma_start3A_144 = arith.constant 0 : i32
        %dma_start3A_145 = tpu.memref_slice %arg3[%dma_start3A_143, %dma_start3A_144] : memref<2500x128xi32, #tpu.memory_space<hbm>> -> memref<100x128xi32, #tpu.memory_space<hbm>>
        tpu.enqueue_dma source(%dma_start3A_145 : memref<100x128xi32, #tpu.memory_space<hbm>>) target(%dma_start3A_142 : memref<100x128xi32, #tpu.memory_space<vmem>>) target_semaphore(%run_scoped3A : memref<!tpu.dma_semaphore, #tpu.memory_space<semaphore_mem>>)
        %dma_wait3A_146 = arith.constant 0 : i32
        %dma_wait3A_147 = arith.constant 0 : i32
        %dma_wait3A_148 = tpu.memref_slice %arg14[%dma_wait3A_146, %dma_wait3A_147] : memref<160x128xi32, #tpu.memory_space<vmem>> -> memref<100x128xi32, #tpu.memory_space<vmem>>
        %dma_wait3A_149 = arith.constant 2400 : i32
        %dma_wait3A_150 = arith.constant 0 : i32
        %dma_wait3A_151 = tpu.memref_slice %arg3[%dma_wait3A_149, %dma_wait3A_150] : memref<2500x128xi32, #tpu.memory_space<hbm>> -> memref<100x128xi32, #tpu.memory_space<hbm>>
        %dma_wait3A_152 = arith.constant 0 : i32
        %dma_wait3A_153 = arith.constant 0 : i32
        %dma_wait3A_154 = tpu.memref_slice %arg14[%dma_wait3A_152, %dma_wait3A_153] : memref<160x128xi32, #tpu.memory_space<vmem>> -> memref<100x128xi32, #tpu.memory_space<vmem>>
        %dma_wait3A_155 = arith.constant 2400 : i32
        %dma_wait3A_156 = arith.constant 0 : i32
        %dma_wait3A_157 = tpu.memref_slice %arg3[%dma_wait3A_155, %dma_wait3A_156] : memref<2500x128xi32, #tpu.memory_space<hbm>> -> memref<100x128xi32, #tpu.memory_space<hbm>>
        tpu.wait_dma2 semaphore(%run_scoped3A : memref<!tpu.dma_semaphore, #tpu.memory_space<semaphore_mem>>) src(%dma_wait3A_157 : memref<100x128xi32, #tpu.memory_space<hbm>>) dst(%dma_wait3A_154 : memref<100x128xi32, #tpu.memory_space<vmem>>)
        tpu.yield
      }) : () -> ()
      "tpu.region"() ({
        %run_scoped3A = tpu.sem_alloc : memref<!tpu.dma_semaphore, #tpu.memory_space<semaphore_mem>>
        %dma_start3A_134 = arith.constant 100 : i32
        %dma_start3A_135 = arith.constant 0 : i32
        %dma_start3A_136 = tpu.memref_slice %arg14[%dma_start3A_134, %dma_start3A_135] : memref<160x128xi32, #tpu.memory_space<vmem>> -> memref<60x128xi32, #tpu.memory_space<vmem>>
        %dma_start3A_137 = arith.constant 100 : i32
        %dma_start3A_138 = arith.constant 0 : i32
        %dma_start3A_139 = tpu.memref_slice %arg14[%dma_start3A_137, %dma_start3A_138] : memref<160x128xi32, #tpu.memory_space<vmem>> -> memref<60x128xi32, #tpu.memory_space<vmem>>
        tpu.enqueue_dma source(%arg5 : memref<60x128xi32, #tpu.memory_space<hbm>>) target(%dma_start3A_139 : memref<60x128xi32, #tpu.memory_space<vmem>>) target_semaphore(%run_scoped3A : memref<!tpu.dma_semaphore, #tpu.memory_space<semaphore_mem>>)
        %dma_wait3A_140 = arith.constant 100 : i32
        %dma_wait3A_141 = arith.constant 0 : i32
        %dma_wait3A_142 = tpu.memref_slice %arg14[%dma_wait3A_140, %dma_wait3A_141] : memref<160x128xi32, #tpu.memory_space<vmem>> -> memref<60x128xi32, #tpu.memory_space<vmem>>
        %dma_wait3A_143 = arith.constant 100 : i32
        %dma_wait3A_144 = arith.constant 0 : i32
        %dma_wait3A_145 = tpu.memref_slice %arg14[%dma_wait3A_143, %dma_wait3A_144] : memref<160x128xi32, #tpu.memory_space<vmem>> -> memref<60x128xi32, #tpu.memory_space<vmem>>
        tpu.wait_dma2 semaphore(%run_scoped3A : memref<!tpu.dma_semaphore, #tpu.memory_space<semaphore_mem>>) src(%arg5 : memref<60x128xi32, #tpu.memory_space<hbm>>) dst(%dma_wait3A_145 : memref<60x128xi32, #tpu.memory_space<vmem>>)
        tpu.yield
      }) : () -> ()
      "tpu.region"() ({
        %run_scoped3A = tpu.sem_alloc : memref<!tpu.dma_semaphore, #tpu.memory_space<semaphore_mem>>
        %dma_start3A_134 = arith.constant 0 : i32
        %dma_start3A_135 = arith.constant 0 : i32
        %dma_start3A_136 = tpu.memref_slice %arg15[%dma_start3A_134, %dma_start3A_135] : memref<160x128xi32, #tpu.memory_space<vmem>> -> memref<100x128xi32, #tpu.memory_space<vmem>>
        %dma_start3A_137 = arith.constant 2400 : i32
        %dma_start3A_138 = arith.constant 0 : i32
        %dma_start3A_139 = tpu.memref_slice %arg4[%dma_start3A_137, %dma_start3A_138] : memref<2500x128xi32, #tpu.memory_space<hbm>> -> memref<100x128xi32, #tpu.memory_space<hbm>>
        %dma_start3A_140 = arith.constant 0 : i32
        %dma_start3A_141 = arith.constant 0 : i32
        %dma_start3A_142 = tpu.memref_slice %arg15[%dma_start3A_140, %dma_start3A_141] : memref<160x128xi32, #tpu.memory_space<vmem>> -> memref<100x128xi32, #tpu.memory_space<vmem>>
        %dma_start3A_143 = arith.constant 2400 : i32
        %dma_start3A_144 = arith.constant 0 : i32
        %dma_start3A_145 = tpu.memref_slice %arg4[%dma_start3A_143, %dma_start3A_144] : memref<2500x128xi32, #tpu.memory_space<hbm>> -> memref<100x128xi32, #tpu.memory_space<hbm>>
        tpu.enqueue_dma source(%dma_start3A_145 : memref<100x128xi32, #tpu.memory_space<hbm>>) target(%dma_start3A_142 : memref<100x128xi32, #tpu.memory_space<vmem>>) target_semaphore(%run_scoped3A : memref<!tpu.dma_semaphore, #tpu.memory_space<semaphore_mem>>)
        %dma_wait3A_146 = arith.constant 0 : i32
        %dma_wait3A_147 = arith.constant 0 : i32
        %dma_wait3A_148 = tpu.memref_slice %arg15[%dma_wait3A_146, %dma_wait3A_147] : memref<160x128xi32, #tpu.memory_space<vmem>> -> memref<100x128xi32, #tpu.memory_space<vmem>>
        %dma_wait3A_149 = arith.constant 2400 : i32
        %dma_wait3A_150 = arith.constant 0 : i32
        %dma_wait3A_151 = tpu.memref_slice %arg4[%dma_wait3A_149, %dma_wait3A_150] : memref<2500x128xi32, #tpu.memory_space<hbm>> -> memref<100x128xi32, #tpu.memory_space<hbm>>
        %dma_wait3A_152 = arith.constant 0 : i32
        %dma_wait3A_153 = arith.constant 0 : i32
        %dma_wait3A_154 = tpu.memref_slice %arg15[%dma_wait3A_152, %dma_wait3A_153] : memref<160x128xi32, #tpu.memory_space<vmem>> -> memref<100x128xi32, #tpu.memory_space<vmem>>
        %dma_wait3A_155 = arith.constant 2400 : i32
        %dma_wait3A_156 = arith.constant 0 : i32
        %dma_wait3A_157 = tpu.memref_slice %arg4[%dma_wait3A_155, %dma_wait3A_156] : memref<2500x128xi32, #tpu.memory_space<hbm>> -> memref<100x128xi32, #tpu.memory_space<hbm>>
        tpu.wait_dma2 semaphore(%run_scoped3A : memref<!tpu.dma_semaphore, #tpu.memory_space<semaphore_mem>>) src(%dma_wait3A_157 : memref<100x128xi32, #tpu.memory_space<hbm>>) dst(%dma_wait3A_154 : memref<100x128xi32, #tpu.memory_space<vmem>>)
        tpu.yield
      }) : () -> ()
      "tpu.region"() ({
        %run_scoped3A = tpu.sem_alloc : memref<!tpu.dma_semaphore, #tpu.memory_space<semaphore_mem>>
        %dma_start3A_134 = arith.constant 100 : i32
        %dma_start3A_135 = arith.constant 0 : i32
        %dma_start3A_136 = tpu.memref_slice %arg15[%dma_start3A_134, %dma_start3A_135] : memref<160x128xi32, #tpu.memory_space<vmem>> -> memref<60x128xi32, #tpu.memory_space<vmem>>
        %dma_start3A_137 = arith.constant 100 : i32
        %dma_start3A_138 = arith.constant 0 : i32
        %dma_start3A_139 = tpu.memref_slice %arg15[%dma_start3A_137, %dma_start3A_138] : memref<160x128xi32, #tpu.memory_space<vmem>> -> memref<60x128xi32, #tpu.memory_space<vmem>>
        tpu.enqueue_dma source(%arg6 : memref<60x128xi32, #tpu.memory_space<hbm>>) target(%dma_start3A_139 : memref<60x128xi32, #tpu.memory_space<vmem>>) target_semaphore(%run_scoped3A : memref<!tpu.dma_semaphore, #tpu.memory_space<semaphore_mem>>)
        %dma_wait3A_140 = arith.constant 100 : i32
        %dma_wait3A_141 = arith.constant 0 : i32
        %dma_wait3A_142 = tpu.memref_slice %arg15[%dma_wait3A_140, %dma_wait3A_141] : memref<160x128xi32, #tpu.memory_space<vmem>> -> memref<60x128xi32, #tpu.memory_space<vmem>>
        %dma_wait3A_143 = arith.constant 100 : i32
        %dma_wait3A_144 = arith.constant 0 : i32
        %dma_wait3A_145 = tpu.memref_slice %arg15[%dma_wait3A_143, %dma_wait3A_144] : memref<160x128xi32, #tpu.memory_space<vmem>> -> memref<60x128xi32, #tpu.memory_space<vmem>>
        tpu.wait_dma2 semaphore(%run_scoped3A : memref<!tpu.dma_semaphore, #tpu.memory_space<semaphore_mem>>) src(%arg6 : memref<60x128xi32, #tpu.memory_space<hbm>>) dst(%dma_wait3A_145 : memref<60x128xi32, #tpu.memory_space<vmem>>)
        tpu.yield
      }) : () -> ()
    } else {
    }
    %barrier3A = arith.constant 0 : index
    tpu.barrier barrier_id(%barrier3A)
    %broadcast_in_dim3A = arith.constant 1.000000e+00 : f32
    %broadcast_in_dim3A_24 = vector.broadcast %broadcast_in_dim3A : f32 to vector<16xf32>
    %scan3A_25 = arith.constant 0 : i32
    %scan3A_26 = arith.constant 0 : i32
    %scan3A_27 = arith.constant 10 : i32
    %scan3A_28 = arith.addi %scan3A_26, %scan3A_27 : i32
    %scan3A_29 = arith.constant 1 : i32
    scf.for %scan3A_134 = %scan3A_26 to %scan3A_28 step %scan3A_29  : i32 {
      %mul3A_135 = arith.constant 2 : i32
      %mul3A_136 = arith.muli %mul3A_135, %scan3A_134 : i32
      %mul3A_137 = arith.constant 8 : i32
      %mul3A_138 = arith.muli %mul3A_136, %mul3A_137 : i32
      %add3A = arith.constant 8 : i32
      %add3A_139 = arith.addi %mul3A_138, %add3A : i32
      %add3A_140 = arith.constant 0 : i32
      %add3A_141 = arith.addi %mul3A_138, %add3A_140 : i32
      %dma_start3A_142 = arith.constant 0 : i32
      %dma_start3A_143 = arith.constant 0 : i32
      %dma_start3A_144 = arith.constant 0 : i32
      %dma_start3A_145 = tpu.memref_slice %arg16[%dma_start3A_142, %dma_start3A_143, %dma_start3A_144] : memref<16x128x16xf32, #tpu.memory_space<vmem>> -> memref<1x128x16xf32, #tpu.memory_space<vmem>>
      %dma_start3A_146 = tpu.memref_squeeze %dma_start3A_145 : memref<1x128x16xf32, #tpu.memory_space<vmem>> -> memref<128x16xf32, #tpu.memory_space<vmem>>
      %dma_start3A_147 = arith.constant 0 : i32
      %dma_start3A_148 = tpu.memref_slice %arg14[%add3A_141, %dma_start3A_147] : memref<160x128xi32, #tpu.memory_space<vmem>> -> memref<1x128xi32, #tpu.memory_space<vmem>>
      %dma_start3A_149 = tpu.memref_squeeze %dma_start3A_148 : memref<1x128xi32, #tpu.memory_space<vmem>> -> memref<128xi32, #tpu.memory_space<vmem>>
      %dma_start3A_150 = arith.constant 0 : i32
      %dma_start3A_151 = arith.constant 0 : i32
      %dma_start3A_152 = tpu.memref_slice %arg13[%dma_start3A_150, %dma_start3A_151] : memref<10000x16xf32, #tpu.memory_space<vmem_shared>> -> memref<10000x16xf32, #tpu.memory_space<vmem_shared>>
      tpu.enqueue_indirect_dma source(%dma_start3A_152 : memref<10000x16xf32, #tpu.memory_space<vmem_shared>>) target(%dma_start3A_146 : memref<128x16xf32, #tpu.memory_space<vmem>>) offsets(%dma_start3A_149 : memref<128xi32, #tpu.memory_space<vmem>>) semaphore(%arg19 : memref<!tpu.dma_semaphore, #tpu.memory_space<semaphore_mem>>)
      %add3A_153 = arith.constant 1 : i32
      %add3A_154 = arith.addi %mul3A_138, %add3A_153 : i32
      %dma_start3A_155 = arith.constant 1 : i32
      %dma_start3A_156 = arith.constant 0 : i32
      %dma_start3A_157 = arith.constant 0 : i32
      %dma_start3A_158 = tpu.memref_slice %arg16[%dma_start3A_155, %dma_start3A_156, %dma_start3A_157] : memref<16x128x16xf32, #tpu.memory_space<vmem>> -> memref<1x128x16xf32, #tpu.memory_space<vmem>>
      %dma_start3A_159 = tpu.memref_squeeze %dma_start3A_158 : memref<1x128x16xf32, #tpu.memory_space<vmem>> -> memref<128x16xf32, #tpu.memory_space<vmem>>
      %dma_start3A_160 = arith.constant 0 : i32
      %dma_start3A_161 = tpu.memref_slice %arg14[%add3A_154, %dma_start3A_160] : memref<160x128xi32, #tpu.memory_space<vmem>> -> memref<1x128xi32, #tpu.memory_space<vmem>>
      %dma_start3A_162 = tpu.memref_squeeze %dma_start3A_161 : memref<1x128xi32, #tpu.memory_space<vmem>> -> memref<128xi32, #tpu.memory_space<vmem>>
      %dma_start3A_163 = arith.constant 0 : i32
      %dma_start3A_164 = arith.constant 0 : i32
      %dma_start3A_165 = tpu.memref_slice %arg13[%dma_start3A_163, %dma_start3A_164] : memref<10000x16xf32, #tpu.memory_space<vmem_shared>> -> memref<10000x16xf32, #tpu.memory_space<vmem_shared>>
      tpu.enqueue_indirect_dma source(%dma_start3A_165 : memref<10000x16xf32, #tpu.memory_space<vmem_shared>>) target(%dma_start3A_159 : memref<128x16xf32, #tpu.memory_space<vmem>>) offsets(%dma_start3A_162 : memref<128xi32, #tpu.memory_space<vmem>>) semaphore(%arg19 : memref<!tpu.dma_semaphore, #tpu.memory_space<semaphore_mem>>)
      %add3A_166 = arith.constant 2 : i32
      %add3A_167 = arith.addi %mul3A_138, %add3A_166 : i32
      %dma_start3A_168 = arith.constant 2 : i32
      %dma_start3A_169 = arith.constant 0 : i32
      %dma_start3A_170 = arith.constant 0 : i32
      %dma_start3A_171 = tpu.memref_slice %arg16[%dma_start3A_168, %dma_start3A_169, %dma_start3A_170] : memref<16x128x16xf32, #tpu.memory_space<vmem>> -> memref<1x128x16xf32, #tpu.memory_space<vmem>>
      %dma_start3A_172 = tpu.memref_squeeze %dma_start3A_171 : memref<1x128x16xf32, #tpu.memory_space<vmem>> -> memref<128x16xf32, #tpu.memory_space<vmem>>
      %dma_start3A_173 = arith.constant 0 : i32
      %dma_start3A_174 = tpu.memref_slice %arg14[%add3A_167, %dma_start3A_173] : memref<160x128xi32, #tpu.memory_space<vmem>> -> memref<1x128xi32, #tpu.memory_space<vmem>>
      %dma_start3A_175 = tpu.memref_squeeze %dma_start3A_174 : memref<1x128xi32, #tpu.memory_space<vmem>> -> memref<128xi32, #tpu.memory_space<vmem>>
      %dma_start3A_176 = arith.constant 0 : i32
      %dma_start3A_177 = arith.constant 0 : i32
      %dma_start3A_178 = tpu.memref_slice %arg13[%dma_start3A_176, %dma_start3A_177] : memref<10000x16xf32, #tpu.memory_space<vmem_shared>> -> memref<10000x16xf32, #tpu.memory_space<vmem_shared>>
      tpu.enqueue_indirect_dma source(%dma_start3A_178 : memref<10000x16xf32, #tpu.memory_space<vmem_shared>>) target(%dma_start3A_172 : memref<128x16xf32, #tpu.memory_space<vmem>>) offsets(%dma_start3A_175 : memref<128xi32, #tpu.memory_space<vmem>>) semaphore(%arg19 : memref<!tpu.dma_semaphore, #tpu.memory_space<semaphore_mem>>)
      %add3A_179 = arith.constant 3 : i32
      %add3A_180 = arith.addi %mul3A_138, %add3A_179 : i32
      %dma_start3A_181 = arith.constant 3 : i32
      %dma_start3A_182 = arith.constant 0 : i32
      %dma_start3A_183 = arith.constant 0 : i32
      %dma_start3A_184 = tpu.memref_slice %arg16[%dma_start3A_181, %dma_start3A_182, %dma_start3A_183] : memref<16x128x16xf32, #tpu.memory_space<vmem>> -> memref<1x128x16xf32, #tpu.memory_space<vmem>>
      %dma_start3A_185 = tpu.memref_squeeze %dma_start3A_184 : memref<1x128x16xf32, #tpu.memory_space<vmem>> -> memref<128x16xf32, #tpu.memory_space<vmem>>
      %dma_start3A_186 = arith.constant 0 : i32
      %dma_start3A_187 = tpu.memref_slice %arg14[%add3A_180, %dma_start3A_186] : memref<160x128xi32, #tpu.memory_space<vmem>> -> memref<1x128xi32, #tpu.memory_space<vmem>>
      %dma_start3A_188 = tpu.memref_squeeze %dma_start3A_187 : memref<1x128xi32, #tpu.memory_space<vmem>> -> memref<128xi32, #tpu.memory_space<vmem>>
      %dma_start3A_189 = arith.constant 0 : i32
      %dma_start3A_190 = arith.constant 0 : i32
      %dma_start3A_191 = tpu.memref_slice %arg13[%dma_start3A_189, %dma_start3A_190] : memref<10000x16xf32, #tpu.memory_space<vmem_shared>> -> memref<10000x16xf32, #tpu.memory_space<vmem_shared>>
      tpu.enqueue_indirect_dma source(%dma_start3A_191 : memref<10000x16xf32, #tpu.memory_space<vmem_shared>>) target(%dma_start3A_185 : memref<128x16xf32, #tpu.memory_space<vmem>>) offsets(%dma_start3A_188 : memref<128xi32, #tpu.memory_space<vmem>>) semaphore(%arg19 : memref<!tpu.dma_semaphore, #tpu.memory_space<semaphore_mem>>)
      %add3A_192 = arith.constant 4 : i32
      %add3A_193 = arith.addi %mul3A_138, %add3A_192 : i32
      %dma_start3A_194 = arith.constant 4 : i32
      %dma_start3A_195 = arith.constant 0 : i32
      %dma_start3A_196 = arith.constant 0 : i32
      %dma_start3A_197 = tpu.memref_slice %arg16[%dma_start3A_194, %dma_start3A_195, %dma_start3A_196] : memref<16x128x16xf32, #tpu.memory_space<vmem>> -> memref<1x128x16xf32, #tpu.memory_space<vmem>>
      %dma_start3A_198 = tpu.memref_squeeze %dma_start3A_197 : memref<1x128x16xf32, #tpu.memory_space<vmem>> -> memref<128x16xf32, #tpu.memory_space<vmem>>
      %dma_start3A_199 = arith.constant 0 : i32
      %dma_start3A_200 = tpu.memref_slice %arg14[%add3A_193, %dma_start3A_199] : memref<160x128xi32, #tpu.memory_space<vmem>> -> memref<1x128xi32, #tpu.memory_space<vmem>>
      %dma_start3A_201 = tpu.memref_squeeze %dma_start3A_200 : memref<1x128xi32, #tpu.memory_space<vmem>> -> memref<128xi32, #tpu.memory_space<vmem>>
      %dma_start3A_202 = arith.constant 0 : i32
      %dma_start3A_203 = arith.constant 0 : i32
      %dma_start3A_204 = tpu.memref_slice %arg13[%dma_start3A_202, %dma_start3A_203] : memref<10000x16xf32, #tpu.memory_space<vmem_shared>> -> memref<10000x16xf32, #tpu.memory_space<vmem_shared>>
      tpu.enqueue_indirect_dma source(%dma_start3A_204 : memref<10000x16xf32, #tpu.memory_space<vmem_shared>>) target(%dma_start3A_198 : memref<128x16xf32, #tpu.memory_space<vmem>>) offsets(%dma_start3A_201 : memref<128xi32, #tpu.memory_space<vmem>>) semaphore(%arg19 : memref<!tpu.dma_semaphore, #tpu.memory_space<semaphore_mem>>)
      %add3A_205 = arith.constant 5 : i32
      %add3A_206 = arith.addi %mul3A_138, %add3A_205 : i32
      %dma_start3A_207 = arith.constant 5 : i32
      %dma_start3A_208 = arith.constant 0 : i32
      %dma_start3A_209 = arith.constant 0 : i32
      %dma_start3A_210 = tpu.memref_slice %arg16[%dma_start3A_207, %dma_start3A_208, %dma_start3A_209] : memref<16x128x16xf32, #tpu.memory_space<vmem>> -> memref<1x128x16xf32, #tpu.memory_space<vmem>>
      %dma_start3A_211 = tpu.memref_squeeze %dma_start3A_210 : memref<1x128x16xf32, #tpu.memory_space<vmem>> -> memref<128x16xf32, #tpu.memory_space<vmem>>
      %dma_start3A_212 = arith.constant 0 : i32
      %dma_start3A_213 = tpu.memref_slice %arg14[%add3A_206, %dma_start3A_212] : memref<160x128xi32, #tpu.memory_space<vmem>> -> memref<1x128xi32, #tpu.memory_space<vmem>>
      %dma_start3A_214 = tpu.memref_squeeze %dma_start3A_213 : memref<1x128xi32, #tpu.memory_space<vmem>> -> memref<128xi32, #tpu.memory_space<vmem>>
      %dma_start3A_215 = arith.constant 0 : i32
      %dma_start3A_216 = arith.constant 0 : i32
      %dma_start3A_217 = tpu.memref_slice %arg13[%dma_start3A_215, %dma_start3A_216] : memref<10000x16xf32, #tpu.memory_space<vmem_shared>> -> memref<10000x16xf32, #tpu.memory_space<vmem_shared>>
      tpu.enqueue_indirect_dma source(%dma_start3A_217 : memref<10000x16xf32, #tpu.memory_space<vmem_shared>>) target(%dma_start3A_211 : memref<128x16xf32, #tpu.memory_space<vmem>>) offsets(%dma_start3A_214 : memref<128xi32, #tpu.memory_space<vmem>>) semaphore(%arg19 : memref<!tpu.dma_semaphore, #tpu.memory_space<semaphore_mem>>)
      %add3A_218 = arith.constant 6 : i32
      %add3A_219 = arith.addi %mul3A_138, %add3A_218 : i32
      %dma_start3A_220 = arith.constant 6 : i32
      %dma_start3A_221 = arith.constant 0 : i32
      %dma_start3A_222 = arith.constant 0 : i32
      %dma_start3A_223 = tpu.memref_slice %arg16[%dma_start3A_220, %dma_start3A_221, %dma_start3A_222] : memref<16x128x16xf32, #tpu.memory_space<vmem>> -> memref<1x128x16xf32, #tpu.memory_space<vmem>>
      %dma_start3A_224 = tpu.memref_squeeze %dma_start3A_223 : memref<1x128x16xf32, #tpu.memory_space<vmem>> -> memref<128x16xf32, #tpu.memory_space<vmem>>
      %dma_start3A_225 = arith.constant 0 : i32
      %dma_start3A_226 = tpu.memref_slice %arg14[%add3A_219, %dma_start3A_225] : memref<160x128xi32, #tpu.memory_space<vmem>> -> memref<1x128xi32, #tpu.memory_space<vmem>>
      %dma_start3A_227 = tpu.memref_squeeze %dma_start3A_226 : memref<1x128xi32, #tpu.memory_space<vmem>> -> memref<128xi32, #tpu.memory_space<vmem>>
      %dma_start3A_228 = arith.constant 0 : i32
      %dma_start3A_229 = arith.constant 0 : i32
      %dma_start3A_230 = tpu.memref_slice %arg13[%dma_start3A_228, %dma_start3A_229] : memref<10000x16xf32, #tpu.memory_space<vmem_shared>> -> memref<10000x16xf32, #tpu.memory_space<vmem_shared>>
      tpu.enqueue_indirect_dma source(%dma_start3A_230 : memref<10000x16xf32, #tpu.memory_space<vmem_shared>>) target(%dma_start3A_224 : memref<128x16xf32, #tpu.memory_space<vmem>>) offsets(%dma_start3A_227 : memref<128xi32, #tpu.memory_space<vmem>>) semaphore(%arg19 : memref<!tpu.dma_semaphore, #tpu.memory_space<semaphore_mem>>)
      %add3A_231 = arith.constant 7 : i32
      %add3A_232 = arith.addi %mul3A_138, %add3A_231 : i32
      %dma_start3A_233 = arith.constant 7 : i32
      %dma_start3A_234 = arith.constant 0 : i32
      %dma_start3A_235 = arith.constant 0 : i32
      %dma_start3A_236 = tpu.memref_slice %arg16[%dma_start3A_233, %dma_start3A_234, %dma_start3A_235] : memref<16x128x16xf32, #tpu.memory_space<vmem>> -> memref<1x128x16xf32, #tpu.memory_space<vmem>>
      %dma_start3A_237 = tpu.memref_squeeze %dma_start3A_236 : memref<1x128x16xf32, #tpu.memory_space<vmem>> -> memref<128x16xf32, #tpu.memory_space<vmem>>
      %dma_start3A_238 = arith.constant 0 : i32
      %dma_start3A_239 = tpu.memref_slice %arg14[%add3A_232, %dma_start3A_238] : memref<160x128xi32, #tpu.memory_space<vmem>> -> memref<1x128xi32, #tpu.memory_space<vmem>>
      %dma_start3A_240 = tpu.memref_squeeze %dma_start3A_239 : memref<1x128xi32, #tpu.memory_space<vmem>> -> memref<128xi32, #tpu.memory_space<vmem>>
      %dma_start3A_241 = arith.constant 0 : i32
      %dma_start3A_242 = arith.constant 0 : i32
      %dma_start3A_243 = tpu.memref_slice %arg13[%dma_start3A_241, %dma_start3A_242] : memref<10000x16xf32, #tpu.memory_space<vmem_shared>> -> memref<10000x16xf32, #tpu.memory_space<vmem_shared>>
      tpu.enqueue_indirect_dma source(%dma_start3A_243 : memref<10000x16xf32, #tpu.memory_space<vmem_shared>>) target(%dma_start3A_237 : memref<128x16xf32, #tpu.memory_space<vmem>>) offsets(%dma_start3A_240 : memref<128xi32, #tpu.memory_space<vmem>>) semaphore(%arg19 : memref<!tpu.dma_semaphore, #tpu.memory_space<semaphore_mem>>)
      %dma_wait3A_244 = arith.constant 0 : i32
      %dma_wait3A_245 = arith.constant 0 : i32
      %dma_wait3A_246 = arith.constant 0 : i32
      %dma_wait3A_247 = tpu.memref_slice %arg16[%dma_wait3A_244, %dma_wait3A_245, %dma_wait3A_246] : memref<16x128x16xf32, #tpu.memory_space<vmem>> -> memref<1x128x16xf32, #tpu.memory_space<vmem>>
      %dma_wait3A_248 = tpu.memref_squeeze %dma_wait3A_247 : memref<1x128x16xf32, #tpu.memory_space<vmem>> -> memref<128x16xf32, #tpu.memory_space<vmem>>
      %dma_wait3A_249 = arith.constant 0 : i32
      %dma_wait3A_250 = tpu.memref_slice %arg14[%add3A_141, %dma_wait3A_249] : memref<160x128xi32, #tpu.memory_space<vmem>> -> memref<1x128xi32, #tpu.memory_space<vmem>>
      %dma_wait3A_251 = tpu.memref_squeeze %dma_wait3A_250 : memref<1x128xi32, #tpu.memory_space<vmem>> -> memref<128xi32, #tpu.memory_space<vmem>>
      %dma_wait3A_252 = arith.constant 0 : i32
      %dma_wait3A_253 = arith.constant 0 : i32
      %dma_wait3A_254 = tpu.memref_slice %arg13[%dma_wait3A_252, %dma_wait3A_253] : memref<10000x16xf32, #tpu.memory_space<vmem_shared>> -> memref<10000x16xf32, #tpu.memory_space<vmem_shared>>
      tpu.wait_indirect_dma semaphore(%arg19 : memref<!tpu.dma_semaphore, #tpu.memory_space<semaphore_mem>>) src(%dma_wait3A_254 : memref<10000x16xf32, #tpu.memory_space<vmem_shared>>) dst(%dma_wait3A_248 : memref<128x16xf32, #tpu.memory_space<vmem>>)
      %dma_wait3A_255 = arith.constant 1 : i32
      %dma_wait3A_256 = arith.constant 0 : i32
      %dma_wait3A_257 = arith.constant 0 : i32
      %dma_wait3A_258 = tpu.memref_slice %arg16[%dma_wait3A_255, %dma_wait3A_256, %dma_wait3A_257] : memref<16x128x16xf32, #tpu.memory_space<vmem>> -> memref<1x128x16xf32, #tpu.memory_space<vmem>>
      %dma_wait3A_259 = tpu.memref_squeeze %dma_wait3A_258 : memref<1x128x16xf32, #tpu.memory_space<vmem>> -> memref<128x16xf32, #tpu.memory_space<vmem>>
      %dma_wait3A_260 = arith.constant 0 : i32
      %dma_wait3A_261 = tpu.memref_slice %arg14[%add3A_154, %dma_wait3A_260] : memref<160x128xi32, #tpu.memory_space<vmem>> -> memref<1x128xi32, #tpu.memory_space<vmem>>
      %dma_wait3A_262 = tpu.memref_squeeze %dma_wait3A_261 : memref<1x128xi32, #tpu.memory_space<vmem>> -> memref<128xi32, #tpu.memory_space<vmem>>
      %dma_wait3A_263 = arith.constant 0 : i32
      %dma_wait3A_264 = arith.constant 0 : i32
      %dma_wait3A_265 = tpu.memref_slice %arg13[%dma_wait3A_263, %dma_wait3A_264] : memref<10000x16xf32, #tpu.memory_space<vmem_shared>> -> memref<10000x16xf32, #tpu.memory_space<vmem_shared>>
      tpu.wait_indirect_dma semaphore(%arg19 : memref<!tpu.dma_semaphore, #tpu.memory_space<semaphore_mem>>) src(%dma_wait3A_265 : memref<10000x16xf32, #tpu.memory_space<vmem_shared>>) dst(%dma_wait3A_259 : memref<128x16xf32, #tpu.memory_space<vmem>>)
      %dma_wait3A_266 = arith.constant 2 : i32
      %dma_wait3A_267 = arith.constant 0 : i32
      %dma_wait3A_268 = arith.constant 0 : i32
      %dma_wait3A_269 = tpu.memref_slice %arg16[%dma_wait3A_266, %dma_wait3A_267, %dma_wait3A_268] : memref<16x128x16xf32, #tpu.memory_space<vmem>> -> memref<1x128x16xf32, #tpu.memory_space<vmem>>
      %dma_wait3A_270 = tpu.memref_squeeze %dma_wait3A_269 : memref<1x128x16xf32, #tpu.memory_space<vmem>> -> memref<128x16xf32, #tpu.memory_space<vmem>>
      %dma_wait3A_271 = arith.constant 0 : i32
      %dma_wait3A_272 = tpu.memref_slice %arg14[%add3A_167, %dma_wait3A_271] : memref<160x128xi32, #tpu.memory_space<vmem>> -> memref<1x128xi32, #tpu.memory_space<vmem>>
      %dma_wait3A_273 = tpu.memref_squeeze %dma_wait3A_272 : memref<1x128xi32, #tpu.memory_space<vmem>> -> memref<128xi32, #tpu.memory_space<vmem>>
      %dma_wait3A_274 = arith.constant 0 : i32
      %dma_wait3A_275 = arith.constant 0 : i32
      %dma_wait3A_276 = tpu.memref_slice %arg13[%dma_wait3A_274, %dma_wait3A_275] : memref<10000x16xf32, #tpu.memory_space<vmem_shared>> -> memref<10000x16xf32, #tpu.memory_space<vmem_shared>>
      tpu.wait_indirect_dma semaphore(%arg19 : memref<!tpu.dma_semaphore, #tpu.memory_space<semaphore_mem>>) src(%dma_wait3A_276 : memref<10000x16xf32, #tpu.memory_space<vmem_shared>>) dst(%dma_wait3A_270 : memref<128x16xf32, #tpu.memory_space<vmem>>)
      %dma_wait3A_277 = arith.constant 3 : i32
      %dma_wait3A_278 = arith.constant 0 : i32
      %dma_wait3A_279 = arith.constant 0 : i32
      %dma_wait3A_280 = tpu.memref_slice %arg16[%dma_wait3A_277, %dma_wait3A_278, %dma_wait3A_279] : memref<16x128x16xf32, #tpu.memory_space<vmem>> -> memref<1x128x16xf32, #tpu.memory_space<vmem>>
      %dma_wait3A_281 = tpu.memref_squeeze %dma_wait3A_280 : memref<1x128x16xf32, #tpu.memory_space<vmem>> -> memref<128x16xf32, #tpu.memory_space<vmem>>
      %dma_wait3A_282 = arith.constant 0 : i32
      %dma_wait3A_283 = tpu.memref_slice %arg14[%add3A_180, %dma_wait3A_282] : memref<160x128xi32, #tpu.memory_space<vmem>> -> memref<1x128xi32, #tpu.memory_space<vmem>>
      %dma_wait3A_284 = tpu.memref_squeeze %dma_wait3A_283 : memref<1x128xi32, #tpu.memory_space<vmem>> -> memref<128xi32, #tpu.memory_space<vmem>>
      %dma_wait3A_285 = arith.constant 0 : i32
      %dma_wait3A_286 = arith.constant 0 : i32
      %dma_wait3A_287 = tpu.memref_slice %arg13[%dma_wait3A_285, %dma_wait3A_286] : memref<10000x16xf32, #tpu.memory_space<vmem_shared>> -> memref<10000x16xf32, #tpu.memory_space<vmem_shared>>
      tpu.wait_indirect_dma semaphore(%arg19 : memref<!tpu.dma_semaphore, #tpu.memory_space<semaphore_mem>>) src(%dma_wait3A_287 : memref<10000x16xf32, #tpu.memory_space<vmem_shared>>) dst(%dma_wait3A_281 : memref<128x16xf32, #tpu.memory_space<vmem>>)
      %dma_wait3A_288 = arith.constant 4 : i32
      %dma_wait3A_289 = arith.constant 0 : i32
      %dma_wait3A_290 = arith.constant 0 : i32
      %dma_wait3A_291 = tpu.memref_slice %arg16[%dma_wait3A_288, %dma_wait3A_289, %dma_wait3A_290] : memref<16x128x16xf32, #tpu.memory_space<vmem>> -> memref<1x128x16xf32, #tpu.memory_space<vmem>>
      %dma_wait3A_292 = tpu.memref_squeeze %dma_wait3A_291 : memref<1x128x16xf32, #tpu.memory_space<vmem>> -> memref<128x16xf32, #tpu.memory_space<vmem>>
      %dma_wait3A_293 = arith.constant 0 : i32
      %dma_wait3A_294 = tpu.memref_slice %arg14[%add3A_193, %dma_wait3A_293] : memref<160x128xi32, #tpu.memory_space<vmem>> -> memref<1x128xi32, #tpu.memory_space<vmem>>
      %dma_wait3A_295 = tpu.memref_squeeze %dma_wait3A_294 : memref<1x128xi32, #tpu.memory_space<vmem>> -> memref<128xi32, #tpu.memory_space<vmem>>
      %dma_wait3A_296 = arith.constant 0 : i32
      %dma_wait3A_297 = arith.constant 0 : i32
      %dma_wait3A_298 = tpu.memref_slice %arg13[%dma_wait3A_296, %dma_wait3A_297] : memref<10000x16xf32, #tpu.memory_space<vmem_shared>> -> memref<10000x16xf32, #tpu.memory_space<vmem_shared>>
      tpu.wait_indirect_dma semaphore(%arg19 : memref<!tpu.dma_semaphore, #tpu.memory_space<semaphore_mem>>) src(%dma_wait3A_298 : memref<10000x16xf32, #tpu.memory_space<vmem_shared>>) dst(%dma_wait3A_292 : memref<128x16xf32, #tpu.memory_space<vmem>>)
      %dma_wait3A_299 = arith.constant 5 : i32
      %dma_wait3A_300 = arith.constant 0 : i32
      %dma_wait3A_301 = arith.constant 0 : i32
      %dma_wait3A_302 = tpu.memref_slice %arg16[%dma_wait3A_299, %dma_wait3A_300, %dma_wait3A_301] : memref<16x128x16xf32, #tpu.memory_space<vmem>> -> memref<1x128x16xf32, #tpu.memory_space<vmem>>
      %dma_wait3A_303 = tpu.memref_squeeze %dma_wait3A_302 : memref<1x128x16xf32, #tpu.memory_space<vmem>> -> memref<128x16xf32, #tpu.memory_space<vmem>>
      %dma_wait3A_304 = arith.constant 0 : i32
      %dma_wait3A_305 = tpu.memref_slice %arg14[%add3A_206, %dma_wait3A_304] : memref<160x128xi32, #tpu.memory_space<vmem>> -> memref<1x128xi32, #tpu.memory_space<vmem>>
      %dma_wait3A_306 = tpu.memref_squeeze %dma_wait3A_305 : memref<1x128xi32, #tpu.memory_space<vmem>> -> memref<128xi32, #tpu.memory_space<vmem>>
      %dma_wait3A_307 = arith.constant 0 : i32
      %dma_wait3A_308 = arith.constant 0 : i32
      %dma_wait3A_309 = tpu.memref_slice %arg13[%dma_wait3A_307, %dma_wait3A_308] : memref<10000x16xf32, #tpu.memory_space<vmem_shared>> -> memref<10000x16xf32, #tpu.memory_space<vmem_shared>>
      tpu.wait_indirect_dma semaphore(%arg19 : memref<!tpu.dma_semaphore, #tpu.memory_space<semaphore_mem>>) src(%dma_wait3A_309 : memref<10000x16xf32, #tpu.memory_space<vmem_shared>>) dst(%dma_wait3A_303 : memref<128x16xf32, #tpu.memory_space<vmem>>)
      %dma_wait3A_310 = arith.constant 6 : i32
      %dma_wait3A_311 = arith.constant 0 : i32
      %dma_wait3A_312 = arith.constant 0 : i32
      %dma_wait3A_313 = tpu.memref_slice %arg16[%dma_wait3A_310, %dma_wait3A_311, %dma_wait3A_312] : memref<16x128x16xf32, #tpu.memory_space<vmem>> -> memref<1x128x16xf32, #tpu.memory_space<vmem>>
      %dma_wait3A_314 = tpu.memref_squeeze %dma_wait3A_313 : memref<1x128x16xf32, #tpu.memory_space<vmem>> -> memref<128x16xf32, #tpu.memory_space<vmem>>
      %dma_wait3A_315 = arith.constant 0 : i32
      %dma_wait3A_316 = tpu.memref_slice %arg14[%add3A_219, %dma_wait3A_315] : memref<160x128xi32, #tpu.memory_space<vmem>> -> memref<1x128xi32, #tpu.memory_space<vmem>>
      %dma_wait3A_317 = tpu.memref_squeeze %dma_wait3A_316 : memref<1x128xi32, #tpu.memory_space<vmem>> -> memref<128xi32, #tpu.memory_space<vmem>>
      %dma_wait3A_318 = arith.constant 0 : i32
      %dma_wait3A_319 = arith.constant 0 : i32
      %dma_wait3A_320 = tpu.memref_slice %arg13[%dma_wait3A_318, %dma_wait3A_319] : memref<10000x16xf32, #tpu.memory_space<vmem_shared>> -> memref<10000x16xf32, #tpu.memory_space<vmem_shared>>
      tpu.wait_indirect_dma semaphore(%arg19 : memref<!tpu.dma_semaphore, #tpu.memory_space<semaphore_mem>>) src(%dma_wait3A_320 : memref<10000x16xf32, #tpu.memory_space<vmem_shared>>) dst(%dma_wait3A_314 : memref<128x16xf32, #tpu.memory_space<vmem>>)
      %dma_wait3A_321 = arith.constant 7 : i32
      %dma_wait3A_322 = arith.constant 0 : i32
      %dma_wait3A_323 = arith.constant 0 : i32
      %dma_wait3A_324 = tpu.memref_slice %arg16[%dma_wait3A_321, %dma_wait3A_322, %dma_wait3A_323] : memref<16x128x16xf32, #tpu.memory_space<vmem>> -> memref<1x128x16xf32, #tpu.memory_space<vmem>>
      %dma_wait3A_325 = tpu.memref_squeeze %dma_wait3A_324 : memref<1x128x16xf32, #tpu.memory_space<vmem>> -> memref<128x16xf32, #tpu.memory_space<vmem>>
      %dma_wait3A_326 = arith.constant 0 : i32
      %dma_wait3A_327 = tpu.memref_slice %arg14[%add3A_232, %dma_wait3A_326] : memref<160x128xi32, #tpu.memory_space<vmem>> -> memref<1x128xi32, #tpu.memory_space<vmem>>
      %dma_wait3A_328 = tpu.memref_squeeze %dma_wait3A_327 : memref<1x128xi32, #tpu.memory_space<vmem>> -> memref<128xi32, #tpu.memory_space<vmem>>
      %dma_wait3A_329 = arith.constant 0 : i32
      %dma_wait3A_330 = arith.constant 0 : i32
      %dma_wait3A_331 = tpu.memref_slice %arg13[%dma_wait3A_329, %dma_wait3A_330] : memref<10000x16xf32, #tpu.memory_space<vmem_shared>> -> memref<10000x16xf32, #tpu.memory_space<vmem_shared>>
      tpu.wait_indirect_dma semaphore(%arg19 : memref<!tpu.dma_semaphore, #tpu.memory_space<semaphore_mem>>) src(%dma_wait3A_331 : memref<10000x16xf32, #tpu.memory_space<vmem_shared>>) dst(%dma_wait3A_325 : memref<128x16xf32, #tpu.memory_space<vmem>>)
      %add3A_332 = arith.constant 0 : i32
      %add3A_333 = arith.addi %mul3A_138, %add3A_332 : i32
      %dma_start3A_334 = arith.constant 0 : i32
      %dma_start3A_335 = arith.constant 0 : i32
      %dma_start3A_336 = arith.constant 0 : i32
      %dma_start3A_337 = tpu.memref_slice %arg16[%dma_start3A_334, %dma_start3A_335, %dma_start3A_336] : memref<16x128x16xf32, #tpu.memory_space<vmem>> -> memref<1x128x16xf32, #tpu.memory_space<vmem>>
      %dma_start3A_338 = tpu.memref_squeeze %dma_start3A_337 : memref<1x128x16xf32, #tpu.memory_space<vmem>> -> memref<128x16xf32, #tpu.memory_space<vmem>>
      %dma_start3A_339 = arith.constant 0 : i32
      %dma_start3A_340 = tpu.memref_slice %arg15[%add3A_333, %dma_start3A_339] : memref<160x128xi32, #tpu.memory_space<vmem>> -> memref<1x128xi32, #tpu.memory_space<vmem>>
      %dma_start3A_341 = tpu.memref_squeeze %dma_start3A_340 : memref<1x128xi32, #tpu.memory_space<vmem>> -> memref<128xi32, #tpu.memory_space<vmem>>
      %dma_start3A_342 = arith.constant 0 : i32
      %dma_start3A_343 = arith.constant 0 : i32
      %dma_start3A_344 = tpu.memref_slice %arg11[%dma_start3A_342, %dma_start3A_343] : memref<10112x16xf32, #tpu.memory_space<vmem_shared>> -> memref<10112x16xf32, #tpu.memory_space<vmem_shared>>
      tpu.enqueue_indirect_dma source(%dma_start3A_338 : memref<128x16xf32, #tpu.memory_space<vmem>>) target(%dma_start3A_344 : memref<10112x16xf32, #tpu.memory_space<vmem_shared>>) offsets(%dma_start3A_341 : memref<128xi32, #tpu.memory_space<vmem>>) semaphore(%arg20 : memref<!tpu.dma_semaphore, #tpu.memory_space<semaphore_mem>>) {add = true}
      %add3A_345 = arith.constant 1 : i32
      %add3A_346 = arith.addi %mul3A_138, %add3A_345 : i32
      %dma_start3A_347 = arith.constant 1 : i32
      %dma_start3A_348 = arith.constant 0 : i32
      %dma_start3A_349 = arith.constant 0 : i32
      %dma_start3A_350 = tpu.memref_slice %arg16[%dma_start3A_347, %dma_start3A_348, %dma_start3A_349] : memref<16x128x16xf32, #tpu.memory_space<vmem>> -> memref<1x128x16xf32, #tpu.memory_space<vmem>>
      %dma_start3A_351 = tpu.memref_squeeze %dma_start3A_350 : memref<1x128x16xf32, #tpu.memory_space<vmem>> -> memref<128x16xf32, #tpu.memory_space<vmem>>
      %dma_start3A_352 = arith.constant 0 : i32
      %dma_start3A_353 = tpu.memref_slice %arg15[%add3A_346, %dma_start3A_352] : memref<160x128xi32, #tpu.memory_space<vmem>> -> memref<1x128xi32, #tpu.memory_space<vmem>>
      %dma_start3A_354 = tpu.memref_squeeze %dma_start3A_353 : memref<1x128xi32, #tpu.memory_space<vmem>> -> memref<128xi32, #tpu.memory_space<vmem>>
      %dma_start3A_355 = arith.constant 0 : i32
      %dma_start3A_356 = arith.constant 0 : i32
      %dma_start3A_357 = tpu.memref_slice %arg11[%dma_start3A_355, %dma_start3A_356] : memref<10112x16xf32, #tpu.memory_space<vmem_shared>> -> memref<10112x16xf32, #tpu.memory_space<vmem_shared>>
      tpu.enqueue_indirect_dma source(%dma_start3A_351 : memref<128x16xf32, #tpu.memory_space<vmem>>) target(%dma_start3A_357 : memref<10112x16xf32, #tpu.memory_space<vmem_shared>>) offsets(%dma_start3A_354 : memref<128xi32, #tpu.memory_space<vmem>>) semaphore(%arg20 : memref<!tpu.dma_semaphore, #tpu.memory_space<semaphore_mem>>) {add = true}
      %add3A_358 = arith.constant 2 : i32
      %add3A_359 = arith.addi %mul3A_138, %add3A_358 : i32
      %dma_start3A_360 = arith.constant 2 : i32
      %dma_start3A_361 = arith.constant 0 : i32
      %dma_start3A_362 = arith.constant 0 : i32
      %dma_start3A_363 = tpu.memref_slice %arg16[%dma_start3A_360, %dma_start3A_361, %dma_start3A_362] : memref<16x128x16xf32, #tpu.memory_space<vmem>> -> memref<1x128x16xf32, #tpu.memory_space<vmem>>
      %dma_start3A_364 = tpu.memref_squeeze %dma_start3A_363 : memref<1x128x16xf32, #tpu.memory_space<vmem>> -> memref<128x16xf32, #tpu.memory_space<vmem>>
      %dma_start3A_365 = arith.constant 0 : i32
      %dma_start3A_366 = tpu.memref_slice %arg15[%add3A_359, %dma_start3A_365] : memref<160x128xi32, #tpu.memory_space<vmem>> -> memref<1x128xi32, #tpu.memory_space<vmem>>
      %dma_start3A_367 = tpu.memref_squeeze %dma_start3A_366 : memref<1x128xi32, #tpu.memory_space<vmem>> -> memref<128xi32, #tpu.memory_space<vmem>>
      %dma_start3A_368 = arith.constant 0 : i32
      %dma_start3A_369 = arith.constant 0 : i32
      %dma_start3A_370 = tpu.memref_slice %arg11[%dma_start3A_368, %dma_start3A_369] : memref<10112x16xf32, #tpu.memory_space<vmem_shared>> -> memref<10112x16xf32, #tpu.memory_space<vmem_shared>>
      tpu.enqueue_indirect_dma source(%dma_start3A_364 : memref<128x16xf32, #tpu.memory_space<vmem>>) target(%dma_start3A_370 : memref<10112x16xf32, #tpu.memory_space<vmem_shared>>) offsets(%dma_start3A_367 : memref<128xi32, #tpu.memory_space<vmem>>) semaphore(%arg20 : memref<!tpu.dma_semaphore, #tpu.memory_space<semaphore_mem>>) {add = true}
      %add3A_371 = arith.constant 3 : i32
      %add3A_372 = arith.addi %mul3A_138, %add3A_371 : i32
      %dma_start3A_373 = arith.constant 3 : i32
      %dma_start3A_374 = arith.constant 0 : i32
      %dma_start3A_375 = arith.constant 0 : i32
      %dma_start3A_376 = tpu.memref_slice %arg16[%dma_start3A_373, %dma_start3A_374, %dma_start3A_375] : memref<16x128x16xf32, #tpu.memory_space<vmem>> -> memref<1x128x16xf32, #tpu.memory_space<vmem>>
      %dma_start3A_377 = tpu.memref_squeeze %dma_start3A_376 : memref<1x128x16xf32, #tpu.memory_space<vmem>> -> memref<128x16xf32, #tpu.memory_space<vmem>>
      %dma_start3A_378 = arith.constant 0 : i32
      %dma_start3A_379 = tpu.memref_slice %arg15[%add3A_372, %dma_start3A_378] : memref<160x128xi32, #tpu.memory_space<vmem>> -> memref<1x128xi32, #tpu.memory_space<vmem>>
      %dma_start3A_380 = tpu.memref_squeeze %dma_start3A_379 : memref<1x128xi32, #tpu.memory_space<vmem>> -> memref<128xi32, #tpu.memory_space<vmem>>
      %dma_start3A_381 = arith.constant 0 : i32
      %dma_start3A_382 = arith.constant 0 : i32
      %dma_start3A_383 = tpu.memref_slice %arg11[%dma_start3A_381, %dma_start3A_382] : memref<10112x16xf32, #tpu.memory_space<vmem_shared>> -> memref<10112x16xf32, #tpu.memory_space<vmem_shared>>
      tpu.enqueue_indirect_dma source(%dma_start3A_377 : memref<128x16xf32, #tpu.memory_space<vmem>>) target(%dma_start3A_383 : memref<10112x16xf32, #tpu.memory_space<vmem_shared>>) offsets(%dma_start3A_380 : memref<128xi32, #tpu.memory_space<vmem>>) semaphore(%arg20 : memref<!tpu.dma_semaphore, #tpu.memory_space<semaphore_mem>>) {add = true}
      %add3A_384 = arith.constant 4 : i32
      %add3A_385 = arith.addi %mul3A_138, %add3A_384 : i32
      %dma_start3A_386 = arith.constant 4 : i32
      %dma_start3A_387 = arith.constant 0 : i32
      %dma_start3A_388 = arith.constant 0 : i32
      %dma_start3A_389 = tpu.memref_slice %arg16[%dma_start3A_386, %dma_start3A_387, %dma_start3A_388] : memref<16x128x16xf32, #tpu.memory_space<vmem>> -> memref<1x128x16xf32, #tpu.memory_space<vmem>>
      %dma_start3A_390 = tpu.memref_squeeze %dma_start3A_389 : memref<1x128x16xf32, #tpu.memory_space<vmem>> -> memref<128x16xf32, #tpu.memory_space<vmem>>
      %dma_start3A_391 = arith.constant 0 : i32
      %dma_start3A_392 = tpu.memref_slice %arg15[%add3A_385, %dma_start3A_391] : memref<160x128xi32, #tpu.memory_space<vmem>> -> memref<1x128xi32, #tpu.memory_space<vmem>>
      %dma_start3A_393 = tpu.memref_squeeze %dma_start3A_392 : memref<1x128xi32, #tpu.memory_space<vmem>> -> memref<128xi32, #tpu.memory_space<vmem>>
      %dma_start3A_394 = arith.constant 0 : i32
      %dma_start3A_395 = arith.constant 0 : i32
      %dma_start3A_396 = tpu.memref_slice %arg11[%dma_start3A_394, %dma_start3A_395] : memref<10112x16xf32, #tpu.memory_space<vmem_shared>> -> memref<10112x16xf32, #tpu.memory_space<vmem_shared>>
      tpu.enqueue_indirect_dma source(%dma_start3A_390 : memref<128x16xf32, #tpu.memory_space<vmem>>) target(%dma_start3A_396 : memref<10112x16xf32, #tpu.memory_space<vmem_shared>>) offsets(%dma_start3A_393 : memref<128xi32, #tpu.memory_space<vmem>>) semaphore(%arg20 : memref<!tpu.dma_semaphore, #tpu.memory_space<semaphore_mem>>) {add = true}
      %add3A_397 = arith.constant 5 : i32
      %add3A_398 = arith.addi %mul3A_138, %add3A_397 : i32
      %dma_start3A_399 = arith.constant 5 : i32
      %dma_start3A_400 = arith.constant 0 : i32
      %dma_start3A_401 = arith.constant 0 : i32
      %dma_start3A_402 = tpu.memref_slice %arg16[%dma_start3A_399, %dma_start3A_400, %dma_start3A_401] : memref<16x128x16xf32, #tpu.memory_space<vmem>> -> memref<1x128x16xf32, #tpu.memory_space<vmem>>
      %dma_start3A_403 = tpu.memref_squeeze %dma_start3A_402 : memref<1x128x16xf32, #tpu.memory_space<vmem>> -> memref<128x16xf32, #tpu.memory_space<vmem>>
      %dma_start3A_404 = arith.constant 0 : i32
      %dma_start3A_405 = tpu.memref_slice %arg15[%add3A_398, %dma_start3A_404] : memref<160x128xi32, #tpu.memory_space<vmem>> -> memref<1x128xi32, #tpu.memory_space<vmem>>
      %dma_start3A_406 = tpu.memref_squeeze %dma_start3A_405 : memref<1x128xi32, #tpu.memory_space<vmem>> -> memref<128xi32, #tpu.memory_space<vmem>>
      %dma_start3A_407 = arith.constant 0 : i32
      %dma_start3A_408 = arith.constant 0 : i32
      %dma_start3A_409 = tpu.memref_slice %arg11[%dma_start3A_407, %dma_start3A_408] : memref<10112x16xf32, #tpu.memory_space<vmem_shared>> -> memref<10112x16xf32, #tpu.memory_space<vmem_shared>>
      tpu.enqueue_indirect_dma source(%dma_start3A_403 : memref<128x16xf32, #tpu.memory_space<vmem>>) target(%dma_start3A_409 : memref<10112x16xf32, #tpu.memory_space<vmem_shared>>) offsets(%dma_start3A_406 : memref<128xi32, #tpu.memory_space<vmem>>) semaphore(%arg20 : memref<!tpu.dma_semaphore, #tpu.memory_space<semaphore_mem>>) {add = true}
      %add3A_410 = arith.constant 6 : i32
      %add3A_411 = arith.addi %mul3A_138, %add3A_410 : i32
      %dma_start3A_412 = arith.constant 6 : i32
      %dma_start3A_413 = arith.constant 0 : i32
      %dma_start3A_414 = arith.constant 0 : i32
      %dma_start3A_415 = tpu.memref_slice %arg16[%dma_start3A_412, %dma_start3A_413, %dma_start3A_414] : memref<16x128x16xf32, #tpu.memory_space<vmem>> -> memref<1x128x16xf32, #tpu.memory_space<vmem>>
      %dma_start3A_416 = tpu.memref_squeeze %dma_start3A_415 : memref<1x128x16xf32, #tpu.memory_space<vmem>> -> memref<128x16xf32, #tpu.memory_space<vmem>>
      %dma_start3A_417 = arith.constant 0 : i32
      %dma_start3A_418 = tpu.memref_slice %arg15[%add3A_411, %dma_start3A_417] : memref<160x128xi32, #tpu.memory_space<vmem>> -> memref<1x128xi32, #tpu.memory_space<vmem>>
      %dma_start3A_419 = tpu.memref_squeeze %dma_start3A_418 : memref<1x128xi32, #tpu.memory_space<vmem>> -> memref<128xi32, #tpu.memory_space<vmem>>
      %dma_start3A_420 = arith.constant 0 : i32
      %dma_start3A_421 = arith.constant 0 : i32
      %dma_start3A_422 = tpu.memref_slice %arg11[%dma_start3A_420, %dma_start3A_421] : memref<10112x16xf32, #tpu.memory_space<vmem_shared>> -> memref<10112x16xf32, #tpu.memory_space<vmem_shared>>
      tpu.enqueue_indirect_dma source(%dma_start3A_416 : memref<128x16xf32, #tpu.memory_space<vmem>>) target(%dma_start3A_422 : memref<10112x16xf32, #tpu.memory_space<vmem_shared>>) offsets(%dma_start3A_419 : memref<128xi32, #tpu.memory_space<vmem>>) semaphore(%arg20 : memref<!tpu.dma_semaphore, #tpu.memory_space<semaphore_mem>>) {add = true}
      %add3A_423 = arith.constant 7 : i32
      %add3A_424 = arith.addi %mul3A_138, %add3A_423 : i32
      %dma_start3A_425 = arith.constant 7 : i32
      %dma_start3A_426 = arith.constant 0 : i32
      %dma_start3A_427 = arith.constant 0 : i32
      %dma_start3A_428 = tpu.memref_slice %arg16[%dma_start3A_425, %dma_start3A_426, %dma_start3A_427] : memref<16x128x16xf32, #tpu.memory_space<vmem>> -> memref<1x128x16xf32, #tpu.memory_space<vmem>>
      %dma_start3A_429 = tpu.memref_squeeze %dma_start3A_428 : memref<1x128x16xf32, #tpu.memory_space<vmem>> -> memref<128x16xf32, #tpu.memory_space<vmem>>
      %dma_start3A_430 = arith.constant 0 : i32
      %dma_start3A_431 = tpu.memref_slice %arg15[%add3A_424, %dma_start3A_430] : memref<160x128xi32, #tpu.memory_space<vmem>> -> memref<1x128xi32, #tpu.memory_space<vmem>>
      %dma_start3A_432 = tpu.memref_squeeze %dma_start3A_431 : memref<1x128xi32, #tpu.memory_space<vmem>> -> memref<128xi32, #tpu.memory_space<vmem>>
      %dma_start3A_433 = arith.constant 0 : i32
      %dma_start3A_434 = arith.constant 0 : i32
      %dma_start3A_435 = tpu.memref_slice %arg11[%dma_start3A_433, %dma_start3A_434] : memref<10112x16xf32, #tpu.memory_space<vmem_shared>> -> memref<10112x16xf32, #tpu.memory_space<vmem_shared>>
      tpu.enqueue_indirect_dma source(%dma_start3A_429 : memref<128x16xf32, #tpu.memory_space<vmem>>) target(%dma_start3A_435 : memref<10112x16xf32, #tpu.memory_space<vmem_shared>>) offsets(%dma_start3A_432 : memref<128xi32, #tpu.memory_space<vmem>>) semaphore(%arg20 : memref<!tpu.dma_semaphore, #tpu.memory_space<semaphore_mem>>) {add = true}
      %add3A_436 = arith.constant 0 : i32
      %add3A_437 = arith.addi %add3A_139, %add3A_436 : i32
      %dma_start3A_438 = arith.constant 8 : i32
      %dma_start3A_439 = arith.constant 0 : i32
      %dma_start3A_440 = arith.constant 0 : i32
      %dma_start3A_441 = tpu.memref_slice %arg16[%dma_start3A_438, %dma_start3A_439, %dma_start3A_440] : memref<16x128x16xf32, #tpu.memory_space<vmem>> -> memref<1x128x16xf32, #tpu.memory_space<vmem>>
      %dma_start3A_442 = tpu.memref_squeeze %dma_start3A_441 : memref<1x128x16xf32, #tpu.memory_space<vmem>> -> memref<128x16xf32, #tpu.memory_space<vmem>>
      %dma_start3A_443 = arith.constant 0 : i32
      %dma_start3A_444 = tpu.memref_slice %arg14[%add3A_437, %dma_start3A_443] : memref<160x128xi32, #tpu.memory_space<vmem>> -> memref<1x128xi32, #tpu.memory_space<vmem>>
      %dma_start3A_445 = tpu.memref_squeeze %dma_start3A_444 : memref<1x128xi32, #tpu.memory_space<vmem>> -> memref<128xi32, #tpu.memory_space<vmem>>
      %dma_start3A_446 = arith.constant 0 : i32
      %dma_start3A_447 = arith.constant 0 : i32
      %dma_start3A_448 = tpu.memref_slice %arg13[%dma_start3A_446, %dma_start3A_447] : memref<10000x16xf32, #tpu.memory_space<vmem_shared>> -> memref<10000x16xf32, #tpu.memory_space<vmem_shared>>
      tpu.enqueue_indirect_dma source(%dma_start3A_448 : memref<10000x16xf32, #tpu.memory_space<vmem_shared>>) target(%dma_start3A_442 : memref<128x16xf32, #tpu.memory_space<vmem>>) offsets(%dma_start3A_445 : memref<128xi32, #tpu.memory_space<vmem>>) semaphore(%arg19 : memref<!tpu.dma_semaphore, #tpu.memory_space<semaphore_mem>>)
      %add3A_449 = arith.constant 1 : i32
      %add3A_450 = arith.addi %add3A_139, %add3A_449 : i32
      %dma_start3A_451 = arith.constant 9 : i32
      %dma_start3A_452 = arith.constant 0 : i32
      %dma_start3A_453 = arith.constant 0 : i32
      %dma_start3A_454 = tpu.memref_slice %arg16[%dma_start3A_451, %dma_start3A_452, %dma_start3A_453] : memref<16x128x16xf32, #tpu.memory_space<vmem>> -> memref<1x128x16xf32, #tpu.memory_space<vmem>>
      %dma_start3A_455 = tpu.memref_squeeze %dma_start3A_454 : memref<1x128x16xf32, #tpu.memory_space<vmem>> -> memref<128x16xf32, #tpu.memory_space<vmem>>
      %dma_start3A_456 = arith.constant 0 : i32
      %dma_start3A_457 = tpu.memref_slice %arg14[%add3A_450, %dma_start3A_456] : memref<160x128xi32, #tpu.memory_space<vmem>> -> memref<1x128xi32, #tpu.memory_space<vmem>>
      %dma_start3A_458 = tpu.memref_squeeze %dma_start3A_457 : memref<1x128xi32, #tpu.memory_space<vmem>> -> memref<128xi32, #tpu.memory_space<vmem>>
      %dma_start3A_459 = arith.constant 0 : i32
      %dma_start3A_460 = arith.constant 0 : i32
      %dma_start3A_461 = tpu.memref_slice %arg13[%dma_start3A_459, %dma_start3A_460] : memref<10000x16xf32, #tpu.memory_space<vmem_shared>> -> memref<10000x16xf32, #tpu.memory_space<vmem_shared>>
      tpu.enqueue_indirect_dma source(%dma_start3A_461 : memref<10000x16xf32, #tpu.memory_space<vmem_shared>>) target(%dma_start3A_455 : memref<128x16xf32, #tpu.memory_space<vmem>>) offsets(%dma_start3A_458 : memref<128xi32, #tpu.memory_space<vmem>>) semaphore(%arg19 : memref<!tpu.dma_semaphore, #tpu.memory_space<semaphore_mem>>)
      %add3A_462 = arith.constant 2 : i32
      %add3A_463 = arith.addi %add3A_139, %add3A_462 : i32
      %dma_start3A_464 = arith.constant 10 : i32
      %dma_start3A_465 = arith.constant 0 : i32
      %dma_start3A_466 = arith.constant 0 : i32
      %dma_start3A_467 = tpu.memref_slice %arg16[%dma_start3A_464, %dma_start3A_465, %dma_start3A_466] : memref<16x128x16xf32, #tpu.memory_space<vmem>> -> memref<1x128x16xf32, #tpu.memory_space<vmem>>
      %dma_start3A_468 = tpu.memref_squeeze %dma_start3A_467 : memref<1x128x16xf32, #tpu.memory_space<vmem>> -> memref<128x16xf32, #tpu.memory_space<vmem>>
      %dma_start3A_469 = arith.constant 0 : i32
      %dma_start3A_470 = tpu.memref_slice %arg14[%add3A_463, %dma_start3A_469] : memref<160x128xi32, #tpu.memory_space<vmem>> -> memref<1x128xi32, #tpu.memory_space<vmem>>
      %dma_start3A_471 = tpu.memref_squeeze %dma_start3A_470 : memref<1x128xi32, #tpu.memory_space<vmem>> -> memref<128xi32, #tpu.memory_space<vmem>>
      %dma_start3A_472 = arith.constant 0 : i32
      %dma_start3A_473 = arith.constant 0 : i32
      %dma_start3A_474 = tpu.memref_slice %arg13[%dma_start3A_472, %dma_start3A_473] : memref<10000x16xf32, #tpu.memory_space<vmem_shared>> -> memref<10000x16xf32, #tpu.memory_space<vmem_shared>>
      tpu.enqueue_indirect_dma source(%dma_start3A_474 : memref<10000x16xf32, #tpu.memory_space<vmem_shared>>) target(%dma_start3A_468 : memref<128x16xf32, #tpu.memory_space<vmem>>) offsets(%dma_start3A_471 : memref<128xi32, #tpu.memory_space<vmem>>) semaphore(%arg19 : memref<!tpu.dma_semaphore, #tpu.memory_space<semaphore_mem>>)
      %add3A_475 = arith.constant 3 : i32
      %add3A_476 = arith.addi %add3A_139, %add3A_475 : i32
      %dma_start3A_477 = arith.constant 11 : i32
      %dma_start3A_478 = arith.constant 0 : i32
      %dma_start3A_479 = arith.constant 0 : i32
      %dma_start3A_480 = tpu.memref_slice %arg16[%dma_start3A_477, %dma_start3A_478, %dma_start3A_479] : memref<16x128x16xf32, #tpu.memory_space<vmem>> -> memref<1x128x16xf32, #tpu.memory_space<vmem>>
      %dma_start3A_481 = tpu.memref_squeeze %dma_start3A_480 : memref<1x128x16xf32, #tpu.memory_space<vmem>> -> memref<128x16xf32, #tpu.memory_space<vmem>>
      %dma_start3A_482 = arith.constant 0 : i32
      %dma_start3A_483 = tpu.memref_slice %arg14[%add3A_476, %dma_start3A_482] : memref<160x128xi32, #tpu.memory_space<vmem>> -> memref<1x128xi32, #tpu.memory_space<vmem>>
      %dma_start3A_484 = tpu.memref_squeeze %dma_start3A_483 : memref<1x128xi32, #tpu.memory_space<vmem>> -> memref<128xi32, #tpu.memory_space<vmem>>
      %dma_start3A_485 = arith.constant 0 : i32
      %dma_start3A_486 = arith.constant 0 : i32
      %dma_start3A_487 = tpu.memref_slice %arg13[%dma_start3A_485, %dma_start3A_486] : memref<10000x16xf32, #tpu.memory_space<vmem_shared>> -> memref<10000x16xf32, #tpu.memory_space<vmem_shared>>
      tpu.enqueue_indirect_dma source(%dma_start3A_487 : memref<10000x16xf32, #tpu.memory_space<vmem_shared>>) target(%dma_start3A_481 : memref<128x16xf32, #tpu.memory_space<vmem>>) offsets(%dma_start3A_484 : memref<128xi32, #tpu.memory_space<vmem>>) semaphore(%arg19 : memref<!tpu.dma_semaphore, #tpu.memory_space<semaphore_mem>>)
      %add3A_488 = arith.constant 4 : i32
      %add3A_489 = arith.addi %add3A_139, %add3A_488 : i32
      %dma_start3A_490 = arith.constant 12 : i32
      %dma_start3A_491 = arith.constant 0 : i32
      %dma_start3A_492 = arith.constant 0 : i32
      %dma_start3A_493 = tpu.memref_slice %arg16[%dma_start3A_490, %dma_start3A_491, %dma_start3A_492] : memref<16x128x16xf32, #tpu.memory_space<vmem>> -> memref<1x128x16xf32, #tpu.memory_space<vmem>>
      %dma_start3A_494 = tpu.memref_squeeze %dma_start3A_493 : memref<1x128x16xf32, #tpu.memory_space<vmem>> -> memref<128x16xf32, #tpu.memory_space<vmem>>
      %dma_start3A_495 = arith.constant 0 : i32
      %dma_start3A_496 = tpu.memref_slice %arg14[%add3A_489, %dma_start3A_495] : memref<160x128xi32, #tpu.memory_space<vmem>> -> memref<1x128xi32, #tpu.memory_space<vmem>>
      %dma_start3A_497 = tpu.memref_squeeze %dma_start3A_496 : memref<1x128xi32, #tpu.memory_space<vmem>> -> memref<128xi32, #tpu.memory_space<vmem>>
      %dma_start3A_498 = arith.constant 0 : i32
      %dma_start3A_499 = arith.constant 0 : i32
      %dma_start3A_500 = tpu.memref_slice %arg13[%dma_start3A_498, %dma_start3A_499] : memref<10000x16xf32, #tpu.memory_space<vmem_shared>> -> memref<10000x16xf32, #tpu.memory_space<vmem_shared>>
      tpu.enqueue_indirect_dma source(%dma_start3A_500 : memref<10000x16xf32, #tpu.memory_space<vmem_shared>>) target(%dma_start3A_494 : memref<128x16xf32, #tpu.memory_space<vmem>>) offsets(%dma_start3A_497 : memref<128xi32, #tpu.memory_space<vmem>>) semaphore(%arg19 : memref<!tpu.dma_semaphore, #tpu.memory_space<semaphore_mem>>)
      %add3A_501 = arith.constant 5 : i32
      %add3A_502 = arith.addi %add3A_139, %add3A_501 : i32
      %dma_start3A_503 = arith.constant 13 : i32
      %dma_start3A_504 = arith.constant 0 : i32
      %dma_start3A_505 = arith.constant 0 : i32
      %dma_start3A_506 = tpu.memref_slice %arg16[%dma_start3A_503, %dma_start3A_504, %dma_start3A_505] : memref<16x128x16xf32, #tpu.memory_space<vmem>> -> memref<1x128x16xf32, #tpu.memory_space<vmem>>
      %dma_start3A_507 = tpu.memref_squeeze %dma_start3A_506 : memref<1x128x16xf32, #tpu.memory_space<vmem>> -> memref<128x16xf32, #tpu.memory_space<vmem>>
      %dma_start3A_508 = arith.constant 0 : i32
      %dma_start3A_509 = tpu.memref_slice %arg14[%add3A_502, %dma_start3A_508] : memref<160x128xi32, #tpu.memory_space<vmem>> -> memref<1x128xi32, #tpu.memory_space<vmem>>
      %dma_start3A_510 = tpu.memref_squeeze %dma_start3A_509 : memref<1x128xi32, #tpu.memory_space<vmem>> -> memref<128xi32, #tpu.memory_space<vmem>>
      %dma_start3A_511 = arith.constant 0 : i32
      %dma_start3A_512 = arith.constant 0 : i32
      %dma_start3A_513 = tpu.memref_slice %arg13[%dma_start3A_511, %dma_start3A_512] : memref<10000x16xf32, #tpu.memory_space<vmem_shared>> -> memref<10000x16xf32, #tpu.memory_space<vmem_shared>>
      tpu.enqueue_indirect_dma source(%dma_start3A_513 : memref<10000x16xf32, #tpu.memory_space<vmem_shared>>) target(%dma_start3A_507 : memref<128x16xf32, #tpu.memory_space<vmem>>) offsets(%dma_start3A_510 : memref<128xi32, #tpu.memory_space<vmem>>) semaphore(%arg19 : memref<!tpu.dma_semaphore, #tpu.memory_space<semaphore_mem>>)
      %add3A_514 = arith.constant 6 : i32
      %add3A_515 = arith.addi %add3A_139, %add3A_514 : i32
      %dma_start3A_516 = arith.constant 14 : i32
      %dma_start3A_517 = arith.constant 0 : i32
      %dma_start3A_518 = arith.constant 0 : i32
      %dma_start3A_519 = tpu.memref_slice %arg16[%dma_start3A_516, %dma_start3A_517, %dma_start3A_518] : memref<16x128x16xf32, #tpu.memory_space<vmem>> -> memref<1x128x16xf32, #tpu.memory_space<vmem>>
      %dma_start3A_520 = tpu.memref_squeeze %dma_start3A_519 : memref<1x128x16xf32, #tpu.memory_space<vmem>> -> memref<128x16xf32, #tpu.memory_space<vmem>>
      %dma_start3A_521 = arith.constant 0 : i32
      %dma_start3A_522 = tpu.memref_slice %arg14[%add3A_515, %dma_start3A_521] : memref<160x128xi32, #tpu.memory_space<vmem>> -> memref<1x128xi32, #tpu.memory_space<vmem>>
      %dma_start3A_523 = tpu.memref_squeeze %dma_start3A_522 : memref<1x128xi32, #tpu.memory_space<vmem>> -> memref<128xi32, #tpu.memory_space<vmem>>
      %dma_start3A_524 = arith.constant 0 : i32
      %dma_start3A_525 = arith.constant 0 : i32
      %dma_start3A_526 = tpu.memref_slice %arg13[%dma_start3A_524, %dma_start3A_525] : memref<10000x16xf32, #tpu.memory_space<vmem_shared>> -> memref<10000x16xf32, #tpu.memory_space<vmem_shared>>
      tpu.enqueue_indirect_dma source(%dma_start3A_526 : memref<10000x16xf32, #tpu.memory_space<vmem_shared>>) target(%dma_start3A_520 : memref<128x16xf32, #tpu.memory_space<vmem>>) offsets(%dma_start3A_523 : memref<128xi32, #tpu.memory_space<vmem>>) semaphore(%arg19 : memref<!tpu.dma_semaphore, #tpu.memory_space<semaphore_mem>>)
      %add3A_527 = arith.constant 7 : i32
      %add3A_528 = arith.addi %add3A_139, %add3A_527 : i32
      %dma_start3A_529 = arith.constant 15 : i32
      %dma_start3A_530 = arith.constant 0 : i32
      %dma_start3A_531 = arith.constant 0 : i32
      %dma_start3A_532 = tpu.memref_slice %arg16[%dma_start3A_529, %dma_start3A_530, %dma_start3A_531] : memref<16x128x16xf32, #tpu.memory_space<vmem>> -> memref<1x128x16xf32, #tpu.memory_space<vmem>>
      %dma_start3A_533 = tpu.memref_squeeze %dma_start3A_532 : memref<1x128x16xf32, #tpu.memory_space<vmem>> -> memref<128x16xf32, #tpu.memory_space<vmem>>
      %dma_start3A_534 = arith.constant 0 : i32
      %dma_start3A_535 = tpu.memref_slice %arg14[%add3A_528, %dma_start3A_534] : memref<160x128xi32, #tpu.memory_space<vmem>> -> memref<1x128xi32, #tpu.memory_space<vmem>>
      %dma_start3A_536 = tpu.memref_squeeze %dma_start3A_535 : memref<1x128xi32, #tpu.memory_space<vmem>> -> memref<128xi32, #tpu.memory_space<vmem>>
      %dma_start3A_537 = arith.constant 0 : i32
      %dma_start3A_538 = arith.constant 0 : i32
      %dma_start3A_539 = tpu.memref_slice %arg13[%dma_start3A_537, %dma_start3A_538] : memref<10000x16xf32, #tpu.memory_space<vmem_shared>> -> memref<10000x16xf32, #tpu.memory_space<vmem_shared>>
      tpu.enqueue_indirect_dma source(%dma_start3A_539 : memref<10000x16xf32, #tpu.memory_space<vmem_shared>>) target(%dma_start3A_533 : memref<128x16xf32, #tpu.memory_space<vmem>>) offsets(%dma_start3A_536 : memref<128xi32, #tpu.memory_space<vmem>>) semaphore(%arg19 : memref<!tpu.dma_semaphore, #tpu.memory_space<semaphore_mem>>)
      %add3A_540 = arith.constant 0 : i32
      %add3A_541 = arith.addi %mul3A_138, %add3A_540 : i32
      %get3A = arith.index_cast %add3A_541 : i32 to index
      %get3A_542 = arith.constant 0 : index
      %get3A_543 = tpu.vector_load %arg15[%get3A, %get3A_542] {strides = array<i32>} : memref<160x128xi32, #tpu.memory_space<vmem>>, vector<16xi32>,
      %shift_right_arithmetic3A = arith.constant 4 : i32
      %shift_right_arithmetic3A_544 = vector.broadcast %shift_right_arithmetic3A : i32 to vector<16xi32>
      %shift_right_arithmetic3A_545 = arith.shrsi %get3A_543, %shift_right_arithmetic3A_544 : vector<16xi32>
      %and3A = arith.constant 15 : i32
      %and3A_546 = vector.broadcast %and3A : i32 to vector<16xi32>
      %and3A_547 = arith.andi %get3A_543, %and3A_546 : vector<16xi32>
      tpu.vector_store_idx %arg17[%shift_right_arithmetic3A_545, %and3A_547], %broadcast_in_dim3A_24 {add = true} : memref<640x16xf32, #tpu.memory_space<vmem>>[vector<16xi32>, vector<16xi32>], vector<16xf32>,
      %add3A_548 = arith.constant 0 : i32
      %add3A_549 = arith.addi %mul3A_138, %add3A_548 : i32
      %get3A_550 = arith.index_cast %add3A_549 : i32 to index
      %get3A_551 = arith.constant 16 : index
      %get3A_552 = tpu.vector_load %arg15[%get3A_550, %get3A_551] {strides = array<i32>} : memref<160x128xi32, #tpu.memory_space<vmem>>, vector<16xi32>,
      %shift_right_arithmetic3A_553 = arith.constant 4 : i32
      %shift_right_arithmetic3A_554 = vector.broadcast %shift_right_arithmetic3A_553 : i32 to vector<16xi32>
      %shift_right_arithmetic3A_555 = arith.shrsi %get3A_552, %shift_right_arithmetic3A_554 : vector<16xi32>
      %and3A_556 = arith.constant 15 : i32
      %and3A_557 = vector.broadcast %and3A_556 : i32 to vector<16xi32>
      %and3A_558 = arith.andi %get3A_552, %and3A_557 : vector<16xi32>
      tpu.vector_store_idx %arg17[%shift_right_arithmetic3A_555, %and3A_558], %broadcast_in_dim3A_24 {add = true} : memref<640x16xf32, #tpu.memory_space<vmem>>[vector<16xi32>, vector<16xi32>], vector<16xf32>,
      %add3A_559 = arith.constant 0 : i32
      %add3A_560 = arith.addi %mul3A_138, %add3A_559 : i32
      %get3A_561 = arith.index_cast %add3A_560 : i32 to index
      %get3A_562 = arith.constant 32 : index
      %get3A_563 = tpu.vector_load %arg15[%get3A_561, %get3A_562] {strides = array<i32>} : memref<160x128xi32, #tpu.memory_space<vmem>>, vector<16xi32>,
      %shift_right_arithmetic3A_564 = arith.constant 4 : i32
      %shift_right_arithmetic3A_565 = vector.broadcast %shift_right_arithmetic3A_564 : i32 to vector<16xi32>
      %shift_right_arithmetic3A_566 = arith.shrsi %get3A_563, %shift_right_arithmetic3A_565 : vector<16xi32>
      %and3A_567 = arith.constant 15 : i32
      %and3A_568 = vector.broadcast %and3A_567 : i32 to vector<16xi32>
      %and3A_569 = arith.andi %get3A_563, %and3A_568 : vector<16xi32>
      tpu.vector_store_idx %arg17[%shift_right_arithmetic3A_566, %and3A_569], %broadcast_in_dim3A_24 {add = true} : memref<640x16xf32, #tpu.memory_space<vmem>>[vector<16xi32>, vector<16xi32>], vector<16xf32>,
      %add3A_570 = arith.constant 0 : i32
      %add3A_571 = arith.addi %mul3A_138, %add3A_570 : i32
      %get3A_572 = arith.index_cast %add3A_571 : i32 to index
      %get3A_573 = arith.constant 48 : index
      %get3A_574 = tpu.vector_load %arg15[%get3A_572, %get3A_573] {strides = array<i32>} : memref<160x128xi32, #tpu.memory_space<vmem>>, vector<16xi32>,
      %shift_right_arithmetic3A_575 = arith.constant 4 : i32
      %shift_right_arithmetic3A_576 = vector.broadcast %shift_right_arithmetic3A_575 : i32 to vector<16xi32>
      %shift_right_arithmetic3A_577 = arith.shrsi %get3A_574, %shift_right_arithmetic3A_576 : vector<16xi32>
      %and3A_578 = arith.constant 15 : i32
      %and3A_579 = vector.broadcast %and3A_578 : i32 to vector<16xi32>
      %and3A_580 = arith.andi %get3A_574, %and3A_579 : vector<16xi32>
      tpu.vector_store_idx %arg17[%shift_right_arithmetic3A_577, %and3A_580], %broadcast_in_dim3A_24 {add = true} : memref<640x16xf32, #tpu.memory_space<vmem>>[vector<16xi32>, vector<16xi32>], vector<16xf32>,
      %add3A_581 = arith.constant 0 : i32
      %add3A_582 = arith.addi %mul3A_138, %add3A_581 : i32
      %get3A_583 = arith.index_cast %add3A_582 : i32 to index
      %get3A_584 = arith.constant 64 : index
      %get3A_585 = tpu.vector_load %arg15[%get3A_583, %get3A_584] {strides = array<i32>} : memref<160x128xi32, #tpu.memory_space<vmem>>, vector<16xi32>,
      %shift_right_arithmetic3A_586 = arith.constant 4 : i32
      %shift_right_arithmetic3A_587 = vector.broadcast %shift_right_arithmetic3A_586 : i32 to vector<16xi32>
      %shift_right_arithmetic3A_588 = arith.shrsi %get3A_585, %shift_right_arithmetic3A_587 : vector<16xi32>
      %and3A_589 = arith.constant 15 : i32
      %and3A_590 = vector.broadcast %and3A_589 : i32 to vector<16xi32>
      %and3A_591 = arith.andi %get3A_585, %and3A_590 : vector<16xi32>
      tpu.vector_store_idx %arg17[%shift_right_arithmetic3A_588, %and3A_591], %broadcast_in_dim3A_24 {add = true} : memref<640x16xf32, #tpu.memory_space<vmem>>[vector<16xi32>, vector<16xi32>], vector<16xf32>,
      %add3A_592 = arith.constant 0 : i32
      %add3A_593 = arith.addi %mul3A_138, %add3A_592 : i32
      %get3A_594 = arith.index_cast %add3A_593 : i32 to index
      %get3A_595 = arith.constant 80 : index
      %get3A_596 = tpu.vector_load %arg15[%get3A_594, %get3A_595] {strides = array<i32>} : memref<160x128xi32, #tpu.memory_space<vmem>>, vector<16xi32>,
      %shift_right_arithmetic3A_597 = arith.constant 4 : i32
      %shift_right_arithmetic3A_598 = vector.broadcast %shift_right_arithmetic3A_597 : i32 to vector<16xi32>
      %shift_right_arithmetic3A_599 = arith.shrsi %get3A_596, %shift_right_arithmetic3A_598 : vector<16xi32>
      %and3A_600 = arith.constant 15 : i32
      %and3A_601 = vector.broadcast %and3A_600 : i32 to vector<16xi32>
      %and3A_602 = arith.andi %get3A_596, %and3A_601 : vector<16xi32>
      tpu.vector_store_idx %arg17[%shift_right_arithmetic3A_599, %and3A_602], %broadcast_in_dim3A_24 {add = true} : memref<640x16xf32, #tpu.memory_space<vmem>>[vector<16xi32>, vector<16xi32>], vector<16xf32>,
      %add3A_603 = arith.constant 0 : i32
      %add3A_604 = arith.addi %mul3A_138, %add3A_603 : i32
      %get3A_605 = arith.index_cast %add3A_604 : i32 to index
      %get3A_606 = arith.constant 96 : index
      %get3A_607 = tpu.vector_load %arg15[%get3A_605, %get3A_606] {strides = array<i32>} : memref<160x128xi32, #tpu.memory_space<vmem>>, vector<16xi32>,
      %shift_right_arithmetic3A_608 = arith.constant 4 : i32
      %shift_right_arithmetic3A_609 = vector.broadcast %shift_right_arithmetic3A_608 : i32 to vector<16xi32>
      %shift_right_arithmetic3A_610 = arith.shrsi %get3A_607, %shift_right_arithmetic3A_609 : vector<16xi32>
      %and3A_611 = arith.constant 15 : i32
      %and3A_612 = vector.broadcast %and3A_611 : i32 to vector<16xi32>
      %and3A_613 = arith.andi %get3A_607, %and3A_612 : vector<16xi32>
      tpu.vector_store_idx %arg17[%shift_right_arithmetic3A_610, %and3A_613], %broadcast_in_dim3A_24 {add = true} : memref<640x16xf32, #tpu.memory_space<vmem>>[vector<16xi32>, vector<16xi32>], vector<16xf32>,
      %add3A_614 = arith.constant 0 : i32
      %add3A_615 = arith.addi %mul3A_138, %add3A_614 : i32
      %get3A_616 = arith.index_cast %add3A_615 : i32 to index
      %get3A_617 = arith.constant 112 : index
      %get3A_618 = tpu.vector_load %arg15[%get3A_616, %get3A_617] {strides = array<i32>} : memref<160x128xi32, #tpu.memory_space<vmem>>, vector<16xi32>,
      %shift_right_arithmetic3A_619 = arith.constant 4 : i32
      %shift_right_arithmetic3A_620 = vector.broadcast %shift_right_arithmetic3A_619 : i32 to vector<16xi32>
      %shift_right_arithmetic3A_621 = arith.shrsi %get3A_618, %shift_right_arithmetic3A_620 : vector<16xi32>
      %and3A_622 = arith.constant 15 : i32
      %and3A_623 = vector.broadcast %and3A_622 : i32 to vector<16xi32>
      %and3A_624 = arith.andi %get3A_618, %and3A_623 : vector<16xi32>
      tpu.vector_store_idx %arg17[%shift_right_arithmetic3A_621, %and3A_624], %broadcast_in_dim3A_24 {add = true} : memref<640x16xf32, #tpu.memory_space<vmem>>[vector<16xi32>, vector<16xi32>], vector<16xf32>,
      %add3A_625 = arith.constant 1 : i32
      %add3A_626 = arith.addi %mul3A_138, %add3A_625 : i32
      %get3A_627 = arith.index_cast %add3A_626 : i32 to index
      %get3A_628 = arith.constant 0 : index
      %get3A_629 = tpu.vector_load %arg15[%get3A_627, %get3A_628] {strides = array<i32>} : memref<160x128xi32, #tpu.memory_space<vmem>>, vector<16xi32>,
      %shift_right_arithmetic3A_630 = arith.constant 4 : i32
      %shift_right_arithmetic3A_631 = vector.broadcast %shift_right_arithmetic3A_630 : i32 to vector<16xi32>
      %shift_right_arithmetic3A_632 = arith.shrsi %get3A_629, %shift_right_arithmetic3A_631 : vector<16xi32>
      %and3A_633 = arith.constant 15 : i32
      %and3A_634 = vector.broadcast %and3A_633 : i32 to vector<16xi32>
      %and3A_635 = arith.andi %get3A_629, %and3A_634 : vector<16xi32>
      tpu.vector_store_idx %arg17[%shift_right_arithmetic3A_632, %and3A_635], %broadcast_in_dim3A_24 {add = true} : memref<640x16xf32, #tpu.memory_space<vmem>>[vector<16xi32>, vector<16xi32>], vector<16xf32>,
      %add3A_636 = arith.constant 1 : i32
      %add3A_637 = arith.addi %mul3A_138, %add3A_636 : i32
      %get3A_638 = arith.index_cast %add3A_637 : i32 to index
      %get3A_639 = arith.constant 16 : index
      %get3A_640 = tpu.vector_load %arg15[%get3A_638, %get3A_639] {strides = array<i32>} : memref<160x128xi32, #tpu.memory_space<vmem>>, vector<16xi32>,
      %shift_right_arithmetic3A_641 = arith.constant 4 : i32
      %shift_right_arithmetic3A_642 = vector.broadcast %shift_right_arithmetic3A_641 : i32 to vector<16xi32>
      %shift_right_arithmetic3A_643 = arith.shrsi %get3A_640, %shift_right_arithmetic3A_642 : vector<16xi32>
      %and3A_644 = arith.constant 15 : i32
      %and3A_645 = vector.broadcast %and3A_644 : i32 to vector<16xi32>
      %and3A_646 = arith.andi %get3A_640, %and3A_645 : vector<16xi32>
      tpu.vector_store_idx %arg17[%shift_right_arithmetic3A_643, %and3A_646], %broadcast_in_dim3A_24 {add = true} : memref<640x16xf32, #tpu.memory_space<vmem>>[vector<16xi32>, vector<16xi32>], vector<16xf32>,
      %add3A_647 = arith.constant 1 : i32
      %add3A_648 = arith.addi %mul3A_138, %add3A_647 : i32
      %get3A_649 = arith.index_cast %add3A_648 : i32 to index
      %get3A_650 = arith.constant 32 : index
      %get3A_651 = tpu.vector_load %arg15[%get3A_649, %get3A_650] {strides = array<i32>} : memref<160x128xi32, #tpu.memory_space<vmem>>, vector<16xi32>,
      %shift_right_arithmetic3A_652 = arith.constant 4 : i32
      %shift_right_arithmetic3A_653 = vector.broadcast %shift_right_arithmetic3A_652 : i32 to vector<16xi32>
      %shift_right_arithmetic3A_654 = arith.shrsi %get3A_651, %shift_right_arithmetic3A_653 : vector<16xi32>
      %and3A_655 = arith.constant 15 : i32
      %and3A_656 = vector.broadcast %and3A_655 : i32 to vector<16xi32>
      %and3A_657 = arith.andi %get3A_651, %and3A_656 : vector<16xi32>
      tpu.vector_store_idx %arg17[%shift_right_arithmetic3A_654, %and3A_657], %broadcast_in_dim3A_24 {add = true} : memref<640x16xf32, #tpu.memory_space<vmem>>[vector<16xi32>, vector<16xi32>], vector<16xf32>,
      %add3A_658 = arith.constant 1 : i32
      %add3A_659 = arith.addi %mul3A_138, %add3A_658 : i32
      %get3A_660 = arith.index_cast %add3A_659 : i32 to index
      %get3A_661 = arith.constant 48 : index
      %get3A_662 = tpu.vector_load %arg15[%get3A_660, %get3A_661] {strides = array<i32>} : memref<160x128xi32, #tpu.memory_space<vmem>>, vector<16xi32>,
      %shift_right_arithmetic3A_663 = arith.constant 4 : i32
      %shift_right_arithmetic3A_664 = vector.broadcast %shift_right_arithmetic3A_663 : i32 to vector<16xi32>
      %shift_right_arithmetic3A_665 = arith.shrsi %get3A_662, %shift_right_arithmetic3A_664 : vector<16xi32>
      %and3A_666 = arith.constant 15 : i32
      %and3A_667 = vector.broadcast %and3A_666 : i32 to vector<16xi32>
      %and3A_668 = arith.andi %get3A_662, %and3A_667 : vector<16xi32>
      tpu.vector_store_idx %arg17[%shift_right_arithmetic3A_665, %and3A_668], %broadcast_in_dim3A_24 {add = true} : memref<640x16xf32, #tpu.memory_space<vmem>>[vector<16xi32>, vector<16xi32>], vector<16xf32>,
      %add3A_669 = arith.constant 1 : i32
      %add3A_670 = arith.addi %mul3A_138, %add3A_669 : i32
      %get3A_671 = arith.index_cast %add3A_670 : i32 to index
      %get3A_672 = arith.constant 64 : index
      %get3A_673 = tpu.vector_load %arg15[%get3A_671, %get3A_672] {strides = array<i32>} : memref<160x128xi32, #tpu.memory_space<vmem>>, vector<16xi32>,
      %shift_right_arithmetic3A_674 = arith.constant 4 : i32
      %shift_right_arithmetic3A_675 = vector.broadcast %shift_right_arithmetic3A_674 : i32 to vector<16xi32>
      %shift_right_arithmetic3A_676 = arith.shrsi %get3A_673, %shift_right_arithmetic3A_675 : vector<16xi32>
      %and3A_677 = arith.constant 15 : i32
      %and3A_678 = vector.broadcast %and3A_677 : i32 to vector<16xi32>
      %and3A_679 = arith.andi %get3A_673, %and3A_678 : vector<16xi32>
      tpu.vector_store_idx %arg17[%shift_right_arithmetic3A_676, %and3A_679], %broadcast_in_dim3A_24 {add = true} : memref<640x16xf32, #tpu.memory_space<vmem>>[vector<16xi32>, vector<16xi32>], vector<16xf32>,
      %add3A_680 = arith.constant 1 : i32
      %add3A_681 = arith.addi %mul3A_138, %add3A_680 : i32
      %get3A_682 = arith.index_cast %add3A_681 : i32 to index
      %get3A_683 = arith.constant 80 : index
      %get3A_684 = tpu.vector_load %arg15[%get3A_682, %get3A_683] {strides = array<i32>} : memref<160x128xi32, #tpu.memory_space<vmem>>, vector<16xi32>,
      %shift_right_arithmetic3A_685 = arith.constant 4 : i32
      %shift_right_arithmetic3A_686 = vector.broadcast %shift_right_arithmetic3A_685 : i32 to vector<16xi32>
      %shift_right_arithmetic3A_687 = arith.shrsi %get3A_684, %shift_right_arithmetic3A_686 : vector<16xi32>
      %and3A_688 = arith.constant 15 : i32
      %and3A_689 = vector.broadcast %and3A_688 : i32 to vector<16xi32>
      %and3A_690 = arith.andi %get3A_684, %and3A_689 : vector<16xi32>
      tpu.vector_store_idx %arg17[%shift_right_arithmetic3A_687, %and3A_690], %broadcast_in_dim3A_24 {add = true} : memref<640x16xf32, #tpu.memory_space<vmem>>[vector<16xi32>, vector<16xi32>], vector<16xf32>,
      %add3A_691 = arith.constant 1 : i32
      %add3A_692 = arith.addi %mul3A_138, %add3A_691 : i32
      %get3A_693 = arith.index_cast %add3A_692 : i32 to index
      %get3A_694 = arith.constant 96 : index
      %get3A_695 = tpu.vector_load %arg15[%get3A_693, %get3A_694] {strides = array<i32>} : memref<160x128xi32, #tpu.memory_space<vmem>>, vector<16xi32>,
      %shift_right_arithmetic3A_696 = arith.constant 4 : i32
      %shift_right_arithmetic3A_697 = vector.broadcast %shift_right_arithmetic3A_696 : i32 to vector<16xi32>
      %shift_right_arithmetic3A_698 = arith.shrsi %get3A_695, %shift_right_arithmetic3A_697 : vector<16xi32>
      %and3A_699 = arith.constant 15 : i32
      %and3A_700 = vector.broadcast %and3A_699 : i32 to vector<16xi32>
      %and3A_701 = arith.andi %get3A_695, %and3A_700 : vector<16xi32>
      tpu.vector_store_idx %arg17[%shift_right_arithmetic3A_698, %and3A_701], %broadcast_in_dim3A_24 {add = true} : memref<640x16xf32, #tpu.memory_space<vmem>>[vector<16xi32>, vector<16xi32>], vector<16xf32>,
      %add3A_702 = arith.constant 1 : i32
      %add3A_703 = arith.addi %mul3A_138, %add3A_702 : i32
      %get3A_704 = arith.index_cast %add3A_703 : i32 to index
      %get3A_705 = arith.constant 112 : index
      %get3A_706 = tpu.vector_load %arg15[%get3A_704, %get3A_705] {strides = array<i32>} : memref<160x128xi32, #tpu.memory_space<vmem>>, vector<16xi32>,
      %shift_right_arithmetic3A_707 = arith.constant 4 : i32
      %shift_right_arithmetic3A_708 = vector.broadcast %shift_right_arithmetic3A_707 : i32 to vector<16xi32>
      %shift_right_arithmetic3A_709 = arith.shrsi %get3A_706, %shift_right_arithmetic3A_708 : vector<16xi32>
      %and3A_710 = arith.constant 15 : i32
      %and3A_711 = vector.broadcast %and3A_710 : i32 to vector<16xi32>
      %and3A_712 = arith.andi %get3A_706, %and3A_711 : vector<16xi32>
      tpu.vector_store_idx %arg17[%shift_right_arithmetic3A_709, %and3A_712], %broadcast_in_dim3A_24 {add = true} : memref<640x16xf32, #tpu.memory_space<vmem>>[vector<16xi32>, vector<16xi32>], vector<16xf32>,
      %add3A_713 = arith.constant 2 : i32
      %add3A_714 = arith.addi %mul3A_138, %add3A_713 : i32
      %get3A_715 = arith.index_cast %add3A_714 : i32 to index
      %get3A_716 = arith.constant 0 : index
      %get3A_717 = tpu.vector_load %arg15[%get3A_715, %get3A_716] {strides = array<i32>} : memref<160x128xi32, #tpu.memory_space<vmem>>, vector<16xi32>,
      %shift_right_arithmetic3A_718 = arith.constant 4 : i32
      %shift_right_arithmetic3A_719 = vector.broadcast %shift_right_arithmetic3A_718 : i32 to vector<16xi32>
      %shift_right_arithmetic3A_720 = arith.shrsi %get3A_717, %shift_right_arithmetic3A_719 : vector<16xi32>
      %and3A_721 = arith.constant 15 : i32
      %and3A_722 = vector.broadcast %and3A_721 : i32 to vector<16xi32>
      %and3A_723 = arith.andi %get3A_717, %and3A_722 : vector<16xi32>
      tpu.vector_store_idx %arg17[%shift_right_arithmetic3A_720, %and3A_723], %broadcast_in_dim3A_24 {add = true} : memref<640x16xf32, #tpu.memory_space<vmem>>[vector<16xi32>, vector<16xi32>], vector<16xf32>,
      %add3A_724 = arith.constant 2 : i32
      %add3A_725 = arith.addi %mul3A_138, %add3A_724 : i32
      %get3A_726 = arith.index_cast %add3A_725 : i32 to index
      %get3A_727 = arith.constant 16 : index
      %get3A_728 = tpu.vector_load %arg15[%get3A_726, %get3A_727] {strides = array<i32>} : memref<160x128xi32, #tpu.memory_space<vmem>>, vector<16xi32>,
      %shift_right_arithmetic3A_729 = arith.constant 4 : i32
      %shift_right_arithmetic3A_730 = vector.broadcast %shift_right_arithmetic3A_729 : i32 to vector<16xi32>
      %shift_right_arithmetic3A_731 = arith.shrsi %get3A_728, %shift_right_arithmetic3A_730 : vector<16xi32>
      %and3A_732 = arith.constant 15 : i32
      %and3A_733 = vector.broadcast %and3A_732 : i32 to vector<16xi32>
      %and3A_734 = arith.andi %get3A_728, %and3A_733 : vector<16xi32>
      tpu.vector_store_idx %arg17[%shift_right_arithmetic3A_731, %and3A_734], %broadcast_in_dim3A_24 {add = true} : memref<640x16xf32, #tpu.memory_space<vmem>>[vector<16xi32>, vector<16xi32>], vector<16xf32>,
      %add3A_735 = arith.constant 2 : i32
      %add3A_736 = arith.addi %mul3A_138, %add3A_735 : i32
      %get3A_737 = arith.index_cast %add3A_736 : i32 to index
      %get3A_738 = arith.constant 32 : index
      %get3A_739 = tpu.vector_load %arg15[%get3A_737, %get3A_738] {strides = array<i32>} : memref<160x128xi32, #tpu.memory_space<vmem>>, vector<16xi32>,
      %shift_right_arithmetic3A_740 = arith.constant 4 : i32
      %shift_right_arithmetic3A_741 = vector.broadcast %shift_right_arithmetic3A_740 : i32 to vector<16xi32>
      %shift_right_arithmetic3A_742 = arith.shrsi %get3A_739, %shift_right_arithmetic3A_741 : vector<16xi32>
      %and3A_743 = arith.constant 15 : i32
      %and3A_744 = vector.broadcast %and3A_743 : i32 to vector<16xi32>
      %and3A_745 = arith.andi %get3A_739, %and3A_744 : vector<16xi32>
      tpu.vector_store_idx %arg17[%shift_right_arithmetic3A_742, %and3A_745], %broadcast_in_dim3A_24 {add = true} : memref<640x16xf32, #tpu.memory_space<vmem>>[vector<16xi32>, vector<16xi32>], vector<16xf32>,
      %add3A_746 = arith.constant 2 : i32
      %add3A_747 = arith.addi %mul3A_138, %add3A_746 : i32
      %get3A_748 = arith.index_cast %add3A_747 : i32 to index
      %get3A_749 = arith.constant 48 : index
      %get3A_750 = tpu.vector_load %arg15[%get3A_748, %get3A_749] {strides = array<i32>} : memref<160x128xi32, #tpu.memory_space<vmem>>, vector<16xi32>,
      %shift_right_arithmetic3A_751 = arith.constant 4 : i32
      %shift_right_arithmetic3A_752 = vector.broadcast %shift_right_arithmetic3A_751 : i32 to vector<16xi32>
      %shift_right_arithmetic3A_753 = arith.shrsi %get3A_750, %shift_right_arithmetic3A_752 : vector<16xi32>
      %and3A_754 = arith.constant 15 : i32
      %and3A_755 = vector.broadcast %and3A_754 : i32 to vector<16xi32>
      %and3A_756 = arith.andi %get3A_750, %and3A_755 : vector<16xi32>
      tpu.vector_store_idx %arg17[%shift_right_arithmetic3A_753, %and3A_756], %broadcast_in_dim3A_24 {add = true} : memref<640x16xf32, #tpu.memory_space<vmem>>[vector<16xi32>, vector<16xi32>], vector<16xf32>,
      %add3A_757 = arith.constant 2 : i32
      %add3A_758 = arith.addi %mul3A_138, %add3A_757 : i32
      %get3A_759 = arith.index_cast %add3A_758 : i32 to index
      %get3A_760 = arith.constant 64 : index
      %get3A_761 = tpu.vector_load %arg15[%get3A_759, %get3A_760] {strides = array<i32>} : memref<160x128xi32, #tpu.memory_space<vmem>>, vector<16xi32>,
      %shift_right_arithmetic3A_762 = arith.constant 4 : i32
      %shift_right_arithmetic3A_763 = vector.broadcast %shift_right_arithmetic3A_762 : i32 to vector<16xi32>
      %shift_right_arithmetic3A_764 = arith.shrsi %get3A_761, %shift_right_arithmetic3A_763 : vector<16xi32>
      %and3A_765 = arith.constant 15 : i32
      %and3A_766 = vector.broadcast %and3A_765 : i32 to vector<16xi32>
      %and3A_767 = arith.andi %get3A_761, %and3A_766 : vector<16xi32>
      tpu.vector_store_idx %arg17[%shift_right_arithmetic3A_764, %and3A_767], %broadcast_in_dim3A_24 {add = true} : memref<640x16xf32, #tpu.memory_space<vmem>>[vector<16xi32>, vector<16xi32>], vector<16xf32>,
      %add3A_768 = arith.constant 2 : i32
      %add3A_769 = arith.addi %mul3A_138, %add3A_768 : i32
      %get3A_770 = arith.index_cast %add3A_769 : i32 to index
      %get3A_771 = arith.constant 80 : index
      %get3A_772 = tpu.vector_load %arg15[%get3A_770, %get3A_771] {strides = array<i32>} : memref<160x128xi32, #tpu.memory_space<vmem>>, vector<16xi32>,
      %shift_right_arithmetic3A_773 = arith.constant 4 : i32
      %shift_right_arithmetic3A_774 = vector.broadcast %shift_right_arithmetic3A_773 : i32 to vector<16xi32>
      %shift_right_arithmetic3A_775 = arith.shrsi %get3A_772, %shift_right_arithmetic3A_774 : vector<16xi32>
      %and3A_776 = arith.constant 15 : i32
      %and3A_777 = vector.broadcast %and3A_776 : i32 to vector<16xi32>
      %and3A_778 = arith.andi %get3A_772, %and3A_777 : vector<16xi32>
      tpu.vector_store_idx %arg17[%shift_right_arithmetic3A_775, %and3A_778], %broadcast_in_dim3A_24 {add = true} : memref<640x16xf32, #tpu.memory_space<vmem>>[vector<16xi32>, vector<16xi32>], vector<16xf32>,
      %add3A_779 = arith.constant 2 : i32
      %add3A_780 = arith.addi %mul3A_138, %add3A_779 : i32
      %get3A_781 = arith.index_cast %add3A_780 : i32 to index
      %get3A_782 = arith.constant 96 : index
      %get3A_783 = tpu.vector_load %arg15[%get3A_781, %get3A_782] {strides = array<i32>} : memref<160x128xi32, #tpu.memory_space<vmem>>, vector<16xi32>,
      %shift_right_arithmetic3A_784 = arith.constant 4 : i32
      %shift_right_arithmetic3A_785 = vector.broadcast %shift_right_arithmetic3A_784 : i32 to vector<16xi32>
      %shift_right_arithmetic3A_786 = arith.shrsi %get3A_783, %shift_right_arithmetic3A_785 : vector<16xi32>
      %and3A_787 = arith.constant 15 : i32
      %and3A_788 = vector.broadcast %and3A_787 : i32 to vector<16xi32>
      %and3A_789 = arith.andi %get3A_783, %and3A_788 : vector<16xi32>
      tpu.vector_store_idx %arg17[%shift_right_arithmetic3A_786, %and3A_789], %broadcast_in_dim3A_24 {add = true} : memref<640x16xf32, #tpu.memory_space<vmem>>[vector<16xi32>, vector<16xi32>], vector<16xf32>,
      %add3A_790 = arith.constant 2 : i32
      %add3A_791 = arith.addi %mul3A_138, %add3A_790 : i32
      %get3A_792 = arith.index_cast %add3A_791 : i32 to index
      %get3A_793 = arith.constant 112 : index
      %get3A_794 = tpu.vector_load %arg15[%get3A_792, %get3A_793] {strides = array<i32>} : memref<160x128xi32, #tpu.memory_space<vmem>>, vector<16xi32>,
      %shift_right_arithmetic3A_795 = arith.constant 4 : i32
      %shift_right_arithmetic3A_796 = vector.broadcast %shift_right_arithmetic3A_795 : i32 to vector<16xi32>
      %shift_right_arithmetic3A_797 = arith.shrsi %get3A_794, %shift_right_arithmetic3A_796 : vector<16xi32>
      %and3A_798 = arith.constant 15 : i32
      %and3A_799 = vector.broadcast %and3A_798 : i32 to vector<16xi32>
      %and3A_800 = arith.andi %get3A_794, %and3A_799 : vector<16xi32>
      tpu.vector_store_idx %arg17[%shift_right_arithmetic3A_797, %and3A_800], %broadcast_in_dim3A_24 {add = true} : memref<640x16xf32, #tpu.memory_space<vmem>>[vector<16xi32>, vector<16xi32>], vector<16xf32>,
      %add3A_801 = arith.constant 3 : i32
      %add3A_802 = arith.addi %mul3A_138, %add3A_801 : i32
      %get3A_803 = arith.index_cast %add3A_802 : i32 to index
      %get3A_804 = arith.constant 0 : index
      %get3A_805 = tpu.vector_load %arg15[%get3A_803, %get3A_804] {strides = array<i32>} : memref<160x128xi32, #tpu.memory_space<vmem>>, vector<16xi32>,
      %shift_right_arithmetic3A_806 = arith.constant 4 : i32
      %shift_right_arithmetic3A_807 = vector.broadcast %shift_right_arithmetic3A_806 : i32 to vector<16xi32>
      %shift_right_arithmetic3A_808 = arith.shrsi %get3A_805, %shift_right_arithmetic3A_807 : vector<16xi32>
      %and3A_809 = arith.constant 15 : i32
      %and3A_810 = vector.broadcast %and3A_809 : i32 to vector<16xi32>
      %and3A_811 = arith.andi %get3A_805, %and3A_810 : vector<16xi32>
      tpu.vector_store_idx %arg17[%shift_right_arithmetic3A_808, %and3A_811], %broadcast_in_dim3A_24 {add = true} : memref<640x16xf32, #tpu.memory_space<vmem>>[vector<16xi32>, vector<16xi32>], vector<16xf32>,
      %add3A_812 = arith.constant 3 : i32
      %add3A_813 = arith.addi %mul3A_138, %add3A_812 : i32
      %get3A_814 = arith.index_cast %add3A_813 : i32 to index
      %get3A_815 = arith.constant 16 : index
      %get3A_816 = tpu.vector_load %arg15[%get3A_814, %get3A_815] {strides = array<i32>} : memref<160x128xi32, #tpu.memory_space<vmem>>, vector<16xi32>,
      %shift_right_arithmetic3A_817 = arith.constant 4 : i32
      %shift_right_arithmetic3A_818 = vector.broadcast %shift_right_arithmetic3A_817 : i32 to vector<16xi32>
      %shift_right_arithmetic3A_819 = arith.shrsi %get3A_816, %shift_right_arithmetic3A_818 : vector<16xi32>
      %and3A_820 = arith.constant 15 : i32
      %and3A_821 = vector.broadcast %and3A_820 : i32 to vector<16xi32>
      %and3A_822 = arith.andi %get3A_816, %and3A_821 : vector<16xi32>
      tpu.vector_store_idx %arg17[%shift_right_arithmetic3A_819, %and3A_822], %broadcast_in_dim3A_24 {add = true} : memref<640x16xf32, #tpu.memory_space<vmem>>[vector<16xi32>, vector<16xi32>], vector<16xf32>,
      %add3A_823 = arith.constant 3 : i32
      %add3A_824 = arith.addi %mul3A_138, %add3A_823 : i32
      %get3A_825 = arith.index_cast %add3A_824 : i32 to index
      %get3A_826 = arith.constant 32 : index
      %get3A_827 = tpu.vector_load %arg15[%get3A_825, %get3A_826] {strides = array<i32>} : memref<160x128xi32, #tpu.memory_space<vmem>>, vector<16xi32>,
      %shift_right_arithmetic3A_828 = arith.constant 4 : i32
      %shift_right_arithmetic3A_829 = vector.broadcast %shift_right_arithmetic3A_828 : i32 to vector<16xi32>
      %shift_right_arithmetic3A_830 = arith.shrsi %get3A_827, %shift_right_arithmetic3A_829 : vector<16xi32>
      %and3A_831 = arith.constant 15 : i32
      %and3A_832 = vector.broadcast %and3A_831 : i32 to vector<16xi32>
      %and3A_833 = arith.andi %get3A_827, %and3A_832 : vector<16xi32>
      tpu.vector_store_idx %arg17[%shift_right_arithmetic3A_830, %and3A_833], %broadcast_in_dim3A_24 {add = true} : memref<640x16xf32, #tpu.memory_space<vmem>>[vector<16xi32>, vector<16xi32>], vector<16xf32>,
      %add3A_834 = arith.constant 3 : i32
      %add3A_835 = arith.addi %mul3A_138, %add3A_834 : i32
      %get3A_836 = arith.index_cast %add3A_835 : i32 to index
      %get3A_837 = arith.constant 48 : index
      %get3A_838 = tpu.vector_load %arg15[%get3A_836, %get3A_837] {strides = array<i32>} : memref<160x128xi32, #tpu.memory_space<vmem>>, vector<16xi32>,
      %shift_right_arithmetic3A_839 = arith.constant 4 : i32
      %shift_right_arithmetic3A_840 = vector.broadcast %shift_right_arithmetic3A_839 : i32 to vector<16xi32>
      %shift_right_arithmetic3A_841 = arith.shrsi %get3A_838, %shift_right_arithmetic3A_840 : vector<16xi32>
      %and3A_842 = arith.constant 15 : i32
      %and3A_843 = vector.broadcast %and3A_842 : i32 to vector<16xi32>
      %and3A_844 = arith.andi %get3A_838, %and3A_843 : vector<16xi32>
      tpu.vector_store_idx %arg17[%shift_right_arithmetic3A_841, %and3A_844], %broadcast_in_dim3A_24 {add = true} : memref<640x16xf32, #tpu.memory_space<vmem>>[vector<16xi32>, vector<16xi32>], vector<16xf32>,
      %add3A_845 = arith.constant 3 : i32
      %add3A_846 = arith.addi %mul3A_138, %add3A_845 : i32
      %get3A_847 = arith.index_cast %add3A_846 : i32 to index
      %get3A_848 = arith.constant 64 : index
      %get3A_849 = tpu.vector_load %arg15[%get3A_847, %get3A_848] {strides = array<i32>} : memref<160x128xi32, #tpu.memory_space<vmem>>, vector<16xi32>,
      %shift_right_arithmetic3A_850 = arith.constant 4 : i32
      %shift_right_arithmetic3A_851 = vector.broadcast %shift_right_arithmetic3A_850 : i32 to vector<16xi32>
      %shift_right_arithmetic3A_852 = arith.shrsi %get3A_849, %shift_right_arithmetic3A_851 : vector<16xi32>
      %and3A_853 = arith.constant 15 : i32
      %and3A_854 = vector.broadcast %and3A_853 : i32 to vector<16xi32>
      %and3A_855 = arith.andi %get3A_849, %and3A_854 : vector<16xi32>
      tpu.vector_store_idx %arg17[%shift_right_arithmetic3A_852, %and3A_855], %broadcast_in_dim3A_24 {add = true} : memref<640x16xf32, #tpu.memory_space<vmem>>[vector<16xi32>, vector<16xi32>], vector<16xf32>,
      %add3A_856 = arith.constant 3 : i32
      %add3A_857 = arith.addi %mul3A_138, %add3A_856 : i32
      %get3A_858 = arith.index_cast %add3A_857 : i32 to index
      %get3A_859 = arith.constant 80 : index
      %get3A_860 = tpu.vector_load %arg15[%get3A_858, %get3A_859] {strides = array<i32>} : memref<160x128xi32, #tpu.memory_space<vmem>>, vector<16xi32>,
      %shift_right_arithmetic3A_861 = arith.constant 4 : i32
      %shift_right_arithmetic3A_862 = vector.broadcast %shift_right_arithmetic3A_861 : i32 to vector<16xi32>
      %shift_right_arithmetic3A_863 = arith.shrsi %get3A_860, %shift_right_arithmetic3A_862 : vector<16xi32>
      %and3A_864 = arith.constant 15 : i32
      %and3A_865 = vector.broadcast %and3A_864 : i32 to vector<16xi32>
      %and3A_866 = arith.andi %get3A_860, %and3A_865 : vector<16xi32>
      tpu.vector_store_idx %arg17[%shift_right_arithmetic3A_863, %and3A_866], %broadcast_in_dim3A_24 {add = true} : memref<640x16xf32, #tpu.memory_space<vmem>>[vector<16xi32>, vector<16xi32>], vector<16xf32>,
      %add3A_867 = arith.constant 3 : i32
      %add3A_868 = arith.addi %mul3A_138, %add3A_867 : i32
      %get3A_869 = arith.index_cast %add3A_868 : i32 to index
      %get3A_870 = arith.constant 96 : index
      %get3A_871 = tpu.vector_load %arg15[%get3A_869, %get3A_870] {strides = array<i32>} : memref<160x128xi32, #tpu.memory_space<vmem>>, vector<16xi32>,
      %shift_right_arithmetic3A_872 = arith.constant 4 : i32
      %shift_right_arithmetic3A_873 = vector.broadcast %shift_right_arithmetic3A_872 : i32 to vector<16xi32>
      %shift_right_arithmetic3A_874 = arith.shrsi %get3A_871, %shift_right_arithmetic3A_873 : vector<16xi32>
      %and3A_875 = arith.constant 15 : i32
      %and3A_876 = vector.broadcast %and3A_875 : i32 to vector<16xi32>
      %and3A_877 = arith.andi %get3A_871, %and3A_876 : vector<16xi32>
      tpu.vector_store_idx %arg17[%shift_right_arithmetic3A_874, %and3A_877], %broadcast_in_dim3A_24 {add = true} : memref<640x16xf32, #tpu.memory_space<vmem>>[vector<16xi32>, vector<16xi32>], vector<16xf32>,
      %add3A_878 = arith.constant 3 : i32
      %add3A_879 = arith.addi %mul3A_138, %add3A_878 : i32
      %get3A_880 = arith.index_cast %add3A_879 : i32 to index
      %get3A_881 = arith.constant 112 : index
      %get3A_882 = tpu.vector_load %arg15[%get3A_880, %get3A_881] {strides = array<i32>} : memref<160x128xi32, #tpu.memory_space<vmem>>, vector<16xi32>,
      %shift_right_arithmetic3A_883 = arith.constant 4 : i32
      %shift_right_arithmetic3A_884 = vector.broadcast %shift_right_arithmetic3A_883 : i32 to vector<16xi32>
      %shift_right_arithmetic3A_885 = arith.shrsi %get3A_882, %shift_right_arithmetic3A_884 : vector<16xi32>
      %and3A_886 = arith.constant 15 : i32
      %and3A_887 = vector.broadcast %and3A_886 : i32 to vector<16xi32>
      %and3A_888 = arith.andi %get3A_882, %and3A_887 : vector<16xi32>
      tpu.vector_store_idx %arg17[%shift_right_arithmetic3A_885, %and3A_888], %broadcast_in_dim3A_24 {add = true} : memref<640x16xf32, #tpu.memory_space<vmem>>[vector<16xi32>, vector<16xi32>], vector<16xf32>,
      %add3A_889 = arith.constant 4 : i32
      %add3A_890 = arith.addi %mul3A_138, %add3A_889 : i32
      %get3A_891 = arith.index_cast %add3A_890 : i32 to index
      %get3A_892 = arith.constant 0 : index
      %get3A_893 = tpu.vector_load %arg15[%get3A_891, %get3A_892] {strides = array<i32>} : memref<160x128xi32, #tpu.memory_space<vmem>>, vector<16xi32>,
      %shift_right_arithmetic3A_894 = arith.constant 4 : i32
      %shift_right_arithmetic3A_895 = vector.broadcast %shift_right_arithmetic3A_894 : i32 to vector<16xi32>
      %shift_right_arithmetic3A_896 = arith.shrsi %get3A_893, %shift_right_arithmetic3A_895 : vector<16xi32>
      %and3A_897 = arith.constant 15 : i32
      %and3A_898 = vector.broadcast %and3A_897 : i32 to vector<16xi32>
      %and3A_899 = arith.andi %get3A_893, %and3A_898 : vector<16xi32>
      tpu.vector_store_idx %arg17[%shift_right_arithmetic3A_896, %and3A_899], %broadcast_in_dim3A_24 {add = true} : memref<640x16xf32, #tpu.memory_space<vmem>>[vector<16xi32>, vector<16xi32>], vector<16xf32>,
      %add3A_900 = arith.constant 4 : i32
      %add3A_901 = arith.addi %mul3A_138, %add3A_900 : i32
      %get3A_902 = arith.index_cast %add3A_901 : i32 to index
      %get3A_903 = arith.constant 16 : index
      %get3A_904 = tpu.vector_load %arg15[%get3A_902, %get3A_903] {strides = array<i32>} : memref<160x128xi32, #tpu.memory_space<vmem>>, vector<16xi32>,
      %shift_right_arithmetic3A_905 = arith.constant 4 : i32
      %shift_right_arithmetic3A_906 = vector.broadcast %shift_right_arithmetic3A_905 : i32 to vector<16xi32>
      %shift_right_arithmetic3A_907 = arith.shrsi %get3A_904, %shift_right_arithmetic3A_906 : vector<16xi32>
      %and3A_908 = arith.constant 15 : i32
      %and3A_909 = vector.broadcast %and3A_908 : i32 to vector<16xi32>
      %and3A_910 = arith.andi %get3A_904, %and3A_909 : vector<16xi32>
      tpu.vector_store_idx %arg17[%shift_right_arithmetic3A_907, %and3A_910], %broadcast_in_dim3A_24 {add = true} : memref<640x16xf32, #tpu.memory_space<vmem>>[vector<16xi32>, vector<16xi32>], vector<16xf32>,
      %add3A_911 = arith.constant 4 : i32
      %add3A_912 = arith.addi %mul3A_138, %add3A_911 : i32
      %get3A_913 = arith.index_cast %add3A_912 : i32 to index
      %get3A_914 = arith.constant 32 : index
      %get3A_915 = tpu.vector_load %arg15[%get3A_913, %get3A_914] {strides = array<i32>} : memref<160x128xi32, #tpu.memory_space<vmem>>, vector<16xi32>,
      %shift_right_arithmetic3A_916 = arith.constant 4 : i32
      %shift_right_arithmetic3A_917 = vector.broadcast %shift_right_arithmetic3A_916 : i32 to vector<16xi32>
      %shift_right_arithmetic3A_918 = arith.shrsi %get3A_915, %shift_right_arithmetic3A_917 : vector<16xi32>
      %and3A_919 = arith.constant 15 : i32
      %and3A_920 = vector.broadcast %and3A_919 : i32 to vector<16xi32>
      %and3A_921 = arith.andi %get3A_915, %and3A_920 : vector<16xi32>
      tpu.vector_store_idx %arg17[%shift_right_arithmetic3A_918, %and3A_921], %broadcast_in_dim3A_24 {add = true} : memref<640x16xf32, #tpu.memory_space<vmem>>[vector<16xi32>, vector<16xi32>], vector<16xf32>,
      %add3A_922 = arith.constant 4 : i32
      %add3A_923 = arith.addi %mul3A_138, %add3A_922 : i32
      %get3A_924 = arith.index_cast %add3A_923 : i32 to index
      %get3A_925 = arith.constant 48 : index
      %get3A_926 = tpu.vector_load %arg15[%get3A_924, %get3A_925] {strides = array<i32>} : memref<160x128xi32, #tpu.memory_space<vmem>>, vector<16xi32>,
      %shift_right_arithmetic3A_927 = arith.constant 4 : i32
      %shift_right_arithmetic3A_928 = vector.broadcast %shift_right_arithmetic3A_927 : i32 to vector<16xi32>
      %shift_right_arithmetic3A_929 = arith.shrsi %get3A_926, %shift_right_arithmetic3A_928 : vector<16xi32>
      %and3A_930 = arith.constant 15 : i32
      %and3A_931 = vector.broadcast %and3A_930 : i32 to vector<16xi32>
      %and3A_932 = arith.andi %get3A_926, %and3A_931 : vector<16xi32>
      tpu.vector_store_idx %arg17[%shift_right_arithmetic3A_929, %and3A_932], %broadcast_in_dim3A_24 {add = true} : memref<640x16xf32, #tpu.memory_space<vmem>>[vector<16xi32>, vector<16xi32>], vector<16xf32>,
      %add3A_933 = arith.constant 4 : i32
      %add3A_934 = arith.addi %mul3A_138, %add3A_933 : i32
      %get3A_935 = arith.index_cast %add3A_934 : i32 to index
      %get3A_936 = arith.constant 64 : index
      %get3A_937 = tpu.vector_load %arg15[%get3A_935, %get3A_936] {strides = array<i32>} : memref<160x128xi32, #tpu.memory_space<vmem>>, vector<16xi32>,
      %shift_right_arithmetic3A_938 = arith.constant 4 : i32
      %shift_right_arithmetic3A_939 = vector.broadcast %shift_right_arithmetic3A_938 : i32 to vector<16xi32>
      %shift_right_arithmetic3A_940 = arith.shrsi %get3A_937, %shift_right_arithmetic3A_939 : vector<16xi32>
      %and3A_941 = arith.constant 15 : i32
      %and3A_942 = vector.broadcast %and3A_941 : i32 to vector<16xi32>
      %and3A_943 = arith.andi %get3A_937, %and3A_942 : vector<16xi32>
      tpu.vector_store_idx %arg17[%shift_right_arithmetic3A_940, %and3A_943], %broadcast_in_dim3A_24 {add = true} : memref<640x16xf32, #tpu.memory_space<vmem>>[vector<16xi32>, vector<16xi32>], vector<16xf32>,
      %add3A_944 = arith.constant 4 : i32
      %add3A_945 = arith.addi %mul3A_138, %add3A_944 : i32
      %get3A_946 = arith.index_cast %add3A_945 : i32 to index
      %get3A_947 = arith.constant 80 : index
      %get3A_948 = tpu.vector_load %arg15[%get3A_946, %get3A_947] {strides = array<i32>} : memref<160x128xi32, #tpu.memory_space<vmem>>, vector<16xi32>,
      %shift_right_arithmetic3A_949 = arith.constant 4 : i32
      %shift_right_arithmetic3A_950 = vector.broadcast %shift_right_arithmetic3A_949 : i32 to vector<16xi32>
      %shift_right_arithmetic3A_951 = arith.shrsi %get3A_948, %shift_right_arithmetic3A_950 : vector<16xi32>
      %and3A_952 = arith.constant 15 : i32
      %and3A_953 = vector.broadcast %and3A_952 : i32 to vector<16xi32>
      %and3A_954 = arith.andi %get3A_948, %and3A_953 : vector<16xi32>
      tpu.vector_store_idx %arg17[%shift_right_arithmetic3A_951, %and3A_954], %broadcast_in_dim3A_24 {add = true} : memref<640x16xf32, #tpu.memory_space<vmem>>[vector<16xi32>, vector<16xi32>], vector<16xf32>,
      %add3A_955 = arith.constant 4 : i32
      %add3A_956 = arith.addi %mul3A_138, %add3A_955 : i32
      %get3A_957 = arith.index_cast %add3A_956 : i32 to index
      %get3A_958 = arith.constant 96 : index
      %get3A_959 = tpu.vector_load %arg15[%get3A_957, %get3A_958] {strides = array<i32>} : memref<160x128xi32, #tpu.memory_space<vmem>>, vector<16xi32>,
      %shift_right_arithmetic3A_960 = arith.constant 4 : i32
      %shift_right_arithmetic3A_961 = vector.broadcast %shift_right_arithmetic3A_960 : i32 to vector<16xi32>
      %shift_right_arithmetic3A_962 = arith.shrsi %get3A_959, %shift_right_arithmetic3A_961 : vector<16xi32>
      %and3A_963 = arith.constant 15 : i32
      %and3A_964 = vector.broadcast %and3A_963 : i32 to vector<16xi32>
      %and3A_965 = arith.andi %get3A_959, %and3A_964 : vector<16xi32>
      tpu.vector_store_idx %arg17[%shift_right_arithmetic3A_962, %and3A_965], %broadcast_in_dim3A_24 {add = true} : memref<640x16xf32, #tpu.memory_space<vmem>>[vector<16xi32>, vector<16xi32>], vector<16xf32>,
      %add3A_966 = arith.constant 4 : i32
      %add3A_967 = arith.addi %mul3A_138, %add3A_966 : i32
      %get3A_968 = arith.index_cast %add3A_967 : i32 to index
      %get3A_969 = arith.constant 112 : index
      %get3A_970 = tpu.vector_load %arg15[%get3A_968, %get3A_969] {strides = array<i32>} : memref<160x128xi32, #tpu.memory_space<vmem>>, vector<16xi32>,
      %shift_right_arithmetic3A_971 = arith.constant 4 : i32
      %shift_right_arithmetic3A_972 = vector.broadcast %shift_right_arithmetic3A_971 : i32 to vector<16xi32>
      %shift_right_arithmetic3A_973 = arith.shrsi %get3A_970, %shift_right_arithmetic3A_972 : vector<16xi32>
      %and3A_974 = arith.constant 15 : i32
      %and3A_975 = vector.broadcast %and3A_974 : i32 to vector<16xi32>
      %and3A_976 = arith.andi %get3A_970, %and3A_975 : vector<16xi32>
      tpu.vector_store_idx %arg17[%shift_right_arithmetic3A_973, %and3A_976], %broadcast_in_dim3A_24 {add = true} : memref<640x16xf32, #tpu.memory_space<vmem>>[vector<16xi32>, vector<16xi32>], vector<16xf32>,
      %add3A_977 = arith.constant 5 : i32
      %add3A_978 = arith.addi %mul3A_138, %add3A_977 : i32
      %get3A_979 = arith.index_cast %add3A_978 : i32 to index
      %get3A_980 = arith.constant 0 : index
      %get3A_981 = tpu.vector_load %arg15[%get3A_979, %get3A_980] {strides = array<i32>} : memref<160x128xi32, #tpu.memory_space<vmem>>, vector<16xi32>,
      %shift_right_arithmetic3A_982 = arith.constant 4 : i32
      %shift_right_arithmetic3A_983 = vector.broadcast %shift_right_arithmetic3A_982 : i32 to vector<16xi32>
      %shift_right_arithmetic3A_984 = arith.shrsi %get3A_981, %shift_right_arithmetic3A_983 : vector<16xi32>
      %and3A_985 = arith.constant 15 : i32
      %and3A_986 = vector.broadcast %and3A_985 : i32 to vector<16xi32>
      %and3A_987 = arith.andi %get3A_981, %and3A_986 : vector<16xi32>
      tpu.vector_store_idx %arg17[%shift_right_arithmetic3A_984, %and3A_987], %broadcast_in_dim3A_24 {add = true} : memref<640x16xf32, #tpu.memory_space<vmem>>[vector<16xi32>, vector<16xi32>], vector<16xf32>,
      %add3A_988 = arith.constant 5 : i32
      %add3A_989 = arith.addi %mul3A_138, %add3A_988 : i32
      %get3A_990 = arith.index_cast %add3A_989 : i32 to index
      %get3A_991 = arith.constant 16 : index
      %get3A_992 = tpu.vector_load %arg15[%get3A_990, %get3A_991] {strides = array<i32>} : memref<160x128xi32, #tpu.memory_space<vmem>>, vector<16xi32>,
      %shift_right_arithmetic3A_993 = arith.constant 4 : i32
      %shift_right_arithmetic3A_994 = vector.broadcast %shift_right_arithmetic3A_993 : i32 to vector<16xi32>
      %shift_right_arithmetic3A_995 = arith.shrsi %get3A_992, %shift_right_arithmetic3A_994 : vector<16xi32>
      %and3A_996 = arith.constant 15 : i32
      %and3A_997 = vector.broadcast %and3A_996 : i32 to vector<16xi32>
      %and3A_998 = arith.andi %get3A_992, %and3A_997 : vector<16xi32>
      tpu.vector_store_idx %arg17[%shift_right_arithmetic3A_995, %and3A_998], %broadcast_in_dim3A_24 {add = true} : memref<640x16xf32, #tpu.memory_space<vmem>>[vector<16xi32>, vector<16xi32>], vector<16xf32>,
      %add3A_999 = arith.constant 5 : i32
      %add3A_1000 = arith.addi %mul3A_138, %add3A_999 : i32
      %get3A_1001 = arith.index_cast %add3A_1000 : i32 to index
      %get3A_1002 = arith.constant 32 : index
      %get3A_1003 = tpu.vector_load %arg15[%get3A_1001, %get3A_1002] {strides = array<i32>} : memref<160x128xi32, #tpu.memory_space<vmem>>, vector<16xi32>,
      %shift_right_arithmetic3A_1004 = arith.constant 4 : i32
      %shift_right_arithmetic3A_1005 = vector.broadcast %shift_right_arithmetic3A_1004 : i32 to vector<16xi32>
      %shift_right_arithmetic3A_1006 = arith.shrsi %get3A_1003, %shift_right_arithmetic3A_1005 : vector<16xi32>
      %and3A_1007 = arith.constant 15 : i32
      %and3A_1008 = vector.broadcast %and3A_1007 : i32 to vector<16xi32>
      %and3A_1009 = arith.andi %get3A_1003, %and3A_1008 : vector<16xi32>
      tpu.vector_store_idx %arg17[%shift_right_arithmetic3A_1006, %and3A_1009], %broadcast_in_dim3A_24 {add = true} : memref<640x16xf32, #tpu.memory_space<vmem>>[vector<16xi32>, vector<16xi32>], vector<16xf32>,
      %add3A_1010 = arith.constant 5 : i32
      %add3A_1011 = arith.addi %mul3A_138, %add3A_1010 : i32
      %get3A_1012 = arith.index_cast %add3A_1011 : i32 to index
      %get3A_1013 = arith.constant 48 : index
      %get3A_1014 = tpu.vector_load %arg15[%get3A_1012, %get3A_1013] {strides = array<i32>} : memref<160x128xi32, #tpu.memory_space<vmem>>, vector<16xi32>,
      %shift_right_arithmetic3A_1015 = arith.constant 4 : i32
      %shift_right_arithmetic3A_1016 = vector.broadcast %shift_right_arithmetic3A_1015 : i32 to vector<16xi32>
      %shift_right_arithmetic3A_1017 = arith.shrsi %get3A_1014, %shift_right_arithmetic3A_1016 : vector<16xi32>
      %and3A_1018 = arith.constant 15 : i32
      %and3A_1019 = vector.broadcast %and3A_1018 : i32 to vector<16xi32>
      %and3A_1020 = arith.andi %get3A_1014, %and3A_1019 : vector<16xi32>
      tpu.vector_store_idx %arg17[%shift_right_arithmetic3A_1017, %and3A_1020], %broadcast_in_dim3A_24 {add = true} : memref<640x16xf32, #tpu.memory_space<vmem>>[vector<16xi32>, vector<16xi32>], vector<16xf32>,
      %add3A_1021 = arith.constant 5 : i32
      %add3A_1022 = arith.addi %mul3A_138, %add3A_1021 : i32
      %get3A_1023 = arith.index_cast %add3A_1022 : i32 to index
      %get3A_1024 = arith.constant 64 : index
      %get3A_1025 = tpu.vector_load %arg15[%get3A_1023, %get3A_1024] {strides = array<i32>} : memref<160x128xi32, #tpu.memory_space<vmem>>, vector<16xi32>,
      %shift_right_arithmetic3A_1026 = arith.constant 4 : i32
      %shift_right_arithmetic3A_1027 = vector.broadcast %shift_right_arithmetic3A_1026 : i32 to vector<16xi32>
      %shift_right_arithmetic3A_1028 = arith.shrsi %get3A_1025, %shift_right_arithmetic3A_1027 : vector<16xi32>
      %and3A_1029 = arith.constant 15 : i32
      %and3A_1030 = vector.broadcast %and3A_1029 : i32 to vector<16xi32>
      %and3A_1031 = arith.andi %get3A_1025, %and3A_1030 : vector<16xi32>
      tpu.vector_store_idx %arg17[%shift_right_arithmetic3A_1028, %and3A_1031], %broadcast_in_dim3A_24 {add = true} : memref<640x16xf32, #tpu.memory_space<vmem>>[vector<16xi32>, vector<16xi32>], vector<16xf32>,
      %add3A_1032 = arith.constant 5 : i32
      %add3A_1033 = arith.addi %mul3A_138, %add3A_1032 : i32
      %get3A_1034 = arith.index_cast %add3A_1033 : i32 to index
      %get3A_1035 = arith.constant 80 : index
      %get3A_1036 = tpu.vector_load %arg15[%get3A_1034, %get3A_1035] {strides = array<i32>} : memref<160x128xi32, #tpu.memory_space<vmem>>, vector<16xi32>,
      %shift_right_arithmetic3A_1037 = arith.constant 4 : i32
      %shift_right_arithmetic3A_1038 = vector.broadcast %shift_right_arithmetic3A_1037 : i32 to vector<16xi32>
      %shift_right_arithmetic3A_1039 = arith.shrsi %get3A_1036, %shift_right_arithmetic3A_1038 : vector<16xi32>
      %and3A_1040 = arith.constant 15 : i32
      %and3A_1041 = vector.broadcast %and3A_1040 : i32 to vector<16xi32>
      %and3A_1042 = arith.andi %get3A_1036, %and3A_1041 : vector<16xi32>
      tpu.vector_store_idx %arg17[%shift_right_arithmetic3A_1039, %and3A_1042], %broadcast_in_dim3A_24 {add = true} : memref<640x16xf32, #tpu.memory_space<vmem>>[vector<16xi32>, vector<16xi32>], vector<16xf32>,
      %add3A_1043 = arith.constant 5 : i32
      %add3A_1044 = arith.addi %mul3A_138, %add3A_1043 : i32
      %get3A_1045 = arith.index_cast %add3A_1044 : i32 to index
      %get3A_1046 = arith.constant 96 : index
      %get3A_1047 = tpu.vector_load %arg15[%get3A_1045, %get3A_1046] {strides = array<i32>} : memref<160x128xi32, #tpu.memory_space<vmem>>, vector<16xi32>,
      %shift_right_arithmetic3A_1048 = arith.constant 4 : i32
      %shift_right_arithmetic3A_1049 = vector.broadcast %shift_right_arithmetic3A_1048 : i32 to vector<16xi32>
      %shift_right_arithmetic3A_1050 = arith.shrsi %get3A_1047, %shift_right_arithmetic3A_1049 : vector<16xi32>
      %and3A_1051 = arith.constant 15 : i32
      %and3A_1052 = vector.broadcast %and3A_1051 : i32 to vector<16xi32>
      %and3A_1053 = arith.andi %get3A_1047, %and3A_1052 : vector<16xi32>
      tpu.vector_store_idx %arg17[%shift_right_arithmetic3A_1050, %and3A_1053], %broadcast_in_dim3A_24 {add = true} : memref<640x16xf32, #tpu.memory_space<vmem>>[vector<16xi32>, vector<16xi32>], vector<16xf32>,
      %add3A_1054 = arith.constant 5 : i32
      %add3A_1055 = arith.addi %mul3A_138, %add3A_1054 : i32
      %get3A_1056 = arith.index_cast %add3A_1055 : i32 to index
      %get3A_1057 = arith.constant 112 : index
      %get3A_1058 = tpu.vector_load %arg15[%get3A_1056, %get3A_1057] {strides = array<i32>} : memref<160x128xi32, #tpu.memory_space<vmem>>, vector<16xi32>,
      %shift_right_arithmetic3A_1059 = arith.constant 4 : i32
      %shift_right_arithmetic3A_1060 = vector.broadcast %shift_right_arithmetic3A_1059 : i32 to vector<16xi32>
      %shift_right_arithmetic3A_1061 = arith.shrsi %get3A_1058, %shift_right_arithmetic3A_1060 : vector<16xi32>
      %and3A_1062 = arith.constant 15 : i32
      %and3A_1063 = vector.broadcast %and3A_1062 : i32 to vector<16xi32>
      %and3A_1064 = arith.andi %get3A_1058, %and3A_1063 : vector<16xi32>
      tpu.vector_store_idx %arg17[%shift_right_arithmetic3A_1061, %and3A_1064], %broadcast_in_dim3A_24 {add = true} : memref<640x16xf32, #tpu.memory_space<vmem>>[vector<16xi32>, vector<16xi32>], vector<16xf32>,
      %add3A_1065 = arith.constant 6 : i32
      %add3A_1066 = arith.addi %mul3A_138, %add3A_1065 : i32
      %get3A_1067 = arith.index_cast %add3A_1066 : i32 to index
      %get3A_1068 = arith.constant 0 : index
      %get3A_1069 = tpu.vector_load %arg15[%get3A_1067, %get3A_1068] {strides = array<i32>} : memref<160x128xi32, #tpu.memory_space<vmem>>, vector<16xi32>,
      %shift_right_arithmetic3A_1070 = arith.constant 4 : i32
      %shift_right_arithmetic3A_1071 = vector.broadcast %shift_right_arithmetic3A_1070 : i32 to vector<16xi32>
      %shift_right_arithmetic3A_1072 = arith.shrsi %get3A_1069, %shift_right_arithmetic3A_1071 : vector<16xi32>
      %and3A_1073 = arith.constant 15 : i32
      %and3A_1074 = vector.broadcast %and3A_1073 : i32 to vector<16xi32>
      %and3A_1075 = arith.andi %get3A_1069, %and3A_1074 : vector<16xi32>
      tpu.vector_store_idx %arg17[%shift_right_arithmetic3A_1072, %and3A_1075], %broadcast_in_dim3A_24 {add = true} : memref<640x16xf32, #tpu.memory_space<vmem>>[vector<16xi32>, vector<16xi32>], vector<16xf32>,
      %add3A_1076 = arith.constant 6 : i32
      %add3A_1077 = arith.addi %mul3A_138, %add3A_1076 : i32
      %get3A_1078 = arith.index_cast %add3A_1077 : i32 to index
      %get3A_1079 = arith.constant 16 : index
      %get3A_1080 = tpu.vector_load %arg15[%get3A_1078, %get3A_1079] {strides = array<i32>} : memref<160x128xi32, #tpu.memory_space<vmem>>, vector<16xi32>,
      %shift_right_arithmetic3A_1081 = arith.constant 4 : i32
      %shift_right_arithmetic3A_1082 = vector.broadcast %shift_right_arithmetic3A_1081 : i32 to vector<16xi32>
      %shift_right_arithmetic3A_1083 = arith.shrsi %get3A_1080, %shift_right_arithmetic3A_1082 : vector<16xi32>
      %and3A_1084 = arith.constant 15 : i32
      %and3A_1085 = vector.broadcast %and3A_1084 : i32 to vector<16xi32>
      %and3A_1086 = arith.andi %get3A_1080, %and3A_1085 : vector<16xi32>
      tpu.vector_store_idx %arg17[%shift_right_arithmetic3A_1083, %and3A_1086], %broadcast_in_dim3A_24 {add = true} : memref<640x16xf32, #tpu.memory_space<vmem>>[vector<16xi32>, vector<16xi32>], vector<16xf32>,
      %add3A_1087 = arith.constant 6 : i32
      %add3A_1088 = arith.addi %mul3A_138, %add3A_1087 : i32
      %get3A_1089 = arith.index_cast %add3A_1088 : i32 to index
      %get3A_1090 = arith.constant 32 : index
      %get3A_1091 = tpu.vector_load %arg15[%get3A_1089, %get3A_1090] {strides = array<i32>} : memref<160x128xi32, #tpu.memory_space<vmem>>, vector<16xi32>,
      %shift_right_arithmetic3A_1092 = arith.constant 4 : i32
      %shift_right_arithmetic3A_1093 = vector.broadcast %shift_right_arithmetic3A_1092 : i32 to vector<16xi32>
      %shift_right_arithmetic3A_1094 = arith.shrsi %get3A_1091, %shift_right_arithmetic3A_1093 : vector<16xi32>
      %and3A_1095 = arith.constant 15 : i32
      %and3A_1096 = vector.broadcast %and3A_1095 : i32 to vector<16xi32>
      %and3A_1097 = arith.andi %get3A_1091, %and3A_1096 : vector<16xi32>
      tpu.vector_store_idx %arg17[%shift_right_arithmetic3A_1094, %and3A_1097], %broadcast_in_dim3A_24 {add = true} : memref<640x16xf32, #tpu.memory_space<vmem>>[vector<16xi32>, vector<16xi32>], vector<16xf32>,
      %add3A_1098 = arith.constant 6 : i32
      %add3A_1099 = arith.addi %mul3A_138, %add3A_1098 : i32
      %get3A_1100 = arith.index_cast %add3A_1099 : i32 to index
      %get3A_1101 = arith.constant 48 : index
      %get3A_1102 = tpu.vector_load %arg15[%get3A_1100, %get3A_1101] {strides = array<i32>} : memref<160x128xi32, #tpu.memory_space<vmem>>, vector<16xi32>,
      %shift_right_arithmetic3A_1103 = arith.constant 4 : i32
      %shift_right_arithmetic3A_1104 = vector.broadcast %shift_right_arithmetic3A_1103 : i32 to vector<16xi32>
      %shift_right_arithmetic3A_1105 = arith.shrsi %get3A_1102, %shift_right_arithmetic3A_1104 : vector<16xi32>
      %and3A_1106 = arith.constant 15 : i32
      %and3A_1107 = vector.broadcast %and3A_1106 : i32 to vector<16xi32>
      %and3A_1108 = arith.andi %get3A_1102, %and3A_1107 : vector<16xi32>
      tpu.vector_store_idx %arg17[%shift_right_arithmetic3A_1105, %and3A_1108], %broadcast_in_dim3A_24 {add = true} : memref<640x16xf32, #tpu.memory_space<vmem>>[vector<16xi32>, vector<16xi32>], vector<16xf32>,
      %add3A_1109 = arith.constant 6 : i32
      %add3A_1110 = arith.addi %mul3A_138, %add3A_1109 : i32
      %get3A_1111 = arith.index_cast %add3A_1110 : i32 to index
      %get3A_1112 = arith.constant 64 : index
      %get3A_1113 = tpu.vector_load %arg15[%get3A_1111, %get3A_1112] {strides = array<i32>} : memref<160x128xi32, #tpu.memory_space<vmem>>, vector<16xi32>,
      %shift_right_arithmetic3A_1114 = arith.constant 4 : i32
      %shift_right_arithmetic3A_1115 = vector.broadcast %shift_right_arithmetic3A_1114 : i32 to vector<16xi32>
      %shift_right_arithmetic3A_1116 = arith.shrsi %get3A_1113, %shift_right_arithmetic3A_1115 : vector<16xi32>
      %and3A_1117 = arith.constant 15 : i32
      %and3A_1118 = vector.broadcast %and3A_1117 : i32 to vector<16xi32>
      %and3A_1119 = arith.andi %get3A_1113, %and3A_1118 : vector<16xi32>
      tpu.vector_store_idx %arg17[%shift_right_arithmetic3A_1116, %and3A_1119], %broadcast_in_dim3A_24 {add = true} : memref<640x16xf32, #tpu.memory_space<vmem>>[vector<16xi32>, vector<16xi32>], vector<16xf32>,
      %add3A_1120 = arith.constant 6 : i32
      %add3A_1121 = arith.addi %mul3A_138, %add3A_1120 : i32
      %get3A_1122 = arith.index_cast %add3A_1121 : i32 to index
      %get3A_1123 = arith.constant 80 : index
      %get3A_1124 = tpu.vector_load %arg15[%get3A_1122, %get3A_1123] {strides = array<i32>} : memref<160x128xi32, #tpu.memory_space<vmem>>, vector<16xi32>,
      %shift_right_arithmetic3A_1125 = arith.constant 4 : i32
      %shift_right_arithmetic3A_1126 = vector.broadcast %shift_right_arithmetic3A_1125 : i32 to vector<16xi32>
      %shift_right_arithmetic3A_1127 = arith.shrsi %get3A_1124, %shift_right_arithmetic3A_1126 : vector<16xi32>
      %and3A_1128 = arith.constant 15 : i32
      %and3A_1129 = vector.broadcast %and3A_1128 : i32 to vector<16xi32>
      %and3A_1130 = arith.andi %get3A_1124, %and3A_1129 : vector<16xi32>
      tpu.vector_store_idx %arg17[%shift_right_arithmetic3A_1127, %and3A_1130], %broadcast_in_dim3A_24 {add = true} : memref<640x16xf32, #tpu.memory_space<vmem>>[vector<16xi32>, vector<16xi32>], vector<16xf32>,
      %add3A_1131 = arith.constant 6 : i32
      %add3A_1132 = arith.addi %mul3A_138, %add3A_1131 : i32
      %get3A_1133 = arith.index_cast %add3A_1132 : i32 to index
      %get3A_1134 = arith.constant 96 : index
      %get3A_1135 = tpu.vector_load %arg15[%get3A_1133, %get3A_1134] {strides = array<i32>} : memref<160x128xi32, #tpu.memory_space<vmem>>, vector<16xi32>,
      %shift_right_arithmetic3A_1136 = arith.constant 4 : i32
      %shift_right_arithmetic3A_1137 = vector.broadcast %shift_right_arithmetic3A_1136 : i32 to vector<16xi32>
      %shift_right_arithmetic3A_1138 = arith.shrsi %get3A_1135, %shift_right_arithmetic3A_1137 : vector<16xi32>
      %and3A_1139 = arith.constant 15 : i32
      %and3A_1140 = vector.broadcast %and3A_1139 : i32 to vector<16xi32>
      %and3A_1141 = arith.andi %get3A_1135, %and3A_1140 : vector<16xi32>
      tpu.vector_store_idx %arg17[%shift_right_arithmetic3A_1138, %and3A_1141], %broadcast_in_dim3A_24 {add = true} : memref<640x16xf32, #tpu.memory_space<vmem>>[vector<16xi32>, vector<16xi32>], vector<16xf32>,
      %add3A_1142 = arith.constant 6 : i32
      %add3A_1143 = arith.addi %mul3A_138, %add3A_1142 : i32
      %get3A_1144 = arith.index_cast %add3A_1143 : i32 to index
      %get3A_1145 = arith.constant 112 : index
      %get3A_1146 = tpu.vector_load %arg15[%get3A_1144, %get3A_1145] {strides = array<i32>} : memref<160x128xi32, #tpu.memory_space<vmem>>, vector<16xi32>,
      %shift_right_arithmetic3A_1147 = arith.constant 4 : i32
      %shift_right_arithmetic3A_1148 = vector.broadcast %shift_right_arithmetic3A_1147 : i32 to vector<16xi32>
      %shift_right_arithmetic3A_1149 = arith.shrsi %get3A_1146, %shift_right_arithmetic3A_1148 : vector<16xi32>
      %and3A_1150 = arith.constant 15 : i32
      %and3A_1151 = vector.broadcast %and3A_1150 : i32 to vector<16xi32>
      %and3A_1152 = arith.andi %get3A_1146, %and3A_1151 : vector<16xi32>
      tpu.vector_store_idx %arg17[%shift_right_arithmetic3A_1149, %and3A_1152], %broadcast_in_dim3A_24 {add = true} : memref<640x16xf32, #tpu.memory_space<vmem>>[vector<16xi32>, vector<16xi32>], vector<16xf32>,
      %add3A_1153 = arith.constant 7 : i32
      %add3A_1154 = arith.addi %mul3A_138, %add3A_1153 : i32
      %get3A_1155 = arith.index_cast %add3A_1154 : i32 to index
      %get3A_1156 = arith.constant 0 : index
      %get3A_1157 = tpu.vector_load %arg15[%get3A_1155, %get3A_1156] {strides = array<i32>} : memref<160x128xi32, #tpu.memory_space<vmem>>, vector<16xi32>,
      %shift_right_arithmetic3A_1158 = arith.constant 4 : i32
      %shift_right_arithmetic3A_1159 = vector.broadcast %shift_right_arithmetic3A_1158 : i32 to vector<16xi32>
      %shift_right_arithmetic3A_1160 = arith.shrsi %get3A_1157, %shift_right_arithmetic3A_1159 : vector<16xi32>
      %and3A_1161 = arith.constant 15 : i32
      %and3A_1162 = vector.broadcast %and3A_1161 : i32 to vector<16xi32>
      %and3A_1163 = arith.andi %get3A_1157, %and3A_1162 : vector<16xi32>
      tpu.vector_store_idx %arg17[%shift_right_arithmetic3A_1160, %and3A_1163], %broadcast_in_dim3A_24 {add = true} : memref<640x16xf32, #tpu.memory_space<vmem>>[vector<16xi32>, vector<16xi32>], vector<16xf32>,
      %add3A_1164 = arith.constant 7 : i32
      %add3A_1165 = arith.addi %mul3A_138, %add3A_1164 : i32
      %get3A_1166 = arith.index_cast %add3A_1165 : i32 to index
      %get3A_1167 = arith.constant 16 : index
      %get3A_1168 = tpu.vector_load %arg15[%get3A_1166, %get3A_1167] {strides = array<i32>} : memref<160x128xi32, #tpu.memory_space<vmem>>, vector<16xi32>,
      %shift_right_arithmetic3A_1169 = arith.constant 4 : i32
      %shift_right_arithmetic3A_1170 = vector.broadcast %shift_right_arithmetic3A_1169 : i32 to vector<16xi32>
      %shift_right_arithmetic3A_1171 = arith.shrsi %get3A_1168, %shift_right_arithmetic3A_1170 : vector<16xi32>
      %and3A_1172 = arith.constant 15 : i32
      %and3A_1173 = vector.broadcast %and3A_1172 : i32 to vector<16xi32>
      %and3A_1174 = arith.andi %get3A_1168, %and3A_1173 : vector<16xi32>
      tpu.vector_store_idx %arg17[%shift_right_arithmetic3A_1171, %and3A_1174], %broadcast_in_dim3A_24 {add = true} : memref<640x16xf32, #tpu.memory_space<vmem>>[vector<16xi32>, vector<16xi32>], vector<16xf32>,
      %add3A_1175 = arith.constant 7 : i32
      %add3A_1176 = arith.addi %mul3A_138, %add3A_1175 : i32
      %get3A_1177 = arith.index_cast %add3A_1176 : i32 to index
      %get3A_1178 = arith.constant 32 : index
      %get3A_1179 = tpu.vector_load %arg15[%get3A_1177, %get3A_1178] {strides = array<i32>} : memref<160x128xi32, #tpu.memory_space<vmem>>, vector<16xi32>,
      %shift_right_arithmetic3A_1180 = arith.constant 4 : i32
      %shift_right_arithmetic3A_1181 = vector.broadcast %shift_right_arithmetic3A_1180 : i32 to vector<16xi32>
      %shift_right_arithmetic3A_1182 = arith.shrsi %get3A_1179, %shift_right_arithmetic3A_1181 : vector<16xi32>
      %and3A_1183 = arith.constant 15 : i32
      %and3A_1184 = vector.broadcast %and3A_1183 : i32 to vector<16xi32>
      %and3A_1185 = arith.andi %get3A_1179, %and3A_1184 : vector<16xi32>
      tpu.vector_store_idx %arg17[%shift_right_arithmetic3A_1182, %and3A_1185], %broadcast_in_dim3A_24 {add = true} : memref<640x16xf32, #tpu.memory_space<vmem>>[vector<16xi32>, vector<16xi32>], vector<16xf32>,
      %add3A_1186 = arith.constant 7 : i32
      %add3A_1187 = arith.addi %mul3A_138, %add3A_1186 : i32
      %get3A_1188 = arith.index_cast %add3A_1187 : i32 to index
      %get3A_1189 = arith.constant 48 : index
      %get3A_1190 = tpu.vector_load %arg15[%get3A_1188, %get3A_1189] {strides = array<i32>} : memref<160x128xi32, #tpu.memory_space<vmem>>, vector<16xi32>,
      %shift_right_arithmetic3A_1191 = arith.constant 4 : i32
      %shift_right_arithmetic3A_1192 = vector.broadcast %shift_right_arithmetic3A_1191 : i32 to vector<16xi32>
      %shift_right_arithmetic3A_1193 = arith.shrsi %get3A_1190, %shift_right_arithmetic3A_1192 : vector<16xi32>
      %and3A_1194 = arith.constant 15 : i32
      %and3A_1195 = vector.broadcast %and3A_1194 : i32 to vector<16xi32>
      %and3A_1196 = arith.andi %get3A_1190, %and3A_1195 : vector<16xi32>
      tpu.vector_store_idx %arg17[%shift_right_arithmetic3A_1193, %and3A_1196], %broadcast_in_dim3A_24 {add = true} : memref<640x16xf32, #tpu.memory_space<vmem>>[vector<16xi32>, vector<16xi32>], vector<16xf32>,
      %add3A_1197 = arith.constant 7 : i32
      %add3A_1198 = arith.addi %mul3A_138, %add3A_1197 : i32
      %get3A_1199 = arith.index_cast %add3A_1198 : i32 to index
      %get3A_1200 = arith.constant 64 : index
      %get3A_1201 = tpu.vector_load %arg15[%get3A_1199, %get3A_1200] {strides = array<i32>} : memref<160x128xi32, #tpu.memory_space<vmem>>, vector<16xi32>,
      %shift_right_arithmetic3A_1202 = arith.constant 4 : i32
      %shift_right_arithmetic3A_1203 = vector.broadcast %shift_right_arithmetic3A_1202 : i32 to vector<16xi32>
      %shift_right_arithmetic3A_1204 = arith.shrsi %get3A_1201, %shift_right_arithmetic3A_1203 : vector<16xi32>
      %and3A_1205 = arith.constant 15 : i32
      %and3A_1206 = vector.broadcast %and3A_1205 : i32 to vector<16xi32>
      %and3A_1207 = arith.andi %get3A_1201, %and3A_1206 : vector<16xi32>
      tpu.vector_store_idx %arg17[%shift_right_arithmetic3A_1204, %and3A_1207], %broadcast_in_dim3A_24 {add = true} : memref<640x16xf32, #tpu.memory_space<vmem>>[vector<16xi32>, vector<16xi32>], vector<16xf32>,
      %add3A_1208 = arith.constant 7 : i32
      %add3A_1209 = arith.addi %mul3A_138, %add3A_1208 : i32
      %get3A_1210 = arith.index_cast %add3A_1209 : i32 to index
      %get3A_1211 = arith.constant 80 : index
      %get3A_1212 = tpu.vector_load %arg15[%get3A_1210, %get3A_1211] {strides = array<i32>} : memref<160x128xi32, #tpu.memory_space<vmem>>, vector<16xi32>,
      %shift_right_arithmetic3A_1213 = arith.constant 4 : i32
      %shift_right_arithmetic3A_1214 = vector.broadcast %shift_right_arithmetic3A_1213 : i32 to vector<16xi32>
      %shift_right_arithmetic3A_1215 = arith.shrsi %get3A_1212, %shift_right_arithmetic3A_1214 : vector<16xi32>
      %and3A_1216 = arith.constant 15 : i32
      %and3A_1217 = vector.broadcast %and3A_1216 : i32 to vector<16xi32>
      %and3A_1218 = arith.andi %get3A_1212, %and3A_1217 : vector<16xi32>
      tpu.vector_store_idx %arg17[%shift_right_arithmetic3A_1215, %and3A_1218], %broadcast_in_dim3A_24 {add = true} : memref<640x16xf32, #tpu.memory_space<vmem>>[vector<16xi32>, vector<16xi32>], vector<16xf32>,
      %add3A_1219 = arith.constant 7 : i32
      %add3A_1220 = arith.addi %mul3A_138, %add3A_1219 : i32
      %get3A_1221 = arith.index_cast %add3A_1220 : i32 to index
      %get3A_1222 = arith.constant 96 : index
      %get3A_1223 = tpu.vector_load %arg15[%get3A_1221, %get3A_1222] {strides = array<i32>} : memref<160x128xi32, #tpu.memory_space<vmem>>, vector<16xi32>,
      %shift_right_arithmetic3A_1224 = arith.constant 4 : i32
      %shift_right_arithmetic3A_1225 = vector.broadcast %shift_right_arithmetic3A_1224 : i32 to vector<16xi32>
      %shift_right_arithmetic3A_1226 = arith.shrsi %get3A_1223, %shift_right_arithmetic3A_1225 : vector<16xi32>
      %and3A_1227 = arith.constant 15 : i32
      %and3A_1228 = vector.broadcast %and3A_1227 : i32 to vector<16xi32>
      %and3A_1229 = arith.andi %get3A_1223, %and3A_1228 : vector<16xi32>
      tpu.vector_store_idx %arg17[%shift_right_arithmetic3A_1226, %and3A_1229], %broadcast_in_dim3A_24 {add = true} : memref<640x16xf32, #tpu.memory_space<vmem>>[vector<16xi32>, vector<16xi32>], vector<16xf32>,
      %add3A_1230 = arith.constant 7 : i32
      %add3A_1231 = arith.addi %mul3A_138, %add3A_1230 : i32
      %get3A_1232 = arith.index_cast %add3A_1231 : i32 to index
      %get3A_1233 = arith.constant 112 : index
      %get3A_1234 = tpu.vector_load %arg15[%get3A_1232, %get3A_1233] {strides = array<i32>} : memref<160x128xi32, #tpu.memory_space<vmem>>, vector<16xi32>,
      %shift_right_arithmetic3A_1235 = arith.constant 4 : i32
      %shift_right_arithmetic3A_1236 = vector.broadcast %shift_right_arithmetic3A_1235 : i32 to vector<16xi32>
      %shift_right_arithmetic3A_1237 = arith.shrsi %get3A_1234, %shift_right_arithmetic3A_1236 : vector<16xi32>
      %and3A_1238 = arith.constant 15 : i32
      %and3A_1239 = vector.broadcast %and3A_1238 : i32 to vector<16xi32>
      %and3A_1240 = arith.andi %get3A_1234, %and3A_1239 : vector<16xi32>
      tpu.vector_store_idx %arg17[%shift_right_arithmetic3A_1237, %and3A_1240], %broadcast_in_dim3A_24 {add = true} : memref<640x16xf32, #tpu.memory_space<vmem>>[vector<16xi32>, vector<16xi32>], vector<16xf32>,
      %dma_wait3A_1241 = arith.constant 0 : i32
      %dma_wait3A_1242 = arith.constant 0 : i32
      %dma_wait3A_1243 = arith.constant 0 : i32
      %dma_wait3A_1244 = tpu.memref_slice %arg16[%dma_wait3A_1241, %dma_wait3A_1242, %dma_wait3A_1243] : memref<16x128x16xf32, #tpu.memory_space<vmem>> -> memref<1x128x16xf32, #tpu.memory_space<vmem>>
      %dma_wait3A_1245 = tpu.memref_squeeze %dma_wait3A_1244 : memref<1x128x16xf32, #tpu.memory_space<vmem>> -> memref<128x16xf32, #tpu.memory_space<vmem>>
      %dma_wait3A_1246 = arith.constant 0 : i32
      %dma_wait3A_1247 = tpu.memref_slice %arg15[%add3A_333, %dma_wait3A_1246] : memref<160x128xi32, #tpu.memory_space<vmem>> -> memref<1x128xi32, #tpu.memory_space<vmem>>
      %dma_wait3A_1248 = tpu.memref_squeeze %dma_wait3A_1247 : memref<1x128xi32, #tpu.memory_space<vmem>> -> memref<128xi32, #tpu.memory_space<vmem>>
      %dma_wait3A_1249 = arith.constant 0 : i32
      %dma_wait3A_1250 = arith.constant 0 : i32
      %dma_wait3A_1251 = tpu.memref_slice %arg11[%dma_wait3A_1249, %dma_wait3A_1250] : memref<10112x16xf32, #tpu.memory_space<vmem_shared>> -> memref<10112x16xf32, #tpu.memory_space<vmem_shared>>
      tpu.wait_indirect_dma semaphore(%arg20 : memref<!tpu.dma_semaphore, #tpu.memory_space<semaphore_mem>>) src(%dma_wait3A_1245 : memref<128x16xf32, #tpu.memory_space<vmem>>) dst(%dma_wait3A_1251 : memref<10112x16xf32, #tpu.memory_space<vmem_shared>>)
      %dma_wait3A_1252 = arith.constant 1 : i32
      %dma_wait3A_1253 = arith.constant 0 : i32
      %dma_wait3A_1254 = arith.constant 0 : i32
      %dma_wait3A_1255 = tpu.memref_slice %arg16[%dma_wait3A_1252, %dma_wait3A_1253, %dma_wait3A_1254] : memref<16x128x16xf32, #tpu.memory_space<vmem>> -> memref<1x128x16xf32, #tpu.memory_space<vmem>>
      %dma_wait3A_1256 = tpu.memref_squeeze %dma_wait3A_1255 : memref<1x128x16xf32, #tpu.memory_space<vmem>> -> memref<128x16xf32, #tpu.memory_space<vmem>>
      %dma_wait3A_1257 = arith.constant 0 : i32
      %dma_wait3A_1258 = tpu.memref_slice %arg15[%add3A_346, %dma_wait3A_1257] : memref<160x128xi32, #tpu.memory_space<vmem>> -> memref<1x128xi32, #tpu.memory_space<vmem>>
      %dma_wait3A_1259 = tpu.memref_squeeze %dma_wait3A_1258 : memref<1x128xi32, #tpu.memory_space<vmem>> -> memref<128xi32, #tpu.memory_space<vmem>>
      %dma_wait3A_1260 = arith.constant 0 : i32
      %dma_wait3A_1261 = arith.constant 0 : i32
      %dma_wait3A_1262 = tpu.memref_slice %arg11[%dma_wait3A_1260, %dma_wait3A_1261] : memref<10112x16xf32, #tpu.memory_space<vmem_shared>> -> memref<10112x16xf32, #tpu.memory_space<vmem_shared>>
      tpu.wait_indirect_dma semaphore(%arg20 : memref<!tpu.dma_semaphore, #tpu.memory_space<semaphore_mem>>) src(%dma_wait3A_1256 : memref<128x16xf32, #tpu.memory_space<vmem>>) dst(%dma_wait3A_1262 : memref<10112x16xf32, #tpu.memory_space<vmem_shared>>)
      %dma_wait3A_1263 = arith.constant 2 : i32
      %dma_wait3A_1264 = arith.constant 0 : i32
      %dma_wait3A_1265 = arith.constant 0 : i32
      %dma_wait3A_1266 = tpu.memref_slice %arg16[%dma_wait3A_1263, %dma_wait3A_1264, %dma_wait3A_1265] : memref<16x128x16xf32, #tpu.memory_space<vmem>> -> memref<1x128x16xf32, #tpu.memory_space<vmem>>
      %dma_wait3A_1267 = tpu.memref_squeeze %dma_wait3A_1266 : memref<1x128x16xf32, #tpu.memory_space<vmem>> -> memref<128x16xf32, #tpu.memory_space<vmem>>
      %dma_wait3A_1268 = arith.constant 0 : i32
      %dma_wait3A_1269 = tpu.memref_slice %arg15[%add3A_359, %dma_wait3A_1268] : memref<160x128xi32, #tpu.memory_space<vmem>> -> memref<1x128xi32, #tpu.memory_space<vmem>>
      %dma_wait3A_1270 = tpu.memref_squeeze %dma_wait3A_1269 : memref<1x128xi32, #tpu.memory_space<vmem>> -> memref<128xi32, #tpu.memory_space<vmem>>
      %dma_wait3A_1271 = arith.constant 0 : i32
      %dma_wait3A_1272 = arith.constant 0 : i32
      %dma_wait3A_1273 = tpu.memref_slice %arg11[%dma_wait3A_1271, %dma_wait3A_1272] : memref<10112x16xf32, #tpu.memory_space<vmem_shared>> -> memref<10112x16xf32, #tpu.memory_space<vmem_shared>>
      tpu.wait_indirect_dma semaphore(%arg20 : memref<!tpu.dma_semaphore, #tpu.memory_space<semaphore_mem>>) src(%dma_wait3A_1267 : memref<128x16xf32, #tpu.memory_space<vmem>>) dst(%dma_wait3A_1273 : memref<10112x16xf32, #tpu.memory_space<vmem_shared>>)
      %dma_wait3A_1274 = arith.constant 3 : i32
      %dma_wait3A_1275 = arith.constant 0 : i32
      %dma_wait3A_1276 = arith.constant 0 : i32
      %dma_wait3A_1277 = tpu.memref_slice %arg16[%dma_wait3A_1274, %dma_wait3A_1275, %dma_wait3A_1276] : memref<16x128x16xf32, #tpu.memory_space<vmem>> -> memref<1x128x16xf32, #tpu.memory_space<vmem>>
      %dma_wait3A_1278 = tpu.memref_squeeze %dma_wait3A_1277 : memref<1x128x16xf32, #tpu.memory_space<vmem>> -> memref<128x16xf32, #tpu.memory_space<vmem>>
      %dma_wait3A_1279 = arith.constant 0 : i32
      %dma_wait3A_1280 = tpu.memref_slice %arg15[%add3A_372, %dma_wait3A_1279] : memref<160x128xi32, #tpu.memory_space<vmem>> -> memref<1x128xi32, #tpu.memory_space<vmem>>
      %dma_wait3A_1281 = tpu.memref_squeeze %dma_wait3A_1280 : memref<1x128xi32, #tpu.memory_space<vmem>> -> memref<128xi32, #tpu.memory_space<vmem>>
      %dma_wait3A_1282 = arith.constant 0 : i32
      %dma_wait3A_1283 = arith.constant 0 : i32
      %dma_wait3A_1284 = tpu.memref_slice %arg11[%dma_wait3A_1282, %dma_wait3A_1283] : memref<10112x16xf32, #tpu.memory_space<vmem_shared>> -> memref<10112x16xf32, #tpu.memory_space<vmem_shared>>
      tpu.wait_indirect_dma semaphore(%arg20 : memref<!tpu.dma_semaphore, #tpu.memory_space<semaphore_mem>>) src(%dma_wait3A_1278 : memref<128x16xf32, #tpu.memory_space<vmem>>) dst(%dma_wait3A_1284 : memref<10112x16xf32, #tpu.memory_space<vmem_shared>>)
      %dma_wait3A_1285 = arith.constant 4 : i32
      %dma_wait3A_1286 = arith.constant 0 : i32
      %dma_wait3A_1287 = arith.constant 0 : i32
      %dma_wait3A_1288 = tpu.memref_slice %arg16[%dma_wait3A_1285, %dma_wait3A_1286, %dma_wait3A_1287] : memref<16x128x16xf32, #tpu.memory_space<vmem>> -> memref<1x128x16xf32, #tpu.memory_space<vmem>>
      %dma_wait3A_1289 = tpu.memref_squeeze %dma_wait3A_1288 : memref<1x128x16xf32, #tpu.memory_space<vmem>> -> memref<128x16xf32, #tpu.memory_space<vmem>>
      %dma_wait3A_1290 = arith.constant 0 : i32
      %dma_wait3A_1291 = tpu.memref_slice %arg15[%add3A_385, %dma_wait3A_1290] : memref<160x128xi32, #tpu.memory_space<vmem>> -> memref<1x128xi32, #tpu.memory_space<vmem>>
      %dma_wait3A_1292 = tpu.memref_squeeze %dma_wait3A_1291 : memref<1x128xi32, #tpu.memory_space<vmem>> -> memref<128xi32, #tpu.memory_space<vmem>>
      %dma_wait3A_1293 = arith.constant 0 : i32
      %dma_wait3A_1294 = arith.constant 0 : i32
      %dma_wait3A_1295 = tpu.memref_slice %arg11[%dma_wait3A_1293, %dma_wait3A_1294] : memref<10112x16xf32, #tpu.memory_space<vmem_shared>> -> memref<10112x16xf32, #tpu.memory_space<vmem_shared>>
      tpu.wait_indirect_dma semaphore(%arg20 : memref<!tpu.dma_semaphore, #tpu.memory_space<semaphore_mem>>) src(%dma_wait3A_1289 : memref<128x16xf32, #tpu.memory_space<vmem>>) dst(%dma_wait3A_1295 : memref<10112x16xf32, #tpu.memory_space<vmem_shared>>)
      %dma_wait3A_1296 = arith.constant 5 : i32
      %dma_wait3A_1297 = arith.constant 0 : i32
      %dma_wait3A_1298 = arith.constant 0 : i32
      %dma_wait3A_1299 = tpu.memref_slice %arg16[%dma_wait3A_1296, %dma_wait3A_1297, %dma_wait3A_1298] : memref<16x128x16xf32, #tpu.memory_space<vmem>> -> memref<1x128x16xf32, #tpu.memory_space<vmem>>
      %dma_wait3A_1300 = tpu.memref_squeeze %dma_wait3A_1299 : memref<1x128x16xf32, #tpu.memory_space<vmem>> -> memref<128x16xf32, #tpu.memory_space<vmem>>
      %dma_wait3A_1301 = arith.constant 0 : i32
      %dma_wait3A_1302 = tpu.memref_slice %arg15[%add3A_398, %dma_wait3A_1301] : memref<160x128xi32, #tpu.memory_space<vmem>> -> memref<1x128xi32, #tpu.memory_space<vmem>>
      %dma_wait3A_1303 = tpu.memref_squeeze %dma_wait3A_1302 : memref<1x128xi32, #tpu.memory_space<vmem>> -> memref<128xi32, #tpu.memory_space<vmem>>
      %dma_wait3A_1304 = arith.constant 0 : i32
      %dma_wait3A_1305 = arith.constant 0 : i32
      %dma_wait3A_1306 = tpu.memref_slice %arg11[%dma_wait3A_1304, %dma_wait3A_1305] : memref<10112x16xf32, #tpu.memory_space<vmem_shared>> -> memref<10112x16xf32, #tpu.memory_space<vmem_shared>>
      tpu.wait_indirect_dma semaphore(%arg20 : memref<!tpu.dma_semaphore, #tpu.memory_space<semaphore_mem>>) src(%dma_wait3A_1300 : memref<128x16xf32, #tpu.memory_space<vmem>>) dst(%dma_wait3A_1306 : memref<10112x16xf32, #tpu.memory_space<vmem_shared>>)
      %dma_wait3A_1307 = arith.constant 6 : i32
      %dma_wait3A_1308 = arith.constant 0 : i32
      %dma_wait3A_1309 = arith.constant 0 : i32
      %dma_wait3A_1310 = tpu.memref_slice %arg16[%dma_wait3A_1307, %dma_wait3A_1308, %dma_wait3A_1309] : memref<16x128x16xf32, #tpu.memory_space<vmem>> -> memref<1x128x16xf32, #tpu.memory_space<vmem>>
      %dma_wait3A_1311 = tpu.memref_squeeze %dma_wait3A_1310 : memref<1x128x16xf32, #tpu.memory_space<vmem>> -> memref<128x16xf32, #tpu.memory_space<vmem>>
      %dma_wait3A_1312 = arith.constant 0 : i32
      %dma_wait3A_1313 = tpu.memref_slice %arg15[%add3A_411, %dma_wait3A_1312] : memref<160x128xi32, #tpu.memory_space<vmem>> -> memref<1x128xi32, #tpu.memory_space<vmem>>
      %dma_wait3A_1314 = tpu.memref_squeeze %dma_wait3A_1313 : memref<1x128xi32, #tpu.memory_space<vmem>> -> memref<128xi32, #tpu.memory_space<vmem>>
      %dma_wait3A_1315 = arith.constant 0 : i32
      %dma_wait3A_1316 = arith.constant 0 : i32
      %dma_wait3A_1317 = tpu.memref_slice %arg11[%dma_wait3A_1315, %dma_wait3A_1316] : memref<10112x16xf32, #tpu.memory_space<vmem_shared>> -> memref<10112x16xf32, #tpu.memory_space<vmem_shared>>
      tpu.wait_indirect_dma semaphore(%arg20 : memref<!tpu.dma_semaphore, #tpu.memory_space<semaphore_mem>>) src(%dma_wait3A_1311 : memref<128x16xf32, #tpu.memory_space<vmem>>) dst(%dma_wait3A_1317 : memref<10112x16xf32, #tpu.memory_space<vmem_shared>>)
      %dma_wait3A_1318 = arith.constant 7 : i32
      %dma_wait3A_1319 = arith.constant 0 : i32
      %dma_wait3A_1320 = arith.constant 0 : i32
      %dma_wait3A_1321 = tpu.memref_slice %arg16[%dma_wait3A_1318, %dma_wait3A_1319, %dma_wait3A_1320] : memref<16x128x16xf32, #tpu.memory_space<vmem>> -> memref<1x128x16xf32, #tpu.memory_space<vmem>>
      %dma_wait3A_1322 = tpu.memref_squeeze %dma_wait3A_1321 : memref<1x128x16xf32, #tpu.memory_space<vmem>> -> memref<128x16xf32, #tpu.memory_space<vmem>>
      %dma_wait3A_1323 = arith.constant 0 : i32
      %dma_wait3A_1324 = tpu.memref_slice %arg15[%add3A_424, %dma_wait3A_1323] : memref<160x128xi32, #tpu.memory_space<vmem>> -> memref<1x128xi32, #tpu.memory_space<vmem>>
      %dma_wait3A_1325 = tpu.memref_squeeze %dma_wait3A_1324 : memref<1x128xi32, #tpu.memory_space<vmem>> -> memref<128xi32, #tpu.memory_space<vmem>>
      %dma_wait3A_1326 = arith.constant 0 : i32
      %dma_wait3A_1327 = arith.constant 0 : i32
      %dma_wait3A_1328 = tpu.memref_slice %arg11[%dma_wait3A_1326, %dma_wait3A_1327] : memref<10112x16xf32, #tpu.memory_space<vmem_shared>> -> memref<10112x16xf32, #tpu.memory_space<vmem_shared>>
      tpu.wait_indirect_dma semaphore(%arg20 : memref<!tpu.dma_semaphore, #tpu.memory_space<semaphore_mem>>) src(%dma_wait3A_1322 : memref<128x16xf32, #tpu.memory_space<vmem>>) dst(%dma_wait3A_1328 : memref<10112x16xf32, #tpu.memory_space<vmem_shared>>)
      %dma_wait3A_1329 = arith.constant 8 : i32
      %dma_wait3A_1330 = arith.constant 0 : i32
      %dma_wait3A_1331 = arith.constant 0 : i32
      %dma_wait3A_1332 = tpu.memref_slice %arg16[%dma_wait3A_1329, %dma_wait3A_1330, %dma_wait3A_1331] : memref<16x128x16xf32, #tpu.memory_space<vmem>> -> memref<1x128x16xf32, #tpu.memory_space<vmem>>
      %dma_wait3A_1333 = tpu.memref_squeeze %dma_wait3A_1332 : memref<1x128x16xf32, #tpu.memory_space<vmem>> -> memref<128x16xf32, #tpu.memory_space<vmem>>
      %dma_wait3A_1334 = arith.constant 0 : i32
      %dma_wait3A_1335 = tpu.memref_slice %arg14[%add3A_437, %dma_wait3A_1334] : memref<160x128xi32, #tpu.memory_space<vmem>> -> memref<1x128xi32, #tpu.memory_space<vmem>>
      %dma_wait3A_1336 = tpu.memref_squeeze %dma_wait3A_1335 : memref<1x128xi32, #tpu.memory_space<vmem>> -> memref<128xi32, #tpu.memory_space<vmem>>
      %dma_wait3A_1337 = arith.constant 0 : i32
      %dma_wait3A_1338 = arith.constant 0 : i32
      %dma_wait3A_1339 = tpu.memref_slice %arg13[%dma_wait3A_1337, %dma_wait3A_1338] : memref<10000x16xf32, #tpu.memory_space<vmem_shared>> -> memref<10000x16xf32, #tpu.memory_space<vmem_shared>>
      tpu.wait_indirect_dma semaphore(%arg19 : memref<!tpu.dma_semaphore, #tpu.memory_space<semaphore_mem>>) src(%dma_wait3A_1339 : memref<10000x16xf32, #tpu.memory_space<vmem_shared>>) dst(%dma_wait3A_1333 : memref<128x16xf32, #tpu.memory_space<vmem>>)
      %dma_wait3A_1340 = arith.constant 9 : i32
      %dma_wait3A_1341 = arith.constant 0 : i32
      %dma_wait3A_1342 = arith.constant 0 : i32
      %dma_wait3A_1343 = tpu.memref_slice %arg16[%dma_wait3A_1340, %dma_wait3A_1341, %dma_wait3A_1342] : memref<16x128x16xf32, #tpu.memory_space<vmem>> -> memref<1x128x16xf32, #tpu.memory_space<vmem>>
      %dma_wait3A_1344 = tpu.memref_squeeze %dma_wait3A_1343 : memref<1x128x16xf32, #tpu.memory_space<vmem>> -> memref<128x16xf32, #tpu.memory_space<vmem>>
      %dma_wait3A_1345 = arith.constant 0 : i32
      %dma_wait3A_1346 = tpu.memref_slice %arg14[%add3A_450, %dma_wait3A_1345] : memref<160x128xi32, #tpu.memory_space<vmem>> -> memref<1x128xi32, #tpu.memory_space<vmem>>
      %dma_wait3A_1347 = tpu.memref_squeeze %dma_wait3A_1346 : memref<1x128xi32, #tpu.memory_space<vmem>> -> memref<128xi32, #tpu.memory_space<vmem>>
      %dma_wait3A_1348 = arith.constant 0 : i32
      %dma_wait3A_1349 = arith.constant 0 : i32
      %dma_wait3A_1350 = tpu.memref_slice %arg13[%dma_wait3A_1348, %dma_wait3A_1349] : memref<10000x16xf32, #tpu.memory_space<vmem_shared>> -> memref<10000x16xf32, #tpu.memory_space<vmem_shared>>
      tpu.wait_indirect_dma semaphore(%arg19 : memref<!tpu.dma_semaphore, #tpu.memory_space<semaphore_mem>>) src(%dma_wait3A_1350 : memref<10000x16xf32, #tpu.memory_space<vmem_shared>>) dst(%dma_wait3A_1344 : memref<128x16xf32, #tpu.memory_space<vmem>>)
      %dma_wait3A_1351 = arith.constant 10 : i32
      %dma_wait3A_1352 = arith.constant 0 : i32
      %dma_wait3A_1353 = arith.constant 0 : i32
      %dma_wait3A_1354 = tpu.memref_slice %arg16[%dma_wait3A_1351, %dma_wait3A_1352, %dma_wait3A_1353] : memref<16x128x16xf32, #tpu.memory_space<vmem>> -> memref<1x128x16xf32, #tpu.memory_space<vmem>>
      %dma_wait3A_1355 = tpu.memref_squeeze %dma_wait3A_1354 : memref<1x128x16xf32, #tpu.memory_space<vmem>> -> memref<128x16xf32, #tpu.memory_space<vmem>>
      %dma_wait3A_1356 = arith.constant 0 : i32
      %dma_wait3A_1357 = tpu.memref_slice %arg14[%add3A_463, %dma_wait3A_1356] : memref<160x128xi32, #tpu.memory_space<vmem>> -> memref<1x128xi32, #tpu.memory_space<vmem>>
      %dma_wait3A_1358 = tpu.memref_squeeze %dma_wait3A_1357 : memref<1x128xi32, #tpu.memory_space<vmem>> -> memref<128xi32, #tpu.memory_space<vmem>>
      %dma_wait3A_1359 = arith.constant 0 : i32
      %dma_wait3A_1360 = arith.constant 0 : i32
      %dma_wait3A_1361 = tpu.memref_slice %arg13[%dma_wait3A_1359, %dma_wait3A_1360] : memref<10000x16xf32, #tpu.memory_space<vmem_shared>> -> memref<10000x16xf32, #tpu.memory_space<vmem_shared>>
      tpu.wait_indirect_dma semaphore(%arg19 : memref<!tpu.dma_semaphore, #tpu.memory_space<semaphore_mem>>) src(%dma_wait3A_1361 : memref<10000x16xf32, #tpu.memory_space<vmem_shared>>) dst(%dma_wait3A_1355 : memref<128x16xf32, #tpu.memory_space<vmem>>)
      %dma_wait3A_1362 = arith.constant 11 : i32
      %dma_wait3A_1363 = arith.constant 0 : i32
      %dma_wait3A_1364 = arith.constant 0 : i32
      %dma_wait3A_1365 = tpu.memref_slice %arg16[%dma_wait3A_1362, %dma_wait3A_1363, %dma_wait3A_1364] : memref<16x128x16xf32, #tpu.memory_space<vmem>> -> memref<1x128x16xf32, #tpu.memory_space<vmem>>
      %dma_wait3A_1366 = tpu.memref_squeeze %dma_wait3A_1365 : memref<1x128x16xf32, #tpu.memory_space<vmem>> -> memref<128x16xf32, #tpu.memory_space<vmem>>
      %dma_wait3A_1367 = arith.constant 0 : i32
      %dma_wait3A_1368 = tpu.memref_slice %arg14[%add3A_476, %dma_wait3A_1367] : memref<160x128xi32, #tpu.memory_space<vmem>> -> memref<1x128xi32, #tpu.memory_space<vmem>>
      %dma_wait3A_1369 = tpu.memref_squeeze %dma_wait3A_1368 : memref<1x128xi32, #tpu.memory_space<vmem>> -> memref<128xi32, #tpu.memory_space<vmem>>
      %dma_wait3A_1370 = arith.constant 0 : i32
      %dma_wait3A_1371 = arith.constant 0 : i32
      %dma_wait3A_1372 = tpu.memref_slice %arg13[%dma_wait3A_1370, %dma_wait3A_1371] : memref<10000x16xf32, #tpu.memory_space<vmem_shared>> -> memref<10000x16xf32, #tpu.memory_space<vmem_shared>>
      tpu.wait_indirect_dma semaphore(%arg19 : memref<!tpu.dma_semaphore, #tpu.memory_space<semaphore_mem>>) src(%dma_wait3A_1372 : memref<10000x16xf32, #tpu.memory_space<vmem_shared>>) dst(%dma_wait3A_1366 : memref<128x16xf32, #tpu.memory_space<vmem>>)
      %dma_wait3A_1373 = arith.constant 12 : i32
      %dma_wait3A_1374 = arith.constant 0 : i32
      %dma_wait3A_1375 = arith.constant 0 : i32
      %dma_wait3A_1376 = tpu.memref_slice %arg16[%dma_wait3A_1373, %dma_wait3A_1374, %dma_wait3A_1375] : memref<16x128x16xf32, #tpu.memory_space<vmem>> -> memref<1x128x16xf32, #tpu.memory_space<vmem>>
      %dma_wait3A_1377 = tpu.memref_squeeze %dma_wait3A_1376 : memref<1x128x16xf32, #tpu.memory_space<vmem>> -> memref<128x16xf32, #tpu.memory_space<vmem>>
      %dma_wait3A_1378 = arith.constant 0 : i32
      %dma_wait3A_1379 = tpu.memref_slice %arg14[%add3A_489, %dma_wait3A_1378] : memref<160x128xi32, #tpu.memory_space<vmem>> -> memref<1x128xi32, #tpu.memory_space<vmem>>
      %dma_wait3A_1380 = tpu.memref_squeeze %dma_wait3A_1379 : memref<1x128xi32, #tpu.memory_space<vmem>> -> memref<128xi32, #tpu.memory_space<vmem>>
      %dma_wait3A_1381 = arith.constant 0 : i32
      %dma_wait3A_1382 = arith.constant 0 : i32
      %dma_wait3A_1383 = tpu.memref_slice %arg13[%dma_wait3A_1381, %dma_wait3A_1382] : memref<10000x16xf32, #tpu.memory_space<vmem_shared>> -> memref<10000x16xf32, #tpu.memory_space<vmem_shared>>
      tpu.wait_indirect_dma semaphore(%arg19 : memref<!tpu.dma_semaphore, #tpu.memory_space<semaphore_mem>>) src(%dma_wait3A_1383 : memref<10000x16xf32, #tpu.memory_space<vmem_shared>>) dst(%dma_wait3A_1377 : memref<128x16xf32, #tpu.memory_space<vmem>>)
      %dma_wait3A_1384 = arith.constant 13 : i32
      %dma_wait3A_1385 = arith.constant 0 : i32
      %dma_wait3A_1386 = arith.constant 0 : i32
      %dma_wait3A_1387 = tpu.memref_slice %arg16[%dma_wait3A_1384, %dma_wait3A_1385, %dma_wait3A_1386] : memref<16x128x16xf32, #tpu.memory_space<vmem>> -> memref<1x128x16xf32, #tpu.memory_space<vmem>>
      %dma_wait3A_1388 = tpu.memref_squeeze %dma_wait3A_1387 : memref<1x128x16xf32, #tpu.memory_space<vmem>> -> memref<128x16xf32, #tpu.memory_space<vmem>>
      %dma_wait3A_1389 = arith.constant 0 : i32
      %dma_wait3A_1390 = tpu.memref_slice %arg14[%add3A_502, %dma_wait3A_1389] : memref<160x128xi32, #tpu.memory_space<vmem>> -> memref<1x128xi32, #tpu.memory_space<vmem>>
      %dma_wait3A_1391 = tpu.memref_squeeze %dma_wait3A_1390 : memref<1x128xi32, #tpu.memory_space<vmem>> -> memref<128xi32, #tpu.memory_space<vmem>>
      %dma_wait3A_1392 = arith.constant 0 : i32
      %dma_wait3A_1393 = arith.constant 0 : i32
      %dma_wait3A_1394 = tpu.memref_slice %arg13[%dma_wait3A_1392, %dma_wait3A_1393] : memref<10000x16xf32, #tpu.memory_space<vmem_shared>> -> memref<10000x16xf32, #tpu.memory_space<vmem_shared>>
      tpu.wait_indirect_dma semaphore(%arg19 : memref<!tpu.dma_semaphore, #tpu.memory_space<semaphore_mem>>) src(%dma_wait3A_1394 : memref<10000x16xf32, #tpu.memory_space<vmem_shared>>) dst(%dma_wait3A_1388 : memref<128x16xf32, #tpu.memory_space<vmem>>)
      %dma_wait3A_1395 = arith.constant 14 : i32
      %dma_wait3A_1396 = arith.constant 0 : i32
      %dma_wait3A_1397 = arith.constant 0 : i32
      %dma_wait3A_1398 = tpu.memref_slice %arg16[%dma_wait3A_1395, %dma_wait3A_1396, %dma_wait3A_1397] : memref<16x128x16xf32, #tpu.memory_space<vmem>> -> memref<1x128x16xf32, #tpu.memory_space<vmem>>
      %dma_wait3A_1399 = tpu.memref_squeeze %dma_wait3A_1398 : memref<1x128x16xf32, #tpu.memory_space<vmem>> -> memref<128x16xf32, #tpu.memory_space<vmem>>
      %dma_wait3A_1400 = arith.constant 0 : i32
      %dma_wait3A_1401 = tpu.memref_slice %arg14[%add3A_515, %dma_wait3A_1400] : memref<160x128xi32, #tpu.memory_space<vmem>> -> memref<1x128xi32, #tpu.memory_space<vmem>>
      %dma_wait3A_1402 = tpu.memref_squeeze %dma_wait3A_1401 : memref<1x128xi32, #tpu.memory_space<vmem>> -> memref<128xi32, #tpu.memory_space<vmem>>
      %dma_wait3A_1403 = arith.constant 0 : i32
      %dma_wait3A_1404 = arith.constant 0 : i32
      %dma_wait3A_1405 = tpu.memref_slice %arg13[%dma_wait3A_1403, %dma_wait3A_1404] : memref<10000x16xf32, #tpu.memory_space<vmem_shared>> -> memref<10000x16xf32, #tpu.memory_space<vmem_shared>>
      tpu.wait_indirect_dma semaphore(%arg19 : memref<!tpu.dma_semaphore, #tpu.memory_space<semaphore_mem>>) src(%dma_wait3A_1405 : memref<10000x16xf32, #tpu.memory_space<vmem_shared>>) dst(%dma_wait3A_1399 : memref<128x16xf32, #tpu.memory_space<vmem>>)
      %dma_wait3A_1406 = arith.constant 15 : i32
      %dma_wait3A_1407 = arith.constant 0 : i32
      %dma_wait3A_1408 = arith.constant 0 : i32
      %dma_wait3A_1409 = tpu.memref_slice %arg16[%dma_wait3A_1406, %dma_wait3A_1407, %dma_wait3A_1408] : memref<16x128x16xf32, #tpu.memory_space<vmem>> -> memref<1x128x16xf32, #tpu.memory_space<vmem>>
      %dma_wait3A_1410 = tpu.memref_squeeze %dma_wait3A_1409 : memref<1x128x16xf32, #tpu.memory_space<vmem>> -> memref<128x16xf32, #tpu.memory_space<vmem>>
      %dma_wait3A_1411 = arith.constant 0 : i32
      %dma_wait3A_1412 = tpu.memref_slice %arg14[%add3A_528, %dma_wait3A_1411] : memref<160x128xi32, #tpu.memory_space<vmem>> -> memref<1x128xi32, #tpu.memory_space<vmem>>
      %dma_wait3A_1413 = tpu.memref_squeeze %dma_wait3A_1412 : memref<1x128xi32, #tpu.memory_space<vmem>> -> memref<128xi32, #tpu.memory_space<vmem>>
      %dma_wait3A_1414 = arith.constant 0 : i32
      %dma_wait3A_1415 = arith.constant 0 : i32
      %dma_wait3A_1416 = tpu.memref_slice %arg13[%dma_wait3A_1414, %dma_wait3A_1415] : memref<10000x16xf32, #tpu.memory_space<vmem_shared>> -> memref<10000x16xf32, #tpu.memory_space<vmem_shared>>
      tpu.wait_indirect_dma semaphore(%arg19 : memref<!tpu.dma_semaphore, #tpu.memory_space<semaphore_mem>>) src(%dma_wait3A_1416 : memref<10000x16xf32, #tpu.memory_space<vmem_shared>>) dst(%dma_wait3A_1410 : memref<128x16xf32, #tpu.memory_space<vmem>>)
      %add3A_1417 = arith.constant 0 : i32
      %add3A_1418 = arith.addi %add3A_139, %add3A_1417 : i32
      %dma_start3A_1419 = arith.constant 8 : i32
      %dma_start3A_1420 = arith.constant 0 : i32
      %dma_start3A_1421 = arith.constant 0 : i32
      %dma_start3A_1422 = tpu.memref_slice %arg16[%dma_start3A_1419, %dma_start3A_1420, %dma_start3A_1421] : memref<16x128x16xf32, #tpu.memory_space<vmem>> -> memref<1x128x16xf32, #tpu.memory_space<vmem>>
      %dma_start3A_1423 = tpu.memref_squeeze %dma_start3A_1422 : memref<1x128x16xf32, #tpu.memory_space<vmem>> -> memref<128x16xf32, #tpu.memory_space<vmem>>
      %dma_start3A_1424 = arith.constant 0 : i32
      %dma_start3A_1425 = tpu.memref_slice %arg15[%add3A_1418, %dma_start3A_1424] : memref<160x128xi32, #tpu.memory_space<vmem>> -> memref<1x128xi32, #tpu.memory_space<vmem>>
      %dma_start3A_1426 = tpu.memref_squeeze %dma_start3A_1425 : memref<1x128xi32, #tpu.memory_space<vmem>> -> memref<128xi32, #tpu.memory_space<vmem>>
      %dma_start3A_1427 = arith.constant 0 : i32
      %dma_start3A_1428 = arith.constant 0 : i32
      %dma_start3A_1429 = tpu.memref_slice %arg11[%dma_start3A_1427, %dma_start3A_1428] : memref<10112x16xf32, #tpu.memory_space<vmem_shared>> -> memref<10112x16xf32, #tpu.memory_space<vmem_shared>>
      tpu.enqueue_indirect_dma source(%dma_start3A_1423 : memref<128x16xf32, #tpu.memory_space<vmem>>) target(%dma_start3A_1429 : memref<10112x16xf32, #tpu.memory_space<vmem_shared>>) offsets(%dma_start3A_1426 : memref<128xi32, #tpu.memory_space<vmem>>) semaphore(%arg20 : memref<!tpu.dma_semaphore, #tpu.memory_space<semaphore_mem>>) {add = true}
      %add3A_1430 = arith.constant 1 : i32
      %add3A_1431 = arith.addi %add3A_139, %add3A_1430 : i32
      %dma_start3A_1432 = arith.constant 9 : i32
      %dma_start3A_1433 = arith.constant 0 : i32
      %dma_start3A_1434 = arith.constant 0 : i32
      %dma_start3A_1435 = tpu.memref_slice %arg16[%dma_start3A_1432, %dma_start3A_1433, %dma_start3A_1434] : memref<16x128x16xf32, #tpu.memory_space<vmem>> -> memref<1x128x16xf32, #tpu.memory_space<vmem>>
      %dma_start3A_1436 = tpu.memref_squeeze %dma_start3A_1435 : memref<1x128x16xf32, #tpu.memory_space<vmem>> -> memref<128x16xf32, #tpu.memory_space<vmem>>
      %dma_start3A_1437 = arith.constant 0 : i32
      %dma_start3A_1438 = tpu.memref_slice %arg15[%add3A_1431, %dma_start3A_1437] : memref<160x128xi32, #tpu.memory_space<vmem>> -> memref<1x128xi32, #tpu.memory_space<vmem>>
      %dma_start3A_1439 = tpu.memref_squeeze %dma_start3A_1438 : memref<1x128xi32, #tpu.memory_space<vmem>> -> memref<128xi32, #tpu.memory_space<vmem>>
      %dma_start3A_1440 = arith.constant 0 : i32
      %dma_start3A_1441 = arith.constant 0 : i32
      %dma_start3A_1442 = tpu.memref_slice %arg11[%dma_start3A_1440, %dma_start3A_1441] : memref<10112x16xf32, #tpu.memory_space<vmem_shared>> -> memref<10112x16xf32, #tpu.memory_space<vmem_shared>>
      tpu.enqueue_indirect_dma source(%dma_start3A_1436 : memref<128x16xf32, #tpu.memory_space<vmem>>) target(%dma_start3A_1442 : memref<10112x16xf32, #tpu.memory_space<vmem_shared>>) offsets(%dma_start3A_1439 : memref<128xi32, #tpu.memory_space<vmem>>) semaphore(%arg20 : memref<!tpu.dma_semaphore, #tpu.memory_space<semaphore_mem>>) {add = true}
      %add3A_1443 = arith.constant 2 : i32
      %add3A_1444 = arith.addi %add3A_139, %add3A_1443 : i32
      %dma_start3A_1445 = arith.constant 10 : i32
      %dma_start3A_1446 = arith.constant 0 : i32
      %dma_start3A_1447 = arith.constant 0 : i32
      %dma_start3A_1448 = tpu.memref_slice %arg16[%dma_start3A_1445, %dma_start3A_1446, %dma_start3A_1447] : memref<16x128x16xf32, #tpu.memory_space<vmem>> -> memref<1x128x16xf32, #tpu.memory_space<vmem>>
      %dma_start3A_1449 = tpu.memref_squeeze %dma_start3A_1448 : memref<1x128x16xf32, #tpu.memory_space<vmem>> -> memref<128x16xf32, #tpu.memory_space<vmem>>
      %dma_start3A_1450 = arith.constant 0 : i32
      %dma_start3A_1451 = tpu.memref_slice %arg15[%add3A_1444, %dma_start3A_1450] : memref<160x128xi32, #tpu.memory_space<vmem>> -> memref<1x128xi32, #tpu.memory_space<vmem>>
      %dma_start3A_1452 = tpu.memref_squeeze %dma_start3A_1451 : memref<1x128xi32, #tpu.memory_space<vmem>> -> memref<128xi32, #tpu.memory_space<vmem>>
      %dma_start3A_1453 = arith.constant 0 : i32
      %dma_start3A_1454 = arith.constant 0 : i32
      %dma_start3A_1455 = tpu.memref_slice %arg11[%dma_start3A_1453, %dma_start3A_1454] : memref<10112x16xf32, #tpu.memory_space<vmem_shared>> -> memref<10112x16xf32, #tpu.memory_space<vmem_shared>>
      tpu.enqueue_indirect_dma source(%dma_start3A_1449 : memref<128x16xf32, #tpu.memory_space<vmem>>) target(%dma_start3A_1455 : memref<10112x16xf32, #tpu.memory_space<vmem_shared>>) offsets(%dma_start3A_1452 : memref<128xi32, #tpu.memory_space<vmem>>) semaphore(%arg20 : memref<!tpu.dma_semaphore, #tpu.memory_space<semaphore_mem>>) {add = true}
      %add3A_1456 = arith.constant 3 : i32
      %add3A_1457 = arith.addi %add3A_139, %add3A_1456 : i32
      %dma_start3A_1458 = arith.constant 11 : i32
      %dma_start3A_1459 = arith.constant 0 : i32
      %dma_start3A_1460 = arith.constant 0 : i32
      %dma_start3A_1461 = tpu.memref_slice %arg16[%dma_start3A_1458, %dma_start3A_1459, %dma_start3A_1460] : memref<16x128x16xf32, #tpu.memory_space<vmem>> -> memref<1x128x16xf32, #tpu.memory_space<vmem>>
      %dma_start3A_1462 = tpu.memref_squeeze %dma_start3A_1461 : memref<1x128x16xf32, #tpu.memory_space<vmem>> -> memref<128x16xf32, #tpu.memory_space<vmem>>
      %dma_start3A_1463 = arith.constant 0 : i32
      %dma_start3A_1464 = tpu.memref_slice %arg15[%add3A_1457, %dma_start3A_1463] : memref<160x128xi32, #tpu.memory_space<vmem>> -> memref<1x128xi32, #tpu.memory_space<vmem>>
      %dma_start3A_1465 = tpu.memref_squeeze %dma_start3A_1464 : memref<1x128xi32, #tpu.memory_space<vmem>> -> memref<128xi32, #tpu.memory_space<vmem>>
      %dma_start3A_1466 = arith.constant 0 : i32
      %dma_start3A_1467 = arith.constant 0 : i32
      %dma_start3A_1468 = tpu.memref_slice %arg11[%dma_start3A_1466, %dma_start3A_1467] : memref<10112x16xf32, #tpu.memory_space<vmem_shared>> -> memref<10112x16xf32, #tpu.memory_space<vmem_shared>>
      tpu.enqueue_indirect_dma source(%dma_start3A_1462 : memref<128x16xf32, #tpu.memory_space<vmem>>) target(%dma_start3A_1468 : memref<10112x16xf32, #tpu.memory_space<vmem_shared>>) offsets(%dma_start3A_1465 : memref<128xi32, #tpu.memory_space<vmem>>) semaphore(%arg20 : memref<!tpu.dma_semaphore, #tpu.memory_space<semaphore_mem>>) {add = true}
      %add3A_1469 = arith.constant 4 : i32
      %add3A_1470 = arith.addi %add3A_139, %add3A_1469 : i32
      %dma_start3A_1471 = arith.constant 12 : i32
      %dma_start3A_1472 = arith.constant 0 : i32
      %dma_start3A_1473 = arith.constant 0 : i32
      %dma_start3A_1474 = tpu.memref_slice %arg16[%dma_start3A_1471, %dma_start3A_1472, %dma_start3A_1473] : memref<16x128x16xf32, #tpu.memory_space<vmem>> -> memref<1x128x16xf32, #tpu.memory_space<vmem>>
      %dma_start3A_1475 = tpu.memref_squeeze %dma_start3A_1474 : memref<1x128x16xf32, #tpu.memory_space<vmem>> -> memref<128x16xf32, #tpu.memory_space<vmem>>
      %dma_start3A_1476 = arith.constant 0 : i32
      %dma_start3A_1477 = tpu.memref_slice %arg15[%add3A_1470, %dma_start3A_1476] : memref<160x128xi32, #tpu.memory_space<vmem>> -> memref<1x128xi32, #tpu.memory_space<vmem>>
      %dma_start3A_1478 = tpu.memref_squeeze %dma_start3A_1477 : memref<1x128xi32, #tpu.memory_space<vmem>> -> memref<128xi32, #tpu.memory_space<vmem>>
      %dma_start3A_1479 = arith.constant 0 : i32
      %dma_start3A_1480 = arith.constant 0 : i32
      %dma_start3A_1481 = tpu.memref_slice %arg11[%dma_start3A_1479, %dma_start3A_1480] : memref<10112x16xf32, #tpu.memory_space<vmem_shared>> -> memref<10112x16xf32, #tpu.memory_space<vmem_shared>>
      tpu.enqueue_indirect_dma source(%dma_start3A_1475 : memref<128x16xf32, #tpu.memory_space<vmem>>) target(%dma_start3A_1481 : memref<10112x16xf32, #tpu.memory_space<vmem_shared>>) offsets(%dma_start3A_1478 : memref<128xi32, #tpu.memory_space<vmem>>) semaphore(%arg20 : memref<!tpu.dma_semaphore, #tpu.memory_space<semaphore_mem>>) {add = true}
      %add3A_1482 = arith.constant 5 : i32
      %add3A_1483 = arith.addi %add3A_139, %add3A_1482 : i32
      %dma_start3A_1484 = arith.constant 13 : i32
      %dma_start3A_1485 = arith.constant 0 : i32
      %dma_start3A_1486 = arith.constant 0 : i32
      %dma_start3A_1487 = tpu.memref_slice %arg16[%dma_start3A_1484, %dma_start3A_1485, %dma_start3A_1486] : memref<16x128x16xf32, #tpu.memory_space<vmem>> -> memref<1x128x16xf32, #tpu.memory_space<vmem>>
      %dma_start3A_1488 = tpu.memref_squeeze %dma_start3A_1487 : memref<1x128x16xf32, #tpu.memory_space<vmem>> -> memref<128x16xf32, #tpu.memory_space<vmem>>
      %dma_start3A_1489 = arith.constant 0 : i32
      %dma_start3A_1490 = tpu.memref_slice %arg15[%add3A_1483, %dma_start3A_1489] : memref<160x128xi32, #tpu.memory_space<vmem>> -> memref<1x128xi32, #tpu.memory_space<vmem>>
      %dma_start3A_1491 = tpu.memref_squeeze %dma_start3A_1490 : memref<1x128xi32, #tpu.memory_space<vmem>> -> memref<128xi32, #tpu.memory_space<vmem>>
      %dma_start3A_1492 = arith.constant 0 : i32
      %dma_start3A_1493 = arith.constant 0 : i32
      %dma_start3A_1494 = tpu.memref_slice %arg11[%dma_start3A_1492, %dma_start3A_1493] : memref<10112x16xf32, #tpu.memory_space<vmem_shared>> -> memref<10112x16xf32, #tpu.memory_space<vmem_shared>>
      tpu.enqueue_indirect_dma source(%dma_start3A_1488 : memref<128x16xf32, #tpu.memory_space<vmem>>) target(%dma_start3A_1494 : memref<10112x16xf32, #tpu.memory_space<vmem_shared>>) offsets(%dma_start3A_1491 : memref<128xi32, #tpu.memory_space<vmem>>) semaphore(%arg20 : memref<!tpu.dma_semaphore, #tpu.memory_space<semaphore_mem>>) {add = true}
      %add3A_1495 = arith.constant 6 : i32
      %add3A_1496 = arith.addi %add3A_139, %add3A_1495 : i32
      %dma_start3A_1497 = arith.constant 14 : i32
      %dma_start3A_1498 = arith.constant 0 : i32
      %dma_start3A_1499 = arith.constant 0 : i32
      %dma_start3A_1500 = tpu.memref_slice %arg16[%dma_start3A_1497, %dma_start3A_1498, %dma_start3A_1499] : memref<16x128x16xf32, #tpu.memory_space<vmem>> -> memref<1x128x16xf32, #tpu.memory_space<vmem>>
      %dma_start3A_1501 = tpu.memref_squeeze %dma_start3A_1500 : memref<1x128x16xf32, #tpu.memory_space<vmem>> -> memref<128x16xf32, #tpu.memory_space<vmem>>
      %dma_start3A_1502 = arith.constant 0 : i32
      %dma_start3A_1503 = tpu.memref_slice %arg15[%add3A_1496, %dma_start3A_1502] : memref<160x128xi32, #tpu.memory_space<vmem>> -> memref<1x128xi32, #tpu.memory_space<vmem>>
      %dma_start3A_1504 = tpu.memref_squeeze %dma_start3A_1503 : memref<1x128xi32, #tpu.memory_space<vmem>> -> memref<128xi32, #tpu.memory_space<vmem>>
      %dma_start3A_1505 = arith.constant 0 : i32
      %dma_start3A_1506 = arith.constant 0 : i32
      %dma_start3A_1507 = tpu.memref_slice %arg11[%dma_start3A_1505, %dma_start3A_1506] : memref<10112x16xf32, #tpu.memory_space<vmem_shared>> -> memref<10112x16xf32, #tpu.memory_space<vmem_shared>>
      tpu.enqueue_indirect_dma source(%dma_start3A_1501 : memref<128x16xf32, #tpu.memory_space<vmem>>) target(%dma_start3A_1507 : memref<10112x16xf32, #tpu.memory_space<vmem_shared>>) offsets(%dma_start3A_1504 : memref<128xi32, #tpu.memory_space<vmem>>) semaphore(%arg20 : memref<!tpu.dma_semaphore, #tpu.memory_space<semaphore_mem>>) {add = true}
      %add3A_1508 = arith.constant 7 : i32
      %add3A_1509 = arith.addi %add3A_139, %add3A_1508 : i32
      %dma_start3A_1510 = arith.constant 15 : i32
      %dma_start3A_1511 = arith.constant 0 : i32
      %dma_start3A_1512 = arith.constant 0 : i32
      %dma_start3A_1513 = tpu.memref_slice %arg16[%dma_start3A_1510, %dma_start3A_1511, %dma_start3A_1512] : memref<16x128x16xf32, #tpu.memory_space<vmem>> -> memref<1x128x16xf32, #tpu.memory_space<vmem>>
      %dma_start3A_1514 = tpu.memref_squeeze %dma_start3A_1513 : memref<1x128x16xf32, #tpu.memory_space<vmem>> -> memref<128x16xf32, #tpu.memory_space<vmem>>
      %dma_start3A_1515 = arith.constant 0 : i32
      %dma_start3A_1516 = tpu.memref_slice %arg15[%add3A_1509, %dma_start3A_1515] : memref<160x128xi32, #tpu.memory_space<vmem>> -> memref<1x128xi32, #tpu.memory_space<vmem>>
      %dma_start3A_1517 = tpu.memref_squeeze %dma_start3A_1516 : memref<1x128xi32, #tpu.memory_space<vmem>> -> memref<128xi32, #tpu.memory_space<vmem>>
      %dma_start3A_1518 = arith.constant 0 : i32
      %dma_start3A_1519 = arith.constant 0 : i32
      %dma_start3A_1520 = tpu.memref_slice %arg11[%dma_start3A_1518, %dma_start3A_1519] : memref<10112x16xf32, #tpu.memory_space<vmem_shared>> -> memref<10112x16xf32, #tpu.memory_space<vmem_shared>>
      tpu.enqueue_indirect_dma source(%dma_start3A_1514 : memref<128x16xf32, #tpu.memory_space<vmem>>) target(%dma_start3A_1520 : memref<10112x16xf32, #tpu.memory_space<vmem_shared>>) offsets(%dma_start3A_1517 : memref<128xi32, #tpu.memory_space<vmem>>) semaphore(%arg20 : memref<!tpu.dma_semaphore, #tpu.memory_space<semaphore_mem>>) {add = true}
      %add3A_1521 = arith.constant 0 : i32
      %add3A_1522 = arith.addi %add3A_139, %add3A_1521 : i32
      %get3A_1523 = arith.index_cast %add3A_1522 : i32 to index
      %get3A_1524 = arith.constant 0 : index
      %get3A_1525 = tpu.vector_load %arg15[%get3A_1523, %get3A_1524] {strides = array<i32>} : memref<160x128xi32, #tpu.memory_space<vmem>>, vector<16xi32>,
      %shift_right_arithmetic3A_1526 = arith.constant 4 : i32
      %shift_right_arithmetic3A_1527 = vector.broadcast %shift_right_arithmetic3A_1526 : i32 to vector<16xi32>
      %shift_right_arithmetic3A_1528 = arith.shrsi %get3A_1525, %shift_right_arithmetic3A_1527 : vector<16xi32>
      %and3A_1529 = arith.constant 15 : i32
      %and3A_1530 = vector.broadcast %and3A_1529 : i32 to vector<16xi32>
      %and3A_1531 = arith.andi %get3A_1525, %and3A_1530 : vector<16xi32>
      tpu.vector_store_idx %arg17[%shift_right_arithmetic3A_1528, %and3A_1531], %broadcast_in_dim3A_24 {add = true} : memref<640x16xf32, #tpu.memory_space<vmem>>[vector<16xi32>, vector<16xi32>], vector<16xf32>,
      %add3A_1532 = arith.constant 0 : i32
      %add3A_1533 = arith.addi %add3A_139, %add3A_1532 : i32
      %get3A_1534 = arith.index_cast %add3A_1533 : i32 to index
      %get3A_1535 = arith.constant 16 : index
      %get3A_1536 = tpu.vector_load %arg15[%get3A_1534, %get3A_1535] {strides = array<i32>} : memref<160x128xi32, #tpu.memory_space<vmem>>, vector<16xi32>,
      %shift_right_arithmetic3A_1537 = arith.constant 4 : i32
      %shift_right_arithmetic3A_1538 = vector.broadcast %shift_right_arithmetic3A_1537 : i32 to vector<16xi32>
      %shift_right_arithmetic3A_1539 = arith.shrsi %get3A_1536, %shift_right_arithmetic3A_1538 : vector<16xi32>
      %and3A_1540 = arith.constant 15 : i32
      %and3A_1541 = vector.broadcast %and3A_1540 : i32 to vector<16xi32>
      %and3A_1542 = arith.andi %get3A_1536, %and3A_1541 : vector<16xi32>
      tpu.vector_store_idx %arg17[%shift_right_arithmetic3A_1539, %and3A_1542], %broadcast_in_dim3A_24 {add = true} : memref<640x16xf32, #tpu.memory_space<vmem>>[vector<16xi32>, vector<16xi32>], vector<16xf32>,
      %add3A_1543 = arith.constant 0 : i32
      %add3A_1544 = arith.addi %add3A_139, %add3A_1543 : i32
      %get3A_1545 = arith.index_cast %add3A_1544 : i32 to index
      %get3A_1546 = arith.constant 32 : index
      %get3A_1547 = tpu.vector_load %arg15[%get3A_1545, %get3A_1546] {strides = array<i32>} : memref<160x128xi32, #tpu.memory_space<vmem>>, vector<16xi32>,
      %shift_right_arithmetic3A_1548 = arith.constant 4 : i32
      %shift_right_arithmetic3A_1549 = vector.broadcast %shift_right_arithmetic3A_1548 : i32 to vector<16xi32>
      %shift_right_arithmetic3A_1550 = arith.shrsi %get3A_1547, %shift_right_arithmetic3A_1549 : vector<16xi32>
      %and3A_1551 = arith.constant 15 : i32
      %and3A_1552 = vector.broadcast %and3A_1551 : i32 to vector<16xi32>
      %and3A_1553 = arith.andi %get3A_1547, %and3A_1552 : vector<16xi32>
      tpu.vector_store_idx %arg17[%shift_right_arithmetic3A_1550, %and3A_1553], %broadcast_in_dim3A_24 {add = true} : memref<640x16xf32, #tpu.memory_space<vmem>>[vector<16xi32>, vector<16xi32>], vector<16xf32>,
      %add3A_1554 = arith.constant 0 : i32
      %add3A_1555 = arith.addi %add3A_139, %add3A_1554 : i32
      %get3A_1556 = arith.index_cast %add3A_1555 : i32 to index
      %get3A_1557 = arith.constant 48 : index
      %get3A_1558 = tpu.vector_load %arg15[%get3A_1556, %get3A_1557] {strides = array<i32>} : memref<160x128xi32, #tpu.memory_space<vmem>>, vector<16xi32>,
      %shift_right_arithmetic3A_1559 = arith.constant 4 : i32
      %shift_right_arithmetic3A_1560 = vector.broadcast %shift_right_arithmetic3A_1559 : i32 to vector<16xi32>
      %shift_right_arithmetic3A_1561 = arith.shrsi %get3A_1558, %shift_right_arithmetic3A_1560 : vector<16xi32>
      %and3A_1562 = arith.constant 15 : i32
      %and3A_1563 = vector.broadcast %and3A_1562 : i32 to vector<16xi32>
      %and3A_1564 = arith.andi %get3A_1558, %and3A_1563 : vector<16xi32>
      tpu.vector_store_idx %arg17[%shift_right_arithmetic3A_1561, %and3A_1564], %broadcast_in_dim3A_24 {add = true} : memref<640x16xf32, #tpu.memory_space<vmem>>[vector<16xi32>, vector<16xi32>], vector<16xf32>,
      %add3A_1565 = arith.constant 0 : i32
      %add3A_1566 = arith.addi %add3A_139, %add3A_1565 : i32
      %get3A_1567 = arith.index_cast %add3A_1566 : i32 to index
      %get3A_1568 = arith.constant 64 : index
      %get3A_1569 = tpu.vector_load %arg15[%get3A_1567, %get3A_1568] {strides = array<i32>} : memref<160x128xi32, #tpu.memory_space<vmem>>, vector<16xi32>,
      %shift_right_arithmetic3A_1570 = arith.constant 4 : i32
      %shift_right_arithmetic3A_1571 = vector.broadcast %shift_right_arithmetic3A_1570 : i32 to vector<16xi32>
      %shift_right_arithmetic3A_1572 = arith.shrsi %get3A_1569, %shift_right_arithmetic3A_1571 : vector<16xi32>
      %and3A_1573 = arith.constant 15 : i32
      %and3A_1574 = vector.broadcast %and3A_1573 : i32 to vector<16xi32>
      %and3A_1575 = arith.andi %get3A_1569, %and3A_1574 : vector<16xi32>
      tpu.vector_store_idx %arg17[%shift_right_arithmetic3A_1572, %and3A_1575], %broadcast_in_dim3A_24 {add = true} : memref<640x16xf32, #tpu.memory_space<vmem>>[vector<16xi32>, vector<16xi32>], vector<16xf32>,
      %add3A_1576 = arith.constant 0 : i32
      %add3A_1577 = arith.addi %add3A_139, %add3A_1576 : i32
      %get3A_1578 = arith.index_cast %add3A_1577 : i32 to index
      %get3A_1579 = arith.constant 80 : index
      %get3A_1580 = tpu.vector_load %arg15[%get3A_1578, %get3A_1579] {strides = array<i32>} : memref<160x128xi32, #tpu.memory_space<vmem>>, vector<16xi32>,
      %shift_right_arithmetic3A_1581 = arith.constant 4 : i32
      %shift_right_arithmetic3A_1582 = vector.broadcast %shift_right_arithmetic3A_1581 : i32 to vector<16xi32>
      %shift_right_arithmetic3A_1583 = arith.shrsi %get3A_1580, %shift_right_arithmetic3A_1582 : vector<16xi32>
      %and3A_1584 = arith.constant 15 : i32
      %and3A_1585 = vector.broadcast %and3A_1584 : i32 to vector<16xi32>
      %and3A_1586 = arith.andi %get3A_1580, %and3A_1585 : vector<16xi32>
      tpu.vector_store_idx %arg17[%shift_right_arithmetic3A_1583, %and3A_1586], %broadcast_in_dim3A_24 {add = true} : memref<640x16xf32, #tpu.memory_space<vmem>>[vector<16xi32>, vector<16xi32>], vector<16xf32>,
      %add3A_1587 = arith.constant 0 : i32
      %add3A_1588 = arith.addi %add3A_139, %add3A_1587 : i32
      %get3A_1589 = arith.index_cast %add3A_1588 : i32 to index
      %get3A_1590 = arith.constant 96 : index
      %get3A_1591 = tpu.vector_load %arg15[%get3A_1589, %get3A_1590] {strides = array<i32>} : memref<160x128xi32, #tpu.memory_space<vmem>>, vector<16xi32>,
      %shift_right_arithmetic3A_1592 = arith.constant 4 : i32
      %shift_right_arithmetic3A_1593 = vector.broadcast %shift_right_arithmetic3A_1592 : i32 to vector<16xi32>
      %shift_right_arithmetic3A_1594 = arith.shrsi %get3A_1591, %shift_right_arithmetic3A_1593 : vector<16xi32>
      %and3A_1595 = arith.constant 15 : i32
      %and3A_1596 = vector.broadcast %and3A_1595 : i32 to vector<16xi32>
      %and3A_1597 = arith.andi %get3A_1591, %and3A_1596 : vector<16xi32>
      tpu.vector_store_idx %arg17[%shift_right_arithmetic3A_1594, %and3A_1597], %broadcast_in_dim3A_24 {add = true} : memref<640x16xf32, #tpu.memory_space<vmem>>[vector<16xi32>, vector<16xi32>], vector<16xf32>,
      %add3A_1598 = arith.constant 0 : i32
      %add3A_1599 = arith.addi %add3A_139, %add3A_1598 : i32
      %get3A_1600 = arith.index_cast %add3A_1599 : i32 to index
      %get3A_1601 = arith.constant 112 : index
      %get3A_1602 = tpu.vector_load %arg15[%get3A_1600, %get3A_1601] {strides = array<i32>} : memref<160x128xi32, #tpu.memory_space<vmem>>, vector<16xi32>,
      %shift_right_arithmetic3A_1603 = arith.constant 4 : i32
      %shift_right_arithmetic3A_1604 = vector.broadcast %shift_right_arithmetic3A_1603 : i32 to vector<16xi32>
      %shift_right_arithmetic3A_1605 = arith.shrsi %get3A_1602, %shift_right_arithmetic3A_1604 : vector<16xi32>
      %and3A_1606 = arith.constant 15 : i32
      %and3A_1607 = vector.broadcast %and3A_1606 : i32 to vector<16xi32>
      %and3A_1608 = arith.andi %get3A_1602, %and3A_1607 : vector<16xi32>
      tpu.vector_store_idx %arg17[%shift_right_arithmetic3A_1605, %and3A_1608], %broadcast_in_dim3A_24 {add = true} : memref<640x16xf32, #tpu.memory_space<vmem>>[vector<16xi32>, vector<16xi32>], vector<16xf32>,
      %add3A_1609 = arith.constant 1 : i32
      %add3A_1610 = arith.addi %add3A_139, %add3A_1609 : i32
      %get3A_1611 = arith.index_cast %add3A_1610 : i32 to index
      %get3A_1612 = arith.constant 0 : index
      %get3A_1613 = tpu.vector_load %arg15[%get3A_1611, %get3A_1612] {strides = array<i32>} : memref<160x128xi32, #tpu.memory_space<vmem>>, vector<16xi32>,
      %shift_right_arithmetic3A_1614 = arith.constant 4 : i32
      %shift_right_arithmetic3A_1615 = vector.broadcast %shift_right_arithmetic3A_1614 : i32 to vector<16xi32>
      %shift_right_arithmetic3A_1616 = arith.shrsi %get3A_1613, %shift_right_arithmetic3A_1615 : vector<16xi32>
      %and3A_1617 = arith.constant 15 : i32
      %and3A_1618 = vector.broadcast %and3A_1617 : i32 to vector<16xi32>
      %and3A_1619 = arith.andi %get3A_1613, %and3A_1618 : vector<16xi32>
      tpu.vector_store_idx %arg17[%shift_right_arithmetic3A_1616, %and3A_1619], %broadcast_in_dim3A_24 {add = true} : memref<640x16xf32, #tpu.memory_space<vmem>>[vector<16xi32>, vector<16xi32>], vector<16xf32>,
      %add3A_1620 = arith.constant 1 : i32
      %add3A_1621 = arith.addi %add3A_139, %add3A_1620 : i32
      %get3A_1622 = arith.index_cast %add3A_1621 : i32 to index
      %get3A_1623 = arith.constant 16 : index
      %get3A_1624 = tpu.vector_load %arg15[%get3A_1622, %get3A_1623] {strides = array<i32>} : memref<160x128xi32, #tpu.memory_space<vmem>>, vector<16xi32>,
      %shift_right_arithmetic3A_1625 = arith.constant 4 : i32
      %shift_right_arithmetic3A_1626 = vector.broadcast %shift_right_arithmetic3A_1625 : i32 to vector<16xi32>
      %shift_right_arithmetic3A_1627 = arith.shrsi %get3A_1624, %shift_right_arithmetic3A_1626 : vector<16xi32>
      %and3A_1628 = arith.constant 15 : i32
      %and3A_1629 = vector.broadcast %and3A_1628 : i32 to vector<16xi32>
      %and3A_1630 = arith.andi %get3A_1624, %and3A_1629 : vector<16xi32>
      tpu.vector_store_idx %arg17[%shift_right_arithmetic3A_1627, %and3A_1630], %broadcast_in_dim3A_24 {add = true} : memref<640x16xf32, #tpu.memory_space<vmem>>[vector<16xi32>, vector<16xi32>], vector<16xf32>,
      %add3A_1631 = arith.constant 1 : i32
      %add3A_1632 = arith.addi %add3A_139, %add3A_1631 : i32
      %get3A_1633 = arith.index_cast %add3A_1632 : i32 to index
      %get3A_1634 = arith.constant 32 : index
      %get3A_1635 = tpu.vector_load %arg15[%get3A_1633, %get3A_1634] {strides = array<i32>} : memref<160x128xi32, #tpu.memory_space<vmem>>, vector<16xi32>,
      %shift_right_arithmetic3A_1636 = arith.constant 4 : i32
      %shift_right_arithmetic3A_1637 = vector.broadcast %shift_right_arithmetic3A_1636 : i32 to vector<16xi32>
      %shift_right_arithmetic3A_1638 = arith.shrsi %get3A_1635, %shift_right_arithmetic3A_1637 : vector<16xi32>
      %and3A_1639 = arith.constant 15 : i32
      %and3A_1640 = vector.broadcast %and3A_1639 : i32 to vector<16xi32>
      %and3A_1641 = arith.andi %get3A_1635, %and3A_1640 : vector<16xi32>
      tpu.vector_store_idx %arg17[%shift_right_arithmetic3A_1638, %and3A_1641], %broadcast_in_dim3A_24 {add = true} : memref<640x16xf32, #tpu.memory_space<vmem>>[vector<16xi32>, vector<16xi32>], vector<16xf32>,
      %add3A_1642 = arith.constant 1 : i32
      %add3A_1643 = arith.addi %add3A_139, %add3A_1642 : i32
      %get3A_1644 = arith.index_cast %add3A_1643 : i32 to index
      %get3A_1645 = arith.constant 48 : index
      %get3A_1646 = tpu.vector_load %arg15[%get3A_1644, %get3A_1645] {strides = array<i32>} : memref<160x128xi32, #tpu.memory_space<vmem>>, vector<16xi32>,
      %shift_right_arithmetic3A_1647 = arith.constant 4 : i32
      %shift_right_arithmetic3A_1648 = vector.broadcast %shift_right_arithmetic3A_1647 : i32 to vector<16xi32>
      %shift_right_arithmetic3A_1649 = arith.shrsi %get3A_1646, %shift_right_arithmetic3A_1648 : vector<16xi32>
      %and3A_1650 = arith.constant 15 : i32
      %and3A_1651 = vector.broadcast %and3A_1650 : i32 to vector<16xi32>
      %and3A_1652 = arith.andi %get3A_1646, %and3A_1651 : vector<16xi32>
      tpu.vector_store_idx %arg17[%shift_right_arithmetic3A_1649, %and3A_1652], %broadcast_in_dim3A_24 {add = true} : memref<640x16xf32, #tpu.memory_space<vmem>>[vector<16xi32>, vector<16xi32>], vector<16xf32>,
      %add3A_1653 = arith.constant 1 : i32
      %add3A_1654 = arith.addi %add3A_139, %add3A_1653 : i32
      %get3A_1655 = arith.index_cast %add3A_1654 : i32 to index
      %get3A_1656 = arith.constant 64 : index
      %get3A_1657 = tpu.vector_load %arg15[%get3A_1655, %get3A_1656] {strides = array<i32>} : memref<160x128xi32, #tpu.memory_space<vmem>>, vector<16xi32>,
      %shift_right_arithmetic3A_1658 = arith.constant 4 : i32
      %shift_right_arithmetic3A_1659 = vector.broadcast %shift_right_arithmetic3A_1658 : i32 to vector<16xi32>
      %shift_right_arithmetic3A_1660 = arith.shrsi %get3A_1657, %shift_right_arithmetic3A_1659 : vector<16xi32>
      %and3A_1661 = arith.constant 15 : i32
      %and3A_1662 = vector.broadcast %and3A_1661 : i32 to vector<16xi32>
      %and3A_1663 = arith.andi %get3A_1657, %and3A_1662 : vector<16xi32>
      tpu.vector_store_idx %arg17[%shift_right_arithmetic3A_1660, %and3A_1663], %broadcast_in_dim3A_24 {add = true} : memref<640x16xf32, #tpu.memory_space<vmem>>[vector<16xi32>, vector<16xi32>], vector<16xf32>,
      %add3A_1664 = arith.constant 1 : i32
      %add3A_1665 = arith.addi %add3A_139, %add3A_1664 : i32
      %get3A_1666 = arith.index_cast %add3A_1665 : i32 to index
      %get3A_1667 = arith.constant 80 : index
      %get3A_1668 = tpu.vector_load %arg15[%get3A_1666, %get3A_1667] {strides = array<i32>} : memref<160x128xi32, #tpu.memory_space<vmem>>, vector<16xi32>,
      %shift_right_arithmetic3A_1669 = arith.constant 4 : i32
      %shift_right_arithmetic3A_1670 = vector.broadcast %shift_right_arithmetic3A_1669 : i32 to vector<16xi32>
      %shift_right_arithmetic3A_1671 = arith.shrsi %get3A_1668, %shift_right_arithmetic3A_1670 : vector<16xi32>
      %and3A_1672 = arith.constant 15 : i32
      %and3A_1673 = vector.broadcast %and3A_1672 : i32 to vector<16xi32>
      %and3A_1674 = arith.andi %get3A_1668, %and3A_1673 : vector<16xi32>
      tpu.vector_store_idx %arg17[%shift_right_arithmetic3A_1671, %and3A_1674], %broadcast_in_dim3A_24 {add = true} : memref<640x16xf32, #tpu.memory_space<vmem>>[vector<16xi32>, vector<16xi32>], vector<16xf32>,
      %add3A_1675 = arith.constant 1 : i32
      %add3A_1676 = arith.addi %add3A_139, %add3A_1675 : i32
      %get3A_1677 = arith.index_cast %add3A_1676 : i32 to index
      %get3A_1678 = arith.constant 96 : index
      %get3A_1679 = tpu.vector_load %arg15[%get3A_1677, %get3A_1678] {strides = array<i32>} : memref<160x128xi32, #tpu.memory_space<vmem>>, vector<16xi32>,
      %shift_right_arithmetic3A_1680 = arith.constant 4 : i32
      %shift_right_arithmetic3A_1681 = vector.broadcast %shift_right_arithmetic3A_1680 : i32 to vector<16xi32>
      %shift_right_arithmetic3A_1682 = arith.shrsi %get3A_1679, %shift_right_arithmetic3A_1681 : vector<16xi32>
      %and3A_1683 = arith.constant 15 : i32
      %and3A_1684 = vector.broadcast %and3A_1683 : i32 to vector<16xi32>
      %and3A_1685 = arith.andi %get3A_1679, %and3A_1684 : vector<16xi32>
      tpu.vector_store_idx %arg17[%shift_right_arithmetic3A_1682, %and3A_1685], %broadcast_in_dim3A_24 {add = true} : memref<640x16xf32, #tpu.memory_space<vmem>>[vector<16xi32>, vector<16xi32>], vector<16xf32>,
      %add3A_1686 = arith.constant 1 : i32
      %add3A_1687 = arith.addi %add3A_139, %add3A_1686 : i32
      %get3A_1688 = arith.index_cast %add3A_1687 : i32 to index
      %get3A_1689 = arith.constant 112 : index
      %get3A_1690 = tpu.vector_load %arg15[%get3A_1688, %get3A_1689] {strides = array<i32>} : memref<160x128xi32, #tpu.memory_space<vmem>>, vector<16xi32>,
      %shift_right_arithmetic3A_1691 = arith.constant 4 : i32
      %shift_right_arithmetic3A_1692 = vector.broadcast %shift_right_arithmetic3A_1691 : i32 to vector<16xi32>
      %shift_right_arithmetic3A_1693 = arith.shrsi %get3A_1690, %shift_right_arithmetic3A_1692 : vector<16xi32>
      %and3A_1694 = arith.constant 15 : i32
      %and3A_1695 = vector.broadcast %and3A_1694 : i32 to vector<16xi32>
      %and3A_1696 = arith.andi %get3A_1690, %and3A_1695 : vector<16xi32>
      tpu.vector_store_idx %arg17[%shift_right_arithmetic3A_1693, %and3A_1696], %broadcast_in_dim3A_24 {add = true} : memref<640x16xf32, #tpu.memory_space<vmem>>[vector<16xi32>, vector<16xi32>], vector<16xf32>,
      %add3A_1697 = arith.constant 2 : i32
      %add3A_1698 = arith.addi %add3A_139, %add3A_1697 : i32
      %get3A_1699 = arith.index_cast %add3A_1698 : i32 to index
      %get3A_1700 = arith.constant 0 : index
      %get3A_1701 = tpu.vector_load %arg15[%get3A_1699, %get3A_1700] {strides = array<i32>} : memref<160x128xi32, #tpu.memory_space<vmem>>, vector<16xi32>,
      %shift_right_arithmetic3A_1702 = arith.constant 4 : i32
      %shift_right_arithmetic3A_1703 = vector.broadcast %shift_right_arithmetic3A_1702 : i32 to vector<16xi32>
      %shift_right_arithmetic3A_1704 = arith.shrsi %get3A_1701, %shift_right_arithmetic3A_1703 : vector<16xi32>
      %and3A_1705 = arith.constant 15 : i32
      %and3A_1706 = vector.broadcast %and3A_1705 : i32 to vector<16xi32>
      %and3A_1707 = arith.andi %get3A_1701, %and3A_1706 : vector<16xi32>
      tpu.vector_store_idx %arg17[%shift_right_arithmetic3A_1704, %and3A_1707], %broadcast_in_dim3A_24 {add = true} : memref<640x16xf32, #tpu.memory_space<vmem>>[vector<16xi32>, vector<16xi32>], vector<16xf32>,
      %add3A_1708 = arith.constant 2 : i32
      %add3A_1709 = arith.addi %add3A_139, %add3A_1708 : i32
      %get3A_1710 = arith.index_cast %add3A_1709 : i32 to index
      %get3A_1711 = arith.constant 16 : index
      %get3A_1712 = tpu.vector_load %arg15[%get3A_1710, %get3A_1711] {strides = array<i32>} : memref<160x128xi32, #tpu.memory_space<vmem>>, vector<16xi32>,
      %shift_right_arithmetic3A_1713 = arith.constant 4 : i32
      %shift_right_arithmetic3A_1714 = vector.broadcast %shift_right_arithmetic3A_1713 : i32 to vector<16xi32>
      %shift_right_arithmetic3A_1715 = arith.shrsi %get3A_1712, %shift_right_arithmetic3A_1714 : vector<16xi32>
      %and3A_1716 = arith.constant 15 : i32
      %and3A_1717 = vector.broadcast %and3A_1716 : i32 to vector<16xi32>
      %and3A_1718 = arith.andi %get3A_1712, %and3A_1717 : vector<16xi32>
      tpu.vector_store_idx %arg17[%shift_right_arithmetic3A_1715, %and3A_1718], %broadcast_in_dim3A_24 {add = true} : memref<640x16xf32, #tpu.memory_space<vmem>>[vector<16xi32>, vector<16xi32>], vector<16xf32>,
      %add3A_1719 = arith.constant 2 : i32
      %add3A_1720 = arith.addi %add3A_139, %add3A_1719 : i32
      %get3A_1721 = arith.index_cast %add3A_1720 : i32 to index
      %get3A_1722 = arith.constant 32 : index
      %get3A_1723 = tpu.vector_load %arg15[%get3A_1721, %get3A_1722] {strides = array<i32>} : memref<160x128xi32, #tpu.memory_space<vmem>>, vector<16xi32>,
      %shift_right_arithmetic3A_1724 = arith.constant 4 : i32
      %shift_right_arithmetic3A_1725 = vector.broadcast %shift_right_arithmetic3A_1724 : i32 to vector<16xi32>
      %shift_right_arithmetic3A_1726 = arith.shrsi %get3A_1723, %shift_right_arithmetic3A_1725 : vector<16xi32>
      %and3A_1727 = arith.constant 15 : i32
      %and3A_1728 = vector.broadcast %and3A_1727 : i32 to vector<16xi32>
      %and3A_1729 = arith.andi %get3A_1723, %and3A_1728 : vector<16xi32>
      tpu.vector_store_idx %arg17[%shift_right_arithmetic3A_1726, %and3A_1729], %broadcast_in_dim3A_24 {add = true} : memref<640x16xf32, #tpu.memory_space<vmem>>[vector<16xi32>, vector<16xi32>], vector<16xf32>,
      %add3A_1730 = arith.constant 2 : i32
      %add3A_1731 = arith.addi %add3A_139, %add3A_1730 : i32
      %get3A_1732 = arith.index_cast %add3A_1731 : i32 to index
      %get3A_1733 = arith.constant 48 : index
      %get3A_1734 = tpu.vector_load %arg15[%get3A_1732, %get3A_1733] {strides = array<i32>} : memref<160x128xi32, #tpu.memory_space<vmem>>, vector<16xi32>,
      %shift_right_arithmetic3A_1735 = arith.constant 4 : i32
      %shift_right_arithmetic3A_1736 = vector.broadcast %shift_right_arithmetic3A_1735 : i32 to vector<16xi32>
      %shift_right_arithmetic3A_1737 = arith.shrsi %get3A_1734, %shift_right_arithmetic3A_1736 : vector<16xi32>
      %and3A_1738 = arith.constant 15 : i32
      %and3A_1739 = vector.broadcast %and3A_1738 : i32 to vector<16xi32>
      %and3A_1740 = arith.andi %get3A_1734, %and3A_1739 : vector<16xi32>
      tpu.vector_store_idx %arg17[%shift_right_arithmetic3A_1737, %and3A_1740], %broadcast_in_dim3A_24 {add = true} : memref<640x16xf32, #tpu.memory_space<vmem>>[vector<16xi32>, vector<16xi32>], vector<16xf32>,
      %add3A_1741 = arith.constant 2 : i32
      %add3A_1742 = arith.addi %add3A_139, %add3A_1741 : i32
      %get3A_1743 = arith.index_cast %add3A_1742 : i32 to index
      %get3A_1744 = arith.constant 64 : index
      %get3A_1745 = tpu.vector_load %arg15[%get3A_1743, %get3A_1744] {strides = array<i32>} : memref<160x128xi32, #tpu.memory_space<vmem>>, vector<16xi32>,
      %shift_right_arithmetic3A_1746 = arith.constant 4 : i32
      %shift_right_arithmetic3A_1747 = vector.broadcast %shift_right_arithmetic3A_1746 : i32 to vector<16xi32>
      %shift_right_arithmetic3A_1748 = arith.shrsi %get3A_1745, %shift_right_arithmetic3A_1747 : vector<16xi32>
      %and3A_1749 = arith.constant 15 : i32
      %and3A_1750 = vector.broadcast %and3A_1749 : i32 to vector<16xi32>
      %and3A_1751 = arith.andi %get3A_1745, %and3A_1750 : vector<16xi32>
      tpu.vector_store_idx %arg17[%shift_right_arithmetic3A_1748, %and3A_1751], %broadcast_in_dim3A_24 {add = true} : memref<640x16xf32, #tpu.memory_space<vmem>>[vector<16xi32>, vector<16xi32>], vector<16xf32>,
      %add3A_1752 = arith.constant 2 : i32
      %add3A_1753 = arith.addi %add3A_139, %add3A_1752 : i32
      %get3A_1754 = arith.index_cast %add3A_1753 : i32 to index
      %get3A_1755 = arith.constant 80 : index
      %get3A_1756 = tpu.vector_load %arg15[%get3A_1754, %get3A_1755] {strides = array<i32>} : memref<160x128xi32, #tpu.memory_space<vmem>>, vector<16xi32>,
      %shift_right_arithmetic3A_1757 = arith.constant 4 : i32
      %shift_right_arithmetic3A_1758 = vector.broadcast %shift_right_arithmetic3A_1757 : i32 to vector<16xi32>
      %shift_right_arithmetic3A_1759 = arith.shrsi %get3A_1756, %shift_right_arithmetic3A_1758 : vector<16xi32>
      %and3A_1760 = arith.constant 15 : i32
      %and3A_1761 = vector.broadcast %and3A_1760 : i32 to vector<16xi32>
      %and3A_1762 = arith.andi %get3A_1756, %and3A_1761 : vector<16xi32>
      tpu.vector_store_idx %arg17[%shift_right_arithmetic3A_1759, %and3A_1762], %broadcast_in_dim3A_24 {add = true} : memref<640x16xf32, #tpu.memory_space<vmem>>[vector<16xi32>, vector<16xi32>], vector<16xf32>,
      %add3A_1763 = arith.constant 2 : i32
      %add3A_1764 = arith.addi %add3A_139, %add3A_1763 : i32
      %get3A_1765 = arith.index_cast %add3A_1764 : i32 to index
      %get3A_1766 = arith.constant 96 : index
      %get3A_1767 = tpu.vector_load %arg15[%get3A_1765, %get3A_1766] {strides = array<i32>} : memref<160x128xi32, #tpu.memory_space<vmem>>, vector<16xi32>,
      %shift_right_arithmetic3A_1768 = arith.constant 4 : i32
      %shift_right_arithmetic3A_1769 = vector.broadcast %shift_right_arithmetic3A_1768 : i32 to vector<16xi32>
      %shift_right_arithmetic3A_1770 = arith.shrsi %get3A_1767, %shift_right_arithmetic3A_1769 : vector<16xi32>
      %and3A_1771 = arith.constant 15 : i32
      %and3A_1772 = vector.broadcast %and3A_1771 : i32 to vector<16xi32>
      %and3A_1773 = arith.andi %get3A_1767, %and3A_1772 : vector<16xi32>
      tpu.vector_store_idx %arg17[%shift_right_arithmetic3A_1770, %and3A_1773], %broadcast_in_dim3A_24 {add = true} : memref<640x16xf32, #tpu.memory_space<vmem>>[vector<16xi32>, vector<16xi32>], vector<16xf32>,
      %add3A_1774 = arith.constant 2 : i32
      %add3A_1775 = arith.addi %add3A_139, %add3A_1774 : i32
      %get3A_1776 = arith.index_cast %add3A_1775 : i32 to index
      %get3A_1777 = arith.constant 112 : index
      %get3A_1778 = tpu.vector_load %arg15[%get3A_1776, %get3A_1777] {strides = array<i32>} : memref<160x128xi32, #tpu.memory_space<vmem>>, vector<16xi32>,
      %shift_right_arithmetic3A_1779 = arith.constant 4 : i32
      %shift_right_arithmetic3A_1780 = vector.broadcast %shift_right_arithmetic3A_1779 : i32 to vector<16xi32>
      %shift_right_arithmetic3A_1781 = arith.shrsi %get3A_1778, %shift_right_arithmetic3A_1780 : vector<16xi32>
      %and3A_1782 = arith.constant 15 : i32
      %and3A_1783 = vector.broadcast %and3A_1782 : i32 to vector<16xi32>
      %and3A_1784 = arith.andi %get3A_1778, %and3A_1783 : vector<16xi32>
      tpu.vector_store_idx %arg17[%shift_right_arithmetic3A_1781, %and3A_1784], %broadcast_in_dim3A_24 {add = true} : memref<640x16xf32, #tpu.memory_space<vmem>>[vector<16xi32>, vector<16xi32>], vector<16xf32>,
      %add3A_1785 = arith.constant 3 : i32
      %add3A_1786 = arith.addi %add3A_139, %add3A_1785 : i32
      %get3A_1787 = arith.index_cast %add3A_1786 : i32 to index
      %get3A_1788 = arith.constant 0 : index
      %get3A_1789 = tpu.vector_load %arg15[%get3A_1787, %get3A_1788] {strides = array<i32>} : memref<160x128xi32, #tpu.memory_space<vmem>>, vector<16xi32>,
      %shift_right_arithmetic3A_1790 = arith.constant 4 : i32
      %shift_right_arithmetic3A_1791 = vector.broadcast %shift_right_arithmetic3A_1790 : i32 to vector<16xi32>
      %shift_right_arithmetic3A_1792 = arith.shrsi %get3A_1789, %shift_right_arithmetic3A_1791 : vector<16xi32>
      %and3A_1793 = arith.constant 15 : i32
      %and3A_1794 = vector.broadcast %and3A_1793 : i32 to vector<16xi32>
      %and3A_1795 = arith.andi %get3A_1789, %and3A_1794 : vector<16xi32>
      tpu.vector_store_idx %arg17[%shift_right_arithmetic3A_1792, %and3A_1795], %broadcast_in_dim3A_24 {add = true} : memref<640x16xf32, #tpu.memory_space<vmem>>[vector<16xi32>, vector<16xi32>], vector<16xf32>,
      %add3A_1796 = arith.constant 3 : i32
      %add3A_1797 = arith.addi %add3A_139, %add3A_1796 : i32
      %get3A_1798 = arith.index_cast %add3A_1797 : i32 to index
      %get3A_1799 = arith.constant 16 : index
      %get3A_1800 = tpu.vector_load %arg15[%get3A_1798, %get3A_1799] {strides = array<i32>} : memref<160x128xi32, #tpu.memory_space<vmem>>, vector<16xi32>,
      %shift_right_arithmetic3A_1801 = arith.constant 4 : i32
      %shift_right_arithmetic3A_1802 = vector.broadcast %shift_right_arithmetic3A_1801 : i32 to vector<16xi32>
      %shift_right_arithmetic3A_1803 = arith.shrsi %get3A_1800, %shift_right_arithmetic3A_1802 : vector<16xi32>
      %and3A_1804 = arith.constant 15 : i32
      %and3A_1805 = vector.broadcast %and3A_1804 : i32 to vector<16xi32>
      %and3A_1806 = arith.andi %get3A_1800, %and3A_1805 : vector<16xi32>
      tpu.vector_store_idx %arg17[%shift_right_arithmetic3A_1803, %and3A_1806], %broadcast_in_dim3A_24 {add = true} : memref<640x16xf32, #tpu.memory_space<vmem>>[vector<16xi32>, vector<16xi32>], vector<16xf32>,
      %add3A_1807 = arith.constant 3 : i32
      %add3A_1808 = arith.addi %add3A_139, %add3A_1807 : i32
      %get3A_1809 = arith.index_cast %add3A_1808 : i32 to index
      %get3A_1810 = arith.constant 32 : index
      %get3A_1811 = tpu.vector_load %arg15[%get3A_1809, %get3A_1810] {strides = array<i32>} : memref<160x128xi32, #tpu.memory_space<vmem>>, vector<16xi32>,
      %shift_right_arithmetic3A_1812 = arith.constant 4 : i32
      %shift_right_arithmetic3A_1813 = vector.broadcast %shift_right_arithmetic3A_1812 : i32 to vector<16xi32>
      %shift_right_arithmetic3A_1814 = arith.shrsi %get3A_1811, %shift_right_arithmetic3A_1813 : vector<16xi32>
      %and3A_1815 = arith.constant 15 : i32
      %and3A_1816 = vector.broadcast %and3A_1815 : i32 to vector<16xi32>
      %and3A_1817 = arith.andi %get3A_1811, %and3A_1816 : vector<16xi32>
      tpu.vector_store_idx %arg17[%shift_right_arithmetic3A_1814, %and3A_1817], %broadcast_in_dim3A_24 {add = true} : memref<640x16xf32, #tpu.memory_space<vmem>>[vector<16xi32>, vector<16xi32>], vector<16xf32>,
      %add3A_1818 = arith.constant 3 : i32
      %add3A_1819 = arith.addi %add3A_139, %add3A_1818 : i32
      %get3A_1820 = arith.index_cast %add3A_1819 : i32 to index
      %get3A_1821 = arith.constant 48 : index
      %get3A_1822 = tpu.vector_load %arg15[%get3A_1820, %get3A_1821] {strides = array<i32>} : memref<160x128xi32, #tpu.memory_space<vmem>>, vector<16xi32>,
      %shift_right_arithmetic3A_1823 = arith.constant 4 : i32
      %shift_right_arithmetic3A_1824 = vector.broadcast %shift_right_arithmetic3A_1823 : i32 to vector<16xi32>
      %shift_right_arithmetic3A_1825 = arith.shrsi %get3A_1822, %shift_right_arithmetic3A_1824 : vector<16xi32>
      %and3A_1826 = arith.constant 15 : i32
      %and3A_1827 = vector.broadcast %and3A_1826 : i32 to vector<16xi32>
      %and3A_1828 = arith.andi %get3A_1822, %and3A_1827 : vector<16xi32>
      tpu.vector_store_idx %arg17[%shift_right_arithmetic3A_1825, %and3A_1828], %broadcast_in_dim3A_24 {add = true} : memref<640x16xf32, #tpu.memory_space<vmem>>[vector<16xi32>, vector<16xi32>], vector<16xf32>,
      %add3A_1829 = arith.constant 3 : i32
      %add3A_1830 = arith.addi %add3A_139, %add3A_1829 : i32
      %get3A_1831 = arith.index_cast %add3A_1830 : i32 to index
      %get3A_1832 = arith.constant 64 : index
      %get3A_1833 = tpu.vector_load %arg15[%get3A_1831, %get3A_1832] {strides = array<i32>} : memref<160x128xi32, #tpu.memory_space<vmem>>, vector<16xi32>,
      %shift_right_arithmetic3A_1834 = arith.constant 4 : i32
      %shift_right_arithmetic3A_1835 = vector.broadcast %shift_right_arithmetic3A_1834 : i32 to vector<16xi32>
      %shift_right_arithmetic3A_1836 = arith.shrsi %get3A_1833, %shift_right_arithmetic3A_1835 : vector<16xi32>
      %and3A_1837 = arith.constant 15 : i32
      %and3A_1838 = vector.broadcast %and3A_1837 : i32 to vector<16xi32>
      %and3A_1839 = arith.andi %get3A_1833, %and3A_1838 : vector<16xi32>
      tpu.vector_store_idx %arg17[%shift_right_arithmetic3A_1836, %and3A_1839], %broadcast_in_dim3A_24 {add = true} : memref<640x16xf32, #tpu.memory_space<vmem>>[vector<16xi32>, vector<16xi32>], vector<16xf32>,
      %add3A_1840 = arith.constant 3 : i32
      %add3A_1841 = arith.addi %add3A_139, %add3A_1840 : i32
      %get3A_1842 = arith.index_cast %add3A_1841 : i32 to index
      %get3A_1843 = arith.constant 80 : index
      %get3A_1844 = tpu.vector_load %arg15[%get3A_1842, %get3A_1843] {strides = array<i32>} : memref<160x128xi32, #tpu.memory_space<vmem>>, vector<16xi32>,
      %shift_right_arithmetic3A_1845 = arith.constant 4 : i32
      %shift_right_arithmetic3A_1846 = vector.broadcast %shift_right_arithmetic3A_1845 : i32 to vector<16xi32>
      %shift_right_arithmetic3A_1847 = arith.shrsi %get3A_1844, %shift_right_arithmetic3A_1846 : vector<16xi32>
      %and3A_1848 = arith.constant 15 : i32
      %and3A_1849 = vector.broadcast %and3A_1848 : i32 to vector<16xi32>
      %and3A_1850 = arith.andi %get3A_1844, %and3A_1849 : vector<16xi32>
      tpu.vector_store_idx %arg17[%shift_right_arithmetic3A_1847, %and3A_1850], %broadcast_in_dim3A_24 {add = true} : memref<640x16xf32, #tpu.memory_space<vmem>>[vector<16xi32>, vector<16xi32>], vector<16xf32>,
      %add3A_1851 = arith.constant 3 : i32
      %add3A_1852 = arith.addi %add3A_139, %add3A_1851 : i32
      %get3A_1853 = arith.index_cast %add3A_1852 : i32 to index
      %get3A_1854 = arith.constant 96 : index
      %get3A_1855 = tpu.vector_load %arg15[%get3A_1853, %get3A_1854] {strides = array<i32>} : memref<160x128xi32, #tpu.memory_space<vmem>>, vector<16xi32>,
      %shift_right_arithmetic3A_1856 = arith.constant 4 : i32
      %shift_right_arithmetic3A_1857 = vector.broadcast %shift_right_arithmetic3A_1856 : i32 to vector<16xi32>
      %shift_right_arithmetic3A_1858 = arith.shrsi %get3A_1855, %shift_right_arithmetic3A_1857 : vector<16xi32>
      %and3A_1859 = arith.constant 15 : i32
      %and3A_1860 = vector.broadcast %and3A_1859 : i32 to vector<16xi32>
      %and3A_1861 = arith.andi %get3A_1855, %and3A_1860 : vector<16xi32>
      tpu.vector_store_idx %arg17[%shift_right_arithmetic3A_1858, %and3A_1861], %broadcast_in_dim3A_24 {add = true} : memref<640x16xf32, #tpu.memory_space<vmem>>[vector<16xi32>, vector<16xi32>], vector<16xf32>,
      %add3A_1862 = arith.constant 3 : i32
      %add3A_1863 = arith.addi %add3A_139, %add3A_1862 : i32
      %get3A_1864 = arith.index_cast %add3A_1863 : i32 to index
      %get3A_1865 = arith.constant 112 : index
      %get3A_1866 = tpu.vector_load %arg15[%get3A_1864, %get3A_1865] {strides = array<i32>} : memref<160x128xi32, #tpu.memory_space<vmem>>, vector<16xi32>,
      %shift_right_arithmetic3A_1867 = arith.constant 4 : i32
      %shift_right_arithmetic3A_1868 = vector.broadcast %shift_right_arithmetic3A_1867 : i32 to vector<16xi32>
      %shift_right_arithmetic3A_1869 = arith.shrsi %get3A_1866, %shift_right_arithmetic3A_1868 : vector<16xi32>
      %and3A_1870 = arith.constant 15 : i32
      %and3A_1871 = vector.broadcast %and3A_1870 : i32 to vector<16xi32>
      %and3A_1872 = arith.andi %get3A_1866, %and3A_1871 : vector<16xi32>
      tpu.vector_store_idx %arg17[%shift_right_arithmetic3A_1869, %and3A_1872], %broadcast_in_dim3A_24 {add = true} : memref<640x16xf32, #tpu.memory_space<vmem>>[vector<16xi32>, vector<16xi32>], vector<16xf32>,
      %add3A_1873 = arith.constant 4 : i32
      %add3A_1874 = arith.addi %add3A_139, %add3A_1873 : i32
      %get3A_1875 = arith.index_cast %add3A_1874 : i32 to index
      %get3A_1876 = arith.constant 0 : index
      %get3A_1877 = tpu.vector_load %arg15[%get3A_1875, %get3A_1876] {strides = array<i32>} : memref<160x128xi32, #tpu.memory_space<vmem>>, vector<16xi32>,
      %shift_right_arithmetic3A_1878 = arith.constant 4 : i32
      %shift_right_arithmetic3A_1879 = vector.broadcast %shift_right_arithmetic3A_1878 : i32 to vector<16xi32>
      %shift_right_arithmetic3A_1880 = arith.shrsi %get3A_1877, %shift_right_arithmetic3A_1879 : vector<16xi32>
      %and3A_1881 = arith.constant 15 : i32
      %and3A_1882 = vector.broadcast %and3A_1881 : i32 to vector<16xi32>
      %and3A_1883 = arith.andi %get3A_1877, %and3A_1882 : vector<16xi32>
      tpu.vector_store_idx %arg17[%shift_right_arithmetic3A_1880, %and3A_1883], %broadcast_in_dim3A_24 {add = true} : memref<640x16xf32, #tpu.memory_space<vmem>>[vector<16xi32>, vector<16xi32>], vector<16xf32>,
      %add3A_1884 = arith.constant 4 : i32
      %add3A_1885 = arith.addi %add3A_139, %add3A_1884 : i32
      %get3A_1886 = arith.index_cast %add3A_1885 : i32 to index
      %get3A_1887 = arith.constant 16 : index
      %get3A_1888 = tpu.vector_load %arg15[%get3A_1886, %get3A_1887] {strides = array<i32>} : memref<160x128xi32, #tpu.memory_space<vmem>>, vector<16xi32>,
      %shift_right_arithmetic3A_1889 = arith.constant 4 : i32
      %shift_right_arithmetic3A_1890 = vector.broadcast %shift_right_arithmetic3A_1889 : i32 to vector<16xi32>
      %shift_right_arithmetic3A_1891 = arith.shrsi %get3A_1888, %shift_right_arithmetic3A_1890 : vector<16xi32>
      %and3A_1892 = arith.constant 15 : i32
      %and3A_1893 = vector.broadcast %and3A_1892 : i32 to vector<16xi32>
      %and3A_1894 = arith.andi %get3A_1888, %and3A_1893 : vector<16xi32>
      tpu.vector_store_idx %arg17[%shift_right_arithmetic3A_1891, %and3A_1894], %broadcast_in_dim3A_24 {add = true} : memref<640x16xf32, #tpu.memory_space<vmem>>[vector<16xi32>, vector<16xi32>], vector<16xf32>,
      %add3A_1895 = arith.constant 4 : i32
      %add3A_1896 = arith.addi %add3A_139, %add3A_1895 : i32
      %get3A_1897 = arith.index_cast %add3A_1896 : i32 to index
      %get3A_1898 = arith.constant 32 : index
      %get3A_1899 = tpu.vector_load %arg15[%get3A_1897, %get3A_1898] {strides = array<i32>} : memref<160x128xi32, #tpu.memory_space<vmem>>, vector<16xi32>,
      %shift_right_arithmetic3A_1900 = arith.constant 4 : i32
      %shift_right_arithmetic3A_1901 = vector.broadcast %shift_right_arithmetic3A_1900 : i32 to vector<16xi32>
      %shift_right_arithmetic3A_1902 = arith.shrsi %get3A_1899, %shift_right_arithmetic3A_1901 : vector<16xi32>
      %and3A_1903 = arith.constant 15 : i32
      %and3A_1904 = vector.broadcast %and3A_1903 : i32 to vector<16xi32>
      %and3A_1905 = arith.andi %get3A_1899, %and3A_1904 : vector<16xi32>
      tpu.vector_store_idx %arg17[%shift_right_arithmetic3A_1902, %and3A_1905], %broadcast_in_dim3A_24 {add = true} : memref<640x16xf32, #tpu.memory_space<vmem>>[vector<16xi32>, vector<16xi32>], vector<16xf32>,
      %add3A_1906 = arith.constant 4 : i32
      %add3A_1907 = arith.addi %add3A_139, %add3A_1906 : i32
      %get3A_1908 = arith.index_cast %add3A_1907 : i32 to index
      %get3A_1909 = arith.constant 48 : index
      %get3A_1910 = tpu.vector_load %arg15[%get3A_1908, %get3A_1909] {strides = array<i32>} : memref<160x128xi32, #tpu.memory_space<vmem>>, vector<16xi32>,
      %shift_right_arithmetic3A_1911 = arith.constant 4 : i32
      %shift_right_arithmetic3A_1912 = vector.broadcast %shift_right_arithmetic3A_1911 : i32 to vector<16xi32>
      %shift_right_arithmetic3A_1913 = arith.shrsi %get3A_1910, %shift_right_arithmetic3A_1912 : vector<16xi32>
      %and3A_1914 = arith.constant 15 : i32
      %and3A_1915 = vector.broadcast %and3A_1914 : i32 to vector<16xi32>
      %and3A_1916 = arith.andi %get3A_1910, %and3A_1915 : vector<16xi32>
      tpu.vector_store_idx %arg17[%shift_right_arithmetic3A_1913, %and3A_1916], %broadcast_in_dim3A_24 {add = true} : memref<640x16xf32, #tpu.memory_space<vmem>>[vector<16xi32>, vector<16xi32>], vector<16xf32>,
      %add3A_1917 = arith.constant 4 : i32
      %add3A_1918 = arith.addi %add3A_139, %add3A_1917 : i32
      %get3A_1919 = arith.index_cast %add3A_1918 : i32 to index
      %get3A_1920 = arith.constant 64 : index
      %get3A_1921 = tpu.vector_load %arg15[%get3A_1919, %get3A_1920] {strides = array<i32>} : memref<160x128xi32, #tpu.memory_space<vmem>>, vector<16xi32>,
      %shift_right_arithmetic3A_1922 = arith.constant 4 : i32
      %shift_right_arithmetic3A_1923 = vector.broadcast %shift_right_arithmetic3A_1922 : i32 to vector<16xi32>
      %shift_right_arithmetic3A_1924 = arith.shrsi %get3A_1921, %shift_right_arithmetic3A_1923 : vector<16xi32>
      %and3A_1925 = arith.constant 15 : i32
      %and3A_1926 = vector.broadcast %and3A_1925 : i32 to vector<16xi32>
      %and3A_1927 = arith.andi %get3A_1921, %and3A_1926 : vector<16xi32>
      tpu.vector_store_idx %arg17[%shift_right_arithmetic3A_1924, %and3A_1927], %broadcast_in_dim3A_24 {add = true} : memref<640x16xf32, #tpu.memory_space<vmem>>[vector<16xi32>, vector<16xi32>], vector<16xf32>,
      %add3A_1928 = arith.constant 4 : i32
      %add3A_1929 = arith.addi %add3A_139, %add3A_1928 : i32
      %get3A_1930 = arith.index_cast %add3A_1929 : i32 to index
      %get3A_1931 = arith.constant 80 : index
      %get3A_1932 = tpu.vector_load %arg15[%get3A_1930, %get3A_1931] {strides = array<i32>} : memref<160x128xi32, #tpu.memory_space<vmem>>, vector<16xi32>,
      %shift_right_arithmetic3A_1933 = arith.constant 4 : i32
      %shift_right_arithmetic3A_1934 = vector.broadcast %shift_right_arithmetic3A_1933 : i32 to vector<16xi32>
      %shift_right_arithmetic3A_1935 = arith.shrsi %get3A_1932, %shift_right_arithmetic3A_1934 : vector<16xi32>
      %and3A_1936 = arith.constant 15 : i32
      %and3A_1937 = vector.broadcast %and3A_1936 : i32 to vector<16xi32>
      %and3A_1938 = arith.andi %get3A_1932, %and3A_1937 : vector<16xi32>
      tpu.vector_store_idx %arg17[%shift_right_arithmetic3A_1935, %and3A_1938], %broadcast_in_dim3A_24 {add = true} : memref<640x16xf32, #tpu.memory_space<vmem>>[vector<16xi32>, vector<16xi32>], vector<16xf32>,
      %add3A_1939 = arith.constant 4 : i32
      %add3A_1940 = arith.addi %add3A_139, %add3A_1939 : i32
      %get3A_1941 = arith.index_cast %add3A_1940 : i32 to index
      %get3A_1942 = arith.constant 96 : index
      %get3A_1943 = tpu.vector_load %arg15[%get3A_1941, %get3A_1942] {strides = array<i32>} : memref<160x128xi32, #tpu.memory_space<vmem>>, vector<16xi32>,
      %shift_right_arithmetic3A_1944 = arith.constant 4 : i32
      %shift_right_arithmetic3A_1945 = vector.broadcast %shift_right_arithmetic3A_1944 : i32 to vector<16xi32>
      %shift_right_arithmetic3A_1946 = arith.shrsi %get3A_1943, %shift_right_arithmetic3A_1945 : vector<16xi32>
      %and3A_1947 = arith.constant 15 : i32
      %and3A_1948 = vector.broadcast %and3A_1947 : i32 to vector<16xi32>
      %and3A_1949 = arith.andi %get3A_1943, %and3A_1948 : vector<16xi32>
      tpu.vector_store_idx %arg17[%shift_right_arithmetic3A_1946, %and3A_1949], %broadcast_in_dim3A_24 {add = true} : memref<640x16xf32, #tpu.memory_space<vmem>>[vector<16xi32>, vector<16xi32>], vector<16xf32>,
      %add3A_1950 = arith.constant 4 : i32
      %add3A_1951 = arith.addi %add3A_139, %add3A_1950 : i32
      %get3A_1952 = arith.index_cast %add3A_1951 : i32 to index
      %get3A_1953 = arith.constant 112 : index
      %get3A_1954 = tpu.vector_load %arg15[%get3A_1952, %get3A_1953] {strides = array<i32>} : memref<160x128xi32, #tpu.memory_space<vmem>>, vector<16xi32>,
      %shift_right_arithmetic3A_1955 = arith.constant 4 : i32
      %shift_right_arithmetic3A_1956 = vector.broadcast %shift_right_arithmetic3A_1955 : i32 to vector<16xi32>
      %shift_right_arithmetic3A_1957 = arith.shrsi %get3A_1954, %shift_right_arithmetic3A_1956 : vector<16xi32>
      %and3A_1958 = arith.constant 15 : i32
      %and3A_1959 = vector.broadcast %and3A_1958 : i32 to vector<16xi32>
      %and3A_1960 = arith.andi %get3A_1954, %and3A_1959 : vector<16xi32>
      tpu.vector_store_idx %arg17[%shift_right_arithmetic3A_1957, %and3A_1960], %broadcast_in_dim3A_24 {add = true} : memref<640x16xf32, #tpu.memory_space<vmem>>[vector<16xi32>, vector<16xi32>], vector<16xf32>,
      %add3A_1961 = arith.constant 5 : i32
      %add3A_1962 = arith.addi %add3A_139, %add3A_1961 : i32
      %get3A_1963 = arith.index_cast %add3A_1962 : i32 to index
      %get3A_1964 = arith.constant 0 : index
      %get3A_1965 = tpu.vector_load %arg15[%get3A_1963, %get3A_1964] {strides = array<i32>} : memref<160x128xi32, #tpu.memory_space<vmem>>, vector<16xi32>,
      %shift_right_arithmetic3A_1966 = arith.constant 4 : i32
      %shift_right_arithmetic3A_1967 = vector.broadcast %shift_right_arithmetic3A_1966 : i32 to vector<16xi32>
      %shift_right_arithmetic3A_1968 = arith.shrsi %get3A_1965, %shift_right_arithmetic3A_1967 : vector<16xi32>
      %and3A_1969 = arith.constant 15 : i32
      %and3A_1970 = vector.broadcast %and3A_1969 : i32 to vector<16xi32>
      %and3A_1971 = arith.andi %get3A_1965, %and3A_1970 : vector<16xi32>
      tpu.vector_store_idx %arg17[%shift_right_arithmetic3A_1968, %and3A_1971], %broadcast_in_dim3A_24 {add = true} : memref<640x16xf32, #tpu.memory_space<vmem>>[vector<16xi32>, vector<16xi32>], vector<16xf32>,
      %add3A_1972 = arith.constant 5 : i32
      %add3A_1973 = arith.addi %add3A_139, %add3A_1972 : i32
      %get3A_1974 = arith.index_cast %add3A_1973 : i32 to index
      %get3A_1975 = arith.constant 16 : index
      %get3A_1976 = tpu.vector_load %arg15[%get3A_1974, %get3A_1975] {strides = array<i32>} : memref<160x128xi32, #tpu.memory_space<vmem>>, vector<16xi32>,
      %shift_right_arithmetic3A_1977 = arith.constant 4 : i32
      %shift_right_arithmetic3A_1978 = vector.broadcast %shift_right_arithmetic3A_1977 : i32 to vector<16xi32>
      %shift_right_arithmetic3A_1979 = arith.shrsi %get3A_1976, %shift_right_arithmetic3A_1978 : vector<16xi32>
      %and3A_1980 = arith.constant 15 : i32
      %and3A_1981 = vector.broadcast %and3A_1980 : i32 to vector<16xi32>
      %and3A_1982 = arith.andi %get3A_1976, %and3A_1981 : vector<16xi32>
      tpu.vector_store_idx %arg17[%shift_right_arithmetic3A_1979, %and3A_1982], %broadcast_in_dim3A_24 {add = true} : memref<640x16xf32, #tpu.memory_space<vmem>>[vector<16xi32>, vector<16xi32>], vector<16xf32>,
      %add3A_1983 = arith.constant 5 : i32
      %add3A_1984 = arith.addi %add3A_139, %add3A_1983 : i32
      %get3A_1985 = arith.index_cast %add3A_1984 : i32 to index
      %get3A_1986 = arith.constant 32 : index
      %get3A_1987 = tpu.vector_load %arg15[%get3A_1985, %get3A_1986] {strides = array<i32>} : memref<160x128xi32, #tpu.memory_space<vmem>>, vector<16xi32>,
      %shift_right_arithmetic3A_1988 = arith.constant 4 : i32
      %shift_right_arithmetic3A_1989 = vector.broadcast %shift_right_arithmetic3A_1988 : i32 to vector<16xi32>
      %shift_right_arithmetic3A_1990 = arith.shrsi %get3A_1987, %shift_right_arithmetic3A_1989 : vector<16xi32>
      %and3A_1991 = arith.constant 15 : i32
      %and3A_1992 = vector.broadcast %and3A_1991 : i32 to vector<16xi32>
      %and3A_1993 = arith.andi %get3A_1987, %and3A_1992 : vector<16xi32>
      tpu.vector_store_idx %arg17[%shift_right_arithmetic3A_1990, %and3A_1993], %broadcast_in_dim3A_24 {add = true} : memref<640x16xf32, #tpu.memory_space<vmem>>[vector<16xi32>, vector<16xi32>], vector<16xf32>,
      %add3A_1994 = arith.constant 5 : i32
      %add3A_1995 = arith.addi %add3A_139, %add3A_1994 : i32
      %get3A_1996 = arith.index_cast %add3A_1995 : i32 to index
      %get3A_1997 = arith.constant 48 : index
      %get3A_1998 = tpu.vector_load %arg15[%get3A_1996, %get3A_1997] {strides = array<i32>} : memref<160x128xi32, #tpu.memory_space<vmem>>, vector<16xi32>,
      %shift_right_arithmetic3A_1999 = arith.constant 4 : i32
      %shift_right_arithmetic3A_2000 = vector.broadcast %shift_right_arithmetic3A_1999 : i32 to vector<16xi32>
      %shift_right_arithmetic3A_2001 = arith.shrsi %get3A_1998, %shift_right_arithmetic3A_2000 : vector<16xi32>
      %and3A_2002 = arith.constant 15 : i32
      %and3A_2003 = vector.broadcast %and3A_2002 : i32 to vector<16xi32>
      %and3A_2004 = arith.andi %get3A_1998, %and3A_2003 : vector<16xi32>
      tpu.vector_store_idx %arg17[%shift_right_arithmetic3A_2001, %and3A_2004], %broadcast_in_dim3A_24 {add = true} : memref<640x16xf32, #tpu.memory_space<vmem>>[vector<16xi32>, vector<16xi32>], vector<16xf32>,
      %add3A_2005 = arith.constant 5 : i32
      %add3A_2006 = arith.addi %add3A_139, %add3A_2005 : i32
      %get3A_2007 = arith.index_cast %add3A_2006 : i32 to index
      %get3A_2008 = arith.constant 64 : index
      %get3A_2009 = tpu.vector_load %arg15[%get3A_2007, %get3A_2008] {strides = array<i32>} : memref<160x128xi32, #tpu.memory_space<vmem>>, vector<16xi32>,
      %shift_right_arithmetic3A_2010 = arith.constant 4 : i32
      %shift_right_arithmetic3A_2011 = vector.broadcast %shift_right_arithmetic3A_2010 : i32 to vector<16xi32>
      %shift_right_arithmetic3A_2012 = arith.shrsi %get3A_2009, %shift_right_arithmetic3A_2011 : vector<16xi32>
      %and3A_2013 = arith.constant 15 : i32
      %and3A_2014 = vector.broadcast %and3A_2013 : i32 to vector<16xi32>
      %and3A_2015 = arith.andi %get3A_2009, %and3A_2014 : vector<16xi32>
      tpu.vector_store_idx %arg17[%shift_right_arithmetic3A_2012, %and3A_2015], %broadcast_in_dim3A_24 {add = true} : memref<640x16xf32, #tpu.memory_space<vmem>>[vector<16xi32>, vector<16xi32>], vector<16xf32>,
      %add3A_2016 = arith.constant 5 : i32
      %add3A_2017 = arith.addi %add3A_139, %add3A_2016 : i32
      %get3A_2018 = arith.index_cast %add3A_2017 : i32 to index
      %get3A_2019 = arith.constant 80 : index
      %get3A_2020 = tpu.vector_load %arg15[%get3A_2018, %get3A_2019] {strides = array<i32>} : memref<160x128xi32, #tpu.memory_space<vmem>>, vector<16xi32>,
      %shift_right_arithmetic3A_2021 = arith.constant 4 : i32
      %shift_right_arithmetic3A_2022 = vector.broadcast %shift_right_arithmetic3A_2021 : i32 to vector<16xi32>
      %shift_right_arithmetic3A_2023 = arith.shrsi %get3A_2020, %shift_right_arithmetic3A_2022 : vector<16xi32>
      %and3A_2024 = arith.constant 15 : i32
      %and3A_2025 = vector.broadcast %and3A_2024 : i32 to vector<16xi32>
      %and3A_2026 = arith.andi %get3A_2020, %and3A_2025 : vector<16xi32>
      tpu.vector_store_idx %arg17[%shift_right_arithmetic3A_2023, %and3A_2026], %broadcast_in_dim3A_24 {add = true} : memref<640x16xf32, #tpu.memory_space<vmem>>[vector<16xi32>, vector<16xi32>], vector<16xf32>,
      %add3A_2027 = arith.constant 5 : i32
      %add3A_2028 = arith.addi %add3A_139, %add3A_2027 : i32
      %get3A_2029 = arith.index_cast %add3A_2028 : i32 to index
      %get3A_2030 = arith.constant 96 : index
      %get3A_2031 = tpu.vector_load %arg15[%get3A_2029, %get3A_2030] {strides = array<i32>} : memref<160x128xi32, #tpu.memory_space<vmem>>, vector<16xi32>,
      %shift_right_arithmetic3A_2032 = arith.constant 4 : i32
      %shift_right_arithmetic3A_2033 = vector.broadcast %shift_right_arithmetic3A_2032 : i32 to vector<16xi32>
      %shift_right_arithmetic3A_2034 = arith.shrsi %get3A_2031, %shift_right_arithmetic3A_2033 : vector<16xi32>
      %and3A_2035 = arith.constant 15 : i32
      %and3A_2036 = vector.broadcast %and3A_2035 : i32 to vector<16xi32>
      %and3A_2037 = arith.andi %get3A_2031, %and3A_2036 : vector<16xi32>
      tpu.vector_store_idx %arg17[%shift_right_arithmetic3A_2034, %and3A_2037], %broadcast_in_dim3A_24 {add = true} : memref<640x16xf32, #tpu.memory_space<vmem>>[vector<16xi32>, vector<16xi32>], vector<16xf32>,
      %add3A_2038 = arith.constant 5 : i32
      %add3A_2039 = arith.addi %add3A_139, %add3A_2038 : i32
      %get3A_2040 = arith.index_cast %add3A_2039 : i32 to index
      %get3A_2041 = arith.constant 112 : index
      %get3A_2042 = tpu.vector_load %arg15[%get3A_2040, %get3A_2041] {strides = array<i32>} : memref<160x128xi32, #tpu.memory_space<vmem>>, vector<16xi32>,
      %shift_right_arithmetic3A_2043 = arith.constant 4 : i32
      %shift_right_arithmetic3A_2044 = vector.broadcast %shift_right_arithmetic3A_2043 : i32 to vector<16xi32>
      %shift_right_arithmetic3A_2045 = arith.shrsi %get3A_2042, %shift_right_arithmetic3A_2044 : vector<16xi32>
      %and3A_2046 = arith.constant 15 : i32
      %and3A_2047 = vector.broadcast %and3A_2046 : i32 to vector<16xi32>
      %and3A_2048 = arith.andi %get3A_2042, %and3A_2047 : vector<16xi32>
      tpu.vector_store_idx %arg17[%shift_right_arithmetic3A_2045, %and3A_2048], %broadcast_in_dim3A_24 {add = true} : memref<640x16xf32, #tpu.memory_space<vmem>>[vector<16xi32>, vector<16xi32>], vector<16xf32>,
      %add3A_2049 = arith.constant 6 : i32
      %add3A_2050 = arith.addi %add3A_139, %add3A_2049 : i32
      %get3A_2051 = arith.index_cast %add3A_2050 : i32 to index
      %get3A_2052 = arith.constant 0 : index
      %get3A_2053 = tpu.vector_load %arg15[%get3A_2051, %get3A_2052] {strides = array<i32>} : memref<160x128xi32, #tpu.memory_space<vmem>>, vector<16xi32>,
      %shift_right_arithmetic3A_2054 = arith.constant 4 : i32
      %shift_right_arithmetic3A_2055 = vector.broadcast %shift_right_arithmetic3A_2054 : i32 to vector<16xi32>
      %shift_right_arithmetic3A_2056 = arith.shrsi %get3A_2053, %shift_right_arithmetic3A_2055 : vector<16xi32>
      %and3A_2057 = arith.constant 15 : i32
      %and3A_2058 = vector.broadcast %and3A_2057 : i32 to vector<16xi32>
      %and3A_2059 = arith.andi %get3A_2053, %and3A_2058 : vector<16xi32>
      tpu.vector_store_idx %arg17[%shift_right_arithmetic3A_2056, %and3A_2059], %broadcast_in_dim3A_24 {add = true} : memref<640x16xf32, #tpu.memory_space<vmem>>[vector<16xi32>, vector<16xi32>], vector<16xf32>,
      %add3A_2060 = arith.constant 6 : i32
      %add3A_2061 = arith.addi %add3A_139, %add3A_2060 : i32
      %get3A_2062 = arith.index_cast %add3A_2061 : i32 to index
      %get3A_2063 = arith.constant 16 : index
      %get3A_2064 = tpu.vector_load %arg15[%get3A_2062, %get3A_2063] {strides = array<i32>} : memref<160x128xi32, #tpu.memory_space<vmem>>, vector<16xi32>,
      %shift_right_arithmetic3A_2065 = arith.constant 4 : i32
      %shift_right_arithmetic3A_2066 = vector.broadcast %shift_right_arithmetic3A_2065 : i32 to vector<16xi32>
      %shift_right_arithmetic3A_2067 = arith.shrsi %get3A_2064, %shift_right_arithmetic3A_2066 : vector<16xi32>
      %and3A_2068 = arith.constant 15 : i32
      %and3A_2069 = vector.broadcast %and3A_2068 : i32 to vector<16xi32>
      %and3A_2070 = arith.andi %get3A_2064, %and3A_2069 : vector<16xi32>
      tpu.vector_store_idx %arg17[%shift_right_arithmetic3A_2067, %and3A_2070], %broadcast_in_dim3A_24 {add = true} : memref<640x16xf32, #tpu.memory_space<vmem>>[vector<16xi32>, vector<16xi32>], vector<16xf32>,
      %add3A_2071 = arith.constant 6 : i32
      %add3A_2072 = arith.addi %add3A_139, %add3A_2071 : i32
      %get3A_2073 = arith.index_cast %add3A_2072 : i32 to index
      %get3A_2074 = arith.constant 32 : index
      %get3A_2075 = tpu.vector_load %arg15[%get3A_2073, %get3A_2074] {strides = array<i32>} : memref<160x128xi32, #tpu.memory_space<vmem>>, vector<16xi32>,
      %shift_right_arithmetic3A_2076 = arith.constant 4 : i32
      %shift_right_arithmetic3A_2077 = vector.broadcast %shift_right_arithmetic3A_2076 : i32 to vector<16xi32>
      %shift_right_arithmetic3A_2078 = arith.shrsi %get3A_2075, %shift_right_arithmetic3A_2077 : vector<16xi32>
      %and3A_2079 = arith.constant 15 : i32
      %and3A_2080 = vector.broadcast %and3A_2079 : i32 to vector<16xi32>
      %and3A_2081 = arith.andi %get3A_2075, %and3A_2080 : vector<16xi32>
      tpu.vector_store_idx %arg17[%shift_right_arithmetic3A_2078, %and3A_2081], %broadcast_in_dim3A_24 {add = true} : memref<640x16xf32, #tpu.memory_space<vmem>>[vector<16xi32>, vector<16xi32>], vector<16xf32>,
      %add3A_2082 = arith.constant 6 : i32
      %add3A_2083 = arith.addi %add3A_139, %add3A_2082 : i32
      %get3A_2084 = arith.index_cast %add3A_2083 : i32 to index
      %get3A_2085 = arith.constant 48 : index
      %get3A_2086 = tpu.vector_load %arg15[%get3A_2084, %get3A_2085] {strides = array<i32>} : memref<160x128xi32, #tpu.memory_space<vmem>>, vector<16xi32>,
      %shift_right_arithmetic3A_2087 = arith.constant 4 : i32
      %shift_right_arithmetic3A_2088 = vector.broadcast %shift_right_arithmetic3A_2087 : i32 to vector<16xi32>
      %shift_right_arithmetic3A_2089 = arith.shrsi %get3A_2086, %shift_right_arithmetic3A_2088 : vector<16xi32>
      %and3A_2090 = arith.constant 15 : i32
      %and3A_2091 = vector.broadcast %and3A_2090 : i32 to vector<16xi32>
      %and3A_2092 = arith.andi %get3A_2086, %and3A_2091 : vector<16xi32>
      tpu.vector_store_idx %arg17[%shift_right_arithmetic3A_2089, %and3A_2092], %broadcast_in_dim3A_24 {add = true} : memref<640x16xf32, #tpu.memory_space<vmem>>[vector<16xi32>, vector<16xi32>], vector<16xf32>,
      %add3A_2093 = arith.constant 6 : i32
      %add3A_2094 = arith.addi %add3A_139, %add3A_2093 : i32
      %get3A_2095 = arith.index_cast %add3A_2094 : i32 to index
      %get3A_2096 = arith.constant 64 : index
      %get3A_2097 = tpu.vector_load %arg15[%get3A_2095, %get3A_2096] {strides = array<i32>} : memref<160x128xi32, #tpu.memory_space<vmem>>, vector<16xi32>,
      %shift_right_arithmetic3A_2098 = arith.constant 4 : i32
      %shift_right_arithmetic3A_2099 = vector.broadcast %shift_right_arithmetic3A_2098 : i32 to vector<16xi32>
      %shift_right_arithmetic3A_2100 = arith.shrsi %get3A_2097, %shift_right_arithmetic3A_2099 : vector<16xi32>
      %and3A_2101 = arith.constant 15 : i32
      %and3A_2102 = vector.broadcast %and3A_2101 : i32 to vector<16xi32>
      %and3A_2103 = arith.andi %get3A_2097, %and3A_2102 : vector<16xi32>
      tpu.vector_store_idx %arg17[%shift_right_arithmetic3A_2100, %and3A_2103], %broadcast_in_dim3A_24 {add = true} : memref<640x16xf32, #tpu.memory_space<vmem>>[vector<16xi32>, vector<16xi32>], vector<16xf32>,
      %add3A_2104 = arith.constant 6 : i32
      %add3A_2105 = arith.addi %add3A_139, %add3A_2104 : i32
      %get3A_2106 = arith.index_cast %add3A_2105 : i32 to index
      %get3A_2107 = arith.constant 80 : index
      %get3A_2108 = tpu.vector_load %arg15[%get3A_2106, %get3A_2107] {strides = array<i32>} : memref<160x128xi32, #tpu.memory_space<vmem>>, vector<16xi32>,
      %shift_right_arithmetic3A_2109 = arith.constant 4 : i32
      %shift_right_arithmetic3A_2110 = vector.broadcast %shift_right_arithmetic3A_2109 : i32 to vector<16xi32>
      %shift_right_arithmetic3A_2111 = arith.shrsi %get3A_2108, %shift_right_arithmetic3A_2110 : vector<16xi32>
      %and3A_2112 = arith.constant 15 : i32
      %and3A_2113 = vector.broadcast %and3A_2112 : i32 to vector<16xi32>
      %and3A_2114 = arith.andi %get3A_2108, %and3A_2113 : vector<16xi32>
      tpu.vector_store_idx %arg17[%shift_right_arithmetic3A_2111, %and3A_2114], %broadcast_in_dim3A_24 {add = true} : memref<640x16xf32, #tpu.memory_space<vmem>>[vector<16xi32>, vector<16xi32>], vector<16xf32>,
      %add3A_2115 = arith.constant 6 : i32
      %add3A_2116 = arith.addi %add3A_139, %add3A_2115 : i32
      %get3A_2117 = arith.index_cast %add3A_2116 : i32 to index
      %get3A_2118 = arith.constant 96 : index
      %get3A_2119 = tpu.vector_load %arg15[%get3A_2117, %get3A_2118] {strides = array<i32>} : memref<160x128xi32, #tpu.memory_space<vmem>>, vector<16xi32>,
      %shift_right_arithmetic3A_2120 = arith.constant 4 : i32
      %shift_right_arithmetic3A_2121 = vector.broadcast %shift_right_arithmetic3A_2120 : i32 to vector<16xi32>
      %shift_right_arithmetic3A_2122 = arith.shrsi %get3A_2119, %shift_right_arithmetic3A_2121 : vector<16xi32>
      %and3A_2123 = arith.constant 15 : i32
      %and3A_2124 = vector.broadcast %and3A_2123 : i32 to vector<16xi32>
      %and3A_2125 = arith.andi %get3A_2119, %and3A_2124 : vector<16xi32>
      tpu.vector_store_idx %arg17[%shift_right_arithmetic3A_2122, %and3A_2125], %broadcast_in_dim3A_24 {add = true} : memref<640x16xf32, #tpu.memory_space<vmem>>[vector<16xi32>, vector<16xi32>], vector<16xf32>,
      %add3A_2126 = arith.constant 6 : i32
      %add3A_2127 = arith.addi %add3A_139, %add3A_2126 : i32
      %get3A_2128 = arith.index_cast %add3A_2127 : i32 to index
      %get3A_2129 = arith.constant 112 : index
      %get3A_2130 = tpu.vector_load %arg15[%get3A_2128, %get3A_2129] {strides = array<i32>} : memref<160x128xi32, #tpu.memory_space<vmem>>, vector<16xi32>,
      %shift_right_arithmetic3A_2131 = arith.constant 4 : i32
      %shift_right_arithmetic3A_2132 = vector.broadcast %shift_right_arithmetic3A_2131 : i32 to vector<16xi32>
      %shift_right_arithmetic3A_2133 = arith.shrsi %get3A_2130, %shift_right_arithmetic3A_2132 : vector<16xi32>
      %and3A_2134 = arith.constant 15 : i32
      %and3A_2135 = vector.broadcast %and3A_2134 : i32 to vector<16xi32>
      %and3A_2136 = arith.andi %get3A_2130, %and3A_2135 : vector<16xi32>
      tpu.vector_store_idx %arg17[%shift_right_arithmetic3A_2133, %and3A_2136], %broadcast_in_dim3A_24 {add = true} : memref<640x16xf32, #tpu.memory_space<vmem>>[vector<16xi32>, vector<16xi32>], vector<16xf32>,
      %add3A_2137 = arith.constant 7 : i32
      %add3A_2138 = arith.addi %add3A_139, %add3A_2137 : i32
      %get3A_2139 = arith.index_cast %add3A_2138 : i32 to index
      %get3A_2140 = arith.constant 0 : index
      %get3A_2141 = tpu.vector_load %arg15[%get3A_2139, %get3A_2140] {strides = array<i32>} : memref<160x128xi32, #tpu.memory_space<vmem>>, vector<16xi32>,
      %shift_right_arithmetic3A_2142 = arith.constant 4 : i32
      %shift_right_arithmetic3A_2143 = vector.broadcast %shift_right_arithmetic3A_2142 : i32 to vector<16xi32>
      %shift_right_arithmetic3A_2144 = arith.shrsi %get3A_2141, %shift_right_arithmetic3A_2143 : vector<16xi32>
      %and3A_2145 = arith.constant 15 : i32
      %and3A_2146 = vector.broadcast %and3A_2145 : i32 to vector<16xi32>
      %and3A_2147 = arith.andi %get3A_2141, %and3A_2146 : vector<16xi32>
      tpu.vector_store_idx %arg17[%shift_right_arithmetic3A_2144, %and3A_2147], %broadcast_in_dim3A_24 {add = true} : memref<640x16xf32, #tpu.memory_space<vmem>>[vector<16xi32>, vector<16xi32>], vector<16xf32>,
      %add3A_2148 = arith.constant 7 : i32
      %add3A_2149 = arith.addi %add3A_139, %add3A_2148 : i32
      %get3A_2150 = arith.index_cast %add3A_2149 : i32 to index
      %get3A_2151 = arith.constant 16 : index
      %get3A_2152 = tpu.vector_load %arg15[%get3A_2150, %get3A_2151] {strides = array<i32>} : memref<160x128xi32, #tpu.memory_space<vmem>>, vector<16xi32>,
      %shift_right_arithmetic3A_2153 = arith.constant 4 : i32
      %shift_right_arithmetic3A_2154 = vector.broadcast %shift_right_arithmetic3A_2153 : i32 to vector<16xi32>
      %shift_right_arithmetic3A_2155 = arith.shrsi %get3A_2152, %shift_right_arithmetic3A_2154 : vector<16xi32>
      %and3A_2156 = arith.constant 15 : i32
      %and3A_2157 = vector.broadcast %and3A_2156 : i32 to vector<16xi32>
      %and3A_2158 = arith.andi %get3A_2152, %and3A_2157 : vector<16xi32>
      tpu.vector_store_idx %arg17[%shift_right_arithmetic3A_2155, %and3A_2158], %broadcast_in_dim3A_24 {add = true} : memref<640x16xf32, #tpu.memory_space<vmem>>[vector<16xi32>, vector<16xi32>], vector<16xf32>,
      %add3A_2159 = arith.constant 7 : i32
      %add3A_2160 = arith.addi %add3A_139, %add3A_2159 : i32
      %get3A_2161 = arith.index_cast %add3A_2160 : i32 to index
      %get3A_2162 = arith.constant 32 : index
      %get3A_2163 = tpu.vector_load %arg15[%get3A_2161, %get3A_2162] {strides = array<i32>} : memref<160x128xi32, #tpu.memory_space<vmem>>, vector<16xi32>,
      %shift_right_arithmetic3A_2164 = arith.constant 4 : i32
      %shift_right_arithmetic3A_2165 = vector.broadcast %shift_right_arithmetic3A_2164 : i32 to vector<16xi32>
      %shift_right_arithmetic3A_2166 = arith.shrsi %get3A_2163, %shift_right_arithmetic3A_2165 : vector<16xi32>
      %and3A_2167 = arith.constant 15 : i32
      %and3A_2168 = vector.broadcast %and3A_2167 : i32 to vector<16xi32>
      %and3A_2169 = arith.andi %get3A_2163, %and3A_2168 : vector<16xi32>
      tpu.vector_store_idx %arg17[%shift_right_arithmetic3A_2166, %and3A_2169], %broadcast_in_dim3A_24 {add = true} : memref<640x16xf32, #tpu.memory_space<vmem>>[vector<16xi32>, vector<16xi32>], vector<16xf32>,
      %add3A_2170 = arith.constant 7 : i32
      %add3A_2171 = arith.addi %add3A_139, %add3A_2170 : i32
      %get3A_2172 = arith.index_cast %add3A_2171 : i32 to index
      %get3A_2173 = arith.constant 48 : index
      %get3A_2174 = tpu.vector_load %arg15[%get3A_2172, %get3A_2173] {strides = array<i32>} : memref<160x128xi32, #tpu.memory_space<vmem>>, vector<16xi32>,
      %shift_right_arithmetic3A_2175 = arith.constant 4 : i32
      %shift_right_arithmetic3A_2176 = vector.broadcast %shift_right_arithmetic3A_2175 : i32 to vector<16xi32>
      %shift_right_arithmetic3A_2177 = arith.shrsi %get3A_2174, %shift_right_arithmetic3A_2176 : vector<16xi32>
      %and3A_2178 = arith.constant 15 : i32
      %and3A_2179 = vector.broadcast %and3A_2178 : i32 to vector<16xi32>
      %and3A_2180 = arith.andi %get3A_2174, %and3A_2179 : vector<16xi32>
      tpu.vector_store_idx %arg17[%shift_right_arithmetic3A_2177, %and3A_2180], %broadcast_in_dim3A_24 {add = true} : memref<640x16xf32, #tpu.memory_space<vmem>>[vector<16xi32>, vector<16xi32>], vector<16xf32>,
      %add3A_2181 = arith.constant 7 : i32
      %add3A_2182 = arith.addi %add3A_139, %add3A_2181 : i32
      %get3A_2183 = arith.index_cast %add3A_2182 : i32 to index
      %get3A_2184 = arith.constant 64 : index
      %get3A_2185 = tpu.vector_load %arg15[%get3A_2183, %get3A_2184] {strides = array<i32>} : memref<160x128xi32, #tpu.memory_space<vmem>>, vector<16xi32>,
      %shift_right_arithmetic3A_2186 = arith.constant 4 : i32
      %shift_right_arithmetic3A_2187 = vector.broadcast %shift_right_arithmetic3A_2186 : i32 to vector<16xi32>
      %shift_right_arithmetic3A_2188 = arith.shrsi %get3A_2185, %shift_right_arithmetic3A_2187 : vector<16xi32>
      %and3A_2189 = arith.constant 15 : i32
      %and3A_2190 = vector.broadcast %and3A_2189 : i32 to vector<16xi32>
      %and3A_2191 = arith.andi %get3A_2185, %and3A_2190 : vector<16xi32>
      tpu.vector_store_idx %arg17[%shift_right_arithmetic3A_2188, %and3A_2191], %broadcast_in_dim3A_24 {add = true} : memref<640x16xf32, #tpu.memory_space<vmem>>[vector<16xi32>, vector<16xi32>], vector<16xf32>,
      %add3A_2192 = arith.constant 7 : i32
      %add3A_2193 = arith.addi %add3A_139, %add3A_2192 : i32
      %get3A_2194 = arith.index_cast %add3A_2193 : i32 to index
      %get3A_2195 = arith.constant 80 : index
      %get3A_2196 = tpu.vector_load %arg15[%get3A_2194, %get3A_2195] {strides = array<i32>} : memref<160x128xi32, #tpu.memory_space<vmem>>, vector<16xi32>,
      %shift_right_arithmetic3A_2197 = arith.constant 4 : i32
      %shift_right_arithmetic3A_2198 = vector.broadcast %shift_right_arithmetic3A_2197 : i32 to vector<16xi32>
      %shift_right_arithmetic3A_2199 = arith.shrsi %get3A_2196, %shift_right_arithmetic3A_2198 : vector<16xi32>
      %and3A_2200 = arith.constant 15 : i32
      %and3A_2201 = vector.broadcast %and3A_2200 : i32 to vector<16xi32>
      %and3A_2202 = arith.andi %get3A_2196, %and3A_2201 : vector<16xi32>
      tpu.vector_store_idx %arg17[%shift_right_arithmetic3A_2199, %and3A_2202], %broadcast_in_dim3A_24 {add = true} : memref<640x16xf32, #tpu.memory_space<vmem>>[vector<16xi32>, vector<16xi32>], vector<16xf32>,
      %add3A_2203 = arith.constant 7 : i32
      %add3A_2204 = arith.addi %add3A_139, %add3A_2203 : i32
      %get3A_2205 = arith.index_cast %add3A_2204 : i32 to index
      %get3A_2206 = arith.constant 96 : index
      %get3A_2207 = tpu.vector_load %arg15[%get3A_2205, %get3A_2206] {strides = array<i32>} : memref<160x128xi32, #tpu.memory_space<vmem>>, vector<16xi32>,
      %shift_right_arithmetic3A_2208 = arith.constant 4 : i32
      %shift_right_arithmetic3A_2209 = vector.broadcast %shift_right_arithmetic3A_2208 : i32 to vector<16xi32>
      %shift_right_arithmetic3A_2210 = arith.shrsi %get3A_2207, %shift_right_arithmetic3A_2209 : vector<16xi32>
      %and3A_2211 = arith.constant 15 : i32
      %and3A_2212 = vector.broadcast %and3A_2211 : i32 to vector<16xi32>
      %and3A_2213 = arith.andi %get3A_2207, %and3A_2212 : vector<16xi32>
      tpu.vector_store_idx %arg17[%shift_right_arithmetic3A_2210, %and3A_2213], %broadcast_in_dim3A_24 {add = true} : memref<640x16xf32, #tpu.memory_space<vmem>>[vector<16xi32>, vector<16xi32>], vector<16xf32>,
      %add3A_2214 = arith.constant 7 : i32
      %add3A_2215 = arith.addi %add3A_139, %add3A_2214 : i32
      %get3A_2216 = arith.index_cast %add3A_2215 : i32 to index
      %get3A_2217 = arith.constant 112 : index
      %get3A_2218 = tpu.vector_load %arg15[%get3A_2216, %get3A_2217] {strides = array<i32>} : memref<160x128xi32, #tpu.memory_space<vmem>>, vector<16xi32>,
      %shift_right_arithmetic3A_2219 = arith.constant 4 : i32
      %shift_right_arithmetic3A_2220 = vector.broadcast %shift_right_arithmetic3A_2219 : i32 to vector<16xi32>
      %shift_right_arithmetic3A_2221 = arith.shrsi %get3A_2218, %shift_right_arithmetic3A_2220 : vector<16xi32>
      %and3A_2222 = arith.constant 15 : i32
      %and3A_2223 = vector.broadcast %and3A_2222 : i32 to vector<16xi32>
      %and3A_2224 = arith.andi %get3A_2218, %and3A_2223 : vector<16xi32>
      tpu.vector_store_idx %arg17[%shift_right_arithmetic3A_2221, %and3A_2224], %broadcast_in_dim3A_24 {add = true} : memref<640x16xf32, #tpu.memory_space<vmem>>[vector<16xi32>, vector<16xi32>], vector<16xf32>,
      %dma_wait3A_2225 = arith.constant 8 : i32
      %dma_wait3A_2226 = arith.constant 0 : i32
      %dma_wait3A_2227 = arith.constant 0 : i32
      %dma_wait3A_2228 = tpu.memref_slice %arg16[%dma_wait3A_2225, %dma_wait3A_2226, %dma_wait3A_2227] : memref<16x128x16xf32, #tpu.memory_space<vmem>> -> memref<1x128x16xf32, #tpu.memory_space<vmem>>
      %dma_wait3A_2229 = tpu.memref_squeeze %dma_wait3A_2228 : memref<1x128x16xf32, #tpu.memory_space<vmem>> -> memref<128x16xf32, #tpu.memory_space<vmem>>
      %dma_wait3A_2230 = arith.constant 0 : i32
      %dma_wait3A_2231 = tpu.memref_slice %arg15[%add3A_1418, %dma_wait3A_2230] : memref<160x128xi32, #tpu.memory_space<vmem>> -> memref<1x128xi32, #tpu.memory_space<vmem>>
      %dma_wait3A_2232 = tpu.memref_squeeze %dma_wait3A_2231 : memref<1x128xi32, #tpu.memory_space<vmem>> -> memref<128xi32, #tpu.memory_space<vmem>>
      %dma_wait3A_2233 = arith.constant 0 : i32
      %dma_wait3A_2234 = arith.constant 0 : i32
      %dma_wait3A_2235 = tpu.memref_slice %arg11[%dma_wait3A_2233, %dma_wait3A_2234] : memref<10112x16xf32, #tpu.memory_space<vmem_shared>> -> memref<10112x16xf32, #tpu.memory_space<vmem_shared>>
      tpu.wait_indirect_dma semaphore(%arg20 : memref<!tpu.dma_semaphore, #tpu.memory_space<semaphore_mem>>) src(%dma_wait3A_2229 : memref<128x16xf32, #tpu.memory_space<vmem>>) dst(%dma_wait3A_2235 : memref<10112x16xf32, #tpu.memory_space<vmem_shared>>)
      %dma_wait3A_2236 = arith.constant 9 : i32
      %dma_wait3A_2237 = arith.constant 0 : i32
      %dma_wait3A_2238 = arith.constant 0 : i32
      %dma_wait3A_2239 = tpu.memref_slice %arg16[%dma_wait3A_2236, %dma_wait3A_2237, %dma_wait3A_2238] : memref<16x128x16xf32, #tpu.memory_space<vmem>> -> memref<1x128x16xf32, #tpu.memory_space<vmem>>
      %dma_wait3A_2240 = tpu.memref_squeeze %dma_wait3A_2239 : memref<1x128x16xf32, #tpu.memory_space<vmem>> -> memref<128x16xf32, #tpu.memory_space<vmem>>
      %dma_wait3A_2241 = arith.constant 0 : i32
      %dma_wait3A_2242 = tpu.memref_slice %arg15[%add3A_1431, %dma_wait3A_2241] : memref<160x128xi32, #tpu.memory_space<vmem>> -> memref<1x128xi32, #tpu.memory_space<vmem>>
      %dma_wait3A_2243 = tpu.memref_squeeze %dma_wait3A_2242 : memref<1x128xi32, #tpu.memory_space<vmem>> -> memref<128xi32, #tpu.memory_space<vmem>>
      %dma_wait3A_2244 = arith.constant 0 : i32
      %dma_wait3A_2245 = arith.constant 0 : i32
      %dma_wait3A_2246 = tpu.memref_slice %arg11[%dma_wait3A_2244, %dma_wait3A_2245] : memref<10112x16xf32, #tpu.memory_space<vmem_shared>> -> memref<10112x16xf32, #tpu.memory_space<vmem_shared>>
      tpu.wait_indirect_dma semaphore(%arg20 : memref<!tpu.dma_semaphore, #tpu.memory_space<semaphore_mem>>) src(%dma_wait3A_2240 : memref<128x16xf32, #tpu.memory_space<vmem>>) dst(%dma_wait3A_2246 : memref<10112x16xf32, #tpu.memory_space<vmem_shared>>)
      %dma_wait3A_2247 = arith.constant 10 : i32
      %dma_wait3A_2248 = arith.constant 0 : i32
      %dma_wait3A_2249 = arith.constant 0 : i32
      %dma_wait3A_2250 = tpu.memref_slice %arg16[%dma_wait3A_2247, %dma_wait3A_2248, %dma_wait3A_2249] : memref<16x128x16xf32, #tpu.memory_space<vmem>> -> memref<1x128x16xf32, #tpu.memory_space<vmem>>
      %dma_wait3A_2251 = tpu.memref_squeeze %dma_wait3A_2250 : memref<1x128x16xf32, #tpu.memory_space<vmem>> -> memref<128x16xf32, #tpu.memory_space<vmem>>
      %dma_wait3A_2252 = arith.constant 0 : i32
      %dma_wait3A_2253 = tpu.memref_slice %arg15[%add3A_1444, %dma_wait3A_2252] : memref<160x128xi32, #tpu.memory_space<vmem>> -> memref<1x128xi32, #tpu.memory_space<vmem>>
      %dma_wait3A_2254 = tpu.memref_squeeze %dma_wait3A_2253 : memref<1x128xi32, #tpu.memory_space<vmem>> -> memref<128xi32, #tpu.memory_space<vmem>>
      %dma_wait3A_2255 = arith.constant 0 : i32
      %dma_wait3A_2256 = arith.constant 0 : i32
      %dma_wait3A_2257 = tpu.memref_slice %arg11[%dma_wait3A_2255, %dma_wait3A_2256] : memref<10112x16xf32, #tpu.memory_space<vmem_shared>> -> memref<10112x16xf32, #tpu.memory_space<vmem_shared>>
      tpu.wait_indirect_dma semaphore(%arg20 : memref<!tpu.dma_semaphore, #tpu.memory_space<semaphore_mem>>) src(%dma_wait3A_2251 : memref<128x16xf32, #tpu.memory_space<vmem>>) dst(%dma_wait3A_2257 : memref<10112x16xf32, #tpu.memory_space<vmem_shared>>)
      %dma_wait3A_2258 = arith.constant 11 : i32
      %dma_wait3A_2259 = arith.constant 0 : i32
      %dma_wait3A_2260 = arith.constant 0 : i32
      %dma_wait3A_2261 = tpu.memref_slice %arg16[%dma_wait3A_2258, %dma_wait3A_2259, %dma_wait3A_2260] : memref<16x128x16xf32, #tpu.memory_space<vmem>> -> memref<1x128x16xf32, #tpu.memory_space<vmem>>
      %dma_wait3A_2262 = tpu.memref_squeeze %dma_wait3A_2261 : memref<1x128x16xf32, #tpu.memory_space<vmem>> -> memref<128x16xf32, #tpu.memory_space<vmem>>
      %dma_wait3A_2263 = arith.constant 0 : i32
      %dma_wait3A_2264 = tpu.memref_slice %arg15[%add3A_1457, %dma_wait3A_2263] : memref<160x128xi32, #tpu.memory_space<vmem>> -> memref<1x128xi32, #tpu.memory_space<vmem>>
      %dma_wait3A_2265 = tpu.memref_squeeze %dma_wait3A_2264 : memref<1x128xi32, #tpu.memory_space<vmem>> -> memref<128xi32, #tpu.memory_space<vmem>>
      %dma_wait3A_2266 = arith.constant 0 : i32
      %dma_wait3A_2267 = arith.constant 0 : i32
      %dma_wait3A_2268 = tpu.memref_slice %arg11[%dma_wait3A_2266, %dma_wait3A_2267] : memref<10112x16xf32, #tpu.memory_space<vmem_shared>> -> memref<10112x16xf32, #tpu.memory_space<vmem_shared>>
      tpu.wait_indirect_dma semaphore(%arg20 : memref<!tpu.dma_semaphore, #tpu.memory_space<semaphore_mem>>) src(%dma_wait3A_2262 : memref<128x16xf32, #tpu.memory_space<vmem>>) dst(%dma_wait3A_2268 : memref<10112x16xf32, #tpu.memory_space<vmem_shared>>)
      %dma_wait3A_2269 = arith.constant 12 : i32
      %dma_wait3A_2270 = arith.constant 0 : i32
      %dma_wait3A_2271 = arith.constant 0 : i32
      %dma_wait3A_2272 = tpu.memref_slice %arg16[%dma_wait3A_2269, %dma_wait3A_2270, %dma_wait3A_2271] : memref<16x128x16xf32, #tpu.memory_space<vmem>> -> memref<1x128x16xf32, #tpu.memory_space<vmem>>
      %dma_wait3A_2273 = tpu.memref_squeeze %dma_wait3A_2272 : memref<1x128x16xf32, #tpu.memory_space<vmem>> -> memref<128x16xf32, #tpu.memory_space<vmem>>
      %dma_wait3A_2274 = arith.constant 0 : i32
      %dma_wait3A_2275 = tpu.memref_slice %arg15[%add3A_1470, %dma_wait3A_2274] : memref<160x128xi32, #tpu.memory_space<vmem>> -> memref<1x128xi32, #tpu.memory_space<vmem>>
      %dma_wait3A_2276 = tpu.memref_squeeze %dma_wait3A_2275 : memref<1x128xi32, #tpu.memory_space<vmem>> -> memref<128xi32, #tpu.memory_space<vmem>>
      %dma_wait3A_2277 = arith.constant 0 : i32
      %dma_wait3A_2278 = arith.constant 0 : i32
      %dma_wait3A_2279 = tpu.memref_slice %arg11[%dma_wait3A_2277, %dma_wait3A_2278] : memref<10112x16xf32, #tpu.memory_space<vmem_shared>> -> memref<10112x16xf32, #tpu.memory_space<vmem_shared>>
      tpu.wait_indirect_dma semaphore(%arg20 : memref<!tpu.dma_semaphore, #tpu.memory_space<semaphore_mem>>) src(%dma_wait3A_2273 : memref<128x16xf32, #tpu.memory_space<vmem>>) dst(%dma_wait3A_2279 : memref<10112x16xf32, #tpu.memory_space<vmem_shared>>)
      %dma_wait3A_2280 = arith.constant 13 : i32
      %dma_wait3A_2281 = arith.constant 0 : i32
      %dma_wait3A_2282 = arith.constant 0 : i32
      %dma_wait3A_2283 = tpu.memref_slice %arg16[%dma_wait3A_2280, %dma_wait3A_2281, %dma_wait3A_2282] : memref<16x128x16xf32, #tpu.memory_space<vmem>> -> memref<1x128x16xf32, #tpu.memory_space<vmem>>
      %dma_wait3A_2284 = tpu.memref_squeeze %dma_wait3A_2283 : memref<1x128x16xf32, #tpu.memory_space<vmem>> -> memref<128x16xf32, #tpu.memory_space<vmem>>
      %dma_wait3A_2285 = arith.constant 0 : i32
      %dma_wait3A_2286 = tpu.memref_slice %arg15[%add3A_1483, %dma_wait3A_2285] : memref<160x128xi32, #tpu.memory_space<vmem>> -> memref<1x128xi32, #tpu.memory_space<vmem>>
      %dma_wait3A_2287 = tpu.memref_squeeze %dma_wait3A_2286 : memref<1x128xi32, #tpu.memory_space<vmem>> -> memref<128xi32, #tpu.memory_space<vmem>>
      %dma_wait3A_2288 = arith.constant 0 : i32
      %dma_wait3A_2289 = arith.constant 0 : i32
      %dma_wait3A_2290 = tpu.memref_slice %arg11[%dma_wait3A_2288, %dma_wait3A_2289] : memref<10112x16xf32, #tpu.memory_space<vmem_shared>> -> memref<10112x16xf32, #tpu.memory_space<vmem_shared>>
      tpu.wait_indirect_dma semaphore(%arg20 : memref<!tpu.dma_semaphore, #tpu.memory_space<semaphore_mem>>) src(%dma_wait3A_2284 : memref<128x16xf32, #tpu.memory_space<vmem>>) dst(%dma_wait3A_2290 : memref<10112x16xf32, #tpu.memory_space<vmem_shared>>)
      %dma_wait3A_2291 = arith.constant 14 : i32
      %dma_wait3A_2292 = arith.constant 0 : i32
      %dma_wait3A_2293 = arith.constant 0 : i32
      %dma_wait3A_2294 = tpu.memref_slice %arg16[%dma_wait3A_2291, %dma_wait3A_2292, %dma_wait3A_2293] : memref<16x128x16xf32, #tpu.memory_space<vmem>> -> memref<1x128x16xf32, #tpu.memory_space<vmem>>
      %dma_wait3A_2295 = tpu.memref_squeeze %dma_wait3A_2294 : memref<1x128x16xf32, #tpu.memory_space<vmem>> -> memref<128x16xf32, #tpu.memory_space<vmem>>
      %dma_wait3A_2296 = arith.constant 0 : i32
      %dma_wait3A_2297 = tpu.memref_slice %arg15[%add3A_1496, %dma_wait3A_2296] : memref<160x128xi32, #tpu.memory_space<vmem>> -> memref<1x128xi32, #tpu.memory_space<vmem>>
      %dma_wait3A_2298 = tpu.memref_squeeze %dma_wait3A_2297 : memref<1x128xi32, #tpu.memory_space<vmem>> -> memref<128xi32, #tpu.memory_space<vmem>>
      %dma_wait3A_2299 = arith.constant 0 : i32
      %dma_wait3A_2300 = arith.constant 0 : i32
      %dma_wait3A_2301 = tpu.memref_slice %arg11[%dma_wait3A_2299, %dma_wait3A_2300] : memref<10112x16xf32, #tpu.memory_space<vmem_shared>> -> memref<10112x16xf32, #tpu.memory_space<vmem_shared>>
      tpu.wait_indirect_dma semaphore(%arg20 : memref<!tpu.dma_semaphore, #tpu.memory_space<semaphore_mem>>) src(%dma_wait3A_2295 : memref<128x16xf32, #tpu.memory_space<vmem>>) dst(%dma_wait3A_2301 : memref<10112x16xf32, #tpu.memory_space<vmem_shared>>)
      %dma_wait3A_2302 = arith.constant 15 : i32
      %dma_wait3A_2303 = arith.constant 0 : i32
      %dma_wait3A_2304 = arith.constant 0 : i32
      %dma_wait3A_2305 = tpu.memref_slice %arg16[%dma_wait3A_2302, %dma_wait3A_2303, %dma_wait3A_2304] : memref<16x128x16xf32, #tpu.memory_space<vmem>> -> memref<1x128x16xf32, #tpu.memory_space<vmem>>
      %dma_wait3A_2306 = tpu.memref_squeeze %dma_wait3A_2305 : memref<1x128x16xf32, #tpu.memory_space<vmem>> -> memref<128x16xf32, #tpu.memory_space<vmem>>
      %dma_wait3A_2307 = arith.constant 0 : i32
      %dma_wait3A_2308 = tpu.memref_slice %arg15[%add3A_1509, %dma_wait3A_2307] : memref<160x128xi32, #tpu.memory_space<vmem>> -> memref<1x128xi32, #tpu.memory_space<vmem>>
      %dma_wait3A_2309 = tpu.memref_squeeze %dma_wait3A_2308 : memref<1x128xi32, #tpu.memory_space<vmem>> -> memref<128xi32, #tpu.memory_space<vmem>>
      %dma_wait3A_2310 = arith.constant 0 : i32
      %dma_wait3A_2311 = arith.constant 0 : i32
      %dma_wait3A_2312 = tpu.memref_slice %arg11[%dma_wait3A_2310, %dma_wait3A_2311] : memref<10112x16xf32, #tpu.memory_space<vmem_shared>> -> memref<10112x16xf32, #tpu.memory_space<vmem_shared>>
      tpu.wait_indirect_dma semaphore(%arg20 : memref<!tpu.dma_semaphore, #tpu.memory_space<semaphore_mem>>) src(%dma_wait3A_2306 : memref<128x16xf32, #tpu.memory_space<vmem>>) dst(%dma_wait3A_2312 : memref<10112x16xf32, #tpu.memory_space<vmem_shared>>)
    }
    %scan3A_30 = arith.constant 10 : i32
    %dma_start3A = arith.constant 0 : i32
    %dma_start3A_31 = arith.constant 0 : i32
    %dma_start3A_32 = arith.constant 0 : i32
    %dma_start3A_33 = tpu.memref_slice %arg17[%dma_start3A_31, %dma_start3A_32] : memref<640x16xf32, #tpu.memory_space<vmem>> -> memref<128x16xf32, #tpu.memory_space<vmem>>
    %dma_start3A_34 = arith.constant 0 : i32
    %dma_start3A_35 = tpu.memref_slice %arg18[%dma_start3A, %dma_start3A_34] : memref<5x128xi32, #tpu.memory_space<vmem>> -> memref<1x128xi32, #tpu.memory_space<vmem>>
    %dma_start3A_36 = tpu.memref_squeeze %dma_start3A_35 : memref<1x128xi32, #tpu.memory_space<vmem>> -> memref<128xi32, #tpu.memory_space<vmem>>
    %dma_start3A_37 = arith.constant 0 : i32
    %dma_start3A_38 = arith.constant 0 : i32
    %dma_start3A_39 = tpu.memref_slice %arg12[%dma_start3A_37, %dma_start3A_38] : memref<640x16xf32, #tpu.memory_space<vmem_shared>> -> memref<640x16xf32, #tpu.memory_space<vmem_shared>>
    tpu.enqueue_indirect_dma source(%dma_start3A_33 : memref<128x16xf32, #tpu.memory_space<vmem>>) target(%dma_start3A_39 : memref<640x16xf32, #tpu.memory_space<vmem_shared>>) offsets(%dma_start3A_36 : memref<128xi32, #tpu.memory_space<vmem>>) semaphore(%arg21 : memref<!tpu.dma_semaphore, #tpu.memory_space<semaphore_mem>>) {add = true}
    %dma_start3A_40 = arith.constant 1 : i32
    %dma_start3A_41 = arith.constant 128 : i32
    %dma_start3A_42 = arith.constant 0 : i32
    %dma_start3A_43 = tpu.memref_slice %arg17[%dma_start3A_41, %dma_start3A_42] : memref<640x16xf32, #tpu.memory_space<vmem>> -> memref<128x16xf32, #tpu.memory_space<vmem>>
    %dma_start3A_44 = arith.constant 0 : i32
    %dma_start3A_45 = tpu.memref_slice %arg18[%dma_start3A_40, %dma_start3A_44] : memref<5x128xi32, #tpu.memory_space<vmem>> -> memref<1x128xi32, #tpu.memory_space<vmem>>
    %dma_start3A_46 = tpu.memref_squeeze %dma_start3A_45 : memref<1x128xi32, #tpu.memory_space<vmem>> -> memref<128xi32, #tpu.memory_space<vmem>>
    %dma_start3A_47 = arith.constant 0 : i32
    %dma_start3A_48 = arith.constant 0 : i32
    %dma_start3A_49 = tpu.memref_slice %arg12[%dma_start3A_47, %dma_start3A_48] : memref<640x16xf32, #tpu.memory_space<vmem_shared>> -> memref<640x16xf32, #tpu.memory_space<vmem_shared>>
    tpu.enqueue_indirect_dma source(%dma_start3A_43 : memref<128x16xf32, #tpu.memory_space<vmem>>) target(%dma_start3A_49 : memref<640x16xf32, #tpu.memory_space<vmem_shared>>) offsets(%dma_start3A_46 : memref<128xi32, #tpu.memory_space<vmem>>) semaphore(%arg21 : memref<!tpu.dma_semaphore, #tpu.memory_space<semaphore_mem>>) {add = true}
    %dma_start3A_50 = arith.constant 2 : i32
    %dma_start3A_51 = arith.constant 256 : i32
    %dma_start3A_52 = arith.constant 0 : i32
    %dma_start3A_53 = tpu.memref_slice %arg17[%dma_start3A_51, %dma_start3A_52] : memref<640x16xf32, #tpu.memory_space<vmem>> -> memref<128x16xf32, #tpu.memory_space<vmem>>
    %dma_start3A_54 = arith.constant 0 : i32
    %dma_start3A_55 = tpu.memref_slice %arg18[%dma_start3A_50, %dma_start3A_54] : memref<5x128xi32, #tpu.memory_space<vmem>> -> memref<1x128xi32, #tpu.memory_space<vmem>>
    %dma_start3A_56 = tpu.memref_squeeze %dma_start3A_55 : memref<1x128xi32, #tpu.memory_space<vmem>> -> memref<128xi32, #tpu.memory_space<vmem>>
    %dma_start3A_57 = arith.constant 0 : i32
    %dma_start3A_58 = arith.constant 0 : i32
    %dma_start3A_59 = tpu.memref_slice %arg12[%dma_start3A_57, %dma_start3A_58] : memref<640x16xf32, #tpu.memory_space<vmem_shared>> -> memref<640x16xf32, #tpu.memory_space<vmem_shared>>
    tpu.enqueue_indirect_dma source(%dma_start3A_53 : memref<128x16xf32, #tpu.memory_space<vmem>>) target(%dma_start3A_59 : memref<640x16xf32, #tpu.memory_space<vmem_shared>>) offsets(%dma_start3A_56 : memref<128xi32, #tpu.memory_space<vmem>>) semaphore(%arg21 : memref<!tpu.dma_semaphore, #tpu.memory_space<semaphore_mem>>) {add = true}
    %dma_start3A_60 = arith.constant 3 : i32
    %dma_start3A_61 = arith.constant 384 : i32
    %dma_start3A_62 = arith.constant 0 : i32
    %dma_start3A_63 = tpu.memref_slice %arg17[%dma_start3A_61, %dma_start3A_62] : memref<640x16xf32, #tpu.memory_space<vmem>> -> memref<128x16xf32, #tpu.memory_space<vmem>>
    %dma_start3A_64 = arith.constant 0 : i32
    %dma_start3A_65 = tpu.memref_slice %arg18[%dma_start3A_60, %dma_start3A_64] : memref<5x128xi32, #tpu.memory_space<vmem>> -> memref<1x128xi32, #tpu.memory_space<vmem>>
    %dma_start3A_66 = tpu.memref_squeeze %dma_start3A_65 : memref<1x128xi32, #tpu.memory_space<vmem>> -> memref<128xi32, #tpu.memory_space<vmem>>
    %dma_start3A_67 = arith.constant 0 : i32
    %dma_start3A_68 = arith.constant 0 : i32
    %dma_start3A_69 = tpu.memref_slice %arg12[%dma_start3A_67, %dma_start3A_68] : memref<640x16xf32, #tpu.memory_space<vmem_shared>> -> memref<640x16xf32, #tpu.memory_space<vmem_shared>>
    tpu.enqueue_indirect_dma source(%dma_start3A_63 : memref<128x16xf32, #tpu.memory_space<vmem>>) target(%dma_start3A_69 : memref<640x16xf32, #tpu.memory_space<vmem_shared>>) offsets(%dma_start3A_66 : memref<128xi32, #tpu.memory_space<vmem>>) semaphore(%arg21 : memref<!tpu.dma_semaphore, #tpu.memory_space<semaphore_mem>>) {add = true}
    %dma_start3A_70 = arith.constant 4 : i32
    %dma_start3A_71 = arith.constant 512 : i32
    %dma_start3A_72 = arith.constant 0 : i32
    %dma_start3A_73 = tpu.memref_slice %arg17[%dma_start3A_71, %dma_start3A_72] : memref<640x16xf32, #tpu.memory_space<vmem>> -> memref<128x16xf32, #tpu.memory_space<vmem>>
    %dma_start3A_74 = arith.constant 0 : i32
    %dma_start3A_75 = tpu.memref_slice %arg18[%dma_start3A_70, %dma_start3A_74] : memref<5x128xi32, #tpu.memory_space<vmem>> -> memref<1x128xi32, #tpu.memory_space<vmem>>
    %dma_start3A_76 = tpu.memref_squeeze %dma_start3A_75 : memref<1x128xi32, #tpu.memory_space<vmem>> -> memref<128xi32, #tpu.memory_space<vmem>>
    %dma_start3A_77 = arith.constant 0 : i32
    %dma_start3A_78 = arith.constant 0 : i32
    %dma_start3A_79 = tpu.memref_slice %arg12[%dma_start3A_77, %dma_start3A_78] : memref<640x16xf32, #tpu.memory_space<vmem_shared>> -> memref<640x16xf32, #tpu.memory_space<vmem_shared>>
    tpu.enqueue_indirect_dma source(%dma_start3A_73 : memref<128x16xf32, #tpu.memory_space<vmem>>) target(%dma_start3A_79 : memref<640x16xf32, #tpu.memory_space<vmem_shared>>) offsets(%dma_start3A_76 : memref<128xi32, #tpu.memory_space<vmem>>) semaphore(%arg21 : memref<!tpu.dma_semaphore, #tpu.memory_space<semaphore_mem>>) {add = true}
    %dma_wait3A = arith.constant 0 : i32
    %dma_wait3A_80 = arith.constant 0 : i32
    %dma_wait3A_81 = arith.constant 0 : i32
    %dma_wait3A_82 = tpu.memref_slice %arg17[%dma_wait3A_80, %dma_wait3A_81] : memref<640x16xf32, #tpu.memory_space<vmem>> -> memref<128x16xf32, #tpu.memory_space<vmem>>
    %dma_wait3A_83 = arith.constant 0 : i32
    %dma_wait3A_84 = tpu.memref_slice %arg18[%dma_wait3A, %dma_wait3A_83] : memref<5x128xi32, #tpu.memory_space<vmem>> -> memref<1x128xi32, #tpu.memory_space<vmem>>
    %dma_wait3A_85 = tpu.memref_squeeze %dma_wait3A_84 : memref<1x128xi32, #tpu.memory_space<vmem>> -> memref<128xi32, #tpu.memory_space<vmem>>
    %dma_wait3A_86 = arith.constant 0 : i32
    %dma_wait3A_87 = arith.constant 0 : i32
    %dma_wait3A_88 = tpu.memref_slice %arg12[%dma_wait3A_86, %dma_wait3A_87] : memref<640x16xf32, #tpu.memory_space<vmem_shared>> -> memref<640x16xf32, #tpu.memory_space<vmem_shared>>
    tpu.wait_indirect_dma semaphore(%arg21 : memref<!tpu.dma_semaphore, #tpu.memory_space<semaphore_mem>>) src(%dma_wait3A_82 : memref<128x16xf32, #tpu.memory_space<vmem>>) dst(%dma_wait3A_88 : memref<640x16xf32, #tpu.memory_space<vmem_shared>>)
    %dma_wait3A_89 = arith.constant 1 : i32
    %dma_wait3A_90 = arith.constant 128 : i32
    %dma_wait3A_91 = arith.constant 0 : i32
    %dma_wait3A_92 = tpu.memref_slice %arg17[%dma_wait3A_90, %dma_wait3A_91] : memref<640x16xf32, #tpu.memory_space<vmem>> -> memref<128x16xf32, #tpu.memory_space<vmem>>
    %dma_wait3A_93 = arith.constant 0 : i32
    %dma_wait3A_94 = tpu.memref_slice %arg18[%dma_wait3A_89, %dma_wait3A_93] : memref<5x128xi32, #tpu.memory_space<vmem>> -> memref<1x128xi32, #tpu.memory_space<vmem>>
    %dma_wait3A_95 = tpu.memref_squeeze %dma_wait3A_94 : memref<1x128xi32, #tpu.memory_space<vmem>> -> memref<128xi32, #tpu.memory_space<vmem>>
    %dma_wait3A_96 = arith.constant 0 : i32
    %dma_wait3A_97 = arith.constant 0 : i32
    %dma_wait3A_98 = tpu.memref_slice %arg12[%dma_wait3A_96, %dma_wait3A_97] : memref<640x16xf32, #tpu.memory_space<vmem_shared>> -> memref<640x16xf32, #tpu.memory_space<vmem_shared>>
    tpu.wait_indirect_dma semaphore(%arg21 : memref<!tpu.dma_semaphore, #tpu.memory_space<semaphore_mem>>) src(%dma_wait3A_92 : memref<128x16xf32, #tpu.memory_space<vmem>>) dst(%dma_wait3A_98 : memref<640x16xf32, #tpu.memory_space<vmem_shared>>)
    %dma_wait3A_99 = arith.constant 2 : i32
    %dma_wait3A_100 = arith.constant 256 : i32
    %dma_wait3A_101 = arith.constant 0 : i32
    %dma_wait3A_102 = tpu.memref_slice %arg17[%dma_wait3A_100, %dma_wait3A_101] : memref<640x16xf32, #tpu.memory_space<vmem>> -> memref<128x16xf32, #tpu.memory_space<vmem>>
    %dma_wait3A_103 = arith.constant 0 : i32
    %dma_wait3A_104 = tpu.memref_slice %arg18[%dma_wait3A_99, %dma_wait3A_103] : memref<5x128xi32, #tpu.memory_space<vmem>> -> memref<1x128xi32, #tpu.memory_space<vmem>>
    %dma_wait3A_105 = tpu.memref_squeeze %dma_wait3A_104 : memref<1x128xi32, #tpu.memory_space<vmem>> -> memref<128xi32, #tpu.memory_space<vmem>>
    %dma_wait3A_106 = arith.constant 0 : i32
    %dma_wait3A_107 = arith.constant 0 : i32
    %dma_wait3A_108 = tpu.memref_slice %arg12[%dma_wait3A_106, %dma_wait3A_107] : memref<640x16xf32, #tpu.memory_space<vmem_shared>> -> memref<640x16xf32, #tpu.memory_space<vmem_shared>>
    tpu.wait_indirect_dma semaphore(%arg21 : memref<!tpu.dma_semaphore, #tpu.memory_space<semaphore_mem>>) src(%dma_wait3A_102 : memref<128x16xf32, #tpu.memory_space<vmem>>) dst(%dma_wait3A_108 : memref<640x16xf32, #tpu.memory_space<vmem_shared>>)
    %dma_wait3A_109 = arith.constant 3 : i32
    %dma_wait3A_110 = arith.constant 384 : i32
    %dma_wait3A_111 = arith.constant 0 : i32
    %dma_wait3A_112 = tpu.memref_slice %arg17[%dma_wait3A_110, %dma_wait3A_111] : memref<640x16xf32, #tpu.memory_space<vmem>> -> memref<128x16xf32, #tpu.memory_space<vmem>>
    %dma_wait3A_113 = arith.constant 0 : i32
    %dma_wait3A_114 = tpu.memref_slice %arg18[%dma_wait3A_109, %dma_wait3A_113] : memref<5x128xi32, #tpu.memory_space<vmem>> -> memref<1x128xi32, #tpu.memory_space<vmem>>
    %dma_wait3A_115 = tpu.memref_squeeze %dma_wait3A_114 : memref<1x128xi32, #tpu.memory_space<vmem>> -> memref<128xi32, #tpu.memory_space<vmem>>
    %dma_wait3A_116 = arith.constant 0 : i32
    %dma_wait3A_117 = arith.constant 0 : i32
    %dma_wait3A_118 = tpu.memref_slice %arg12[%dma_wait3A_116, %dma_wait3A_117] : memref<640x16xf32, #tpu.memory_space<vmem_shared>> -> memref<640x16xf32, #tpu.memory_space<vmem_shared>>
    tpu.wait_indirect_dma semaphore(%arg21 : memref<!tpu.dma_semaphore, #tpu.memory_space<semaphore_mem>>) src(%dma_wait3A_112 : memref<128x16xf32, #tpu.memory_space<vmem>>) dst(%dma_wait3A_118 : memref<640x16xf32, #tpu.memory_space<vmem_shared>>)
    %dma_wait3A_119 = arith.constant 4 : i32
    %dma_wait3A_120 = arith.constant 512 : i32
    %dma_wait3A_121 = arith.constant 0 : i32
    %dma_wait3A_122 = tpu.memref_slice %arg17[%dma_wait3A_120, %dma_wait3A_121] : memref<640x16xf32, #tpu.memory_space<vmem>> -> memref<128x16xf32, #tpu.memory_space<vmem>>
    %dma_wait3A_123 = arith.constant 0 : i32
    %dma_wait3A_124 = tpu.memref_slice %arg18[%dma_wait3A_119, %dma_wait3A_123] : memref<5x128xi32, #tpu.memory_space<vmem>> -> memref<1x128xi32, #tpu.memory_space<vmem>>
    %dma_wait3A_125 = tpu.memref_squeeze %dma_wait3A_124 : memref<1x128xi32, #tpu.memory_space<vmem>> -> memref<128xi32, #tpu.memory_space<vmem>>
    %dma_wait3A_126 = arith.constant 0 : i32
    %dma_wait3A_127 = arith.constant 0 : i32
    %dma_wait3A_128 = tpu.memref_slice %arg12[%dma_wait3A_126, %dma_wait3A_127] : memref<640x16xf32, #tpu.memory_space<vmem_shared>> -> memref<640x16xf32, #tpu.memory_space<vmem_shared>>
    tpu.wait_indirect_dma semaphore(%arg21 : memref<!tpu.dma_semaphore, #tpu.memory_space<semaphore_mem>>) src(%dma_wait3A_122 : memref<128x16xf32, #tpu.memory_space<vmem>>) dst(%dma_wait3A_128 : memref<640x16xf32, #tpu.memory_space<vmem_shared>>)
    %barrier3A_129 = arith.constant 0 : index
    tpu.barrier barrier_id(%barrier3A_129)
    "tpu.region"() ({
      %run_scoped3A = tpu.sem_alloc : memref<!tpu.dma_semaphore, #tpu.memory_space<semaphore_mem>>
      %dma_start3A_134 = arith.constant 0 : i32
      %dma_start3A_135 = tpu.memref_slice %arg9[%mul3A_0, %dma_start3A_134] : memref<10112x16xf32, #tpu.memory_space<hbm>> -> memref<632x16xf32, #tpu.memory_space<hbm>>
      %dma_start3A_136 = arith.constant 0 : i32
      %dma_start3A_137 = tpu.memref_slice %arg11[%mul3A_0, %dma_start3A_136] : memref<10112x16xf32, #tpu.memory_space<vmem_shared>> -> memref<632x16xf32, #tpu.memory_space<vmem_shared>>
      tpu.enqueue_dma source(%dma_start3A_137 : memref<632x16xf32, #tpu.memory_space<vmem_shared>>) target(%dma_start3A_135 : memref<632x16xf32, #tpu.memory_space<hbm>>) target_semaphore(%run_scoped3A : memref<!tpu.dma_semaphore, #tpu.memory_space<semaphore_mem>>)
      %dma_wait3A_138 = arith.constant 0 : i32
      %dma_wait3A_139 = tpu.memref_slice %arg9[%mul3A_0, %dma_wait3A_138] : memref<10112x16xf32, #tpu.memory_space<hbm>> -> memref<632x16xf32, #tpu.memory_space<hbm>>
      %dma_wait3A_140 = arith.constant 0 : i32
      %dma_wait3A_141 = tpu.memref_slice %arg11[%mul3A_0, %dma_wait3A_140] : memref<10112x16xf32, #tpu.memory_space<vmem_shared>> -> memref<632x16xf32, #tpu.memory_space<vmem_shared>>
      tpu.wait_dma2 semaphore(%run_scoped3A : memref<!tpu.dma_semaphore, #tpu.memory_space<semaphore_mem>>) src(%dma_wait3A_141 : memref<632x16xf32, #tpu.memory_space<vmem_shared>>) dst(%dma_wait3A_139 : memref<632x16xf32, #tpu.memory_space<hbm>>)
      tpu.yield
    }) : () -> ()
    %mul3A_130 = arith.constant 40 : i32
    %mul3A_131 = arith.muli %arg1, %mul3A_130 : i32
    %mul3A_132 = arith.constant 40 : i32
    %mul3A_133 = arith.muli %arg1, %mul3A_132 : i32
    "tpu.region"() ({
      %run_scoped3A = tpu.sem_alloc : memref<!tpu.dma_semaphore, #tpu.memory_space<semaphore_mem>>
      %dma_start3A_134 = arith.constant 0 : i32
      %dma_start3A_135 = tpu.memref_slice %arg10[%mul3A_133, %dma_start3A_134] : memref<640x16xf32, #tpu.memory_space<hbm>> -> memref<40x16xf32, #tpu.memory_space<hbm>>
      %dma_start3A_136 = arith.constant 0 : i32
      %dma_start3A_137 = tpu.memref_slice %arg12[%mul3A_131, %dma_start3A_136] : memref<640x16xf32, #tpu.memory_space<vmem_shared>> -> memref<40x16xf32, #tpu.memory_space<vmem_shared>>
      tpu.enqueue_dma source(%dma_start3A_137 : memref<40x16xf32, #tpu.memory_space<vmem_shared>>) target(%dma_start3A_135 : memref<40x16xf32, #tpu.memory_space<hbm>>) target_semaphore(%run_scoped3A : memref<!tpu.dma_semaphore, #tpu.memory_space<semaphore_mem>>)
      %dma_wait3A_138 = arith.constant 0 : i32
      %dma_wait3A_139 = tpu.memref_slice %arg10[%mul3A_133, %dma_wait3A_138] : memref<640x16xf32, #tpu.memory_space<hbm>> -> memref<40x16xf32, #tpu.memory_space<hbm>>
      %dma_wait3A_140 = arith.constant 0 : i32
      %dma_wait3A_141 = tpu.memref_slice %arg12[%mul3A_131, %dma_wait3A_140] : memref<640x16xf32, #tpu.memory_space<vmem_shared>> -> memref<40x16xf32, #tpu.memory_space<vmem_shared>>
      tpu.wait_dma2 semaphore(%run_scoped3A : memref<!tpu.dma_semaphore, #tpu.memory_space<semaphore_mem>>) src(%dma_wait3A_141 : memref<40x16xf32, #tpu.memory_space<vmem_shared>>) dst(%dma_wait3A_139 : memref<40x16xf32, #tpu.memory_space<hbm>>)
      tpu.yield
    }) : () -> ()
    return
  }
}

module attributes {stable_mosaic.version = 14 : i64} {
  func.func @_mm_body(%arg0: i32, %arg1: memref<1024x16xf32, #tpu.memory_space<vmem>>, %arg2: memref<16x128xf32, #tpu.memory_space<vmem>>, %arg3: memref<1024x128xf32, #tpu.memory_space<vmem>>) attributes {dimension_semantics = [#tpu.dimension_semantics<arbitrary>], iteration_bounds = array<i64: 8>, scalar_prefetch = 0 : i64, scratch_operands = 0 : i64, tpu.core_type = #tpu.core_type<tc>, window_params = [{transform_indices = @transform_0, window_bounds = array<i64: 1024, 16>}, {pipeline_mode = #tpu.pipeline_mode<synchronous>, transform_indices = @transform_1, window_bounds = array<i64: 16, 128>}, {transform_indices = @transform_2, window_bounds = array<i64: 1024, 128>}]} {
    %get3A = arith.constant 0 : index
    %get3A_0 = arith.constant 0 : index
    %get3A_1 = vector.load %arg1[%get3A, %get3A_0] : memref<1024x16xf32, #tpu.memory_space<vmem>>, vector<1024x16xf32>
    %get3A_2 = arith.constant 0 : index
    %get3A_3 = arith.constant 0 : index
    %get3A_4 = vector.load %arg2[%get3A_2, %get3A_3] : memref<16x128xf32, #tpu.memory_space<vmem>>, vector<16x128xf32>
    %dot_general3A = arith.constant dense<0.000000e+00> : vector<1024x128xf32>
    %dot_general3A_5 = tpu.matmul %get3A_1, %get3A_4, %dot_general3A {dimension_numbers = #tpu.dot_dimension_numbers<[1], [0], [0], [1], [0, 0, 1, 1], [], []>, transpose_lhs_hint = false} : vector<1024x16xf32>, vector<16x128xf32>, vector<1024x128xf32> -> vector<1024x128xf32>
    %swap3A = arith.constant 0 : index
    %swap3A_6 = arith.constant 0 : index
    %swap3A_7 = vector.load %arg3[%swap3A, %swap3A_6] : memref<1024x128xf32, #tpu.memory_space<vmem>>, vector<1024x128xf32>
    tpu.vector_store %arg3[%swap3A, %swap3A_6], %dot_general3A_5 {strides = array<i32>} : memref<1024x128xf32, #tpu.memory_space<vmem>>, vector<1024x128xf32>,
    return
  }
  func.func @transform_0(%arg0: i32) -> (i32, i32) {
    %c0_i32 = arith.constant 0 : i32
    %c0_i32_0 = arith.constant 0 : i32
    return %arg0, %c0_i32 : i32, i32
  }
  func.func @transform_1(%arg0: i32) -> (i32, i32) {
    %c0_i32 = arith.constant 0 : i32
    %c0_i32_0 = arith.constant 0 : i32
    %c0_i32_1 = arith.constant 0 : i32
    return %c0_i32, %c0_i32_0 : i32, i32
  }
  func.func @transform_2(%arg0: i32) -> (i32, i32) {
    %c0_i32 = arith.constant 0 : i32
    %c0_i32_0 = arith.constant 0 : i32
    return %arg0, %c0_i32 : i32, i32
  }
}

</mosaic_0001>

<sc_bundles>
// kernel: kernel.5.cloned.1.call-start
scs
__scs_entry_jumppad:
0x0: {  	(pc) =	sbr.rel $0x88, $3  }
0x1: {  	(tag) =	ssettag $0x0;
	lr =	simm.s32 $0x1  }
0x2: {  	[smem:$0x3F9D] =	sst lr;
	_ =	strace $0xD0000000  }
0x3: {  	_ = 	snop  }
0x4: {  	_ = 	snop  }
0x5: {  	_ = 	snop  }
0x6: {  	_ = 	snop  }
0x7: {  	_ = 	snop  }
__scs_overlays_trampoline_lowered:
0x8: {  	[smem:$0x3FAC] =	sst s0  }
0x9: {  	[smem:$0x3FAD] =	sst s1  }
0xa: {  	[smem:$0x3FAE] =	sst s2  }
0xb: {  	[smem:$0x3FAF] =	sst s3  }
0xc: {  	[smem:$0x3FB0] =	sst s4  }
0xd: {  	[smem:$0x3FB1] =	sst s5  }
0xe: {  	[smem:$0x3FB2] =	sst s6  }
0xf: {  	[smem:$0x3FB3] =	sst s7  }
0x10: {  	[smem:$0x3FB4] =	sst s8  }
0x11: {  	[smem:$0x3FB5] =	sst s9;
	s0 =	simm.s32 @!p0 $0x0  }
0x12: {  	s1 =	sld [smem:$0x3F9B];
	s0 =	simm.s32 @p0 $0x1  }
0x13: {  	[smem:$0x3FB6] =	sst s0;
	s0 =	simm.s32 @!p1 $0x0  }
0x14: {  	s2 =	sld [smem:$0x3F9A];
	s0 =	simm.s32 @p1 $0x1  }
0x15: {  	[smem:$0x3FB7] =	sst s0;
	s0 =	simm.s32 @!p2 $0x0  }
0x16: {  	s3 =	sld [smem:$0x3FDB];
	s0 =	simm.s32 @p2 $0x1  }
0x17: {  	s4 =	simm.s32 $0x1BF5;
	[smem:$0x3FB9] =	sst s0  }
0x18: {  	s0 =	sld [smem:$0x3F9C];
	_ =	swait.ge [sflag:s4], $0x0  }
0x19: {  	s7 =	sld [smem:$0x3F9D]  }
0x1a: {  	s8 =	sadd.s32 $0xFFFFE003, lr  }
0x1b: {  	s9 =	sadd.s32 $0xFFFFFEF7, lr;
	s5 =	simm.s32 $0xFFFFFFFF;
	p2 =	slt.u32 s8, $0xFFFFF086  }
0x1c: {  	p1 =	slt.u32 s9, $0xF7A;
	s5 =	simm.s32 @!p2 $0x0  }
0x1d: {  	s5 =	simm.s32 @p1 $0x1;
	p0 =	seq.s32 s7, s2  }
0x1e: {  	s7 =	smul.u32 @!p0 $0xF7A, s2;
	p2 =	seq.s32 @!p0 s5, $0x0  }
0x1f: {  	s9 =	smul.u32 $0xF7A, s1;
	s8 =	simm.s32 @!p0 $0x1BF5;
	p2 =	por !p2, p0  }
0x20: {  	[sflag:s8] =	ssyncset.s32 @!p0 $0xFFFFF086;
	s6 =	sadd.s32 @!p0 s3, s7;
	s7 =	simm.s32 @!p0 $0x108  }
0x21: {  	s3 =	sadd.s32 s3, s9;
	s6 =	sadd.s32 @!p0 $0x88, s6;
	s7 =	simm.s32 @p2 $0x1082  }
0x22: {  	[simem:s7], [sflag:s8] =	dma.local @!p0 [hbm:s6], $0xF7A  }
0x23: {  	s9 =	sor.u32 $0xD0000000, s2;
	s6 =	simm.s32 $0x108;
	_ =	swait.ge @!p0 [sflag:s8], $0x0  }
0x24: {  	s3 =	sadd.s32 $0x88, s3;
	s6 =	simm.s32 @!p1 $0x1082;
	[sflag:s4] =	ssyncset.s32 $0xFFFFF086  }
0x25: {  	[simem:s6], [sflag:s4] =	dma.local [hbm:s3], $0xF7A  }
0x26: {  	[smem:$0x3F9D] =	sst s1;
	(tag) =	ssettag s2;
	_ =	strace s9  }
0x27: {  	s1 =	sld [smem:$0x3FAD]  }
0x28: {  	s2 =	sld [smem:$0x3FAE]  }
0x29: {  	s4 =	sld [smem:$0x3FB0]  }
0x2a: {  	p0 =	seq.s32 s5, $0x0;
	s5 =	sld [smem:$0x3FB1]  }
0x2b: {  	s6 =	sld [smem:$0x3FB2]  }
0x2c: {  	s7 =	sld [smem:$0x3FB3]  }
0x2d: {  	s3 =	simm.s32 $0x108;
	s8 =	sld [smem:$0x3FB4]  }
0x2e: {  	s3 =	simm.s32 @!p0 $0x1082;
	s9 =	sld [smem:$0x3FB5]  }
0x2f: {  	lr =	sadd.s32 s0, s3;
	s0 =	sld [smem:$0x3FAC]  }
0x30: {  	s3 =	sld [smem:$0x3FAF]  }
0x31: {  	[smem:$0x3FB8] =	sst s10  }
0x32: {  	s10 =	sld [smem:$0x3FB6];
	_ =	sdelay $0x3  }
0x33: {  	p0 =	seq.s32 s10, $0x1;
	s10 =	sld [smem:$0x3FB8];
	_ =	sdelay $0x3  }
0x34: {  	[smem:$0x3FB8] =	sst s10  }
0x35: {  	s10 =	sld [smem:$0x3FB7];
	_ =	sdelay $0x3  }
0x36: {  	p1 =	seq.s32 s10, $0x1;
	s10 =	sld [smem:$0x3FB8];
	_ =	sdelay $0x3  }
0x37: {  	[smem:$0x3FB8] =	sst s10  }
0x38: {  	s10 =	sld [smem:$0x3FB9]  }
0x39: {  	_ = 	snop;
	(pc) =	sbr.ind lr, $3  }
0x3a: {  	_ = 	snop  }
0x3b: {  	_ = 	snop  }
0x3c: {  	p2 =	seq.s32 s10, $0x1;
	s10 =	sld [smem:$0x3FB8]  }
0x3d: {  	_ =	shalt  }
0x3e: {  	_ =	shalt  }
0x3f: {  	_ =	shalt  }
0x40: {  	_ =	shalt  }
0x41: {  	_ =	shalt  }
0x42: {  	_ =	shalt  }
0x43: {  	_ =	shalt  }
0x44: {  	_ =	shalt  }
0x45: {  	_ =	shalt  }
0x46: {  	_ =	shalt  }
0x47: {  	_ =	shalt  }
0x48: {  	_ =	shalt  }
0x49: {  	_ =	shalt  }
0x4a: {  	_ =	shalt  }
0x4b: {  	_ =	shalt  }
0x4c: {  	_ =	shalt  }
0x4d: {  	_ =	shalt  }
0x4e: {  	_ =	shalt  }
0x4f: {  	_ =	shalt  }
0x50: {  	_ =	shalt  }
0x51: {  	_ =	shalt  }
0x52: {  	_ =	shalt  }
0x53: {  	_ =	shalt  }
0x54: {  	_ =	shalt  }
0x55: {  	_ =	shalt  }
0x56: {  	_ =	shalt  }
0x57: {  	_ =	shalt  }
0x58: {  	_ =	shalt  }
0x59: {  	_ =	shalt  }
0x5a: {  	_ =	shalt  }
0x5b: {  	_ =	shalt  }
0x5c: {  	_ =	shalt  }
0x5d: {  	_ =	shalt  }
0x5e: {  	_ =	shalt  }
0x5f: {  	_ =	shalt  }
0x60: {  	_ =	shalt  }
0x61: {  	_ =	shalt  }
0x62: {  	_ =	shalt  }
0x63: {  	_ =	shalt  }
0x64: {  	_ =	shalt  }
0x65: {  	_ =	shalt  }
0x66: {  	_ =	shalt  }
0x67: {  	_ =	shalt  }
0x68: {  	_ =	shalt  }
0x69: {  	_ =	shalt  }
0x6a: {  	_ =	shalt  }
0x6b: {  	_ =	shalt  }
0x6c: {  	_ =	shalt  }
0x6d: {  	_ =	shalt  }
0x6e: {  	_ =	shalt  }
0x6f: {  	_ =	shalt  }
0x70: {  	_ =	shalt  }
0x71: {  	_ =	shalt  }
0x72: {  	_ =	shalt  }
0x73: {  	_ =	shalt  }
0x74: {  	_ =	shalt  }
0x75: {  	_ =	shalt  }
0x76: {  	_ =	shalt  }
0x77: {  	_ =	shalt  }
0x78: {  	_ =	shalt  }
0x79: {  	_ =	shalt  }
0x7a: {  	_ =	shalt  }
0x7b: {  	_ =	shalt  }
0x7c: {  	_ =	shalt  }
0x7d: {  	_ =	shalt  }
0x7e: {  	_ =	shalt  }
0x7f: {  	_ =	shalt  }
0x80: {  	_ =	shalt  }
0x81: {  	_ =	shalt  }
0x82: {  	_ =	shalt  }
0x83: {  	_ =	shalt  }
0x84: {  	_ =	shalt  }
0x85: {  	_ =	shalt  }
0x86: {  	_ =	shalt  }
0x87: {  	_ =	shalt  }
.Lfunc_end0:
.L_simem_size_0:
called_computation_lowered:
.L_overlay_start_0:
0x88: {  	s0 =	sld [smem:$0x3FD9]  }
0x89: {  	s1 =	sld [smem:$0x3FFE];
	_ =	sdelay $0x3  }
0x8a: {  	s0 =	sadd.s32 s1, s0  }
0x8b: {  	[smem:$0x3FC4] =	sst s0  }
0x8c: {  	_ = 	snop  }
0x8d: {  	s0 =	sld [smem:$0x3FD0];
	(tm) =	ssettm $0x1  }
0x8e: {  	s16 =	sld [smem:$0x3FFB];
	_ =	sdelay $0x3  }
0x8f: {  	_ =	strace s16  }
0x90: {  	s1 =	sld [smem:$0x3FFC];
	_ =	sdelay $0x3  }
0x91: {  	_ =	strace s1  }
0x92: {  	s1 =	sld [smem:$0x3FFD];
	_ =	sdelay $0x3  }
0x93: {  	_ =	strace s1  }
0x94: {  	_ =	strace $0x8FFFFFFF  }
0x95: {  	s17 =	sld [smem:$0x3FDB];
	_ =	sdelay $0x1  }
0x96: {  	s2 =	simm.s32 $_scs_section_size  }
0x97: {  	s3 =	simm.s32 $_size__tile_overlayer_lowered;
	s4 =	simm.s32 $_tile_overlayer_lowered  }
0x98: {  	s20 =	simm.s32 $0x1BFF;
	s19 =	sshll.u32 s4, $0x1;
	s1 =	sadd.s32 s2, s17  }
0x99: {  	s5 =	simm.s32 $0x0;
	s18 =	sshll.u32 s3, $0x1;
	s3 =	sadd.s32 s19, s1  }
0x9a: {  	[timem:s5], [sflag:s20] =	dma.local [hbm:s3], s18  }
0x9b: {  	_ =	swait.ge [sflag:s20], s18  }
0x9c: {  	s2 =	ssub.s32 $0x0, s18;
	[sflag:s20] =	ssyncset.done $0x0  }
0x9d: {  	[sflag:s20] =	ssyncadd.s32 s2;
	_ =	sdelay $0x1  }
0x9e: {  	s21 =	simm.s32 $0x1B8B  }
0x9f: {  	_ =	swait.ge [sflag:s21], $0x1  }
0xa0: {  	[sflag:s21] =	ssyncset.done $0x0  }
0xa1: {  	s23 =	simm.s32 $0x1B8E;
	s22 =	sld [smem:$0x3FFE];
	[sflag:s21] =	ssyncadd.s32 $0xFFFFFFFF  }
0xa2: {  	s24 =	simm.s32 $execute0_lowered;
	[smem:$0x3FD2] =	sst s23  }
0xa3: {  	s3 =	sshll.u32 s24, $0x1;
	_ =	strace $0x80000046;
	[dreg:$0x1] =	wrdreg $0xFFFFFFFF  }
0xa4: {  	s25 =	simm.s32 $_size_execute0_lowered;
	s1 =	sadd.s32 s1, s3;
	[dreg:$0x0] =	wrdreg $0x0  }
0xa5: {  	s3 =	sshll.u32 s25, $0x1;
	[dreg:$0x2] =	wrdreg s1  }
0xa6: {  	[dreg:$0x3] =	wrdreg s3  }
0xa7: {  	[dreg:$0x4] =	wrdreg $0xC0  }
0xa8: {  	_ =	task [dreg:s5], $0x5FFFF  }
0xa9: {  	[dreg:$0x1] =	wrdreg $0xFFFFFFFF  }
0xaa: {  	[dreg:$0x0] =	wrdreg $0x60  }
0xab: {  	[dreg:$0x2] =	wrdreg s22  }
0xac: {  	[dreg:$0x3] =	wrdreg s0  }
0xad: {  	[dreg:$0x4] =	wrdreg $0x0  }
0xae: {  	[dreg:$0x5] =	wrdreg $0x27800  }
0xaf: {  	[dreg:$0x6] =	wrdreg $0x2A000  }
0xb0: {  	[dreg:$0x7] =	wrdreg $0x9  }
0xb1: {  	_ =	task.clear_ibuf [dreg:s5], $0x8FFFF;
	_ =	strace $0x90000046  }
0xb2: {  	s26 =	simm.s32 $0x9;
	_ =	strace $0x80000048  }
0xb3: {  	_ =	swait.ge [sflag:s26], $0x1  }
0xb4: {  	[sflag:s26] =	ssyncadd.s32 $0xFFFFFFFF  }
0xb5: {  	_ =	strace $0x90000048  }
0xb6: {  	_ =	sfence  }
0xb7: {  	s28 =	sld [smem:$0x0];
	_ =	sdelay $0x1  }
0xb8: {  	s29 =	srdreg.scid  }
0xb9: {  	s30 =	sshll.u32 s29, $0xD;
	s31 =	sshrl.u32 s29, $0x2  }
0xba: {  	s2 =	sand.u32 $0x4000, s30;
	s1 =	sand.u32 $0x1, s29;
	s0 =	sadd.s32 s31, s28  }
0xbb: {  	s1 =	sor.u32 s2, s1;
	s0 =	sshll.u32 s0, $0x11  }
0xbc: {  	s0 =	sor.u32 s0, s1  }
0xbd: {  	s0 =	sadd.s32 $0x8F2B, s0  }
0xbe: {  	[sflag:s0] =	ssyncadd.remote.s32 $0x1  }
0xbf: {  	_ =	sfence.sel $0xFFFF  }
0xc0: {  	[dreg:$0x0] =	wrdreg $0xFFFFFFFF;
	(pc) =	sbr.abs _section_cstart, $3  }
0xc1: {  	[dreg:$0x1] =	wrdreg $0xFFFFFFFF  }
0xc2: {  	_ =	task.clear_ibuf [dreg:s5], $0x2FFFF;
	_ =	strace $0x9FFFFFFF  }
0xc3: {  	(tm) =	ssettm $0x7FFFFFFF  }
tec
execute0_lowered:
.L_overlay_start_1:
0x0: {  	(tag) =	ssettag $0x1  }
0x1: {  	s12 =	rddreg [dreg:$0x0]  }
0x2: {  	s0 =	rddreg [dreg:$0x1]  }
0x3: {  	s6 =	rddreg [dreg:$0x2]  }
0x4: {  	s5 =	rddreg [dreg:$0x3]  }
0x5: {  	s7 =	rddreg [dreg:$0x4];
	s11 =	simm.s32 $0x0;
	s1 =	stileid.u32  }
0x6: {  	s17 =	simm.s32 $0x4;
	[smem:$0x7FF] =	sst s11;
	s10 =	smul.u32 $0x2780, s1  }
0x7: {  	s13 =	sadd.s32 $0xFA00, s12;
	s2 =	sshll.u32 s1, $0x6;
	s9 =	smul.u32 $0x280, s1  }
0x8: {  	_ =	strace $0x80000047;
	s3 =	sadd.s32 s10, s6;
	s8 =	sshrl.u32 s10, $0x3  }
0x9: {  	s2 =	sor.u32 $0x1C04, s2;
	s4 =	sadd.s32 s13, s8;
	s3 =	sshrl.u32 s3, $0x3  }
0xa: {  	[spmem:s3], [sflag:s2] =	dma.local [hbm:s4], $0x4F0  }
0xb: {  	_ =	swait.ge [sflag:s17], $0x4F0  }
0xc: {  	s31 =	sadd.s32 s9, s5;
	[sflag:s17] =	ssyncset.done $0x0  }
0xd: {  	s4 =	sshrl.u32 s31, $0x3;
	[sflag:s17] =	ssyncadd.s32 $0xFFFFFB10  }
0xe: {  	[spmem:s4], [sflag:s2] =	dma.local [hbm:s13], $0x50  }
0xf: {  	_ =	swait.ge [sflag:s17], $0x50  }
0x10: {  	s16 =	simm.s32 $0x19910;
	s18 =	simm.s32 $0x0;
	[sflag:s17] =	ssyncset.done $0x0  }
0x11: {  	s14 =	sadd.s32 $0xAA00, s12;
	s15 =	sadd.s32 $0xA00, s12;
	[sflag:s17] =	ssyncadd.s32 $0xFFFFFFB0  }
0x12: {  	[tilespmem:s16], [sflag:$0x4] =	stream.linear.gather [hbm4b:s15+s11], $0x280, $0x38;
	[tilespmem:$0x19B90] =	vst v63  }
0x13: {  	s13 =	sadd.s32 $0xC00, s12;
	s16 =	sadd.s32 $0x14E00, s12;
	_ =	swait.ge [sflag:s17], $0x280  }
0x14: {  	s15 =	sadd.s32 $0x14A00, s12;
	s11 =	sadd.s32 $0x15200, s12;
	[sflag:s17] =	ssyncset.done $0x0  }
0x15: {  	v0 =	vimm.f32 $0.0e+00;
	s12 =	sadd.s32 $0x1A200, s12;
	[sflag:s17] =	ssyncadd.s32 $0xFFFFFD80;
	s17 =	simm.s32 $0x40  }
.LBB2_1:
0x16: {  	p0 =	sne.s32 s17, $0x9FC0;
	[tilespmem:s18+$0x17110] =	vst v0;
	s18 =	smov.u32 s17;
	s17 =	sadd.s32 $0x40, s17  }
.Ltmp0:
0x17: {  	(pc) =	sbr.rel @p0 .LBB2_1-.Ltmp0, $2  }
0x18: {  	_ =	sdelay $0x2  }
0x19: {  	s18 =	sshra.s32 s18, $0x2  }
0x1a: {  	p0 =	seq.s32 s1, $0xF  }
0x1b: {  	s17 =	sadd.s32 @p0 $0x25080, s7  }
0x1c: {  	[tilespmem:s18+$0x17110] =	vst v0;
	s18 =	sadd.s32 @p0 $0x4A10, s14;
	s17 =	sshrl.u32 @p0 s17, $0x3  }
0x1d: {  	[spmem:s17], [sflag:s2] =	dma.local @p0 [hbm:s18], $0x410  }
0x1e: {  	s17 =	simm.s32 @p0 $0x4  }
0x1f: {  	_ =	swait.ge @p0 [sflag:s17], $0x410  }
0x20: {  	s19 =	simm.s32 @p0 $0x0;
	[sflag:s17] =	ssyncset.done @p0 $0x0  }
0x21: {  	s20 =	simm.s32 @p0 $0x5110;
	s18 =	sadd.s32 @p0 $0x9600, s13;
	[sflag:s17] =	ssyncadd.s32 @p0 $0xFFFFFBF0  }
0x22: {  	[tilespmem:s20], [sflag:$0x4] =	stream.linear.gather @p0 [hbm4b:s18+s19], $0x3200, $0x38;
	[tilespmem:$0x19B90] =	vst v63  }
0x23: {  	_ =	swait.ge @p0 [sflag:s17], $0x3200  }
0x24: {  	[sflag:s17] =	ssyncset.done @p0 $0x0  }
0x25: {  	s18 =	simm.s32 @p0 $0x8310;
	[sflag:s17] =	ssyncadd.s32 @p0 $0xFFFFCE00  }
0x26: {  	[tilespmem:s18], [sflag:$0x4] =	stream.linear.gather @p0 [hbm4b:s16+s19], $0x1E00, $0x38;
	[tilespmem:$0x19B90] =	vst v63  }
0x27: {  	_ =	swait.ge @p0 [sflag:s17], $0x1E00  }
0x28: {  	s26 =	sshrl.u32 s9, $0x3;
	[sflag:s17] =	ssyncset.done @p0 $0x0  }
0x29: {  	s16 =	sadd.s32 @p0 $0x9600, s0;
	s18 =	simm.s32 @p0 $0xA110;
	[sflag:s17] =	ssyncadd.s32 @p0 $0xFFFFE200  }
0x2a: {  	[tilespmem:s18], [sflag:$0x4] =	stream.linear.gather @p0 [hbm4b:s16+s19], $0x3200, $0x38;
	[tilespmem:$0x19B90] =	vst v63  }
0x2b: {  	s9 =	sadd.s32 s11, s8;
	s11 =	simm.s32 $0x80;
	_ =	swait.ge @p0 [sflag:s17], $0x3200  }
0x2c: {  	s21 =	simm.s32 $0x13110;
	s22 =	simm.s32 $0x13910;
	[sflag:s17] =	ssyncset.done @p0 $0x0  }
0x2d: {  	s23 =	simm.s32 $0x14110;
	s16 =	simm.s32 @p0 $0xD310;
	[sflag:s17] =	ssyncadd.s32 @p0 $0xFFFFCE00  }
0x2e: {  	[tilespmem:s16], [sflag:$0x4] =	stream.linear.gather @p0 [hbm4b:s15+s19], $0x1E00, $0x38;
	[tilespmem:$0x19B90] =	vst v63  }
0x2f: {  	s24 =	simm.s32 $0x14910;
	s25 =	simm.s32 $0x15110;
	_ =	swait.ge @p0 [sflag:s17], $0x1E00  }
0x30: {  	s28 =	simm.s32 $0x16110;
	s10 =	sadd.s32 @!p0 s10, s7;
	[sflag:s17] =	ssyncset.done @p0 $0x0  }
0x31: {  	s14 =	sadd.s32 @!p0 s14, s8;
	s10 =	sshrl.u32 @!p0 s10, $0x3;
	[sflag:s17] =	ssyncadd.s32 @p0 $0xFFFFE200  }
0x32: {  	[spmem:s10], [sflag:s2] =	dma.local @!p0 [hbm:s14], $0x4F0  }
0x33: {  	s29 =	simm.s32 $0x16910;
	s30 =	simm.s32 $0x17110;
	s14 =	simm.s32 @!p0 $0x4  }
0x34: {  	s31 =	simm.s32 $0x2;
	s10 =	smul.u32 @!p0 $0xA00, s1;
	_ =	swait.ge @!p0 [sflag:s14], $0x4F0  }
0x35: {  	s20 =	simm.s32 $0x1;
	s15 =	simm.s32 @!p0 $0x0;
	[sflag:s14] =	ssyncset.done @!p0 $0x0  }
0x36: {  	s16 =	simm.s32 @!p0 $0x5110;
	s13 =	sadd.s32 @!p0 s13, s10;
	[sflag:s14] =	ssyncadd.s32 @!p0 $0xFFFFFB10  }
0x37: {  	[tilespmem:s16], [sflag:$0x4] =	stream.linear.gather @!p0 [hbm4b:s13+s15], $0x5000, $0x38;
	[tilespmem:$0x19B90] =	vst v63  }
0x38: {  	s18 =	simm.s32 $0x12110;
	s19 =	simm.s32 $0x12910;
	_ =	swait.ge @!p0 [sflag:s14], $0x5000  }
0x39: {  	s17 =	simm.s32 $0x11910;
	s0 =	sadd.s32 @!p0 s0, s10;
	[sflag:s14] =	ssyncset.done @!p0 $0x0  }
0x3a: {  	s10 =	simm.s32 @!p0 $0xA110;
	s13 =	simm.s32 $0xF910;
	[sflag:s14] =	ssyncadd.s32 @!p0 $0xFFFFB000  }
0x3b: {  	[tilespmem:s10], [sflag:$0x4] =	stream.linear.gather @!p0 [hbm4b:s0+s15], $0x5000, $0x38;
	[tilespmem:$0x19B90] =	vst v63  }
0x3c: {  	s16 =	simm.s32 $0x11110;
	s0 =	sadd.s32 s12, s26;
	_ =	swait.ge @!p0 [sflag:s14], $0x5000  }
0x3d: {  	s10 =	simm.s32 $0x0;
	s12 =	simm.s32 $0xF110;
	[sflag:s14] =	ssyncset.done @!p0 $0x0  }
0x3e: {  	s15 =	simm.s32 $0x10910;
	[dreg:$0x6] =	wrdreg s0;
	[sflag:s14] =	ssyncadd.s32 @!p0 $0xFFFFB000  }
0x3f: {  	v0 =	vimm.f32 $1.000000000e+00;
	s26 =	simm.s32 $0x15910;
	s14 =	simm.s32 $0x10110;
	[bflag:$0x0] =	sbarrier.arrive $0xFFFF  }
.LBB2_3:
0x40: {  	s0 =	sshra.s32 s10, $0x2  }
0x41: {  	s8 =	sadd.s32 $0x5110, s0  }
0x42: {  	[tilespmem:s12], [sflag:$0x1] =	stream.indirect.gather [spmem:s7], $0x10, s8, s11, $0xb8;
	[tilespmem:$0x19B90] =	vst v63  }
0x43: {  	s8 =	sadd.s32 $0x5190, s0  }
0x44: {  	[tilespmem:s13], [sflag:$0x1] =	stream.indirect.gather [spmem:s7], $0x10, s8, s11, $0xb8;
	[tilespmem:$0x19B90] =	vst v63  }
0x45: {  	s8 =	sadd.s32 $0x5210, s0  }
0x46: {  	[tilespmem:s14], [sflag:$0x1] =	stream.indirect.gather [spmem:s7], $0x10, s8, s11, $0xb8;
	[tilespmem:$0x19B90] =	vst v63  }
0x47: {  	s8 =	sadd.s32 $0x5290, s0  }
0x48: {  	[tilespmem:s15], [sflag:$0x1] =	stream.indirect.gather [spmem:s7], $0x10, s8, s11, $0xb8;
	[tilespmem:$0x19B90] =	vst v63  }
0x49: {  	s8 =	sadd.s32 $0x5310, s0  }
0x4a: {  	[tilespmem:s16], [sflag:$0x1] =	stream.indirect.gather [spmem:s7], $0x10, s8, s11, $0xb8;
	[tilespmem:$0x19B90] =	vst v63  }
0x4b: {  	s8 =	sadd.s32 $0x5390, s0  }
0x4c: {  	[tilespmem:s17], [sflag:$0x1] =	stream.indirect.gather [spmem:s7], $0x10, s8, s11, $0xb8;
	[tilespmem:$0x19B90] =	vst v63  }
0x4d: {  	s8 =	sadd.s32 $0x5410, s0  }
0x4e: {  	[tilespmem:s18], [sflag:$0x1] =	stream.indirect.gather [spmem:s7], $0x10, s8, s11, $0xb8;
	[tilespmem:$0x19B90] =	vst v63  }
0x4f: {  	s8 =	sadd.s32 $0x5490, s0  }
0x50: {  	[tilespmem:s19], [sflag:$0x1] =	stream.indirect.gather [spmem:s7], $0x10, s8, s11, $0xb8;
	[tilespmem:$0x19B90] =	vst v63  }
0x51: {  	_ =	swait.ge [sflag:s20], $0x800  }
0x52: {  	[sflag:s20] =	ssyncset.done $0x0  }
0x53: {  	[sflag:s20] =	ssyncadd.s32 $0xFFFFF800  }
0x54: {  	_ =	swait.ge [sflag:s20], $0x800  }
0x55: {  	[sflag:s20] =	ssyncset.done $0x0  }
0x56: {  	[sflag:s20] =	ssyncadd.s32 $0xFFFFF800  }
0x57: {  	_ =	swait.ge [sflag:s20], $0x800  }
0x58: {  	[sflag:s20] =	ssyncset.done $0x0  }
0x59: {  	[sflag:s20] =	ssyncadd.s32 $0xFFFFF800  }
0x5a: {  	_ =	swait.ge [sflag:s20], $0x800  }
0x5b: {  	[sflag:s20] =	ssyncset.done $0x0  }
0x5c: {  	[sflag:s20] =	ssyncadd.s32 $0xFFFFF800  }
0x5d: {  	_ =	swait.ge [sflag:s20], $0x800  }
0x5e: {  	[sflag:s20] =	ssyncset.done $0x0  }
0x5f: {  	[sflag:s20] =	ssyncadd.s32 $0xFFFFF800  }
0x60: {  	_ =	swait.ge [sflag:s20], $0x800  }
0x61: {  	[sflag:s20] =	ssyncset.done $0x0  }
0x62: {  	[sflag:s20] =	ssyncadd.s32 $0xFFFFF800  }
0x63: {  	_ =	swait.ge [sflag:s20], $0x800  }
0x64: {  	[sflag:s20] =	ssyncset.done $0x0  }
0x65: {  	[sflag:s20] =	ssyncadd.s32 $0xFFFFF800  }
0x66: {  	_ =	swait.ge [sflag:s20], $0x800  }
0x67: {  	[sflag:s20] =	ssyncset.done $0x0  }
0x68: {  	s8 =	sadd.s32 $0xA110, s0;
	[sflag:s20] =	ssyncadd.s32 $0xFFFFF800  }
0x69: {  	[spmem:s6] =	stream.indirect.scatter.add.f32 [tilespmem:s12], [sflag:$0x2], $0x10, s8, s11, $0xb8;
	[tilespmem:$0x19B90] =	vst v63  }
0x6a: {  	s8 =	sadd.s32 $0xA190, s0  }
0x6b: {  	[spmem:s6] =	stream.indirect.scatter.add.f32 [tilespmem:s13], [sflag:$0x2], $0x10, s8, s11, $0xb8;
	[tilespmem:$0x19B90] =	vst v63  }
0x6c: {  	s8 =	sadd.s32 $0xA210, s0  }
0x6d: {  	[spmem:s6] =	stream.indirect.scatter.add.f32 [tilespmem:s14], [sflag:$0x2], $0x10, s8, s11, $0xb8;
	[tilespmem:$0x19B90] =	vst v63  }
0x6e: {  	s8 =	sadd.s32 $0xA290, s0  }
0x6f: {  	[spmem:s6] =	stream.indirect.scatter.add.f32 [tilespmem:s15], [sflag:$0x2], $0x10, s8, s11, $0xb8;
	[tilespmem:$0x19B90] =	vst v63  }
0x70: {  	s8 =	sadd.s32 $0xA310, s0  }
0x71: {  	[spmem:s6] =	stream.indirect.scatter.add.f32 [tilespmem:s16], [sflag:$0x2], $0x10, s8, s11, $0xb8;
	[tilespmem:$0x19B90] =	vst v63  }
0x72: {  	s8 =	sadd.s32 $0xA390, s0  }
0x73: {  	[spmem:s6] =	stream.indirect.scatter.add.f32 [tilespmem:s17], [sflag:$0x2], $0x10, s8, s11, $0xb8;
	[tilespmem:$0x19B90] =	vst v63  }
0x74: {  	s8 =	sadd.s32 $0xA410, s0  }
0x75: {  	[spmem:s6] =	stream.indirect.scatter.add.f32 [tilespmem:s18], [sflag:$0x2], $0x10, s8, s11, $0xb8;
	[tilespmem:$0x19B90] =	vst v63  }
0x76: {  	s8 =	sadd.s32 $0xA490, s0  }
0x77: {  	[spmem:s6] =	stream.indirect.scatter.add.f32 [tilespmem:s19], [sflag:$0x2], $0x10, s8, s11, $0xb8;
	[tilespmem:$0x19B90] =	vst v63  }
0x78: {  	s8 =	sadd.s32 $0x5510, s0  }
0x79: {  	[tilespmem:s21], [sflag:$0x1] =	stream.indirect.gather [spmem:s7], $0x10, s8, s11, $0xb8;
	[tilespmem:$0x19B90] =	vst v63  }
0x7a: {  	s8 =	sadd.s32 $0x5590, s0  }
0x7b: {  	[tilespmem:s22], [sflag:$0x1] =	stream.indirect.gather [spmem:s7], $0x10, s8, s11, $0xb8;
	[tilespmem:$0x19B90] =	vst v63  }
0x7c: {  	s8 =	sadd.s32 $0x5610, s0  }
0x7d: {  	[tilespmem:s23], [sflag:$0x1] =	stream.indirect.gather [spmem:s7], $0x10, s8, s11, $0xb8;
	[tilespmem:$0x19B90] =	vst v63  }
0x7e: {  	s8 =	sadd.s32 $0x5690, s0  }
0x7f: {  	[tilespmem:s24], [sflag:$0x1] =	stream.indirect.gather [spmem:s7], $0x10, s8, s11, $0xb8;
	[tilespmem:$0x19B90] =	vst v63  }
0x80: {  	s8 =	sadd.s32 $0x5710, s0  }
0x81: {  	[tilespmem:s25], [sflag:$0x1] =	stream.indirect.gather [spmem:s7], $0x10, s8, s11, $0xb8;
	[tilespmem:$0x19B90] =	vst v63  }
0x82: {  	s8 =	sadd.s32 $0x5790, s0  }
0x83: {  	[tilespmem:s26], [sflag:$0x1] =	stream.indirect.gather [spmem:s7], $0x10, s8, s11, $0xb8;
	[tilespmem:$0x19B90] =	vst v63  }
0x84: {  	s8 =	sadd.s32 $0x5810, s0  }
0x85: {  	[tilespmem:s28], [sflag:$0x1] =	stream.indirect.gather [spmem:s7], $0x10, s8, s11, $0xb8;
	[tilespmem:$0x19B90] =	vst v63  }
0x86: {  	s8 =	sadd.s32 $0x5890, s0  }
0x87: {  	[tilespmem:s29], [sflag:$0x1] =	stream.indirect.gather [spmem:s7], $0x10, s8, s11, $0xb8;
	[tilespmem:$0x19B90] =	vst v63  }
0x88: {  	v1 =	vld [tilespmem:s0+$0xA110];
	_ =	sdelay $0x7  }
0x89: {  	[tilespmem:v1+s30+$0x0] =	vst.idx.add.f32.msk $0xffff, v0  }
0x8a: {  	v1 =	vld [tilespmem:s0+$0xA120];
	_ =	sdelay $0x7  }
0x8b: {  	[tilespmem:v1+s30+$0x0] =	vst.idx.add.f32.msk $0xffff, v0  }
0x8c: {  	v1 =	vld [tilespmem:s0+$0xA130];
	_ =	sdelay $0x7  }
0x8d: {  	[tilespmem:v1+s30+$0x0] =	vst.idx.add.f32.msk $0xffff, v0  }
0x8e: {  	v1 =	vld [tilespmem:s0+$0xA140];
	_ =	sdelay $0x7  }
0x8f: {  	[tilespmem:v1+s30+$0x0] =	vst.idx.add.f32.msk $0xffff, v0  }
0x90: {  	v1 =	vld [tilespmem:s0+$0xA150];
	_ =	sdelay $0x7  }
0x91: {  	[tilespmem:v1+s30+$0x0] =	vst.idx.add.f32.msk $0xffff, v0  }
0x92: {  	v1 =	vld [tilespmem:s0+$0xA160];
	_ =	sdelay $0x7  }
0x93: {  	[tilespmem:v1+s30+$0x0] =	vst.idx.add.f32.msk $0xffff, v0  }
0x94: {  	v1 =	vld [tilespmem:s0+$0xA170];
	_ =	sdelay $0x7  }
0x95: {  	[tilespmem:v1+s30+$0x0] =	vst.idx.add.f32.msk $0xffff, v0  }
0x96: {  	v1 =	vld [tilespmem:s0+$0xA180];
	_ =	sdelay $0x7  }
0x97: {  	[tilespmem:v1+s30+$0x0] =	vst.idx.add.f32.msk $0xffff, v0  }
0x98: {  	v1 =	vld [tilespmem:s0+$0xA190];
	_ =	sdelay $0x7  }
0x99: {  	[tilespmem:v1+s30+$0x0] =	vst.idx.add.f32.msk $0xffff, v0  }
0x9a: {  	v1 =	vld [tilespmem:s0+$0xA1A0];
	_ =	sdelay $0x7  }
0x9b: {  	[tilespmem:v1+s30+$0x0] =	vst.idx.add.f32.msk $0xffff, v0  }
0x9c: {  	v1 =	vld [tilespmem:s0+$0xA1B0];
	_ =	sdelay $0x7  }
0x9d: {  	[tilespmem:v1+s30+$0x0] =	vst.idx.add.f32.msk $0xffff, v0  }
0x9e: {  	v1 =	vld [tilespmem:s0+$0xA1C0];
	_ =	sdelay $0x7  }
0x9f: {  	[tilespmem:v1+s30+$0x0] =	vst.idx.add.f32.msk $0xffff, v0  }
0xa0: {  	v1 =	vld [tilespmem:s0+$0xA1D0];
	_ =	sdelay $0x7  }
0xa1: {  	[tilespmem:v1+s30+$0x0] =	vst.idx.add.f32.msk $0xffff, v0  }
0xa2: {  	v1 =	vld [tilespmem:s0+$0xA1E0];
	_ =	sdelay $0x7  }
0xa3: {  	[tilespmem:v1+s30+$0x0] =	vst.idx.add.f32.msk $0xffff, v0  }
0xa4: {  	v1 =	vld [tilespmem:s0+$0xA1F0];
	_ =	sdelay $0x7  }
0xa5: {  	[tilespmem:v1+s30+$0x0] =	vst.idx.add.f32.msk $0xffff, v0  }
0xa6: {  	v1 =	vld [tilespmem:s0+$0xA200];
	_ =	sdelay $0x7  }
0xa7: {  	[tilespmem:v1+s30+$0x0] =	vst.idx.add.f32.msk $0xffff, v0  }
0xa8: {  	v1 =	vld [tilespmem:s0+$0xA210];
	_ =	sdelay $0x7  }
0xa9: {  	[tilespmem:v1+s30+$0x0] =	vst.idx.add.f32.msk $0xffff, v0  }
0xaa: {  	v1 =	vld [tilespmem:s0+$0xA220];
	_ =	sdelay $0x7  }
0xab: {  	[tilespmem:v1+s30+$0x0] =	vst.idx.add.f32.msk $0xffff, v0  }
0xac: {  	v1 =	vld [tilespmem:s0+$0xA230];
	_ =	sdelay $0x7  }
0xad: {  	[tilespmem:v1+s30+$0x0] =	vst.idx.add.f32.msk $0xffff, v0  }
0xae: {  	v1 =	vld [tilespmem:s0+$0xA240];
	_ =	sdelay $0x7  }
0xaf: {  	[tilespmem:v1+s30+$0x0] =	vst.idx.add.f32.msk $0xffff, v0  }
0xb0: {  	v1 =	vld [tilespmem:s0+$0xA250];
	_ =	sdelay $0x7  }
0xb1: {  	[tilespmem:v1+s30+$0x0] =	vst.idx.add.f32.msk $0xffff, v0  }
0xb2: {  	v1 =	vld [tilespmem:s0+$0xA260];
	_ =	sdelay $0x7  }
0xb3: {  	[tilespmem:v1+s30+$0x0] =	vst.idx.add.f32.msk $0xffff, v0  }
0xb4: {  	v1 =	vld [tilespmem:s0+$0xA270];
	_ =	sdelay $0x7  }
0xb5: {  	[tilespmem:v1+s30+$0x0] =	vst.idx.add.f32.msk $0xffff, v0  }
0xb6: {  	v1 =	vld [tilespmem:s0+$0xA280];
	_ =	sdelay $0x7  }
0xb7: {  	[tilespmem:v1+s30+$0x0] =	vst.idx.add.f32.msk $0xffff, v0  }
0xb8: {  	v1 =	vld [tilespmem:s0+$0xA290];
	_ =	sdelay $0x7  }
0xb9: {  	[tilespmem:v1+s30+$0x0] =	vst.idx.add.f32.msk $0xffff, v0  }
0xba: {  	v1 =	vld [tilespmem:s0+$0xA2A0];
	_ =	sdelay $0x7  }
0xbb: {  	[tilespmem:v1+s30+$0x0] =	vst.idx.add.f32.msk $0xffff, v0  }
0xbc: {  	v1 =	vld [tilespmem:s0+$0xA2B0];
	_ =	sdelay $0x7  }
0xbd: {  	[tilespmem:v1+s30+$0x0] =	vst.idx.add.f32.msk $0xffff, v0  }
0xbe: {  	v1 =	vld [tilespmem:s0+$0xA2C0];
	_ =	sdelay $0x7  }
0xbf: {  	[tilespmem:v1+s30+$0x0] =	vst.idx.add.f32.msk $0xffff, v0  }
0xc0: {  	v1 =	vld [tilespmem:s0+$0xA2D0];
	_ =	sdelay $0x7  }
0xc1: {  	[tilespmem:v1+s30+$0x0] =	vst.idx.add.f32.msk $0xffff, v0  }
0xc2: {  	v1 =	vld [tilespmem:s0+$0xA2E0];
	_ =	sdelay $0x7  }
0xc3: {  	[tilespmem:v1+s30+$0x0] =	vst.idx.add.f32.msk $0xffff, v0  }
0xc4: {  	v1 =	vld [tilespmem:s0+$0xA2F0];
	_ =	sdelay $0x7  }
0xc5: {  	[tilespmem:v1+s30+$0x0] =	vst.idx.add.f32.msk $0xffff, v0  }
0xc6: {  	v1 =	vld [tilespmem:s0+$0xA300];
	_ =	sdelay $0x7  }
0xc7: {  	[tilespmem:v1+s30+$0x0] =	vst.idx.add.f32.msk $0xffff, v0  }
0xc8: {  	v1 =	vld [tilespmem:s0+$0xA310];
	_ =	sdelay $0x7  }
0xc9: {  	[tilespmem:v1+s30+$0x0] =	vst.idx.add.f32.msk $0xffff, v0  }
0xca: {  	v1 =	vld [tilespmem:s0+$0xA320];
	_ =	sdelay $0x7  }
0xcb: {  	[tilespmem:v1+s30+$0x0] =	vst.idx.add.f32.msk $0xffff, v0  }
0xcc: {  	v1 =	vld [tilespmem:s0+$0xA330];
	_ =	sdelay $0x7  }
0xcd: {  	[tilespmem:v1+s30+$0x0] =	vst.idx.add.f32.msk $0xffff, v0  }
0xce: {  	v1 =	vld [tilespmem:s0+$0xA340];
	_ =	sdelay $0x7  }
0xcf: {  	[tilespmem:v1+s30+$0x0] =	vst.idx.add.f32.msk $0xffff, v0  }
0xd0: {  	v1 =	vld [tilespmem:s0+$0xA350];
	_ =	sdelay $0x7  }
0xd1: {  	[tilespmem:v1+s30+$0x0] =	vst.idx.add.f32.msk $0xffff, v0  }
0xd2: {  	v1 =	vld [tilespmem:s0+$0xA360];
	_ =	sdelay $0x7  }
0xd3: {  	[tilespmem:v1+s30+$0x0] =	vst.idx.add.f32.msk $0xffff, v0  }
0xd4: {  	v1 =	vld [tilespmem:s0+$0xA370];
	_ =	sdelay $0x7  }
0xd5: {  	[tilespmem:v1+s30+$0x0] =	vst.idx.add.f32.msk $0xffff, v0  }
0xd6: {  	v1 =	vld [tilespmem:s0+$0xA380];
	_ =	sdelay $0x7  }
0xd7: {  	[tilespmem:v1+s30+$0x0] =	vst.idx.add.f32.msk $0xffff, v0  }
0xd8: {  	v1 =	vld [tilespmem:s0+$0xA390];
	_ =	sdelay $0x7  }
0xd9: {  	[tilespmem:v1+s30+$0x0] =	vst.idx.add.f32.msk $0xffff, v0  }
0xda: {  	v1 =	vld [tilespmem:s0+$0xA3A0];
	_ =	sdelay $0x7  }
0xdb: {  	[tilespmem:v1+s30+$0x0] =	vst.idx.add.f32.msk $0xffff, v0  }
0xdc: {  	v1 =	vld [tilespmem:s0+$0xA3B0];
	_ =	sdelay $0x7  }
0xdd: {  	[tilespmem:v1+s30+$0x0] =	vst.idx.add.f32.msk $0xffff, v0  }
0xde: {  	v1 =	vld [tilespmem:s0+$0xA3C0];
	_ =	sdelay $0x7  }
0xdf: {  	[tilespmem:v1+s30+$0x0] =	vst.idx.add.f32.msk $0xffff, v0  }
0xe0: {  	v1 =	vld [tilespmem:s0+$0xA3D0];
	_ =	sdelay $0x7  }
0xe1: {  	[tilespmem:v1+s30+$0x0] =	vst.idx.add.f32.msk $0xffff, v0  }
0xe2: {  	v1 =	vld [tilespmem:s0+$0xA3E0];
	_ =	sdelay $0x7  }
0xe3: {  	[tilespmem:v1+s30+$0x0] =	vst.idx.add.f32.msk $0xffff, v0  }
0xe4: {  	v1 =	vld [tilespmem:s0+$0xA3F0];
	_ =	sdelay $0x7  }
0xe5: {  	[tilespmem:v1+s30+$0x0] =	vst.idx.add.f32.msk $0xffff, v0  }
0xe6: {  	v1 =	vld [tilespmem:s0+$0xA400];
	_ =	sdelay $0x7  }
0xe7: {  	[tilespmem:v1+s30+$0x0] =	vst.idx.add.f32.msk $0xffff, v0  }
0xe8: {  	v1 =	vld [tilespmem:s0+$0xA410];
	_ =	sdelay $0x7  }
0xe9: {  	[tilespmem:v1+s30+$0x0] =	vst.idx.add.f32.msk $0xffff, v0  }
0xea: {  	v1 =	vld [tilespmem:s0+$0xA420];
	_ =	sdelay $0x7  }
0xeb: {  	[tilespmem:v1+s30+$0x0] =	vst.idx.add.f32.msk $0xffff, v0  }
0xec: {  	v1 =	vld [tilespmem:s0+$0xA430];
	_ =	sdelay $0x7  }
0xed: {  	[tilespmem:v1+s30+$0x0] =	vst.idx.add.f32.msk $0xffff, v0  }
0xee: {  	v1 =	vld [tilespmem:s0+$0xA440];
	_ =	sdelay $0x7  }
0xef: {  	[tilespmem:v1+s30+$0x0] =	vst.idx.add.f32.msk $0xffff, v0  }
0xf0: {  	v1 =	vld [tilespmem:s0+$0xA450];
	_ =	sdelay $0x7  }
0xf1: {  	[tilespmem:v1+s30+$0x0] =	vst.idx.add.f32.msk $0xffff, v0  }
0xf2: {  	v1 =	vld [tilespmem:s0+$0xA460];
	_ =	sdelay $0x7  }
0xf3: {  	[tilespmem:v1+s30+$0x0] =	vst.idx.add.f32.msk $0xffff, v0  }
0xf4: {  	v1 =	vld [tilespmem:s0+$0xA470];
	_ =	sdelay $0x7  }
0xf5: {  	[tilespmem:v1+s30+$0x0] =	vst.idx.add.f32.msk $0xffff, v0  }
0xf6: {  	v1 =	vld [tilespmem:s0+$0xA480];
	_ =	sdelay $0x7  }
0xf7: {  	[tilespmem:v1+s30+$0x0] =	vst.idx.add.f32.msk $0xffff, v0  }
0xf8: {  	v1 =	vld [tilespmem:s0+$0xA490];
	_ =	sdelay $0x7  }
0xf9: {  	[tilespmem:v1+s30+$0x0] =	vst.idx.add.f32.msk $0xffff, v0  }
0xfa: {  	v1 =	vld [tilespmem:s0+$0xA4A0];
	_ =	sdelay $0x7  }
0xfb: {  	[tilespmem:v1+s30+$0x0] =	vst.idx.add.f32.msk $0xffff, v0  }
0xfc: {  	v1 =	vld [tilespmem:s0+$0xA4B0];
	_ =	sdelay $0x7  }
0xfd: {  	[tilespmem:v1+s30+$0x0] =	vst.idx.add.f32.msk $0xffff, v0  }
0xfe: {  	v1 =	vld [tilespmem:s0+$0xA4C0];
	_ =	sdelay $0x7  }
0xff: {  	[tilespmem:v1+s30+$0x0] =	vst.idx.add.f32.msk $0xffff, v0  }
0x100: {  	v1 =	vld [tilespmem:s0+$0xA4D0];
	_ =	sdelay $0x7  }
0x101: {  	[tilespmem:v1+s30+$0x0] =	vst.idx.add.f32.msk $0xffff, v0  }
0x102: {  	v1 =	vld [tilespmem:s0+$0xA4E0];
	_ =	sdelay $0x7  }
0x103: {  	[tilespmem:v1+s30+$0x0] =	vst.idx.add.f32.msk $0xffff, v0  }
0x104: {  	v1 =	vld [tilespmem:s0+$0xA4F0];
	_ =	sdelay $0x7  }
0x105: {  	[tilespmem:v1+s30+$0x0] =	vst.idx.add.f32.msk $0xffff, v0  }
0x106: {  	v1 =	vld [tilespmem:s0+$0xA500];
	_ =	sdelay $0x7  }
0x107: {  	[tilespmem:v1+s30+$0x0] =	vst.idx.add.f32.msk $0xffff, v0  }
0x108: {  	_ =	swait.ge [sflag:s31], $0x800  }
0x109: {  	[sflag:s31] =	ssyncset.done $0x0  }
0x10a: {  	[sflag:s31] =	ssyncadd.s32 $0xFFFFF800  }
0x10b: {  	_ =	swait.ge [sflag:s31], $0x800  }
0x10c: {  	[sflag:s31] =	ssyncset.done $0x0  }
0x10d: {  	[sflag:s31] =	ssyncadd.s32 $0xFFFFF800  }
0x10e: {  	_ =	swait.ge [sflag:s31], $0x800  }
0x10f: {  	[sflag:s31] =	ssyncset.done $0x0  }
0x110: {  	[sflag:s31] =	ssyncadd.s32 $0xFFFFF800  }
0x111: {  	_ =	swait.ge [sflag:s31], $0x800  }
0x112: {  	[sflag:s31] =	ssyncset.done $0x0  }
0x113: {  	[sflag:s31] =	ssyncadd.s32 $0xFFFFF800  }
0x114: {  	_ =	swait.ge [sflag:s31], $0x800  }
0x115: {  	[sflag:s31] =	ssyncset.done $0x0  }
0x116: {  	[sflag:s31] =	ssyncadd.s32 $0xFFFFF800  }
0x117: {  	_ =	swait.ge [sflag:s31], $0x800  }
0x118: {  	[sflag:s31] =	ssyncset.done $0x0  }
0x119: {  	[sflag:s31] =	ssyncadd.s32 $0xFFFFF800  }
0x11a: {  	_ =	swait.ge [sflag:s31], $0x800  }
0x11b: {  	[sflag:s31] =	ssyncset.done $0x0  }
0x11c: {  	[sflag:s31] =	ssyncadd.s32 $0xFFFFF800  }
0x11d: {  	_ =	swait.ge [sflag:s31], $0x800  }
0x11e: {  	[sflag:s31] =	ssyncset.done $0x0  }
0x11f: {  	[sflag:s31] =	ssyncadd.s32 $0xFFFFF800  }
0x120: {  	_ =	swait.ge [sflag:s20], $0x800  }
0x121: {  	[sflag:s20] =	ssyncset.done $0x0  }
0x122: {  	[sflag:s20] =	ssyncadd.s32 $0xFFFFF800  }
0x123: {  	_ =	swait.ge [sflag:s20], $0x800  }
0x124: {  	[sflag:s20] =	ssyncset.done $0x0  }
0x125: {  	[sflag:s20] =	ssyncadd.s32 $0xFFFFF800  }
0x126: {  	_ =	swait.ge [sflag:s20], $0x800  }
0x127: {  	[sflag:s20] =	ssyncset.done $0x0  }
0x128: {  	[sflag:s20] =	ssyncadd.s32 $0xFFFFF800  }
0x129: {  	_ =	swait.ge [sflag:s20], $0x800  }
0x12a: {  	[sflag:s20] =	ssyncset.done $0x0  }
0x12b: {  	[sflag:s20] =	ssyncadd.s32 $0xFFFFF800  }
0x12c: {  	_ =	swait.ge [sflag:s20], $0x800  }
0x12d: {  	[sflag:s20] =	ssyncset.done $0x0  }
0x12e: {  	[sflag:s20] =	ssyncadd.s32 $0xFFFFF800  }
0x12f: {  	_ =	swait.ge [sflag:s20], $0x800  }
0x130: {  	[sflag:s20] =	ssyncset.done $0x0  }
0x131: {  	[sflag:s20] =	ssyncadd.s32 $0xFFFFF800  }
0x132: {  	_ =	swait.ge [sflag:s20], $0x800  }
0x133: {  	[sflag:s20] =	ssyncset.done $0x0  }
0x134: {  	[sflag:s20] =	ssyncadd.s32 $0xFFFFF800  }
0x135: {  	_ =	swait.ge [sflag:s20], $0x800  }
0x136: {  	[sflag:s20] =	ssyncset.done $0x0  }
0x137: {  	s8 =	sadd.s32 $0xA510, s0;
	[sflag:s20] =	ssyncadd.s32 $0xFFFFF800  }
0x138: {  	[spmem:s6] =	stream.indirect.scatter.add.f32 [tilespmem:s21], [sflag:$0x2], $0x10, s8, s11, $0xb8;
	[tilespmem:$0x19B90] =	vst v63  }
0x139: {  	s8 =	sadd.s32 $0xA590, s0  }
0x13a: {  	[spmem:s6] =	stream.indirect.scatter.add.f32 [tilespmem:s22], [sflag:$0x2], $0x10, s8, s11, $0xb8;
	[tilespmem:$0x19B90] =	vst v63  }
0x13b: {  	s8 =	sadd.s32 $0xA610, s0  }
0x13c: {  	[spmem:s6] =	stream.indirect.scatter.add.f32 [tilespmem:s23], [sflag:$0x2], $0x10, s8, s11, $0xb8;
	[tilespmem:$0x19B90] =	vst v63  }
0x13d: {  	s8 =	sadd.s32 $0xA690, s0  }
0x13e: {  	[spmem:s6] =	stream.indirect.scatter.add.f32 [tilespmem:s24], [sflag:$0x2], $0x10, s8, s11, $0xb8;
	[tilespmem:$0x19B90] =	vst v63  }
0x13f: {  	s8 =	sadd.s32 $0xA710, s0  }
0x140: {  	[spmem:s6] =	stream.indirect.scatter.add.f32 [tilespmem:s25], [sflag:$0x2], $0x10, s8, s11, $0xb8;
	[tilespmem:$0x19B90] =	vst v63  }
0x141: {  	s8 =	sadd.s32 $0xA790, s0  }
0x142: {  	[spmem:s6] =	stream.indirect.scatter.add.f32 [tilespmem:s26], [sflag:$0x2], $0x10, s8, s11, $0xb8;
	[tilespmem:$0x19B90] =	vst v63  }
0x143: {  	s8 =	sadd.s32 $0xA810, s0  }
0x144: {  	[spmem:s6] =	stream.indirect.scatter.add.f32 [tilespmem:s28], [sflag:$0x2], $0x10, s8, s11, $0xb8;
	[tilespmem:$0x19B90] =	vst v63  }
0x145: {  	s8 =	sadd.s32 $0xA890, s0  }
0x146: {  	[spmem:s6] =	stream.indirect.scatter.add.f32 [tilespmem:s29], [sflag:$0x2], $0x10, s8, s11, $0xb8;
	[tilespmem:$0x19B90] =	vst v63  }
0x147: {  	v1 =	vld [tilespmem:s0+$0xA510];
	_ =	sdelay $0x7  }
0x148: {  	[tilespmem:v1+s30+$0x0] =	vst.idx.add.f32.msk $0xffff, v0  }
0x149: {  	v1 =	vld [tilespmem:s0+$0xA520];
	_ =	sdelay $0x7  }
0x14a: {  	[tilespmem:v1+s30+$0x0] =	vst.idx.add.f32.msk $0xffff, v0  }
0x14b: {  	v1 =	vld [tilespmem:s0+$0xA530];
	_ =	sdelay $0x7  }
0x14c: {  	[tilespmem:v1+s30+$0x0] =	vst.idx.add.f32.msk $0xffff, v0  }
0x14d: {  	v1 =	vld [tilespmem:s0+$0xA540];
	_ =	sdelay $0x7  }
0x14e: {  	[tilespmem:v1+s30+$0x0] =	vst.idx.add.f32.msk $0xffff, v0  }
0x14f: {  	v1 =	vld [tilespmem:s0+$0xA550];
	_ =	sdelay $0x7  }
0x150: {  	[tilespmem:v1+s30+$0x0] =	vst.idx.add.f32.msk $0xffff, v0  }
0x151: {  	v1 =	vld [tilespmem:s0+$0xA560];
	_ =	sdelay $0x7  }
0x152: {  	[tilespmem:v1+s30+$0x0] =	vst.idx.add.f32.msk $0xffff, v0  }
0x153: {  	v1 =	vld [tilespmem:s0+$0xA570];
	_ =	sdelay $0x7  }
0x154: {  	[tilespmem:v1+s30+$0x0] =	vst.idx.add.f32.msk $0xffff, v0  }
0x155: {  	v1 =	vld [tilespmem:s0+$0xA580];
	_ =	sdelay $0x7  }
0x156: {  	[tilespmem:v1+s30+$0x0] =	vst.idx.add.f32.msk $0xffff, v0  }
0x157: {  	v1 =	vld [tilespmem:s0+$0xA590];
	_ =	sdelay $0x7  }
0x158: {  	[tilespmem:v1+s30+$0x0] =	vst.idx.add.f32.msk $0xffff, v0  }
0x159: {  	v1 =	vld [tilespmem:s0+$0xA5A0];
	_ =	sdelay $0x7  }
0x15a: {  	[tilespmem:v1+s30+$0x0] =	vst.idx.add.f32.msk $0xffff, v0  }
0x15b: {  	v1 =	vld [tilespmem:s0+$0xA5B0];
	_ =	sdelay $0x7  }
0x15c: {  	[tilespmem:v1+s30+$0x0] =	vst.idx.add.f32.msk $0xffff, v0  }
0x15d: {  	v1 =	vld [tilespmem:s0+$0xA5C0];
	_ =	sdelay $0x7  }
0x15e: {  	[tilespmem:v1+s30+$0x0] =	vst.idx.add.f32.msk $0xffff, v0  }
0x15f: {  	v1 =	vld [tilespmem:s0+$0xA5D0];
	_ =	sdelay $0x7  }
0x160: {  	[tilespmem:v1+s30+$0x0] =	vst.idx.add.f32.msk $0xffff, v0  }
0x161: {  	v1 =	vld [tilespmem:s0+$0xA5E0];
	_ =	sdelay $0x7  }
0x162: {  	[tilespmem:v1+s30+$0x0] =	vst.idx.add.f32.msk $0xffff, v0  }
0x163: {  	v1 =	vld [tilespmem:s0+$0xA5F0];
	_ =	sdelay $0x7  }
0x164: {  	[tilespmem:v1+s30+$0x0] =	vst.idx.add.f32.msk $0xffff, v0  }
0x165: {  	v1 =	vld [tilespmem:s0+$0xA600];
	_ =	sdelay $0x7  }
0x166: {  	[tilespmem:v1+s30+$0x0] =	vst.idx.add.f32.msk $0xffff, v0  }
0x167: {  	v1 =	vld [tilespmem:s0+$0xA610];
	_ =	sdelay $0x7  }
0x168: {  	[tilespmem:v1+s30+$0x0] =	vst.idx.add.f32.msk $0xffff, v0  }
0x169: {  	v1 =	vld [tilespmem:s0+$0xA620];
	_ =	sdelay $0x7  }
0x16a: {  	[tilespmem:v1+s30+$0x0] =	vst.idx.add.f32.msk $0xffff, v0  }
0x16b: {  	v1 =	vld [tilespmem:s0+$0xA630];
	_ =	sdelay $0x7  }
0x16c: {  	[tilespmem:v1+s30+$0x0] =	vst.idx.add.f32.msk $0xffff, v0  }
0x16d: {  	v1 =	vld [tilespmem:s0+$0xA640];
	_ =	sdelay $0x7  }
0x16e: {  	[tilespmem:v1+s30+$0x0] =	vst.idx.add.f32.msk $0xffff, v0  }
0x16f: {  	v1 =	vld [tilespmem:s0+$0xA650];
	_ =	sdelay $0x7  }
0x170: {  	[tilespmem:v1+s30+$0x0] =	vst.idx.add.f32.msk $0xffff, v0  }
0x171: {  	v1 =	vld [tilespmem:s0+$0xA660];
	_ =	sdelay $0x7  }
0x172: {  	[tilespmem:v1+s30+$0x0] =	vst.idx.add.f32.msk $0xffff, v0  }
0x173: {  	v1 =	vld [tilespmem:s0+$0xA670];
	_ =	sdelay $0x7  }
0x174: {  	[tilespmem:v1+s30+$0x0] =	vst.idx.add.f32.msk $0xffff, v0  }
0x175: {  	v1 =	vld [tilespmem:s0+$0xA680];
	_ =	sdelay $0x7  }
0x176: {  	[tilespmem:v1+s30+$0x0] =	vst.idx.add.f32.msk $0xffff, v0  }
0x177: {  	v1 =	vld [tilespmem:s0+$0xA690];
	_ =	sdelay $0x7  }
0x178: {  	[tilespmem:v1+s30+$0x0] =	vst.idx.add.f32.msk $0xffff, v0  }
0x179: {  	v1 =	vld [tilespmem:s0+$0xA6A0];
	_ =	sdelay $0x7  }
0x17a: {  	[tilespmem:v1+s30+$0x0] =	vst.idx.add.f32.msk $0xffff, v0  }
0x17b: {  	v1 =	vld [tilespmem:s0+$0xA6B0];
	_ =	sdelay $0x7  }
0x17c: {  	[tilespmem:v1+s30+$0x0] =	vst.idx.add.f32.msk $0xffff, v0  }
0x17d: {  	v1 =	vld [tilespmem:s0+$0xA6C0];
	_ =	sdelay $0x7  }
0x17e: {  	[tilespmem:v1+s30+$0x0] =	vst.idx.add.f32.msk $0xffff, v0  }
0x17f: {  	v1 =	vld [tilespmem:s0+$0xA6D0];
	_ =	sdelay $0x7  }
0x180: {  	[tilespmem:v1+s30+$0x0] =	vst.idx.add.f32.msk $0xffff, v0  }
0x181: {  	v1 =	vld [tilespmem:s0+$0xA6E0];
	_ =	sdelay $0x7  }
0x182: {  	[tilespmem:v1+s30+$0x0] =	vst.idx.add.f32.msk $0xffff, v0  }
0x183: {  	v1 =	vld [tilespmem:s0+$0xA6F0];
	_ =	sdelay $0x7  }
0x184: {  	[tilespmem:v1+s30+$0x0] =	vst.idx.add.f32.msk $0xffff, v0  }
0x185: {  	v1 =	vld [tilespmem:s0+$0xA700];
	_ =	sdelay $0x7  }
0x186: {  	[tilespmem:v1+s30+$0x0] =	vst.idx.add.f32.msk $0xffff, v0  }
0x187: {  	v1 =	vld [tilespmem:s0+$0xA710];
	_ =	sdelay $0x7  }
0x188: {  	[tilespmem:v1+s30+$0x0] =	vst.idx.add.f32.msk $0xffff, v0  }
0x189: {  	v1 =	vld [tilespmem:s0+$0xA720];
	_ =	sdelay $0x7  }
0x18a: {  	[tilespmem:v1+s30+$0x0] =	vst.idx.add.f32.msk $0xffff, v0  }
0x18b: {  	v1 =	vld [tilespmem:s0+$0xA730];
	_ =	sdelay $0x7  }
0x18c: {  	[tilespmem:v1+s30+$0x0] =	vst.idx.add.f32.msk $0xffff, v0  }
0x18d: {  	v1 =	vld [tilespmem:s0+$0xA740];
	_ =	sdelay $0x7  }
0x18e: {  	[tilespmem:v1+s30+$0x0] =	vst.idx.add.f32.msk $0xffff, v0  }
0x18f: {  	v1 =	vld [tilespmem:s0+$0xA750];
	_ =	sdelay $0x7  }
0x190: {  	[tilespmem:v1+s30+$0x0] =	vst.idx.add.f32.msk $0xffff, v0  }
0x191: {  	v1 =	vld [tilespmem:s0+$0xA760];
	_ =	sdelay $0x7  }
0x192: {  	[tilespmem:v1+s30+$0x0] =	vst.idx.add.f32.msk $0xffff, v0  }
0x193: {  	v1 =	vld [tilespmem:s0+$0xA770];
	_ =	sdelay $0x7  }
0x194: {  	[tilespmem:v1+s30+$0x0] =	vst.idx.add.f32.msk $0xffff, v0  }
0x195: {  	v1 =	vld [tilespmem:s0+$0xA780];
	_ =	sdelay $0x7  }
0x196: {  	[tilespmem:v1+s30+$0x0] =	vst.idx.add.f32.msk $0xffff, v0  }
0x197: {  	v1 =	vld [tilespmem:s0+$0xA790];
	_ =	sdelay $0x7  }
0x198: {  	[tilespmem:v1+s30+$0x0] =	vst.idx.add.f32.msk $0xffff, v0  }
0x199: {  	v1 =	vld [tilespmem:s0+$0xA7A0];
	_ =	sdelay $0x7  }
0x19a: {  	[tilespmem:v1+s30+$0x0] =	vst.idx.add.f32.msk $0xffff, v0  }
0x19b: {  	v1 =	vld [tilespmem:s0+$0xA7B0];
	_ =	sdelay $0x7  }
0x19c: {  	[tilespmem:v1+s30+$0x0] =	vst.idx.add.f32.msk $0xffff, v0  }
0x19d: {  	v1 =	vld [tilespmem:s0+$0xA7C0];
	_ =	sdelay $0x7  }
0x19e: {  	[tilespmem:v1+s30+$0x0] =	vst.idx.add.f32.msk $0xffff, v0  }
0x19f: {  	v1 =	vld [tilespmem:s0+$0xA7D0];
	_ =	sdelay $0x7  }
0x1a0: {  	[tilespmem:v1+s30+$0x0] =	vst.idx.add.f32.msk $0xffff, v0  }
0x1a1: {  	v1 =	vld [tilespmem:s0+$0xA7E0];
	_ =	sdelay $0x7  }
0x1a2: {  	[tilespmem:v1+s30+$0x0] =	vst.idx.add.f32.msk $0xffff, v0  }
0x1a3: {  	v1 =	vld [tilespmem:s0+$0xA7F0];
	_ =	sdelay $0x7  }
0x1a4: {  	[tilespmem:v1+s30+$0x0] =	vst.idx.add.f32.msk $0xffff, v0  }
0x1a5: {  	v1 =	vld [tilespmem:s0+$0xA800];
	_ =	sdelay $0x7  }
0x1a6: {  	[tilespmem:v1+s30+$0x0] =	vst.idx.add.f32.msk $0xffff, v0  }
0x1a7: {  	v1 =	vld [tilespmem:s0+$0xA810];
	_ =	sdelay $0x7  }
0x1a8: {  	[tilespmem:v1+s30+$0x0] =	vst.idx.add.f32.msk $0xffff, v0  }
0x1a9: {  	v1 =	vld [tilespmem:s0+$0xA820];
	_ =	sdelay $0x7  }
0x1aa: {  	[tilespmem:v1+s30+$0x0] =	vst.idx.add.f32.msk $0xffff, v0  }
0x1ab: {  	v1 =	vld [tilespmem:s0+$0xA830];
	_ =	sdelay $0x7  }
0x1ac: {  	[tilespmem:v1+s30+$0x0] =	vst.idx.add.f32.msk $0xffff, v0  }
0x1ad: {  	v1 =	vld [tilespmem:s0+$0xA840];
	_ =	sdelay $0x7  }
0x1ae: {  	[tilespmem:v1+s30+$0x0] =	vst.idx.add.f32.msk $0xffff, v0  }
0x1af: {  	v1 =	vld [tilespmem:s0+$0xA850];
	_ =	sdelay $0x7  }
0x1b0: {  	[tilespmem:v1+s30+$0x0] =	vst.idx.add.f32.msk $0xffff, v0  }
0x1b1: {  	v1 =	vld [tilespmem:s0+$0xA860];
	_ =	sdelay $0x7  }
0x1b2: {  	[tilespmem:v1+s30+$0x0] =	vst.idx.add.f32.msk $0xffff, v0  }
0x1b3: {  	v1 =	vld [tilespmem:s0+$0xA870];
	_ =	sdelay $0x7  }
0x1b4: {  	[tilespmem:v1+s30+$0x0] =	vst.idx.add.f32.msk $0xffff, v0  }
0x1b5: {  	v1 =	vld [tilespmem:s0+$0xA880];
	_ =	sdelay $0x7  }
0x1b6: {  	[tilespmem:v1+s30+$0x0] =	vst.idx.add.f32.msk $0xffff, v0  }
0x1b7: {  	v1 =	vld [tilespmem:s0+$0xA890];
	_ =	sdelay $0x7  }
0x1b8: {  	[tilespmem:v1+s30+$0x0] =	vst.idx.add.f32.msk $0xffff, v0  }
0x1b9: {  	v1 =	vld [tilespmem:s0+$0xA8A0];
	_ =	sdelay $0x7  }
0x1ba: {  	[tilespmem:v1+s30+$0x0] =	vst.idx.add.f32.msk $0xffff, v0  }
0x1bb: {  	v1 =	vld [tilespmem:s0+$0xA8B0];
	_ =	sdelay $0x7  }
0x1bc: {  	[tilespmem:v1+s30+$0x0] =	vst.idx.add.f32.msk $0xffff, v0  }
0x1bd: {  	v1 =	vld [tilespmem:s0+$0xA8C0];
	_ =	sdelay $0x7  }
0x1be: {  	[tilespmem:v1+s30+$0x0] =	vst.idx.add.f32.msk $0xffff, v0  }
0x1bf: {  	v1 =	vld [tilespmem:s0+$0xA8D0];
	_ =	sdelay $0x7  }
0x1c0: {  	[tilespmem:v1+s30+$0x0] =	vst.idx.add.f32.msk $0xffff, v0  }
0x1c1: {  	v1 =	vld [tilespmem:s0+$0xA8E0];
	_ =	sdelay $0x7  }
0x1c2: {  	[tilespmem:v1+s30+$0x0] =	vst.idx.add.f32.msk $0xffff, v0  }
0x1c3: {  	v1 =	vld [tilespmem:s0+$0xA8F0];
	_ =	sdelay $0x7  }
0x1c4: {  	[tilespmem:v1+s30+$0x0] =	vst.idx.add.f32.msk $0xffff, v0  }
0x1c5: {  	v1 =	vld [tilespmem:s0+$0xA900];
	_ =	sdelay $0x7  }
0x1c6: {  	[tilespmem:v1+s30+$0x0] =	vst.idx.add.f32.msk $0xffff, v0  }
0x1c7: {  	_ =	swait.ge [sflag:s31], $0x800  }
0x1c8: {  	[sflag:s31] =	ssyncset.done $0x0  }
0x1c9: {  	[sflag:s31] =	ssyncadd.s32 $0xFFFFF800  }
0x1ca: {  	_ =	swait.ge [sflag:s31], $0x800  }
0x1cb: {  	[sflag:s31] =	ssyncset.done $0x0  }
0x1cc: {  	[sflag:s31] =	ssyncadd.s32 $0xFFFFF800  }
0x1cd: {  	_ =	swait.ge [sflag:s31], $0x800  }
0x1ce: {  	[sflag:s31] =	ssyncset.done $0x0  }
0x1cf: {  	[sflag:s31] =	ssyncadd.s32 $0xFFFFF800  }
0x1d0: {  	_ =	swait.ge [sflag:s31], $0x800  }
0x1d1: {  	[sflag:s31] =	ssyncset.done $0x0  }
0x1d2: {  	[sflag:s31] =	ssyncadd.s32 $0xFFFFF800  }
0x1d3: {  	_ =	swait.ge [sflag:s31], $0x800  }
0x1d4: {  	[sflag:s31] =	ssyncset.done $0x0  }
0x1d5: {  	[sflag:s31] =	ssyncadd.s32 $0xFFFFF800  }
0x1d6: {  	_ =	swait.ge [sflag:s31], $0x800  }
0x1d7: {  	[sflag:s31] =	ssyncset.done $0x0  }
0x1d8: {  	[sflag:s31] =	ssyncadd.s32 $0xFFFFF800  }
0x1d9: {  	p0 =	sne.s32 s10, $0x12000;
	_ =	swait.ge [sflag:s31], $0x800  }
.Ltmp1:
0x1da: {  	[sflag:s31] =	ssyncset.done $0x0;
	(pc) =	sbr.rel @p0 .LBB2_3-.Ltmp1, $4  }
0x1db: {  	[sflag:s31] =	ssyncadd.s32 $0xFFFFF800  }
0x1dc: {  	_ =	swait.ge [sflag:s31], $0x800  }
0x1dd: {  	[sflag:s31] =	ssyncset.done $0x0  }
0x1de: {  	s10 =	sadd.s32 $0x2000, s10;
	[sflag:s31] =	ssyncadd.s32 $0xFFFFF800  }
0x1df: {  	s0 =	simm.s32 $0x80;
	s6 =	simm.s32 $0x19910;
	s7 =	simm.s32 $0x17110  }
0x1e0: {  	[spmem:s5] =	stream.indirect.scatter.add.f32 [tilespmem:s7], [sflag:$0x3], $0x10, s6, s0, $0xb8;
	[tilespmem:$0x19B90] =	vst v63  }
0x1e1: {  	s20 =	simm.s32 $0x19990;
	s21 =	simm.s32 $0x17910  }
0x1e2: {  	[spmem:s5] =	stream.indirect.scatter.add.f32 [tilespmem:s21], [sflag:$0x3], $0x10, s20, s0, $0xb8;
	[tilespmem:$0x19B90] =	vst v63  }
0x1e3: {  	s22 =	simm.s32 $0x19A10;
	s23 =	simm.s32 $0x18110  }
0x1e4: {  	[spmem:s5] =	stream.indirect.scatter.add.f32 [tilespmem:s23], [sflag:$0x3], $0x10, s22, s0, $0xb8;
	[tilespmem:$0x19B90] =	vst v63  }
0x1e5: {  	s24 =	simm.s32 $0x19A90;
	s25 =	simm.s32 $0x18910  }
0x1e6: {  	[spmem:s5] =	stream.indirect.scatter.add.f32 [tilespmem:s25], [sflag:$0x3], $0x10, s24, s0, $0xb8;
	[tilespmem:$0x19B90] =	vst v63  }
0x1e7: {  	s26 =	simm.s32 $0x19B10;
	s28 =	simm.s32 $0x19110;
	s29 =	simm.s32 $0x3  }
0x1e8: {  	[spmem:s5] =	stream.indirect.scatter.add.f32 [tilespmem:s28], [sflag:$0x3], $0x10, s26, s0, $0xb8;
	[tilespmem:$0x19B90] =	vst v63  }
0x1e9: {  	_ =	swait.ge [sflag:s29], $0x800  }
0x1ea: {  	[sflag:s29] =	ssyncset.done $0x0  }
0x1eb: {  	[sflag:s29] =	ssyncadd.s32 $0xFFFFF800  }
0x1ec: {  	_ =	swait.ge [sflag:s29], $0x800  }
0x1ed: {  	[sflag:s29] =	ssyncset.done $0x0  }
0x1ee: {  	[sflag:s29] =	ssyncadd.s32 $0xFFFFF800  }
0x1ef: {  	_ =	swait.ge [sflag:s29], $0x800  }
0x1f0: {  	[sflag:s29] =	ssyncset.done $0x0  }
0x1f1: {  	[sflag:s29] =	ssyncadd.s32 $0xFFFFF800  }
0x1f2: {  	_ =	swait.ge [sflag:s29], $0x800  }
0x1f3: {  	[sflag:s29] =	ssyncset.done $0x0  }
0x1f4: {  	[sflag:s29] =	ssyncadd.s32 $0xFFFFF800  }
0x1f5: {  	_ =	swait.ge [sflag:s29], $0x800  }
0x1f6: {  	[sflag:s29] =	ssyncset.done $0x0  }
0x1f7: {  	[sflag:s29] =	ssyncadd.s32 $0xFFFFF800  }
0x1f8: {  	s30 =	simm.s32 $0x4;
	[bflag:$0x0] =	sbarrier.arrive $0xFFFF  }
0x1f9: {  	[hbm:s9], [sflag:s2] =	dma.local [spmem:s3], $0x4F0  }
0x1fa: {  	_ =	swait.ge [sflag:s30], $0x4F0  }
0x1fb: {  	[sflag:s30] =	ssyncset.done $0x0  }
0x1fc: {  	s31 =	rddreg [dreg:$0x6];
	[sflag:s30] =	ssyncadd.s32 $0xFFFFFB10  }
0x1fd: {  	[hbm:s31], [sflag:s2] =	dma.local [spmem:s4], $0x50  }
0x1fe: {  	_ =	swait.ge [sflag:s30], $0x50  }
0x1ff: {  	[sflag:s30] =	ssyncset.done $0x0  }
0x200: {  	[sflag:s30] =	ssyncadd.s32 $0xFFFFFFB0  }
0x201: {  	_ =	sfence.sel $0x180000  }
0x202: {  	[bflag:$0x0] =	sbarrier.arrive $0xFFFF  }
0x203: {  	_ =	strace $0x90000047  }
0x204: {  	[bflag:$0x2] =	sbarrier.arrive $0xFFFF  }
0x205: {  	p0 =	sne.s32 s1, $0x0;
	s0 =	rddreg [dreg:$0x5]  }
0x206: {  	s0 =	sadd.s32 @!p0 $0x100000, s0  }
0x207: {  	[sflag:s0] =	ssyncadd.tile.s32 @!p0 $0x1;
	_ =	shalt  }
.Lfunc_end2:
_tile_overlayer_lowered:
.L_overlay_start_2:
0x208: {  	(tag) =	ssettag $0x2  }
0x209: {  	s0 =	rddreg [dreg:$0x0];
	s2 =	stileid.u32  }
0x20a: {  	s1 =	rddreg [dreg:$0x1];
	p0 =	sne.s32 s2, $0x0  }
0x20b: {  	s3 =	rddreg [dreg:$0x2];
	[bflag:$0x3] =	sbarrier.arrive $0xFFFF;
	s2 =	simm.s32 @!p0 $0x1C04  }
0x20c: {  	[timem:s3], [sflag:s2] =	dma.local @!p0 [hbm:s0], s1  }
0x20d: {  	s0 =	simm.s32 @!p0 $0x4  }
0x20e: {  	_ =	swait.ge @!p0 [sflag:s0], s1  }
0x20f: {  	s1 =	ssub.s32 @!p0 $0x0, s1;
	[sflag:s0] =	ssyncset.done @!p0 $0x0  }
0x210: {  	[sflag:s0] =	ssyncadd.s32 @!p0 s1  }
0x211: {  	[bflag:$0x3] =	sbarrier.arrive $0xFFFF  }
0x212: {  	_ =	shalt  }

// kernel: kernel.8.cloned.1.call-start
scs
__scs_entry_jumppad:
0x0: {  	(pc) =	sbr.rel $0x88, $3  }
0x1: {  	(tag) =	ssettag $0x0;
	lr =	simm.s32 $0x1  }
0x2: {  	[smem:$0x3F9D] =	sst lr;
	_ =	strace $0xD0000000  }
0x3: {  	_ = 	snop  }
0x4: {  	_ = 	snop  }
0x5: {  	_ = 	snop  }
0x6: {  	_ = 	snop  }
0x7: {  	_ = 	snop  }
__scs_overlays_trampoline_lowered:
0x8: {  	[smem:$0x3FAC] =	sst s0  }
0x9: {  	[smem:$0x3FAD] =	sst s1  }
0xa: {  	[smem:$0x3FAE] =	sst s2  }
0xb: {  	[smem:$0x3FAF] =	sst s3  }
0xc: {  	[smem:$0x3FB0] =	sst s4  }
0xd: {  	[smem:$0x3FB1] =	sst s5  }
0xe: {  	[smem:$0x3FB2] =	sst s6  }
0xf: {  	[smem:$0x3FB3] =	sst s7  }
0x10: {  	[smem:$0x3FB4] =	sst s8  }
0x11: {  	[smem:$0x3FB5] =	sst s9;
	s0 =	simm.s32 @!p0 $0x0  }
0x12: {  	s1 =	sld [smem:$0x3F9B];
	s0 =	simm.s32 @p0 $0x1  }
0x13: {  	[smem:$0x3FB6] =	sst s0;
	s0 =	simm.s32 @!p1 $0x0  }
0x14: {  	s2 =	sld [smem:$0x3F9A];
	s0 =	simm.s32 @p1 $0x1  }
0x15: {  	[smem:$0x3FB7] =	sst s0;
	s0 =	simm.s32 @!p2 $0x0  }
0x16: {  	s3 =	sld [smem:$0x3FDB];
	s0 =	simm.s32 @p2 $0x1  }
0x17: {  	s4 =	simm.s32 $0x1BF5;
	[smem:$0x3FB9] =	sst s0  }
0x18: {  	s0 =	sld [smem:$0x3F9C];
	_ =	swait.ge [sflag:s4], $0x0  }
0x19: {  	s7 =	sld [smem:$0x3F9D]  }
0x1a: {  	s8 =	sadd.s32 $0xFFFFE003, lr  }
0x1b: {  	s9 =	sadd.s32 $0xFFFFFEF7, lr;
	s5 =	simm.s32 $0xFFFFFFFF;
	p2 =	slt.u32 s8, $0xFFFFF086  }
0x1c: {  	p1 =	slt.u32 s9, $0xF7A;
	s5 =	simm.s32 @!p2 $0x0  }
0x1d: {  	s5 =	simm.s32 @p1 $0x1;
	p0 =	seq.s32 s7, s2  }
0x1e: {  	s7 =	smul.u32 @!p0 $0xF7A, s2;
	p2 =	seq.s32 @!p0 s5, $0x0  }
0x1f: {  	s9 =	smul.u32 $0xF7A, s1;
	s8 =	simm.s32 @!p0 $0x1BF5;
	p2 =	por !p2, p0  }
0x20: {  	[sflag:s8] =	ssyncset.s32 @!p0 $0xFFFFF086;
	s6 =	sadd.s32 @!p0 s3, s7;
	s7 =	simm.s32 @!p0 $0x108  }
0x21: {  	s3 =	sadd.s32 s3, s9;
	s6 =	sadd.s32 @!p0 $0x88, s6;
	s7 =	simm.s32 @p2 $0x1082  }
0x22: {  	[simem:s7], [sflag:s8] =	dma.local @!p0 [hbm:s6], $0xF7A  }
0x23: {  	s9 =	sor.u32 $0xD0000000, s2;
	s6 =	simm.s32 $0x108;
	_ =	swait.ge @!p0 [sflag:s8], $0x0  }
0x24: {  	s3 =	sadd.s32 $0x88, s3;
	s6 =	simm.s32 @!p1 $0x1082;
	[sflag:s4] =	ssyncset.s32 $0xFFFFF086  }
0x25: {  	[simem:s6], [sflag:s4] =	dma.local [hbm:s3], $0xF7A  }
0x26: {  	[smem:$0x3F9D] =	sst s1;
	(tag) =	ssettag s2;
	_ =	strace s9  }
0x27: {  	s1 =	sld [smem:$0x3FAD]  }
0x28: {  	s2 =	sld [smem:$0x3FAE]  }
0x29: {  	s4 =	sld [smem:$0x3FB0]  }
0x2a: {  	p0 =	seq.s32 s5, $0x0;
	s5 =	sld [smem:$0x3FB1]  }
0x2b: {  	s6 =	sld [smem:$0x3FB2]  }
0x2c: {  	s7 =	sld [smem:$0x3FB3]  }
0x2d: {  	s3 =	simm.s32 $0x108;
	s8 =	sld [smem:$0x3FB4]  }
0x2e: {  	s3 =	simm.s32 @!p0 $0x1082;
	s9 =	sld [smem:$0x3FB5]  }
0x2f: {  	lr =	sadd.s32 s0, s3;
	s0 =	sld [smem:$0x3FAC]  }
0x30: {  	s3 =	sld [smem:$0x3FAF]  }
0x31: {  	[smem:$0x3FB8] =	sst s10  }
0x32: {  	s10 =	sld [smem:$0x3FB6];
	_ =	sdelay $0x3  }
0x33: {  	p0 =	seq.s32 s10, $0x1;
	s10 =	sld [smem:$0x3FB8];
	_ =	sdelay $0x3  }
0x34: {  	[smem:$0x3FB8] =	sst s10  }
0x35: {  	s10 =	sld [smem:$0x3FB7];
	_ =	sdelay $0x3  }
0x36: {  	p1 =	seq.s32 s10, $0x1;
	s10 =	sld [smem:$0x3FB8];
	_ =	sdelay $0x3  }
0x37: {  	[smem:$0x3FB8] =	sst s10  }
0x38: {  	s10 =	sld [smem:$0x3FB9]  }
0x39: {  	_ = 	snop;
	(pc) =	sbr.ind lr, $3  }
0x3a: {  	_ = 	snop  }
0x3b: {  	_ = 	snop  }
0x3c: {  	p2 =	seq.s32 s10, $0x1;
	s10 =	sld [smem:$0x3FB8]  }
0x3d: {  	_ =	shalt  }
0x3e: {  	_ =	shalt  }
0x3f: {  	_ =	shalt  }
0x40: {  	_ =	shalt  }
0x41: {  	_ =	shalt  }
0x42: {  	_ =	shalt  }
0x43: {  	_ =	shalt  }
0x44: {  	_ =	shalt  }
0x45: {  	_ =	shalt  }
0x46: {  	_ =	shalt  }
0x47: {  	_ =	shalt  }
0x48: {  	_ =	shalt  }
0x49: {  	_ =	shalt  }
0x4a: {  	_ =	shalt  }
0x4b: {  	_ =	shalt  }
0x4c: {  	_ =	shalt  }
0x4d: {  	_ =	shalt  }
0x4e: {  	_ =	shalt  }
0x4f: {  	_ =	shalt  }
0x50: {  	_ =	shalt  }
0x51: {  	_ =	shalt  }
0x52: {  	_ =	shalt  }
0x53: {  	_ =	shalt  }
0x54: {  	_ =	shalt  }
0x55: {  	_ =	shalt  }
0x56: {  	_ =	shalt  }
0x57: {  	_ =	shalt  }
0x58: {  	_ =	shalt  }
0x59: {  	_ =	shalt  }
0x5a: {  	_ =	shalt  }
0x5b: {  	_ =	shalt  }
0x5c: {  	_ =	shalt  }
0x5d: {  	_ =	shalt  }
0x5e: {  	_ =	shalt  }
0x5f: {  	_ =	shalt  }
0x60: {  	_ =	shalt  }
0x61: {  	_ =	shalt  }
0x62: {  	_ =	shalt  }
0x63: {  	_ =	shalt  }
0x64: {  	_ =	shalt  }
0x65: {  	_ =	shalt  }
0x66: {  	_ =	shalt  }
0x67: {  	_ =	shalt  }
0x68: {  	_ =	shalt  }
0x69: {  	_ =	shalt  }
0x6a: {  	_ =	shalt  }
0x6b: {  	_ =	shalt  }
0x6c: {  	_ =	shalt  }
0x6d: {  	_ =	shalt  }
0x6e: {  	_ =	shalt  }
0x6f: {  	_ =	shalt  }
0x70: {  	_ =	shalt  }
0x71: {  	_ =	shalt  }
0x72: {  	_ =	shalt  }
0x73: {  	_ =	shalt  }
0x74: {  	_ =	shalt  }
0x75: {  	_ =	shalt  }
0x76: {  	_ =	shalt  }
0x77: {  	_ =	shalt  }
0x78: {  	_ =	shalt  }
0x79: {  	_ =	shalt  }
0x7a: {  	_ =	shalt  }
0x7b: {  	_ =	shalt  }
0x7c: {  	_ =	shalt  }
0x7d: {  	_ =	shalt  }
0x7e: {  	_ =	shalt  }
0x7f: {  	_ =	shalt  }
0x80: {  	_ =	shalt  }
0x81: {  	_ =	shalt  }
0x82: {  	_ =	shalt  }
0x83: {  	_ =	shalt  }
0x84: {  	_ =	shalt  }
0x85: {  	_ =	shalt  }
0x86: {  	_ =	shalt  }
0x87: {  	_ =	shalt  }
.Lfunc_end0:
.L_simem_size_0:
called_computation.1_lowered:
.L_overlay_start_0:
0x88: {  	s2 =	sld [smem:$0x3FD9]  }
0x89: {  	s3 =	sld [smem:$0x3FFE];
	_ =	sdelay $0x1  }
0x8a: {  	s1 =	srdreg.scid  }
0x8b: {  	s0 =	sand.u32 $0x1, s1  }
0x8c: {  	s17 =	sshll.u32 s0, $0xA;
	s2 =	sadd.s32 s3, s2  }
0x8d: {  	s2 =	sadd.s32 s2, s17  }
0x8e: {  	[smem:$0x3FC4] =	sst s2  }
0x8f: {  	_ = 	snop  }
0x90: {  	s2 =	sld [smem:$0x3FC6]  }
0x91: {  	s18 =	sld [smem:$0x3FD0];
	(tm) =	ssettm $0x1  }
0x92: {  	s4 =	sld [smem:$0x3FFB];
	_ =	sdelay $0x3  }
0x93: {  	_ =	strace s4  }
0x94: {  	s4 =	sld [smem:$0x3FFC];
	_ =	sdelay $0x3  }
0x95: {  	_ =	strace s4  }
0x96: {  	s4 =	sld [smem:$0x3FFD];
	_ =	sdelay $0x3  }
0x97: {  	_ =	strace s4  }
0x98: {  	_ =	strace $0x8FFFFFFF  }
0x99: {  	s19 =	sld [smem:$0x3FDB];
	_ =	sdelay $0x1  }
0x9a: {  	s5 =	simm.s32 $_scs_section_size  }
0x9b: {  	s6 =	simm.s32 $_size__tile_overlayer_lowered;
	s7 =	simm.s32 $_tile_overlayer_lowered  }
0x9c: {  	s22 =	simm.s32 $0x1BFF;
	s21 =	sshll.u32 s7, $0x1;
	s4 =	sadd.s32 s5, s19  }
0x9d: {  	s8 =	simm.s32 $0x0;
	s20 =	sshll.u32 s6, $0x1;
	s6 =	sadd.s32 s21, s4  }
0x9e: {  	[timem:s8], [sflag:s22] =	dma.local [hbm:s6], s20  }
0x9f: {  	_ =	swait.ge [sflag:s22], s20  }
0xa0: {  	s5 =	ssub.s32 $0x0, s20;
	[sflag:s22] =	ssyncset.done $0x0  }
0xa1: {  	[sflag:s22] =	ssyncadd.s32 s5;
	_ =	sdelay $0x1  }
0xa2: {  	s23 =	simm.s32 $0x1B8B  }
0xa3: {  	_ =	swait.ge [sflag:s23], $0x1  }
0xa4: {  	[sflag:s23] =	ssyncset.done $0x0  }
0xa5: {  	s25 =	simm.s32 $0x1B8E;
	s24 =	sld [smem:$0x3FFE];
	[sflag:s23] =	ssyncadd.s32 $0xFFFFFFFF  }
0xa6: {  	s26 =	simm.s32 $execute0_lowered;
	[smem:$0x3FD2] =	sst s25  }
0xa7: {  	s6 =	sshll.u32 s26, $0x1;
	_ =	strace $0x80000049;
	[dreg:$0x1] =	wrdreg $0xFFFFFFFF  }
0xa8: {  	s28 =	simm.s32 $_size_execute0_lowered;
	s4 =	sadd.s32 s4, s6;
	[dreg:$0x0] =	wrdreg $0x0  }
0xa9: {  	s6 =	sshll.u32 s28, $0x1;
	[dreg:$0x2] =	wrdreg s4  }
0xaa: {  	[dreg:$0x3] =	wrdreg s6  }
0xab: {  	[dreg:$0x4] =	wrdreg $0xC0  }
0xac: {  	_ =	task [dreg:s8], $0x5FFFF  }
0xad: {  	[dreg:$0x1] =	wrdreg $0xFFFFFFFF  }
0xae: {  	[dreg:$0x0] =	wrdreg $0x60  }
0xaf: {  	[dreg:$0x2] =	wrdreg s24  }
0xb0: {  	[dreg:$0x3] =	wrdreg s2  }
0xb1: {  	[dreg:$0x4] =	wrdreg s18  }
0xb2: {  	[dreg:$0x5] =	wrdreg $0x9  }
0xb3: {  	_ =	task.clear_ibuf [dreg:s8], $0x6FFFF;
	_ =	strace $0x90000049  }
0xb4: {  	s29 =	simm.s32 $0x9;
	_ =	strace $0x8000004B  }
0xb5: {  	_ =	swait.ge [sflag:s29], $0x1  }
0xb6: {  	[sflag:s29] =	ssyncadd.s32 $0xFFFFFFFF  }
0xb7: {  	_ =	strace $0x9000004B  }
0xb8: {  	_ =	sfence  }
0xb9: {  	s30 =	sld [smem:$0x0];
	_ =	sdelay $0x2  }
0xba: {  	s31 =	sshll.u32 s1, $0xD;
	s1 =	sshrl.u32 s1, $0x2  }
0xbb: {  	s3 =	sand.u32 $0x4000, s31;
	s1 =	sadd.s32 s1, s30  }
0xbc: {  	s0 =	sor.u32 s3, s0;
	s1 =	sshll.u32 s1, $0x11  }
0xbd: {  	s0 =	sor.u32 s1, s0  }
0xbe: {  	s0 =	sadd.s32 $0x8F2B, s0  }
0xbf: {  	[sflag:s0] =	ssyncadd.remote.s32 $0x1  }
0xc0: {  	_ =	sfence.sel $0xFFFF  }
0xc1: {  	[dreg:$0x0] =	wrdreg $0xFFFFFFFF;
	(pc) =	sbr.abs _section_cstart, $3  }
0xc2: {  	[dreg:$0x1] =	wrdreg $0xFFFFFFFF  }
0xc3: {  	_ =	task.clear_ibuf [dreg:s8], $0x2FFFF;
	_ =	strace $0x9FFFFFFF  }
0xc4: {  	(tm) =	ssettm $0x7FFFFFFF  }
0xc5: {  	_ =	shalt  }
tec
execute0_lowered:
.L_overlay_start_1:
0x0: {  	(tag) =	ssettag $0x1  }
0x1: {  	s5 =	rddreg [dreg:$0x0]  }
0x2: {  	s6 =	rddreg [dreg:$0x1]  }
0x3: {  	s7 =	rddreg [dreg:$0x2]  }
0x4: {  	s0 =	rddreg [dreg:$0x3];
	s1 =	simm.s32 $0x0  }
0x5: {  	s2 =	srdreg.scid;
	s13 =	simm.s32 $0x1200;
	s14 =	simm.s32 $0xA00  }
0x6: {  	s15 =	simm.s32 $0x180;
	s16 =	simm.s32 $0x1A00;
	s17 =	simm.s32 $0x1  }
0x7: {  	s18 =	simm.s32 $0x2200;
	s19 =	simm.s32 $0x0;
	[smem:$0x7FF] =	sst s1  }
0x8: {  	s4 =	sand.u32 $0x1, s2;
	s2 =	stileid.u32;
	s3 =	sadd.s32 $0x15200, s5  }
0x9: {  	v0 =	vlaneseq.u32;
	v1 =	vimm.s32 $0x4;
	v2 =	vimm.s32 $0xF;
	_ =	strace $0x8000004A;
	s8 =	sshll.u32 s4, $0x4;
	s9 =	ssub.s32 $0x2, s4  }
0xa: {  	v3 =	vimm.s32 $0x0;
	v4 =	vimm.s32 $0x1;
	v5 =	vimm.s32 $0x2;
	s4 =	sadd.s32 $0x1A200, s5;
	s8 =	sor.u32 s2, s8;
	s11 =	sshrl.u32 s9, $0x1  }
0xb: {  	v6 =	vimm.s32 $0x3;
	v7 =	vimm.s32 $0x5;
	v8 =	vimm.s32 $0x6;
	s10 =	sshll.u32 s8, $0x5;
	s9 =	ssub.s32 s9, s11;
	s8 =	sshll.u32 s8, $0x9  }
0xc: {  	v9 =	vimm.s32 $0x7;
	v10 =	vimm.s32 $0x8;
	v11 =	vimm.s32 $0x9;
	s11 =	simm.s32 $0x80;
	s12 =	sadd.s32 s10, s5;
	s5 =	sadd.s32 s6, s10  }
0xd: {  	v12 =	vimm.s32 $0xA;
	v13 =	vimm.s32 $0xB;
	v14 =	vimm.s32 $0xC;
	s7 =	sadd.s32 s7, s8;
	s8 =	smax.u32 s9, $0x1;
	s9 =	simm.s32 $0x2  }
0xe: {  	v15 =	vimm.s32 $0xD;
	v16 =	vimm.s32 $0xE;
	v0 =	vmul.u32 $0x10, v0;
	s10 =	simm.s32 $0x100;
	s6 =	sadd.s32 $0x1A800, s12;
	s12 =	simm.s32 $0x200  }
.LBB2_1:
0xf: {  	[tilespmem:s1], [sflag:$0x2] =	stream.linear.gather [hbm4b:s5+s1], $0x100, $0x38;
	[tilespmem:$0x3200] =	vst v63  }
0x10: {  	_ =	swait.ge [sflag:s9], $0x100  }
0x11: {  	[sflag:s9] =	ssyncset.done $0x0  }
0x12: {  	[sflag:s9] =	ssyncadd.s32 $0xFFFFFF00  }
0x13: {  	[tilespmem:s10], [sflag:$0x2] =	stream.linear.gather [hbm4b:s6+s1], $0x100, $0x38;
	[tilespmem:$0x3200] =	vst v63  }
0x14: {  	_ =	swait.ge [sflag:s9], $0x100  }
0x15: {  	[sflag:s9] =	ssyncset.done $0x0  }
0x16: {  	[sflag:s9] =	ssyncadd.s32 $0xFFFFFF00  }
0x17: {  	[tilespmem:s12], [sflag:$0x1] =	stream.indirect.gather [hbm4b:s3+s11], $0x10, s1, s11, $0xb8;
	[tilespmem:$0x3200] =	vst v63  }
0x18: {  	_ = 	snop  }
0x19: {  	[tilespmem:s13], [sflag:$0x1] =	stream.indirect.gather [hbm4b:s4+s11], $0x10, s10, s11, $0xb8;
	[tilespmem:$0x3200] =	vst v63  }
0x1a: {  	_ = 	snop  }
0x1b: {  	[tilespmem:s14], [sflag:$0x1] =	stream.indirect.gather [hbm4b:s3+s11], $0x10, s11, s11, $0xb8;
	[tilespmem:$0x3200] =	vst v63  }
0x1c: {  	_ = 	snop  }
0x1d: {  	[tilespmem:s16], [sflag:$0x1] =	stream.indirect.gather [hbm4b:s4+s11], $0x10, s15, s11, $0xb8;
	[tilespmem:$0x3200] =	vst v63  }
0x1e: {  	_ =	swait.ge [sflag:s17], $0x800  }
0x1f: {  	[sflag:s17] =	ssyncset.done $0x0  }
0x20: {  	[sflag:s17] =	ssyncadd.s32 $0xFFFFF800  }
0x21: {  	_ =	swait.ge [sflag:s17], $0x800  }
0x22: {  	[sflag:s17] =	ssyncset.done $0x0  }
0x23: {  	[sflag:s17] =	ssyncadd.s32 $0xFFFFF800  }
0x24: {  	_ =	swait.ge [sflag:s17], $0x800  }
0x25: {  	[sflag:s17] =	ssyncset.done $0x0  }
0x26: {  	[sflag:s17] =	ssyncadd.s32 $0xFFFFF800  }
0x27: {  	s20 =	sand.u32 $0x200, s1;
	_ =	swait.ge [sflag:s17], $0x800  }
0x28: {  	s21 =	sand.u32 $0x70, s1;
	s20 =	sshrl.u32 s20, $0x2;
	[sflag:s17] =	ssyncset.done $0x0  }
0x29: {  	s20 =	sor.u32 s21, s20;
	[sflag:s17] =	ssyncadd.s32 $0xFFFFF800  }
0x2a: {  	v17 =	vld [tilespmem:s20+$0x0];
	_ =	sdelay $0x2  }
0x2b: {  	v18 =	vmov s1  }
0x2c: {  	v18 =	vshll.u32 v18, $0x4  }
0x2d: {  	v18 =	vor.u32 v0, v18;
	v17 =	vand.u32 $0xF, v17  }
0x2e: {  	v17 =	vor.u32 v18, v17;
	_ =	sdelay $0x4  }
0x2f: {  	v17 =	vld.idx.msk [tilespmem:v17+s13+$0x0], $0xffff;
	_ =	sdelay $0x4  }
0x30: {  	v17 =	vmax.f32 v17, $1.000000000e+00  }
0x31: {  	v18 =	vperm.xlane v17, v3;
	_ =	sdelay $0x1  }
0x32: {  	(erf) = vrcp.f32 v18;
	_ =	sdelay $0x3  }
0x33: {  	s20 =	simm.s32 $0x280  }
0x34: {  	v19 =	vperm.xlane v17, v4;
	v18 =	vld [tilespmem:s20+$0xFFFFFF80];
	_ =	sdelay $0x2  }
0x35: {  	(erf) = vrcp.f32 v19  }
0x36: {  	v19 =	vpop (erf)  }
0x37: {  	v18 =	vmul.f32 v19, v18  }
0x38: {  	s22 =	simm.s32 $0x2280  }
0x39: {  	[tilespmem:s22+$0xFFFFFF80] =	vst v18  }
0x3a: {  	v19 =	vperm.xlane v17, v5;
	v18 =	vld [tilespmem:s20+$0xFFFFFF90];
	_ =	sdelay $0x2  }
0x3b: {  	(erf) = vrcp.f32 v19  }
0x3c: {  	v19 =	vpop (erf)  }
0x3d: {  	v18 =	vmul.f32 v19, v18;
	_ =	sdelay $0x1  }
0x3e: {  	[tilespmem:s22+$0xFFFFFF90] =	vst v18  }
0x3f: {  	v19 =	vperm.xlane v17, v6;
	v18 =	vld [tilespmem:s20+$0xFFFFFFA0];
	_ =	sdelay $0x2  }
0x40: {  	(erf) = vrcp.f32 v19  }
0x41: {  	v19 =	vpop (erf)  }
0x42: {  	v18 =	vmul.f32 v19, v18;
	_ =	sdelay $0x1  }
0x43: {  	[tilespmem:s22+$0xFFFFFFA0] =	vst v18  }
0x44: {  	v19 =	vperm.xlane v17, v1;
	v18 =	vld [tilespmem:s20+$0xFFFFFFB0];
	_ =	sdelay $0x2  }
0x45: {  	(erf) = vrcp.f32 v19  }
0x46: {  	v19 =	vpop (erf)  }
0x47: {  	v18 =	vmul.f32 v19, v18;
	_ =	sdelay $0x1  }
0x48: {  	[tilespmem:s22+$0xFFFFFFB0] =	vst v18  }
0x49: {  	v19 =	vperm.xlane v17, v7;
	v18 =	vld [tilespmem:s20+$0xFFFFFFC0];
	_ =	sdelay $0x2  }
0x4a: {  	(erf) = vrcp.f32 v19  }
0x4b: {  	v19 =	vpop (erf)  }
0x4c: {  	v18 =	vmul.f32 v19, v18;
	_ =	sdelay $0x1  }
0x4d: {  	[tilespmem:s22+$0xFFFFFFC0] =	vst v18  }
0x4e: {  	v19 =	vperm.xlane v17, v8;
	v18 =	vld [tilespmem:s20+$0xFFFFFFD0];
	_ =	sdelay $0x2  }
0x4f: {  	(erf) = vrcp.f32 v19  }
0x50: {  	v19 =	vpop (erf)  }
0x51: {  	v18 =	vmul.f32 v19, v18;
	_ =	sdelay $0x1  }
0x52: {  	[tilespmem:s22+$0xFFFFFFD0] =	vst v18  }
0x53: {  	v19 =	vperm.xlane v17, v9;
	v18 =	vld [tilespmem:s20+$0xFFFFFFE0];
	_ =	sdelay $0x2  }
0x54: {  	(erf) = vrcp.f32 v19  }
0x55: {  	v19 =	vpop (erf)  }
0x56: {  	v18 =	vmul.f32 v19, v18;
	_ =	sdelay $0x1  }
0x57: {  	[tilespmem:s22+$0xFFFFFFE0] =	vst v18  }
0x58: {  	v19 =	vperm.xlane v17, v10;
	v18 =	vld [tilespmem:s20+$0xFFFFFFF0];
	_ =	sdelay $0x2  }
0x59: {  	(erf) = vrcp.f32 v19  }
0x5a: {  	v19 =	vpop (erf)  }
0x5b: {  	v18 =	vmul.f32 v19, v18;
	_ =	sdelay $0x1  }
0x5c: {  	[tilespmem:s22+$0xFFFFFFF0] =	vst v18  }
0x5d: {  	v19 =	vperm.xlane v17, v11;
	v18 =	vld [tilespmem:s20+$0x0];
	_ =	sdelay $0x2  }
0x5e: {  	(erf) = vrcp.f32 v19  }
0x5f: {  	v19 =	vpop (erf)  }
0x60: {  	v18 =	vmul.f32 v19, v18;
	_ =	sdelay $0x1  }
0x61: {  	[tilespmem:s22+$0x0] =	vst v18  }
0x62: {  	v19 =	vperm.xlane v17, v12;
	v18 =	vld [tilespmem:s20+$0x10];
	_ =	sdelay $0x2  }
0x63: {  	(erf) = vrcp.f32 v19  }
0x64: {  	v19 =	vpop (erf)  }
0x65: {  	v18 =	vmul.f32 v19, v18;
	_ =	sdelay $0x1  }
0x66: {  	[tilespmem:s22+$0x10] =	vst v18  }
0x67: {  	v19 =	vperm.xlane v17, v13;
	v18 =	vld [tilespmem:s20+$0x20];
	_ =	sdelay $0x2  }
0x68: {  	(erf) = vrcp.f32 v19  }
0x69: {  	v19 =	vpop (erf)  }
0x6a: {  	v18 =	vmul.f32 v19, v18;
	_ =	sdelay $0x1  }
0x6b: {  	[tilespmem:s22+$0x20] =	vst v18  }
0x6c: {  	v19 =	vperm.xlane v17, v14;
	v18 =	vld [tilespmem:s20+$0x30];
	_ =	sdelay $0x2  }
0x6d: {  	(erf) = vrcp.f32 v19  }
0x6e: {  	v19 =	vpop (erf)  }
0x6f: {  	v18 =	vmul.f32 v19, v18;
	_ =	sdelay $0x1  }
0x70: {  	[tilespmem:s22+$0x30] =	vst v18  }
0x71: {  	v19 =	vperm.xlane v17, v15;
	v18 =	vld [tilespmem:s20+$0x40];
	_ =	sdelay $0x2  }
0x72: {  	(erf) = vrcp.f32 v19  }
0x73: {  	v19 =	vpop (erf)  }
0x74: {  	v18 =	vmul.f32 v19, v18;
	_ =	sdelay $0x1  }
0x75: {  	[tilespmem:s22+$0x40] =	vst v18  }
0x76: {  	v19 =	vperm.xlane v17, v16;
	v18 =	vld [tilespmem:s20+$0x50];
	_ =	sdelay $0x2  }
0x77: {  	(erf) = vrcp.f32 v19  }
0x78: {  	v19 =	vpop (erf)  }
0x79: {  	v18 =	vmul.f32 v19, v18;
	_ =	sdelay $0x1  }
0x7a: {  	[tilespmem:s22+$0x50] =	vst v18  }
0x7b: {  	v17 =	vperm.xlane v17, v2;
	v18 =	vld [tilespmem:s20+$0x60];
	_ =	sdelay $0x2  }
0x7c: {  	(erf) = vrcp.f32 v17  }
0x7d: {  	v17 =	vpop (erf)  }
0x7e: {  	v17 =	vmul.f32 v17, v18;
	_ =	sdelay $0x1  }
0x7f: {  	[tilespmem:s22+$0x60] =	vst v17  }
0x80: {  	v17 =	vld [tilespmem:s20+$0x70];
	_ =	sdelay $0x2  }
0x81: {  	s31 =	simm.s32 $0x40  }
0x82: {  	s26 =	simm.s32 $0x80;
	s23 =	simm.s32 $0x10;
	s21 =	sand.u32 $0x200, s31;
	v18 =	vpop (erf)  }
0x83: {  	s25 =	sand.u32 $0x70, s23;
	s28 =	sshrl.u32 s21, $0x2;
	s21 =	simm.s32 $0x2380;
	v17 =	vmul.f32 v18, v17  }
.LBB2_2:
0x84: {  	s28 =	sor.u32 s25, s28;
	s20 =	sadd.s32 $0x100, s20  }
0x85: {  	[tilespmem:s22+$0x70] =	vst v17;
	s25 =	smov.u32 s26;
	s24 =	sadd.s32 $0x40, s26;
	s22 =	smov.u32 s21  }
0x86: {  	p0 =	sne.s32 s26, $0x3C0;
	v17 =	vld [tilespmem:s28+$0x0];
	_ =	sdelay $0x2  }
0x87: {  	v18 =	vmov s23  }
0x88: {  	v18 =	vshll.u32 v18, $0x4  }
0x89: {  	v18 =	vor.u32 v0, v18;
	v17 =	vand.u32 $0xF, v17  }
0x8a: {  	v17 =	vor.u32 v18, v17;
	_ =	sdelay $0x4  }
0x8b: {  	v17 =	vld.idx.msk [tilespmem:v17+s13+$0x0], $0xffff;
	_ =	sdelay $0x5  }
0x8c: {  	v17 =	vmax.f32 v17, $1.000000000e+00  }
0x8d: {  	v18 =	vperm.xlane v17, v3;
	v23 =	vperm.xlane v17, v4  }
0x8e: {  	v24 =	vperm.xlane v17, v5;
	v25 =	vperm.xlane v17, v6  }
0x8f: {  	v26 =	vperm.xlane v17, v1;
	(erf) = vrcp.f32 v18  }
0x90: {  	v27 =	vperm.xlane v17, v7;
	v28 =	vperm.xlane v17, v8  }
0x91: {  	v29 =	vperm.xlane v17, v9;
	v30 =	vperm.xlane v17, v10  }
0x92: {  	v31 =	vperm.xlane v17, v11;
	v22 =	vperm.xlane v17, v12  }
0x93: {  	v21 =	vperm.xlane v17, v13;
	v20 =	vperm.xlane v17, v14  }
0x94: {  	v19 =	vperm.xlane v17, v15;
	v18 =	vperm.xlane v17, v16;
	v32 =	vld [tilespmem:s20+$0xFFFFFF80]  }
0x95: {  	v17 =	vperm.xlane v17, v2;
	_ =	sdelay $0x1  }
0x96: {  	(erf) = vrcp.f32 v23  }
0x97: {  	v23 =	vpop (erf)  }
0x98: {  	v23 =	vmul.f32 v23, v32;
	_ =	sdelay $0x1  }
0x99: {  	[tilespmem:s21+$0xFFFFFF80] =	vst v23  }
0x9a: {  	v23 =	vld [tilespmem:s20+$0xFFFFFF90];
	_ =	sdelay $0x2  }
0x9b: {  	(erf) = vrcp.f32 v24  }
0x9c: {  	v24 =	vpop (erf)  }
0x9d: {  	v23 =	vmul.f32 v24, v23;
	_ =	sdelay $0x1  }
0x9e: {  	[tilespmem:s21+$0xFFFFFF90] =	vst v23  }
0x9f: {  	v23 =	vld [tilespmem:s20+$0xFFFFFFA0];
	_ =	sdelay $0x2  }
0xa0: {  	(erf) = vrcp.f32 v25  }
0xa1: {  	v24 =	vpop (erf)  }
0xa2: {  	v23 =	vmul.f32 v24, v23;
	_ =	sdelay $0x1  }
0xa3: {  	[tilespmem:s21+$0xFFFFFFA0] =	vst v23  }
0xa4: {  	v23 =	vld [tilespmem:s20+$0xFFFFFFB0];
	_ =	sdelay $0x2  }
0xa5: {  	(erf) = vrcp.f32 v26  }
0xa6: {  	v24 =	vpop (erf)  }
0xa7: {  	v23 =	vmul.f32 v24, v23;
	_ =	sdelay $0x1  }
0xa8: {  	[tilespmem:s21+$0xFFFFFFB0] =	vst v23  }
0xa9: {  	v23 =	vld [tilespmem:s20+$0xFFFFFFC0];
	_ =	sdelay $0x2  }
0xaa: {  	(erf) = vrcp.f32 v27  }
0xab: {  	v24 =	vpop (erf)  }
0xac: {  	v23 =	vmul.f32 v24, v23;
	_ =	sdelay $0x1  }
0xad: {  	[tilespmem:s21+$0xFFFFFFC0] =	vst v23  }
0xae: {  	v23 =	vld [tilespmem:s20+$0xFFFFFFD0];
	_ =	sdelay $0x2  }
0xaf: {  	(erf) = vrcp.f32 v28  }
0xb0: {  	v24 =	vpop (erf)  }
0xb1: {  	v23 =	vmul.f32 v24, v23;
	_ =	sdelay $0x1  }
0xb2: {  	[tilespmem:s21+$0xFFFFFFD0] =	vst v23  }
0xb3: {  	v23 =	vld [tilespmem:s20+$0xFFFFFFE0];
	_ =	sdelay $0x2  }
0xb4: {  	(erf) = vrcp.f32 v29  }
0xb5: {  	v24 =	vpop (erf)  }
0xb6: {  	v23 =	vmul.f32 v24, v23;
	_ =	sdelay $0x1  }
0xb7: {  	[tilespmem:s21+$0xFFFFFFE0] =	vst v23  }
0xb8: {  	v23 =	vld [tilespmem:s20+$0xFFFFFFF0];
	_ =	sdelay $0x2  }
0xb9: {  	(erf) = vrcp.f32 v30  }
0xba: {  	v24 =	vpop (erf)  }
0xbb: {  	v23 =	vmul.f32 v24, v23;
	_ =	sdelay $0x1  }
0xbc: {  	[tilespmem:s21+$0xFFFFFFF0] =	vst v23  }
0xbd: {  	v23 =	vld [tilespmem:s20+$0x0];
	_ =	sdelay $0x2  }
0xbe: {  	(erf) = vrcp.f32 v31  }
0xbf: {  	v24 =	vpop (erf)  }
0xc0: {  	v23 =	vmul.f32 v24, v23;
	_ =	sdelay $0x1  }
0xc1: {  	[tilespmem:s21+$0x0] =	vst v23  }
0xc2: {  	v23 =	vld [tilespmem:s20+$0x10];
	_ =	sdelay $0x2  }
0xc3: {  	(erf) = vrcp.f32 v22  }
0xc4: {  	v22 =	vpop (erf)  }
0xc5: {  	v22 =	vmul.f32 v22, v23;
	_ =	sdelay $0x1  }
0xc6: {  	[tilespmem:s21+$0x10] =	vst v22  }
0xc7: {  	v22 =	vld [tilespmem:s20+$0x20];
	_ =	sdelay $0x2  }
0xc8: {  	(erf) = vrcp.f32 v21  }
0xc9: {  	v21 =	vpop (erf)  }
0xca: {  	v21 =	vmul.f32 v21, v22;
	_ =	sdelay $0x1  }
0xcb: {  	[tilespmem:s21+$0x20] =	vst v21  }
0xcc: {  	v21 =	vld [tilespmem:s20+$0x30];
	_ =	sdelay $0x2  }
0xcd: {  	(erf) = vrcp.f32 v20  }
0xce: {  	v20 =	vpop (erf)  }
0xcf: {  	v20 =	vmul.f32 v20, v21;
	_ =	sdelay $0x1  }
0xd0: {  	[tilespmem:s21+$0x30] =	vst v20  }
0xd1: {  	v20 =	vld [tilespmem:s20+$0x40];
	_ =	sdelay $0x2  }
0xd2: {  	(erf) = vrcp.f32 v19  }
0xd3: {  	v19 =	vpop (erf)  }
0xd4: {  	v19 =	vmul.f32 v19, v20;
	_ =	sdelay $0x1  }
0xd5: {  	[tilespmem:s21+$0x40] =	vst v19  }
0xd6: {  	v19 =	vld [tilespmem:s20+$0x50];
	_ =	sdelay $0x2  }
0xd7: {  	(erf) = vrcp.f32 v18  }
0xd8: {  	v18 =	vpop (erf)  }
0xd9: {  	v18 =	vmul.f32 v18, v19;
	_ =	sdelay $0x1  }
0xda: {  	[tilespmem:s21+$0x50] =	vst v18  }
0xdb: {  	v18 =	vld [tilespmem:s20+$0x60];
	_ =	sdelay $0x2  }
0xdc: {  	(erf) = vrcp.f32 v17  }
0xdd: {  	v17 =	vpop (erf)  }
0xde: {  	v17 =	vmul.f32 v17, v18;
	_ =	sdelay $0x1  }
0xdf: {  	[tilespmem:s21+$0x60] =	vst v17  }
0xe0: {  	v17 =	vld [tilespmem:s20+$0x70];
	_ =	sdelay $0x1  }
.Ltmp0:
0xe1: {  	(pc) =	sbr.rel @p0 .LBB2_2-.Ltmp0, $4  }
0xe2: {  	_ = 	snop  }
0xe3: {  	s23 =	sadd.s32 $0x10, s23;
	v18 =	vpop (erf)  }
0xe4: {  	s26 =	sand.u32 $0x200, s25;
	s25 =	sand.u32 $0x70, s23;
	v17 =	vmul.f32 v18, v17  }
0xe5: {  	s28 =	sshrl.u32 s26, $0x2;
	s26 =	smov.u32 s24;
	s21 =	sadd.s32 $0x100, s21  }
0xe6: {  	s24 =	sor.u32 s25, s28;
	[tilespmem:s22+$0x70] =	vst v17  }
0xe7: {  	v17 =	vld [tilespmem:s24+$0x0];
	_ =	sdelay $0x2  }
0xe8: {  	v18 =	vmov s23  }
0xe9: {  	v18 =	vshll.u32 v18, $0x4  }
0xea: {  	v18 =	vor.u32 v0, v18;
	v17 =	vand.u32 $0xF, v17  }
0xeb: {  	v17 =	vor.u32 v18, v17;
	_ =	sdelay $0x4  }
0xec: {  	v17 =	vld.idx.msk [tilespmem:v17+s13+$0x0], $0xffff;
	_ =	sdelay $0x4  }
0xed: {  	v17 =	vmax.f32 v17, $1.000000000e+00  }
0xee: {  	v18 =	vperm.xlane v17, v3;
	_ =	sdelay $0x1  }
0xef: {  	(erf) = vrcp.f32 v18;
	_ =	sdelay $0x3  }
0xf0: {  	s20 =	sadd.s32 $0x100, s20  }
0xf1: {  	v19 =	vperm.xlane v17, v4;
	v18 =	vld [tilespmem:s20+$0xFFFFFF80];
	_ =	sdelay $0x2  }
0xf2: {  	(erf) = vrcp.f32 v19  }
0xf3: {  	v19 =	vpop (erf)  }
0xf4: {  	v18 =	vmul.f32 v19, v18;
	_ =	sdelay $0x1  }
0xf5: {  	[tilespmem:s21+$0xFFFFFF80] =	vst v18  }
0xf6: {  	v19 =	vperm.xlane v17, v5;
	v18 =	vld [tilespmem:s20+$0xFFFFFF90];
	_ =	sdelay $0x2  }
0xf7: {  	(erf) = vrcp.f32 v19  }
0xf8: {  	v19 =	vpop (erf)  }
0xf9: {  	v18 =	vmul.f32 v19, v18;
	_ =	sdelay $0x1  }
0xfa: {  	[tilespmem:s21+$0xFFFFFF90] =	vst v18  }
0xfb: {  	v19 =	vperm.xlane v17, v6;
	v18 =	vld [tilespmem:s20+$0xFFFFFFA0];
	_ =	sdelay $0x2  }
0xfc: {  	(erf) = vrcp.f32 v19  }
0xfd: {  	v19 =	vpop (erf)  }
0xfe: {  	v18 =	vmul.f32 v19, v18;
	_ =	sdelay $0x1  }
0xff: {  	[tilespmem:s21+$0xFFFFFFA0] =	vst v18  }
0x100: {  	v19 =	vperm.xlane v17, v1;
	v18 =	vld [tilespmem:s20+$0xFFFFFFB0];
	_ =	sdelay $0x2  }
0x101: {  	(erf) = vrcp.f32 v19  }
0x102: {  	v19 =	vpop (erf)  }
0x103: {  	v18 =	vmul.f32 v19, v18;
	_ =	sdelay $0x1  }
0x104: {  	[tilespmem:s21+$0xFFFFFFB0] =	vst v18  }
0x105: {  	v19 =	vperm.xlane v17, v7;
	v18 =	vld [tilespmem:s20+$0xFFFFFFC0];
	_ =	sdelay $0x2  }
0x106: {  	(erf) = vrcp.f32 v19  }
0x107: {  	v19 =	vpop (erf)  }
0x108: {  	v18 =	vmul.f32 v19, v18;
	_ =	sdelay $0x1  }
0x109: {  	[tilespmem:s21+$0xFFFFFFC0] =	vst v18  }
0x10a: {  	v19 =	vperm.xlane v17, v8;
	v18 =	vld [tilespmem:s20+$0xFFFFFFD0];
	_ =	sdelay $0x2  }
0x10b: {  	(erf) = vrcp.f32 v19  }
0x10c: {  	v19 =	vpop (erf)  }
0x10d: {  	v18 =	vmul.f32 v19, v18;
	_ =	sdelay $0x1  }
0x10e: {  	[tilespmem:s21+$0xFFFFFFD0] =	vst v18  }
0x10f: {  	v19 =	vperm.xlane v17, v9;
	v18 =	vld [tilespmem:s20+$0xFFFFFFE0];
	_ =	sdelay $0x2  }
0x110: {  	(erf) = vrcp.f32 v19  }
0x111: {  	v19 =	vpop (erf)  }
0x112: {  	v18 =	vmul.f32 v19, v18;
	_ =	sdelay $0x1  }
0x113: {  	[tilespmem:s21+$0xFFFFFFE0] =	vst v18  }
0x114: {  	v19 =	vperm.xlane v17, v10;
	v18 =	vld [tilespmem:s20+$0xFFFFFFF0];
	_ =	sdelay $0x2  }
0x115: {  	(erf) = vrcp.f32 v19  }
0x116: {  	v19 =	vpop (erf)  }
0x117: {  	v18 =	vmul.f32 v19, v18;
	_ =	sdelay $0x1  }
0x118: {  	[tilespmem:s21+$0xFFFFFFF0] =	vst v18  }
0x119: {  	v19 =	vperm.xlane v17, v11;
	v18 =	vld [tilespmem:s20+$0x0];
	_ =	sdelay $0x2  }
0x11a: {  	(erf) = vrcp.f32 v19  }
0x11b: {  	v19 =	vpop (erf)  }
0x11c: {  	v18 =	vmul.f32 v19, v18;
	_ =	sdelay $0x1  }
0x11d: {  	[tilespmem:s21+$0x0] =	vst v18  }
0x11e: {  	v19 =	vperm.xlane v17, v12;
	v18 =	vld [tilespmem:s20+$0x10];
	_ =	sdelay $0x2  }
0x11f: {  	(erf) = vrcp.f32 v19  }
0x120: {  	v19 =	vpop (erf)  }
0x121: {  	v18 =	vmul.f32 v19, v18;
	_ =	sdelay $0x1  }
0x122: {  	[tilespmem:s21+$0x10] =	vst v18  }
0x123: {  	v19 =	vperm.xlane v17, v13;
	v18 =	vld [tilespmem:s20+$0x20];
	_ =	sdelay $0x2  }
0x124: {  	(erf) = vrcp.f32 v19  }
0x125: {  	v19 =	vpop (erf)  }
0x126: {  	v18 =	vmul.f32 v19, v18;
	_ =	sdelay $0x1  }
0x127: {  	[tilespmem:s21+$0x20] =	vst v18  }
0x128: {  	v19 =	vperm.xlane v17, v14;
	v18 =	vld [tilespmem:s20+$0x30];
	_ =	sdelay $0x2  }
0x129: {  	(erf) = vrcp.f32 v19  }
0x12a: {  	v19 =	vpop (erf)  }
0x12b: {  	v18 =	vmul.f32 v19, v18;
	_ =	sdelay $0x1  }
0x12c: {  	[tilespmem:s21+$0x30] =	vst v18  }
0x12d: {  	v19 =	vperm.xlane v17, v15;
	v18 =	vld [tilespmem:s20+$0x40];
	_ =	sdelay $0x2  }
0x12e: {  	(erf) = vrcp.f32 v19  }
0x12f: {  	v19 =	vpop (erf)  }
0x130: {  	v18 =	vmul.f32 v19, v18;
	_ =	sdelay $0x1  }
0x131: {  	[tilespmem:s21+$0x40] =	vst v18  }
0x132: {  	v19 =	vperm.xlane v17, v16;
	v18 =	vld [tilespmem:s20+$0x50];
	_ =	sdelay $0x2  }
0x133: {  	(erf) = vrcp.f32 v19  }
0x134: {  	v19 =	vpop (erf)  }
0x135: {  	v18 =	vmul.f32 v19, v18;
	_ =	sdelay $0x1  }
0x136: {  	[tilespmem:s21+$0x50] =	vst v18  }
0x137: {  	v17 =	vperm.xlane v17, v2;
	v18 =	vld [tilespmem:s20+$0x60];
	_ =	sdelay $0x2  }
0x138: {  	(erf) = vrcp.f32 v17  }
0x139: {  	v17 =	vpop (erf)  }
0x13a: {  	v17 =	vmul.f32 v17, v18;
	_ =	sdelay $0x1  }
0x13b: {  	[tilespmem:s21+$0x60] =	vst v17  }
0x13c: {  	v17 =	vld [tilespmem:s20+$0x70];
	_ =	sdelay $0x3  }
0x13d: {  	v18 =	vpop (erf)  }
0x13e: {  	s19 =	sadd.s32 $0x1, s19;
	v17 =	vmul.f32 v18, v17  }
0x13f: {  	p0 =	sne.s32 s19, s8  }
.Ltmp1:
0x140: {  	[tilespmem:s21+$0x70] =	vst v17;
	(pc) =	sbr.rel @p0 .LBB2_1-.Ltmp1, $4  }
0x141: {  	[hbm4b:s7+s1] =	stream.linear.scatter [tilespmem:s18], [sflag:$0x2], $0x1000, $0x38;
	[tilespmem:$0x3200] =	vst v63  }
0x142: {  	_ =	swait.ge [sflag:s9], $0x1000  }
0x143: {  	[sflag:s9] =	ssyncset.done $0x0  }
0x144: {  	[sflag:s9] =	ssyncadd.s32 $0xFFFFF000  }
0x145: {  	_ =	sfence.sel $0x180000  }
0x146: {  	[bflag:$0x0] =	sbarrier.arrive $0xFFFF  }
0x147: {  	p0 =	sne.s32 s2, $0x0;
	_ =	strace $0x9000004A  }
0x148: {  	s0 =	sadd.s32 @!p0 $0x100000, s0;
	[bflag:$0x2] =	sbarrier.arrive $0xFFFF  }
0x149: {  	[sflag:s0] =	ssyncadd.tile.s32 @!p0 $0x1;
	_ =	shalt  }
.Lfunc_end2:
_tile_overlayer_lowered:
.L_overlay_start_2:
0x14a: {  	(tag) =	ssettag $0x2  }
0x14b: {  	s0 =	rddreg [dreg:$0x0];
	s2 =	stileid.u32  }
0x14c: {  	s1 =	rddreg [dreg:$0x1];
	p0 =	sne.s32 s2, $0x0  }
0x14d: {  	s3 =	rddreg [dreg:$0x2];
	[bflag:$0x3] =	sbarrier.arrive $0xFFFF;
	s2 =	simm.s32 @!p0 $0x1C02  }
0x14e: {  	[timem:s3], [sflag:s2] =	dma.local @!p0 [hbm:s0], s1  }
0x14f: {  	s0 =	simm.s32 @!p0 $0x2  }
0x150: {  	_ =	swait.ge @!p0 [sflag:s0], s1  }
0x151: {  	s1 =	ssub.s32 @!p0 $0x0, s1;
	[sflag:s0] =	ssyncset.done @!p0 $0x0  }
0x152: {  	[sflag:s0] =	ssyncadd.s32 @!p0 s1  }
0x153: {  	[bflag:$0x3] =	sbarrier.arrive $0xFFFF  }
0x154: {  	_ =	shalt  }

</sc_bundles>
